<compile_context>
chip_gen: v7x
topology: tpu7x:2x2x1
jax: 0.10.2.dev20260603
libtpu: 0.0.44.dev20260713+nightly
codegen_flags: <defaults>
</compile_context>

<pallas_src>
import functools

import jax
import jax.numpy as jnp
from jax import lax
from jax.experimental import pallas as pl
from jax.experimental.pallas import tpu as pltpu
from jax.experimental.pallas import tpu_sc as plsc

_NC = 2
_NS = 16
_NW = _NC * _NS
_L = 16
_BN_EPS = 1e-5


def _chunk_size(n, nb=1, cap=64):
    for c in range(cap, 7, -8):
        if n % c == 0 and (n // c) % nb == 0:
            return c
    raise ValueError(f"no aligned chunk size for {n}")


def _row_chunk(rows):
    for c in range(64, 7, -8):
        if rows % c == 0:
            return c
    raise ValueError(f"no aligned row chunk for {rows}")


@functools.lru_cache(maxsize=None)
def _hist_call(N, E, HW):
    EPW = E // _NW
    NB = 5
    C = _chunk_size(EPW, nb=NB)
    NCH = EPW // C
    ZR = _row_chunk(N)
    NZ = N // ZR
    NZI = (NZ + _NS - 1) // _NS
    mesh = plsc.VectorSubcoreMesh(core_axis_name="c", subcore_axis_name="s", num_cores=_NC, num_subcores=_NS)

    @functools.partial(
        pl.kernel,
        mesh=mesh,
        out_type=jax.ShapeDtypeStruct((_NC, N, HW), jnp.float32),
        scratch_types=(
            [pltpu.VMEM_SHARED((N, HW), jnp.float32),
             pltpu.VMEM((ZR, HW), jnp.float32),
             pltpu.VMEM((C, HW), jnp.float32)]
            + [pltpu.VMEM((C,), jnp.int32)] * NB
            + [pltpu.SemaphoreType.DMA] * 2
        ),
    )
    def hist(src_hbm, out_hbm, acc_sp, z_v, ones_v, *bufs):
        dstb = bufs[:NB]
        ssem, dsem = bufs[NB:]
        cid = lax.axis_index("c")
        sid = lax.axis_index("s")
        wid = sid * _NC + cid
        base = wid * EPW

        def fill_z(i, _):
            for k in range(HW // _L):
                z_v[i, pl.ds(k * _L, _L)] = jnp.zeros((_L,), jnp.float32)
            return 0

        lax.fori_loop(0, ZR, fill_z, 0)

        def fill_o(i, _):
            for k in range(HW // _L):
                ones_v[i, pl.ds(k * _L, _L)] = jnp.ones((_L,), jnp.float32)
            return 0

        lax.fori_loop(0, C, fill_o, 0)

        def zero_acc(i, _):
            k = i * _NS + sid

            @pl.when(k < NZ)
            def _():
                pltpu.async_copy(z_v, acc_sp.at[pl.ds(k * ZR, ZR)], ssem)

            return 0

        lax.fori_loop(0, NZI, zero_acc, 0)

        def zero_wait(i, _):
            k = i * _NS + sid

            @pl.when(k < NZ)
            def _():
                pltpu.make_async_copy(
                    z_v, acc_sp.at[pl.ds(k * ZR, ZR)], ssem).wait()

            return 0

        lax.fori_loop(0, NZI, zero_wait, 0)
        plsc.subcore_barrier()

        def dst_cp(j, b):
            return pltpu.make_async_copy(
                src_hbm.at[pl.ds(base + j * C, C)], dstb[b], dsem)

        def sca_start(b):
            pltpu.async_copy(ones_v, acc_sp.at[dstb[b]], ssem, add=True)

        def sca_wait(b):
            pltpu.make_async_copy(ones_v, acc_sp.at[dstb[b]], ssem).wait()

        for m in range(3):
            dst_cp(m, m).start()

        def block(k, _):
            for b in range(NB):
                j = k * NB + b

                @pl.when(j >= 2)
                def _(b2=(b - 2) % NB):
                    sca_wait(b2)

                dst_cp(j, b).wait()
                sca_start(b)

                @pl.when(j + 3 < NCH)
                def _(b2=(b + 3) % NB, j2=j + 3):
                    dst_cp(j2, b2).start()

            return 0

        lax.fori_loop(0, NCH // NB, block, 0)
        sca_wait((NCH - 2) % NB)
        sca_wait((NCH - 1) % NB)
        plsc.subcore_barrier()

        def readout(i, _):
            k = i * _NS + sid

            @pl.when(k < NZ)
            def _():
                pltpu.async_copy(acc_sp.at[pl.ds(k * ZR, ZR)],
                                 out_hbm.at[cid, pl.ds(k * ZR, ZR)], dsem)

            return 0

        lax.fori_loop(0, NZI, readout, 0)

        def read_wait(i, _):
            k = i * _NS + sid

            @pl.when(k < NZ)
            def _():
                pltpu.make_async_copy(
                    acc_sp.at[pl.ds(k * ZR, ZR)],
                    out_hbm.at[cid, pl.ds(k * ZR, ZR)], dsem).wait()

            return 0

        lax.fori_loop(0, NZI, read_wait, 0)

    return hist


@functools.lru_cache(maxsize=None)
def _scatter_call(N, E, F):
    EPW = E // _NW
    NB = 5
    C = _chunk_size(EPW, nb=NB)
    NCH = EPW // C
    ZR = _row_chunk(N)
    NZ = N // ZR
    NZI = (NZ + _NS - 1) // _NS
    mesh = plsc.VectorSubcoreMesh(core_axis_name="c", subcore_axis_name="s", num_cores=_NC, num_subcores=_NS)

    @functools.partial(
        pl.kernel,
        mesh=mesh,
        out_type=jax.ShapeDtypeStruct((_NC, N, F), jnp.float32),
        scratch_types=(
            [pltpu.VMEM_SHARED((N, F), jnp.float32),
             pltpu.VMEM((EPW,), jnp.int32)]
            + [pltpu.VMEM((C,), jnp.int32)] * NB
            + [pltpu.VMEM((C, F), jnp.float32)] * NB
            + [pltpu.SemaphoreType.DMA] * 4
        ),
    )
    def scat(u_hbm, src_hbm, dst_hbm, out_hbm, acc_sp, srcf, *bufs):
        dstb = bufs[:NB]
        rows = bufs[NB:2 * NB]
        gsem, ssem, xsem, dsem = bufs[2 * NB:]
        cid = lax.axis_index("c")
        sid = lax.axis_index("s")
        wid = sid * _NC + cid
        base = wid * EPW

        pltpu.async_copy(src_hbm.at[pl.ds(base, EPW)], srcf, xsem)

        assert ZR <= C
        z_v = rows[0].at[pl.ds(0, ZR)]
        ZRF = C

        def fill_z(i, _):
            for k in range(F // _L):
                rows[0][i, pl.ds(k * _L, _L)] = jnp.zeros((_L,), jnp.float32)
            return 0

        lax.fori_loop(0, ZRF, fill_z, 0)

        def zero_acc(i, _):
            k = i * _NS + sid

            @pl.when(k < NZ)
            def _():
                pltpu.async_copy(z_v, acc_sp.at[pl.ds(k * ZR, ZR)], ssem)

            return 0

        lax.fori_loop(0, NZI, zero_acc, 0)

        def zero_wait(i, _):
            k = i * _NS + sid

            @pl.when(k < NZ)
            def _():
                pltpu.make_async_copy(
                    z_v, acc_sp.at[pl.ds(k * ZR, ZR)], ssem).wait()

            return 0

        lax.fori_loop(0, NZI, zero_wait, 0)
        plsc.subcore_barrier()

        def dst_cp(j, b):
            return pltpu.make_async_copy(
                dst_hbm.at[pl.ds(base + j * C, C)], dstb[b], dsem)

        def gat_cp(j, b):
            return pltpu.make_async_copy(
                u_hbm.at[srcf.at[pl.ds(j * C, C)]], rows[b], gsem)

        def sca_start(b):
            pltpu.async_copy(rows[b], acc_sp.at[dstb[b]], ssem, add=True)

        def sca_wait(b):
            pltpu.make_async_copy(rows[b], acc_sp.at[dstb[b]], ssem).wait()

        for m in range(3):
            dst_cp(m, m).start()
        pltpu.make_async_copy(
            src_hbm.at[pl.ds(base, EPW)], srcf, xsem).wait()
        for m in range(3):
            gat_cp(m, m).start()

        def block(k, _):
            for b in range(NB):
                j = k * NB + b

                @pl.when(j >= 2)
                def _(b2=(b - 2) % NB):
                    sca_wait(b2)

                @pl.when(j + 3 < NCH)
                def _(b2=(b + 3) % NB, j2=j + 3):
                    gat_cp(j2, b2).start()

                gat_cp(j, b).wait()
                dst_cp(j, b).wait()
                sca_start(b)

                @pl.when(j + 3 < NCH)
                def _(b2=(b + 3) % NB, j2=j + 3):
                    dst_cp(j2, b2).start()

            return 0

        lax.fori_loop(0, NCH // NB, block, 0)

        sca_wait((NCH - 2) % NB)
        sca_wait((NCH - 1) % NB)
        plsc.subcore_barrier()

        def readout(i, _):
            k = i * _NS + sid

            @pl.when(k < NZ)
            def _():
                pltpu.async_copy(acc_sp.at[pl.ds(k * ZR, ZR)],
                                 out_hbm.at[cid, pl.ds(k * ZR, ZR)], dsem)

            return 0

        lax.fori_loop(0, NZI, readout, 0)

        def read_wait(i, _):
            k = i * _NS + sid

            @pl.when(k < NZ)
            def _():
                pltpu.make_async_copy(
                    acc_sp.at[pl.ds(k * ZR, ZR)],
                    out_hbm.at[cid, pl.ds(k * ZR, ZR)], dsem).wait()

            return 0

        lax.fori_loop(0, NZI, read_wait, 0)

    return scat




def _prep_body(hist_ref, x_ref, dinv_ref, u0_ref):
    deg = hist_ref[0, :, :_L] + hist_ref[1, :, :_L]
    dinv = jnp.where(deg > 0, 1.0 / jnp.sqrt(jnp.maximum(deg, 1e-12)), 0.0)
    dinv_ref[...] = dinv
    u0_ref[...] = x_ref[...] * dinv[:, :1]


def _mid_body(p_ref, dinv_ref, x_ref, w_ref, u1_ref, acc_ref):
    d = dinv_ref[:, :1]
    tx1 = -d * (p_ref[0] + p_ref[1])
    u1_ref[...] = d * tx1
    acc_ref[...] = (
        jnp.dot(x_ref[...], w_ref[0], preferred_element_type=jnp.float32)
        + jnp.dot(tx1, w_ref[1], preferred_element_type=jnp.float32)
    )


def _bn_body(q_ref, dinv_ref, x_ref, acc_ref, w_ref, b_ref, g_ref, be_ref,
             hbn_ref, u0_ref):
    d = dinv_ref[:, :1]
    tx2 = -2.0 * d * (q_ref[0] + q_ref[1]) - x_ref[...]
    h = acc_ref[...] + jnp.dot(tx2, w_ref[2], preferred_element_type=jnp.float32)
    h = jnp.maximum(h + b_ref[...], 0.0)
    mean = jnp.mean(h, axis=0, keepdims=True)
    var = jnp.mean((h - mean) ** 2, axis=0, keepdims=True)
    hbn = (h - mean) / jnp.sqrt(var + _BN_EPS) * g_ref[...] + be_ref[...]
    hbn_ref[...] = hbn
    u0_ref[...] = d * hbn


def _final_body(t_ref, dinv_ref, x_ref, acc_ref, w_ref, b_ref, wl_ref, bl_ref,
                out_ref):
    d = dinv_ref[:, :1]
    tx2 = -2.0 * d * (t_ref[0] + t_ref[1]) - x_ref[...]
    h = acc_ref[...] + jnp.dot(tx2, w_ref[2], preferred_element_type=jnp.float32)
    h = jnp.maximum(h + b_ref[...], 0.0)
    out_ref[...] = (
        lax.dot_general(h, wl_ref[...], (((1,), (1,)), ((), ())),
                        preferred_element_type=jnp.float32)
        + bl_ref[...]
    )


def _tc(body, out_shapes):
    return pl.pallas_call(body, out_shape=out_shapes)


def kernel(x, edge_index, W1, b1, W2, b2, gamma, beta, Wlin, blin):
    N, F = x.shape
    E = edge_index.shape[1]
    OUT_F = Wlin.shape[0]
    f32 = jnp.float32

    b1r = b1.reshape(1, -1)
    b2r = b2.reshape(1, -1)
    gr = gamma.reshape(1, -1)
    ber = beta.reshape(1, -1)
    blr = blin.reshape(1, -1)

    src = edge_index[0]
    dst = edge_index[1]

    hist = _hist_call(N, E, F)(src)
    dinv, u0 = _tc(_prep_body, (
        jax.ShapeDtypeStruct((N, _L), f32),
        jax.ShapeDtypeStruct((N, F), f32),
    ))(hist, x)

    scatter = _scatter_call(N, E, F)

    p = scatter(u0, src, dst)
    u1, acc1 = _tc(_mid_body, (
        jax.ShapeDtypeStruct((N, F), f32),
        jax.ShapeDtypeStruct((N, F), f32),
    ))(p, dinv, x, W1)
    q = scatter(u1, src, dst)
    hbn, u0b = _tc(_bn_body, (
        jax.ShapeDtypeStruct((N, F), f32),
        jax.ShapeDtypeStruct((N, F), f32),
    ))(q, dinv, x, acc1, W1, b1r, gr, ber)

    r = scatter(u0b, src, dst)
    u1b, acc2 = _tc(_mid_body, (
        jax.ShapeDtypeStruct((N, F), f32),
        jax.ShapeDtypeStruct((N, F), f32),
    ))(r, dinv, hbn, W2)
    t = scatter(u1b, src, dst)
    out = _tc(_final_body, jax.ShapeDtypeStruct((N, OUT_F), f32))(
        t, dinv, hbn, acc2, W2, b2r, Wlin, blr)
    return out

# --- scband reference (transcript-rebuilt; emitter-appended) ---
"""Pipeline reference for scband-cheb-gcnn-uw-46755013984834 (READ-ONLY COPY).

The authoritative reference and input builder live on the scoring server;
editing this copy changes nothing except your own understanding.
"""

import jax, jax.numpy as jnp
import numpy as np

N = 10000
E = 320000
IN_F = 128
CL1_F = 128
CL2_F = 128
K = 3
OUT_F = 16
BN_EPS = 1e-5


def setup_inputs(seed: int = 0):
    key = jax.random.key(seed)
    ks = jax.random.split(key, 6)
    x = jax.random.normal(ks[0], (N, IN_F), dtype=jnp.float32)
    edge_index = jax.random.randint(ks[1], (2, E), 0, N, dtype=jnp.int32)
    W1 = jax.random.normal(ks[2], (K, IN_F, CL1_F), dtype=jnp.float32) / np.sqrt(IN_F * K)
    b1 = jnp.zeros((CL1_F,), jnp.float32)
    W2 = jax.random.normal(ks[3], (K, CL1_F, CL2_F), dtype=jnp.float32) / np.sqrt(CL1_F * K)
    b2 = jnp.zeros((CL2_F,), jnp.float32)
    gamma = jnp.ones((CL1_F,), jnp.float32)
    beta = jnp.zeros((CL1_F,), jnp.float32)
    Wlin = jax.random.normal(ks[4], (OUT_F, CL2_F), dtype=jnp.float32) / np.sqrt(CL2_F)
    blin = jnp.zeros((OUT_F,), jnp.float32)
    return {'x': x, 'edge_index': edge_index, 'W1': W1, 'b1': b1, 'W2': W2, 'b2': b2,
            'gamma': gamma, 'beta': beta, 'Wlin': Wlin, 'blin': blin}


def _cheb_conv(x, src, dst, W, b):
    # PyG ChebConv, sym normalization, lambda_max=2.0:
    # scaled Laplacian L_hat has zero diagonal and off-diagonal weights
    # w_ij = -deg^{-1/2}[src] * deg^{-1/2}[dst]
    n = x.shape[0]
    ones = jnp.ones(src.shape[0], jnp.float32)
    deg = jax.ops.segment_sum(ones, src, num_segments=n)
    dinv = jnp.where(deg > 0, 1.0 / jnp.sqrt(jnp.maximum(deg, 1e-12)), 0.0)
    w = -(dinv[src] * dinv[dst])

    def lap(v):
        return jax.ops.segment_sum(w[:, None] * v[src], dst, num_segments=n)

    Tx0 = x
    out = Tx0 @ W[0]
    Tx1 = lap(x)
    out = out + Tx1 @ W[1]
    for k in range(2, W.shape[0]):
        Tx2 = 2.0 * lap(Tx1) - Tx0
        out = out + Tx2 @ W[k]
        Tx0, Tx1 = Tx1, Tx2
    return out + b


def _forward(x, edge_index, W1, b1, W2, b2, gamma, beta, Wlin, blin):
    src = edge_index[0]
    dst = edge_index[1]
    h = jax.nn.relu(_cheb_conv(x, src, dst, W1, b1))
    # BatchNorm1d over node dimension (batch statistics)
    mean = jnp.mean(h, axis=0)
    var = jnp.var(h, axis=0)
    h = (h - mean) / jnp.sqrt(var + BN_EPS) * gamma + beta
    # dropout is identity at inference
    h = jax.nn.relu(_cheb_conv(h, src, dst, W2, b2))
    out = h @ Wlin.T + blin
    return out


def reference(x, edge_index, W1, b1, W2, b2, gamma, beta, Wlin, blin):
    return _forward(x, edge_index, W1, b1, W2, b2, gamma, beta, Wlin, blin)

if __name__ == "__main__":
    import jax
    _d = setup_inputs()
    print(jax.jit(kernel)(*tuple(_d.values())))

</pallas_src>

<mosaic_0001>
#map = affine_map<(d0, d1) -> (0)>
#map1 = affine_map<(d0, d1) -> (0, 0, 0)>
module attributes {stable_mosaic.version = 14 : i64} {
  func.func @hist(%arg0: i32, %arg1: i32, %arg2: memref<320000xi32, #tpu.memory_space<hbm>>, %arg3: memref<2x10000x128xf32, #tpu.memory_space<hbm>>, %arg4: memref<10000x128xf32, #tpu.memory_space<vmem_shared>>, %arg5: memref<40x128xf32, #tpu.memory_space<vmem>>, %arg6: memref<40x128xf32, #tpu.memory_space<vmem>>, %arg7: memref<40xi32, #tpu.memory_space<vmem>>, %arg8: memref<40xi32, #tpu.memory_space<vmem>>, %arg9: memref<40xi32, #tpu.memory_space<vmem>>, %arg10: memref<40xi32, #tpu.memory_space<vmem>>, %arg11: memref<40xi32, #tpu.memory_space<vmem>>, %arg12: memref<!tpu.dma_semaphore, #tpu.memory_space<semaphore_mem>>, %arg13: memref<!tpu.dma_semaphore, #tpu.memory_space<semaphore_mem>>) attributes {dimension_semantics = [#tpu.dimension_semantics<core_parallel>, #tpu.dimension_semantics<subcore_parallel>], iteration_bounds = array<i64: 2, 16>, scalar_prefetch = 0 : i64, scratch_operands = 10 : i64, tpu.core_type = #tpu.core_type<sc_vector_subcore>, window_params = [{transform_indices = #map}, {transform_indices = #map1}]} {
    %mul3A = arith.constant 2 : i32
    %mul3A_0 = arith.muli %arg1, %mul3A : i32
    %add3A = arith.addi %mul3A_0, %arg0 : i32
    %mul3A_1 = arith.constant 10000 : i32
    %mul3A_2 = arith.muli %add3A, %mul3A_1 : i32
    %scan3A = arith.constant 0 : i32
    %scan3A_3 = arith.constant 0 : i32
    %scan3A_4 = arith.constant 40 : i32
    %scan3A_5 = arith.addi %scan3A_3, %scan3A_4 : i32
    %scan3A_6 = arith.constant 1 : i32
    %scan3A_7 = scf.for %scan3A_68 = %scan3A_3 to %scan3A_5 step %scan3A_6 iter_args(%scan3A_69 = %scan3A) -> (i32)  : i32 {
      %broadcast_in_dim3A = arith.constant 0.000000e+00 : f32
      %broadcast_in_dim3A_70 = vector.broadcast %broadcast_in_dim3A : f32 to vector<16xf32>
      %swap3A = arith.index_cast %scan3A_68 : i32 to index
      %swap3A_71 = arith.constant 0 : index
      %swap3A_72 = tpu.vector_load %arg5[%swap3A, %swap3A_71] {strides = array<i32>} : memref<40x128xf32, #tpu.memory_space<vmem>>, vector<1x16xf32>,
      %swap3A_73 = vector.shape_cast %swap3A_72 : vector<1x16xf32> to vector<16xf32>
      %swap3A_74 = vector.shape_cast %broadcast_in_dim3A_70 : vector<16xf32> to vector<1x16xf32>
      tpu.vector_store %arg5[%swap3A, %swap3A_71], %swap3A_74 {strides = array<i32>} : memref<40x128xf32, #tpu.memory_space<vmem>>, vector<1x16xf32>,
      %broadcast_in_dim3A_75 = arith.constant 0.000000e+00 : f32
      %broadcast_in_dim3A_76 = vector.broadcast %broadcast_in_dim3A_75 : f32 to vector<16xf32>
      %swap3A_77 = arith.index_cast %scan3A_68 : i32 to index
      %swap3A_78 = arith.constant 16 : index
      %swap3A_79 = tpu.vector_load %arg5[%swap3A_77, %swap3A_78] {strides = array<i32>} : memref<40x128xf32, #tpu.memory_space<vmem>>, vector<1x16xf32>,
      %swap3A_80 = vector.shape_cast %swap3A_79 : vector<1x16xf32> to vector<16xf32>
      %swap3A_81 = vector.shape_cast %broadcast_in_dim3A_76 : vector<16xf32> to vector<1x16xf32>
      tpu.vector_store %arg5[%swap3A_77, %swap3A_78], %swap3A_81 {strides = array<i32>} : memref<40x128xf32, #tpu.memory_space<vmem>>, vector<1x16xf32>,
      %broadcast_in_dim3A_82 = arith.constant 0.000000e+00 : f32
      %broadcast_in_dim3A_83 = vector.broadcast %broadcast_in_dim3A_82 : f32 to vector<16xf32>
      %swap3A_84 = arith.index_cast %scan3A_68 : i32 to index
      %swap3A_85 = arith.constant 32 : index
      %swap3A_86 = tpu.vector_load %arg5[%swap3A_84, %swap3A_85] {strides = array<i32>} : memref<40x128xf32, #tpu.memory_space<vmem>>, vector<1x16xf32>,
      %swap3A_87 = vector.shape_cast %swap3A_86 : vector<1x16xf32> to vector<16xf32>
      %swap3A_88 = vector.shape_cast %broadcast_in_dim3A_83 : vector<16xf32> to vector<1x16xf32>
      tpu.vector_store %arg5[%swap3A_84, %swap3A_85], %swap3A_88 {strides = array<i32>} : memref<40x128xf32, #tpu.memory_space<vmem>>, vector<1x16xf32>,
      %broadcast_in_dim3A_89 = arith.constant 0.000000e+00 : f32
      %broadcast_in_dim3A_90 = vector.broadcast %broadcast_in_dim3A_89 : f32 to vector<16xf32>
      %swap3A_91 = arith.index_cast %scan3A_68 : i32 to index
      %swap3A_92 = arith.constant 48 : index
      %swap3A_93 = tpu.vector_load %arg5[%swap3A_91, %swap3A_92] {strides = array<i32>} : memref<40x128xf32, #tpu.memory_space<vmem>>, vector<1x16xf32>,
      %swap3A_94 = vector.shape_cast %swap3A_93 : vector<1x16xf32> to vector<16xf32>
      %swap3A_95 = vector.shape_cast %broadcast_in_dim3A_90 : vector<16xf32> to vector<1x16xf32>
      tpu.vector_store %arg5[%swap3A_91, %swap3A_92], %swap3A_95 {strides = array<i32>} : memref<40x128xf32, #tpu.memory_space<vmem>>, vector<1x16xf32>,
      %broadcast_in_dim3A_96 = arith.constant 0.000000e+00 : f32
      %broadcast_in_dim3A_97 = vector.broadcast %broadcast_in_dim3A_96 : f32 to vector<16xf32>
      %swap3A_98 = arith.index_cast %scan3A_68 : i32 to index
      %swap3A_99 = arith.constant 64 : index
      %swap3A_100 = tpu.vector_load %arg5[%swap3A_98, %swap3A_99] {strides = array<i32>} : memref<40x128xf32, #tpu.memory_space<vmem>>, vector<1x16xf32>,
      %swap3A_101 = vector.shape_cast %swap3A_100 : vector<1x16xf32> to vector<16xf32>
      %swap3A_102 = vector.shape_cast %broadcast_in_dim3A_97 : vector<16xf32> to vector<1x16xf32>
      tpu.vector_store %arg5[%swap3A_98, %swap3A_99], %swap3A_102 {strides = array<i32>} : memref<40x128xf32, #tpu.memory_space<vmem>>, vector<1x16xf32>,
      %broadcast_in_dim3A_103 = arith.constant 0.000000e+00 : f32
      %broadcast_in_dim3A_104 = vector.broadcast %broadcast_in_dim3A_103 : f32 to vector<16xf32>
      %swap3A_105 = arith.index_cast %scan3A_68 : i32 to index
      %swap3A_106 = arith.constant 80 : index
      %swap3A_107 = tpu.vector_load %arg5[%swap3A_105, %swap3A_106] {strides = array<i32>} : memref<40x128xf32, #tpu.memory_space<vmem>>, vector<1x16xf32>,
      %swap3A_108 = vector.shape_cast %swap3A_107 : vector<1x16xf32> to vector<16xf32>
      %swap3A_109 = vector.shape_cast %broadcast_in_dim3A_104 : vector<16xf32> to vector<1x16xf32>
      tpu.vector_store %arg5[%swap3A_105, %swap3A_106], %swap3A_109 {strides = array<i32>} : memref<40x128xf32, #tpu.memory_space<vmem>>, vector<1x16xf32>,
      %broadcast_in_dim3A_110 = arith.constant 0.000000e+00 : f32
      %broadcast_in_dim3A_111 = vector.broadcast %broadcast_in_dim3A_110 : f32 to vector<16xf32>
      %swap3A_112 = arith.index_cast %scan3A_68 : i32 to index
      %swap3A_113 = arith.constant 96 : index
      %swap3A_114 = tpu.vector_load %arg5[%swap3A_112, %swap3A_113] {strides = array<i32>} : memref<40x128xf32, #tpu.memory_space<vmem>>, vector<1x16xf32>,
      %swap3A_115 = vector.shape_cast %swap3A_114 : vector<1x16xf32> to vector<16xf32>
      %swap3A_116 = vector.shape_cast %broadcast_in_dim3A_111 : vector<16xf32> to vector<1x16xf32>
      tpu.vector_store %arg5[%swap3A_112, %swap3A_113], %swap3A_116 {strides = array<i32>} : memref<40x128xf32, #tpu.memory_space<vmem>>, vector<1x16xf32>,
      %broadcast_in_dim3A_117 = arith.constant 0.000000e+00 : f32
      %broadcast_in_dim3A_118 = vector.broadcast %broadcast_in_dim3A_117 : f32 to vector<16xf32>
      %swap3A_119 = arith.index_cast %scan3A_68 : i32 to index
      %swap3A_120 = arith.constant 112 : index
      %swap3A_121 = tpu.vector_load %arg5[%swap3A_119, %swap3A_120] {strides = array<i32>} : memref<40x128xf32, #tpu.memory_space<vmem>>, vector<1x16xf32>,
      %swap3A_122 = vector.shape_cast %swap3A_121 : vector<1x16xf32> to vector<16xf32>
      %swap3A_123 = vector.shape_cast %broadcast_in_dim3A_118 : vector<16xf32> to vector<1x16xf32>
      tpu.vector_store %arg5[%swap3A_119, %swap3A_120], %swap3A_123 {strides = array<i32>} : memref<40x128xf32, #tpu.memory_space<vmem>>, vector<1x16xf32>,
      %scan3A_124 = arith.constant 0 : i32
      scf.yield %scan3A_124 : i32
    }
    %scan3A_8 = arith.constant 40 : i32
    %scan3A_9 = arith.constant 0 : i32
    %scan3A_10 = arith.constant 0 : i32
    %scan3A_11 = arith.constant 40 : i32
    %scan3A_12 = arith.addi %scan3A_10, %scan3A_11 : i32
    %scan3A_13 = arith.constant 1 : i32
    %scan3A_14 = scf.for %scan3A_68 = %scan3A_10 to %scan3A_12 step %scan3A_13 iter_args(%scan3A_69 = %scan3A_9) -> (i32)  : i32 {
      %broadcast_in_dim3A = arith.constant 1.000000e+00 : f32
      %broadcast_in_dim3A_70 = vector.broadcast %broadcast_in_dim3A : f32 to vector<16xf32>
      %swap3A = arith.index_cast %scan3A_68 : i32 to index
      %swap3A_71 = arith.constant 0 : index
      %swap3A_72 = tpu.vector_load %arg6[%swap3A, %swap3A_71] {strides = array<i32>} : memref<40x128xf32, #tpu.memory_space<vmem>>, vector<1x16xf32>,
      %swap3A_73 = vector.shape_cast %swap3A_72 : vector<1x16xf32> to vector<16xf32>
      %swap3A_74 = vector.shape_cast %broadcast_in_dim3A_70 : vector<16xf32> to vector<1x16xf32>
      tpu.vector_store %arg6[%swap3A, %swap3A_71], %swap3A_74 {strides = array<i32>} : memref<40x128xf32, #tpu.memory_space<vmem>>, vector<1x16xf32>,
      %broadcast_in_dim3A_75 = arith.constant 1.000000e+00 : f32
      %broadcast_in_dim3A_76 = vector.broadcast %broadcast_in_dim3A_75 : f32 to vector<16xf32>
      %swap3A_77 = arith.index_cast %scan3A_68 : i32 to index
      %swap3A_78 = arith.constant 16 : index
      %swap3A_79 = tpu.vector_load %arg6[%swap3A_77, %swap3A_78] {strides = array<i32>} : memref<40x128xf32, #tpu.memory_space<vmem>>, vector<1x16xf32>,
      %swap3A_80 = vector.shape_cast %swap3A_79 : vector<1x16xf32> to vector<16xf32>
      %swap3A_81 = vector.shape_cast %broadcast_in_dim3A_76 : vector<16xf32> to vector<1x16xf32>
      tpu.vector_store %arg6[%swap3A_77, %swap3A_78], %swap3A_81 {strides = array<i32>} : memref<40x128xf32, #tpu.memory_space<vmem>>, vector<1x16xf32>,
      %broadcast_in_dim3A_82 = arith.constant 1.000000e+00 : f32
      %broadcast_in_dim3A_83 = vector.broadcast %broadcast_in_dim3A_82 : f32 to vector<16xf32>
      %swap3A_84 = arith.index_cast %scan3A_68 : i32 to index
      %swap3A_85 = arith.constant 32 : index
      %swap3A_86 = tpu.vector_load %arg6[%swap3A_84, %swap3A_85] {strides = array<i32>} : memref<40x128xf32, #tpu.memory_space<vmem>>, vector<1x16xf32>,
      %swap3A_87 = vector.shape_cast %swap3A_86 : vector<1x16xf32> to vector<16xf32>
      %swap3A_88 = vector.shape_cast %broadcast_in_dim3A_83 : vector<16xf32> to vector<1x16xf32>
      tpu.vector_store %arg6[%swap3A_84, %swap3A_85], %swap3A_88 {strides = array<i32>} : memref<40x128xf32, #tpu.memory_space<vmem>>, vector<1x16xf32>,
      %broadcast_in_dim3A_89 = arith.constant 1.000000e+00 : f32
      %broadcast_in_dim3A_90 = vector.broadcast %broadcast_in_dim3A_89 : f32 to vector<16xf32>
      %swap3A_91 = arith.index_cast %scan3A_68 : i32 to index
      %swap3A_92 = arith.constant 48 : index
      %swap3A_93 = tpu.vector_load %arg6[%swap3A_91, %swap3A_92] {strides = array<i32>} : memref<40x128xf32, #tpu.memory_space<vmem>>, vector<1x16xf32>,
      %swap3A_94 = vector.shape_cast %swap3A_93 : vector<1x16xf32> to vector<16xf32>
      %swap3A_95 = vector.shape_cast %broadcast_in_dim3A_90 : vector<16xf32> to vector<1x16xf32>
      tpu.vector_store %arg6[%swap3A_91, %swap3A_92], %swap3A_95 {strides = array<i32>} : memref<40x128xf32, #tpu.memory_space<vmem>>, vector<1x16xf32>,
      %broadcast_in_dim3A_96 = arith.constant 1.000000e+00 : f32
      %broadcast_in_dim3A_97 = vector.broadcast %broadcast_in_dim3A_96 : f32 to vector<16xf32>
      %swap3A_98 = arith.index_cast %scan3A_68 : i32 to index
      %swap3A_99 = arith.constant 64 : index
      %swap3A_100 = tpu.vector_load %arg6[%swap3A_98, %swap3A_99] {strides = array<i32>} : memref<40x128xf32, #tpu.memory_space<vmem>>, vector<1x16xf32>,
      %swap3A_101 = vector.shape_cast %swap3A_100 : vector<1x16xf32> to vector<16xf32>
      %swap3A_102 = vector.shape_cast %broadcast_in_dim3A_97 : vector<16xf32> to vector<1x16xf32>
      tpu.vector_store %arg6[%swap3A_98, %swap3A_99], %swap3A_102 {strides = array<i32>} : memref<40x128xf32, #tpu.memory_space<vmem>>, vector<1x16xf32>,
      %broadcast_in_dim3A_103 = arith.constant 1.000000e+00 : f32
      %broadcast_in_dim3A_104 = vector.broadcast %broadcast_in_dim3A_103 : f32 to vector<16xf32>
      %swap3A_105 = arith.index_cast %scan3A_68 : i32 to index
      %swap3A_106 = arith.constant 80 : index
      %swap3A_107 = tpu.vector_load %arg6[%swap3A_105, %swap3A_106] {strides = array<i32>} : memref<40x128xf32, #tpu.memory_space<vmem>>, vector<1x16xf32>,
      %swap3A_108 = vector.shape_cast %swap3A_107 : vector<1x16xf32> to vector<16xf32>
      %swap3A_109 = vector.shape_cast %broadcast_in_dim3A_104 : vector<16xf32> to vector<1x16xf32>
      tpu.vector_store %arg6[%swap3A_105, %swap3A_106], %swap3A_109 {strides = array<i32>} : memref<40x128xf32, #tpu.memory_space<vmem>>, vector<1x16xf32>,
      %broadcast_in_dim3A_110 = arith.constant 1.000000e+00 : f32
      %broadcast_in_dim3A_111 = vector.broadcast %broadcast_in_dim3A_110 : f32 to vector<16xf32>
      %swap3A_112 = arith.index_cast %scan3A_68 : i32 to index
      %swap3A_113 = arith.constant 96 : index
      %swap3A_114 = tpu.vector_load %arg6[%swap3A_112, %swap3A_113] {strides = array<i32>} : memref<40x128xf32, #tpu.memory_space<vmem>>, vector<1x16xf32>,
      %swap3A_115 = vector.shape_cast %swap3A_114 : vector<1x16xf32> to vector<16xf32>
      %swap3A_116 = vector.shape_cast %broadcast_in_dim3A_111 : vector<16xf32> to vector<1x16xf32>
      tpu.vector_store %arg6[%swap3A_112, %swap3A_113], %swap3A_116 {strides = array<i32>} : memref<40x128xf32, #tpu.memory_space<vmem>>, vector<1x16xf32>,
      %broadcast_in_dim3A_117 = arith.constant 1.000000e+00 : f32
      %broadcast_in_dim3A_118 = vector.broadcast %broadcast_in_dim3A_117 : f32 to vector<16xf32>
      %swap3A_119 = arith.index_cast %scan3A_68 : i32 to index
      %swap3A_120 = arith.constant 112 : index
      %swap3A_121 = tpu.vector_load %arg6[%swap3A_119, %swap3A_120] {strides = array<i32>} : memref<40x128xf32, #tpu.memory_space<vmem>>, vector<1x16xf32>,
      %swap3A_122 = vector.shape_cast %swap3A_121 : vector<1x16xf32> to vector<16xf32>
      %swap3A_123 = vector.shape_cast %broadcast_in_dim3A_118 : vector<16xf32> to vector<1x16xf32>
      tpu.vector_store %arg6[%swap3A_119, %swap3A_120], %swap3A_123 {strides = array<i32>} : memref<40x128xf32, #tpu.memory_space<vmem>>, vector<1x16xf32>,
      %scan3A_124 = arith.constant 0 : i32
      scf.yield %scan3A_124 : i32
    }
    %scan3A_15 = arith.constant 40 : i32
    %scan3A_16 = arith.constant 0 : i32
    %scan3A_17 = arith.constant 0 : i32
    %scan3A_18 = arith.constant 16 : i32
    %scan3A_19 = arith.addi %scan3A_17, %scan3A_18 : i32
    %scan3A_20 = arith.constant 1 : i32
    %scan3A_21 = scf.for %scan3A_68 = %scan3A_17 to %scan3A_19 step %scan3A_20 iter_args(%scan3A_69 = %scan3A_16) -> (i32)  : i32 {
      %mul3A_70 = arith.constant 16 : i32
      %mul3A_71 = arith.muli %scan3A_68, %mul3A_70 : i32
      %add3A_72 = arith.addi %mul3A_71, %arg1 : i32
      %lt3A = arith.constant 250 : i32
      %lt3A_73 = arith.cmpi slt, %add3A_72, %lt3A : i32
      %convert_element_type3A = arith.extui %lt3A_73 : i1 to i32
      %cond3A = arith.constant 0 : i32
      %cond3A_74 = arith.cmpi ne, %convert_element_type3A, %cond3A : i32
      scf.if %cond3A_74 {
        %mul3A_76 = arith.constant 40 : i32
        %mul3A_77 = arith.muli %add3A_72, %mul3A_76 : i32
        %dma_start3A_78 = arith.constant 0 : i32
        %dma_start3A_79 = tpu.memref_slice %arg4[%mul3A_77, %dma_start3A_78] : memref<10000x128xf32, #tpu.memory_space<vmem_shared>> -> memref<40x128xf32, #tpu.memory_space<vmem_shared>>
        %dma_start3A_80 = arith.constant 0 : i32
        %dma_start3A_81 = tpu.memref_slice %arg4[%mul3A_77, %dma_start3A_80] : memref<10000x128xf32, #tpu.memory_space<vmem_shared>> -> memref<40x128xf32, #tpu.memory_space<vmem_shared>>
        tpu.enqueue_dma source(%arg5 : memref<40x128xf32, #tpu.memory_space<vmem>>) target(%dma_start3A_81 : memref<40x128xf32, #tpu.memory_space<vmem_shared>>) target_semaphore(%arg12 : memref<!tpu.dma_semaphore, #tpu.memory_space<semaphore_mem>>)
      } else {
      }
      %scan3A_75 = arith.constant 0 : i32
      scf.yield %scan3A_75 : i32
    }
    %scan3A_22 = arith.constant 16 : i32
    %scan3A_23 = arith.constant 0 : i32
    %scan3A_24 = arith.constant 0 : i32
    %scan3A_25 = arith.constant 16 : i32
    %scan3A_26 = arith.addi %scan3A_24, %scan3A_25 : i32
    %scan3A_27 = arith.constant 1 : i32
    %scan3A_28 = scf.for %scan3A_68 = %scan3A_24 to %scan3A_26 step %scan3A_27 iter_args(%scan3A_69 = %scan3A_23) -> (i32)  : i32 {
      %mul3A_70 = arith.constant 16 : i32
      %mul3A_71 = arith.muli %scan3A_68, %mul3A_70 : i32
      %add3A_72 = arith.addi %mul3A_71, %arg1 : i32
      %lt3A = arith.constant 250 : i32
      %lt3A_73 = arith.cmpi slt, %add3A_72, %lt3A : i32
      %convert_element_type3A = arith.extui %lt3A_73 : i1 to i32
      %cond3A = arith.constant 0 : i32
      %cond3A_74 = arith.cmpi ne, %convert_element_type3A, %cond3A : i32
      scf.if %cond3A_74 {
        %mul3A_76 = arith.constant 40 : i32
        %mul3A_77 = arith.muli %add3A_72, %mul3A_76 : i32
        %dma_wait3A_78 = arith.constant 0 : i32
        %dma_wait3A_79 = tpu.memref_slice %arg4[%mul3A_77, %dma_wait3A_78] : memref<10000x128xf32, #tpu.memory_space<vmem_shared>> -> memref<40x128xf32, #tpu.memory_space<vmem_shared>>
        %dma_wait3A_80 = arith.constant 0 : i32
        %dma_wait3A_81 = tpu.memref_slice %arg4[%mul3A_77, %dma_wait3A_80] : memref<10000x128xf32, #tpu.memory_space<vmem_shared>> -> memref<40x128xf32, #tpu.memory_space<vmem_shared>>
        tpu.wait_dma2 semaphore(%arg12 : memref<!tpu.dma_semaphore, #tpu.memory_space<semaphore_mem>>) src(%arg5 : memref<40x128xf32, #tpu.memory_space<vmem>>) dst(%dma_wait3A_81 : memref<40x128xf32, #tpu.memory_space<vmem_shared>>)
      } else {
      }
      %scan3A_75 = arith.constant 0 : i32
      scf.yield %scan3A_75 : i32
    }
    %scan3A_29 = arith.constant 16 : i32
    %barrier3A = arith.constant 0 : index
    tpu.barrier barrier_id(%barrier3A)
    %add3A_30 = arith.constant 0 : i32
    %add3A_31 = arith.addi %mul3A_2, %add3A_30 : i32
    %dma_start3A = tpu.memref_slice %arg2[%add3A_31] : memref<320000xi32, #tpu.memory_space<hbm>> -> memref<40xi32, #tpu.memory_space<hbm>>
    %dma_start3A_32 = tpu.memref_slice %arg2[%add3A_31] : memref<320000xi32, #tpu.memory_space<hbm>> -> memref<40xi32, #tpu.memory_space<hbm>>
    tpu.enqueue_dma source(%dma_start3A_32 : memref<40xi32, #tpu.memory_space<hbm>>) target(%arg7 : memref<40xi32, #tpu.memory_space<vmem>>) target_semaphore(%arg13 : memref<!tpu.dma_semaphore, #tpu.memory_space<semaphore_mem>>)
    %add3A_33 = arith.constant 40 : i32
    %add3A_34 = arith.addi %mul3A_2, %add3A_33 : i32
    %dma_start3A_35 = tpu.memref_slice %arg2[%add3A_34] : memref<320000xi32, #tpu.memory_space<hbm>> -> memref<40xi32, #tpu.memory_space<hbm>>
    %dma_start3A_36 = tpu.memref_slice %arg2[%add3A_34] : memref<320000xi32, #tpu.memory_space<hbm>> -> memref<40xi32, #tpu.memory_space<hbm>>
    tpu.enqueue_dma source(%dma_start3A_36 : memref<40xi32, #tpu.memory_space<hbm>>) target(%arg8 : memref<40xi32, #tpu.memory_space<vmem>>) target_semaphore(%arg13 : memref<!tpu.dma_semaphore, #tpu.memory_space<semaphore_mem>>)
    %add3A_37 = arith.constant 80 : i32
    %add3A_38 = arith.addi %mul3A_2, %add3A_37 : i32
    %dma_start3A_39 = tpu.memref_slice %arg2[%add3A_38] : memref<320000xi32, #tpu.memory_space<hbm>> -> memref<40xi32, #tpu.memory_space<hbm>>
    %dma_start3A_40 = tpu.memref_slice %arg2[%add3A_38] : memref<320000xi32, #tpu.memory_space<hbm>> -> memref<40xi32, #tpu.memory_space<hbm>>
    tpu.enqueue_dma source(%dma_start3A_40 : memref<40xi32, #tpu.memory_space<hbm>>) target(%arg9 : memref<40xi32, #tpu.memory_space<vmem>>) target_semaphore(%arg13 : memref<!tpu.dma_semaphore, #tpu.memory_space<semaphore_mem>>)
    %scan3A_41 = arith.constant 0 : i32
    %scan3A_42 = arith.constant 0 : i32
    %scan3A_43 = arith.constant 50 : i32
    %scan3A_44 = arith.addi %scan3A_42, %scan3A_43 : i32
    %scan3A_45 = arith.constant 1 : i32
    %scan3A_46 = scf.for %scan3A_68 = %scan3A_42 to %scan3A_44 step %scan3A_45 iter_args(%scan3A_69 = %scan3A_41) -> (i32)  : i32 {
      %mul3A_70 = arith.constant 5 : i32
      %mul3A_71 = arith.muli %scan3A_68, %mul3A_70 : i32
      %add3A_72 = arith.constant 0 : i32
      %add3A_73 = arith.addi %mul3A_71, %add3A_72 : i32
      %ge3A = arith.constant 2 : i32
      %ge3A_74 = arith.cmpi sge, %add3A_73, %ge3A : i32
      %convert_element_type3A = arith.extui %ge3A_74 : i1 to i32
      %cond3A = arith.constant 0 : i32
      %cond3A_75 = arith.cmpi ne, %convert_element_type3A, %cond3A : i32
      scf.if %cond3A_75 {
        %dma_wait3A_197 = arith.constant 0 : i32
        %dma_wait3A_198 = arith.constant 0 : i32
        %dma_wait3A_199 = tpu.memref_slice %arg4[%dma_wait3A_197, %dma_wait3A_198] : memref<10000x128xf32, #tpu.memory_space<vmem_shared>> -> memref<10000x128xf32, #tpu.memory_space<vmem_shared>>
        tpu.wait_indirect_dma semaphore(%arg12 : memref<!tpu.dma_semaphore, #tpu.memory_space<semaphore_mem>>) src(%arg6 : memref<40x128xf32, #tpu.memory_space<vmem>>) dst(%dma_wait3A_199 : memref<10000x128xf32, #tpu.memory_space<vmem_shared>>)
      } else {
      }
      %mul3A_76 = arith.constant 40 : i32
      %mul3A_77 = arith.muli %add3A_73, %mul3A_76 : i32
      %add3A_78 = arith.addi %mul3A_2, %mul3A_77 : i32
      %dma_wait3A_79 = tpu.memref_slice %arg2[%add3A_78] : memref<320000xi32, #tpu.memory_space<hbm>> -> memref<40xi32, #tpu.memory_space<hbm>>
      %dma_wait3A_80 = tpu.memref_slice %arg2[%add3A_78] : memref<320000xi32, #tpu.memory_space<hbm>> -> memref<40xi32, #tpu.memory_space<hbm>>
      tpu.wait_dma2 semaphore(%arg13 : memref<!tpu.dma_semaphore, #tpu.memory_space<semaphore_mem>>) src(%dma_wait3A_80 : memref<40xi32, #tpu.memory_space<hbm>>) dst(%arg7 : memref<40xi32, #tpu.memory_space<vmem>>)
      %dma_start3A_81 = arith.constant 0 : i32
      %dma_start3A_82 = arith.constant 0 : i32
      %dma_start3A_83 = tpu.memref_slice %arg4[%dma_start3A_81, %dma_start3A_82] : memref<10000x128xf32, #tpu.memory_space<vmem_shared>> -> memref<10000x128xf32, #tpu.memory_space<vmem_shared>>
      tpu.enqueue_indirect_dma source(%arg6 : memref<40x128xf32, #tpu.memory_space<vmem>>) target(%dma_start3A_83 : memref<10000x128xf32, #tpu.memory_space<vmem_shared>>) offsets(%arg7 : memref<40xi32, #tpu.memory_space<vmem>>) semaphore(%arg12 : memref<!tpu.dma_semaphore, #tpu.memory_space<semaphore_mem>>) {add = true}
      %add3A_84 = arith.constant 3 : i32
      %add3A_85 = arith.addi %add3A_73, %add3A_84 : i32
      %lt3A = arith.constant 250 : i32
      %lt3A_86 = arith.cmpi slt, %add3A_85, %lt3A : i32
      %add3A_87 = arith.constant 3 : i32
      %add3A_88 = arith.addi %add3A_73, %add3A_87 : i32
      %convert_element_type3A_89 = arith.extui %lt3A_86 : i1 to i32
      %cond3A_90 = arith.constant 0 : i32
      %cond3A_91 = arith.cmpi ne, %convert_element_type3A_89, %cond3A_90 : i32
      scf.if %cond3A_91 {
        %mul3A_197 = arith.constant 40 : i32
        %mul3A_198 = arith.muli %add3A_88, %mul3A_197 : i32
        %add3A_199 = arith.addi %mul3A_2, %mul3A_198 : i32
        %dma_start3A_200 = tpu.memref_slice %arg2[%add3A_199] : memref<320000xi32, #tpu.memory_space<hbm>> -> memref<40xi32, #tpu.memory_space<hbm>>
        %dma_start3A_201 = tpu.memref_slice %arg2[%add3A_199] : memref<320000xi32, #tpu.memory_space<hbm>> -> memref<40xi32, #tpu.memory_space<hbm>>
        tpu.enqueue_dma source(%dma_start3A_201 : memref<40xi32, #tpu.memory_space<hbm>>) target(%arg10 : memref<40xi32, #tpu.memory_space<vmem>>) target_semaphore(%arg13 : memref<!tpu.dma_semaphore, #tpu.memory_space<semaphore_mem>>)
      } else {
      }
      %mul3A_92 = arith.constant 5 : i32
      %mul3A_93 = arith.muli %scan3A_68, %mul3A_92 : i32
      %add3A_94 = arith.constant 1 : i32
      %add3A_95 = arith.addi %mul3A_93, %add3A_94 : i32
      %ge3A_96 = arith.constant 2 : i32
      %ge3A_97 = arith.cmpi sge, %add3A_95, %ge3A_96 : i32
      %convert_element_type3A_98 = arith.extui %ge3A_97 : i1 to i32
      %cond3A_99 = arith.constant 0 : i32
      %cond3A_100 = arith.cmpi ne, %convert_element_type3A_98, %cond3A_99 : i32
      scf.if %cond3A_100 {
        %dma_wait3A_197 = arith.constant 0 : i32
        %dma_wait3A_198 = arith.constant 0 : i32
        %dma_wait3A_199 = tpu.memref_slice %arg4[%dma_wait3A_197, %dma_wait3A_198] : memref<10000x128xf32, #tpu.memory_space<vmem_shared>> -> memref<10000x128xf32, #tpu.memory_space<vmem_shared>>
        tpu.wait_indirect_dma semaphore(%arg12 : memref<!tpu.dma_semaphore, #tpu.memory_space<semaphore_mem>>) src(%arg6 : memref<40x128xf32, #tpu.memory_space<vmem>>) dst(%dma_wait3A_199 : memref<10000x128xf32, #tpu.memory_space<vmem_shared>>)
      } else {
      }
      %mul3A_101 = arith.constant 40 : i32
      %mul3A_102 = arith.muli %add3A_95, %mul3A_101 : i32
      %add3A_103 = arith.addi %mul3A_2, %mul3A_102 : i32
      %dma_wait3A_104 = tpu.memref_slice %arg2[%add3A_103] : memref<320000xi32, #tpu.memory_space<hbm>> -> memref<40xi32, #tpu.memory_space<hbm>>
      %dma_wait3A_105 = tpu.memref_slice %arg2[%add3A_103] : memref<320000xi32, #tpu.memory_space<hbm>> -> memref<40xi32, #tpu.memory_space<hbm>>
      tpu.wait_dma2 semaphore(%arg13 : memref<!tpu.dma_semaphore, #tpu.memory_space<semaphore_mem>>) src(%dma_wait3A_105 : memref<40xi32, #tpu.memory_space<hbm>>) dst(%arg8 : memref<40xi32, #tpu.memory_space<vmem>>)
      %dma_start3A_106 = arith.constant 0 : i32
      %dma_start3A_107 = arith.constant 0 : i32
      %dma_start3A_108 = tpu.memref_slice %arg4[%dma_start3A_106, %dma_start3A_107] : memref<10000x128xf32, #tpu.memory_space<vmem_shared>> -> memref<10000x128xf32, #tpu.memory_space<vmem_shared>>
      tpu.enqueue_indirect_dma source(%arg6 : memref<40x128xf32, #tpu.memory_space<vmem>>) target(%dma_start3A_108 : memref<10000x128xf32, #tpu.memory_space<vmem_shared>>) offsets(%arg8 : memref<40xi32, #tpu.memory_space<vmem>>) semaphore(%arg12 : memref<!tpu.dma_semaphore, #tpu.memory_space<semaphore_mem>>) {add = true}
      %add3A_109 = arith.constant 3 : i32
      %add3A_110 = arith.addi %add3A_95, %add3A_109 : i32
      %lt3A_111 = arith.constant 250 : i32
      %lt3A_112 = arith.cmpi slt, %add3A_110, %lt3A_111 : i32
      %add3A_113 = arith.constant 3 : i32
      %add3A_114 = arith.addi %add3A_95, %add3A_113 : i32
      %convert_element_type3A_115 = arith.extui %lt3A_112 : i1 to i32
      %cond3A_116 = arith.constant 0 : i32
      %cond3A_117 = arith.cmpi ne, %convert_element_type3A_115, %cond3A_116 : i32
      scf.if %cond3A_117 {
        %mul3A_197 = arith.constant 40 : i32
        %mul3A_198 = arith.muli %add3A_114, %mul3A_197 : i32
        %add3A_199 = arith.addi %mul3A_2, %mul3A_198 : i32
        %dma_start3A_200 = tpu.memref_slice %arg2[%add3A_199] : memref<320000xi32, #tpu.memory_space<hbm>> -> memref<40xi32, #tpu.memory_space<hbm>>
        %dma_start3A_201 = tpu.memref_slice %arg2[%add3A_199] : memref<320000xi32, #tpu.memory_space<hbm>> -> memref<40xi32, #tpu.memory_space<hbm>>
        tpu.enqueue_dma source(%dma_start3A_201 : memref<40xi32, #tpu.memory_space<hbm>>) target(%arg11 : memref<40xi32, #tpu.memory_space<vmem>>) target_semaphore(%arg13 : memref<!tpu.dma_semaphore, #tpu.memory_space<semaphore_mem>>)
      } else {
      }
      %mul3A_118 = arith.constant 5 : i32
      %mul3A_119 = arith.muli %scan3A_68, %mul3A_118 : i32
      %add3A_120 = arith.constant 2 : i32
      %add3A_121 = arith.addi %mul3A_119, %add3A_120 : i32
      %ge3A_122 = arith.constant 2 : i32
      %ge3A_123 = arith.cmpi sge, %add3A_121, %ge3A_122 : i32
      %convert_element_type3A_124 = arith.extui %ge3A_123 : i1 to i32
      %cond3A_125 = arith.constant 0 : i32
      %cond3A_126 = arith.cmpi ne, %convert_element_type3A_124, %cond3A_125 : i32
      scf.if %cond3A_126 {
        %dma_wait3A_197 = arith.constant 0 : i32
        %dma_wait3A_198 = arith.constant 0 : i32
        %dma_wait3A_199 = tpu.memref_slice %arg4[%dma_wait3A_197, %dma_wait3A_198] : memref<10000x128xf32, #tpu.memory_space<vmem_shared>> -> memref<10000x128xf32, #tpu.memory_space<vmem_shared>>
        tpu.wait_indirect_dma semaphore(%arg12 : memref<!tpu.dma_semaphore, #tpu.memory_space<semaphore_mem>>) src(%arg6 : memref<40x128xf32, #tpu.memory_space<vmem>>) dst(%dma_wait3A_199 : memref<10000x128xf32, #tpu.memory_space<vmem_shared>>)
      } else {
      }
      %mul3A_127 = arith.constant 40 : i32
      %mul3A_128 = arith.muli %add3A_121, %mul3A_127 : i32
      %add3A_129 = arith.addi %mul3A_2, %mul3A_128 : i32
      %dma_wait3A_130 = tpu.memref_slice %arg2[%add3A_129] : memref<320000xi32, #tpu.memory_space<hbm>> -> memref<40xi32, #tpu.memory_space<hbm>>
      %dma_wait3A_131 = tpu.memref_slice %arg2[%add3A_129] : memref<320000xi32, #tpu.memory_space<hbm>> -> memref<40xi32, #tpu.memory_space<hbm>>
      tpu.wait_dma2 semaphore(%arg13 : memref<!tpu.dma_semaphore, #tpu.memory_space<semaphore_mem>>) src(%dma_wait3A_131 : memref<40xi32, #tpu.memory_space<hbm>>) dst(%arg9 : memref<40xi32, #tpu.memory_space<vmem>>)
      %dma_start3A_132 = arith.constant 0 : i32
      %dma_start3A_133 = arith.constant 0 : i32
      %dma_start3A_134 = tpu.memref_slice %arg4[%dma_start3A_132, %dma_start3A_133] : memref<10000x128xf32, #tpu.memory_space<vmem_shared>> -> memref<10000x128xf32, #tpu.memory_space<vmem_shared>>
      tpu.enqueue_indirect_dma source(%arg6 : memref<40x128xf32, #tpu.memory_space<vmem>>) target(%dma_start3A_134 : memref<10000x128xf32, #tpu.memory_space<vmem_shared>>) offsets(%arg9 : memref<40xi32, #tpu.memory_space<vmem>>) semaphore(%arg12 : memref<!tpu.dma_semaphore, #tpu.memory_space<semaphore_mem>>) {add = true}
      %add3A_135 = arith.constant 3 : i32
      %add3A_136 = arith.addi %add3A_121, %add3A_135 : i32
      %lt3A_137 = arith.constant 250 : i32
      %lt3A_138 = arith.cmpi slt, %add3A_136, %lt3A_137 : i32
      %add3A_139 = arith.constant 3 : i32
      %add3A_140 = arith.addi %add3A_121, %add3A_139 : i32
      %convert_element_type3A_141 = arith.extui %lt3A_138 : i1 to i32
      %cond3A_142 = arith.constant 0 : i32
      %cond3A_143 = arith.cmpi ne, %convert_element_type3A_141, %cond3A_142 : i32
      scf.if %cond3A_143 {
        %mul3A_197 = arith.constant 40 : i32
        %mul3A_198 = arith.muli %add3A_140, %mul3A_197 : i32
        %add3A_199 = arith.addi %mul3A_2, %mul3A_198 : i32
        %dma_start3A_200 = tpu.memref_slice %arg2[%add3A_199] : memref<320000xi32, #tpu.memory_space<hbm>> -> memref<40xi32, #tpu.memory_space<hbm>>
        %dma_start3A_201 = tpu.memref_slice %arg2[%add3A_199] : memref<320000xi32, #tpu.memory_space<hbm>> -> memref<40xi32, #tpu.memory_space<hbm>>
        tpu.enqueue_dma source(%dma_start3A_201 : memref<40xi32, #tpu.memory_space<hbm>>) target(%arg7 : memref<40xi32, #tpu.memory_space<vmem>>) target_semaphore(%arg13 : memref<!tpu.dma_semaphore, #tpu.memory_space<semaphore_mem>>)
      } else {
      }
      %mul3A_144 = arith.constant 5 : i32
      %mul3A_145 = arith.muli %scan3A_68, %mul3A_144 : i32
      %add3A_146 = arith.constant 3 : i32
      %add3A_147 = arith.addi %mul3A_145, %add3A_146 : i32
      %ge3A_148 = arith.constant 2 : i32
      %ge3A_149 = arith.cmpi sge, %add3A_147, %ge3A_148 : i32
      %convert_element_type3A_150 = arith.extui %ge3A_149 : i1 to i32
      %cond3A_151 = arith.constant 0 : i32
      %cond3A_152 = arith.cmpi ne, %convert_element_type3A_150, %cond3A_151 : i32
      scf.if %cond3A_152 {
        %dma_wait3A_197 = arith.constant 0 : i32
        %dma_wait3A_198 = arith.constant 0 : i32
        %dma_wait3A_199 = tpu.memref_slice %arg4[%dma_wait3A_197, %dma_wait3A_198] : memref<10000x128xf32, #tpu.memory_space<vmem_shared>> -> memref<10000x128xf32, #tpu.memory_space<vmem_shared>>
        tpu.wait_indirect_dma semaphore(%arg12 : memref<!tpu.dma_semaphore, #tpu.memory_space<semaphore_mem>>) src(%arg6 : memref<40x128xf32, #tpu.memory_space<vmem>>) dst(%dma_wait3A_199 : memref<10000x128xf32, #tpu.memory_space<vmem_shared>>)
      } else {
      }
      %mul3A_153 = arith.constant 40 : i32
      %mul3A_154 = arith.muli %add3A_147, %mul3A_153 : i32
      %add3A_155 = arith.addi %mul3A_2, %mul3A_154 : i32
      %dma_wait3A_156 = tpu.memref_slice %arg2[%add3A_155] : memref<320000xi32, #tpu.memory_space<hbm>> -> memref<40xi32, #tpu.memory_space<hbm>>
      %dma_wait3A_157 = tpu.memref_slice %arg2[%add3A_155] : memref<320000xi32, #tpu.memory_space<hbm>> -> memref<40xi32, #tpu.memory_space<hbm>>
      tpu.wait_dma2 semaphore(%arg13 : memref<!tpu.dma_semaphore, #tpu.memory_space<semaphore_mem>>) src(%dma_wait3A_157 : memref<40xi32, #tpu.memory_space<hbm>>) dst(%arg10 : memref<40xi32, #tpu.memory_space<vmem>>)
      %dma_start3A_158 = arith.constant 0 : i32
      %dma_start3A_159 = arith.constant 0 : i32
      %dma_start3A_160 = tpu.memref_slice %arg4[%dma_start3A_158, %dma_start3A_159] : memref<10000x128xf32, #tpu.memory_space<vmem_shared>> -> memref<10000x128xf32, #tpu.memory_space<vmem_shared>>
      tpu.enqueue_indirect_dma source(%arg6 : memref<40x128xf32, #tpu.memory_space<vmem>>) target(%dma_start3A_160 : memref<10000x128xf32, #tpu.memory_space<vmem_shared>>) offsets(%arg10 : memref<40xi32, #tpu.memory_space<vmem>>) semaphore(%arg12 : memref<!tpu.dma_semaphore, #tpu.memory_space<semaphore_mem>>) {add = true}
      %add3A_161 = arith.constant 3 : i32
      %add3A_162 = arith.addi %add3A_147, %add3A_161 : i32
      %lt3A_163 = arith.constant 250 : i32
      %lt3A_164 = arith.cmpi slt, %add3A_162, %lt3A_163 : i32
      %add3A_165 = arith.constant 3 : i32
      %add3A_166 = arith.addi %add3A_147, %add3A_165 : i32
      %convert_element_type3A_167 = arith.extui %lt3A_164 : i1 to i32
      %cond3A_168 = arith.constant 0 : i32
      %cond3A_169 = arith.cmpi ne, %convert_element_type3A_167, %cond3A_168 : i32
      scf.if %cond3A_169 {
        %mul3A_197 = arith.constant 40 : i32
        %mul3A_198 = arith.muli %add3A_166, %mul3A_197 : i32
        %add3A_199 = arith.addi %mul3A_2, %mul3A_198 : i32
        %dma_start3A_200 = tpu.memref_slice %arg2[%add3A_199] : memref<320000xi32, #tpu.memory_space<hbm>> -> memref<40xi32, #tpu.memory_space<hbm>>
        %dma_start3A_201 = tpu.memref_slice %arg2[%add3A_199] : memref<320000xi32, #tpu.memory_space<hbm>> -> memref<40xi32, #tpu.memory_space<hbm>>
        tpu.enqueue_dma source(%dma_start3A_201 : memref<40xi32, #tpu.memory_space<hbm>>) target(%arg8 : memref<40xi32, #tpu.memory_space<vmem>>) target_semaphore(%arg13 : memref<!tpu.dma_semaphore, #tpu.memory_space<semaphore_mem>>)
      } else {
      }
      %mul3A_170 = arith.constant 5 : i32
      %mul3A_171 = arith.muli %scan3A_68, %mul3A_170 : i32
      %add3A_172 = arith.constant 4 : i32
      %add3A_173 = arith.addi %mul3A_171, %add3A_172 : i32
      %ge3A_174 = arith.constant 2 : i32
      %ge3A_175 = arith.cmpi sge, %add3A_173, %ge3A_174 : i32
      %convert_element_type3A_176 = arith.extui %ge3A_175 : i1 to i32
      %cond3A_177 = arith.constant 0 : i32
      %cond3A_178 = arith.cmpi ne, %convert_element_type3A_176, %cond3A_177 : i32
      scf.if %cond3A_178 {
        %dma_wait3A_197 = arith.constant 0 : i32
        %dma_wait3A_198 = arith.constant 0 : i32
        %dma_wait3A_199 = tpu.memref_slice %arg4[%dma_wait3A_197, %dma_wait3A_198] : memref<10000x128xf32, #tpu.memory_space<vmem_shared>> -> memref<10000x128xf32, #tpu.memory_space<vmem_shared>>
        tpu.wait_indirect_dma semaphore(%arg12 : memref<!tpu.dma_semaphore, #tpu.memory_space<semaphore_mem>>) src(%arg6 : memref<40x128xf32, #tpu.memory_space<vmem>>) dst(%dma_wait3A_199 : memref<10000x128xf32, #tpu.memory_space<vmem_shared>>)
      } else {
      }
      %mul3A_179 = arith.constant 40 : i32
      %mul3A_180 = arith.muli %add3A_173, %mul3A_179 : i32
      %add3A_181 = arith.addi %mul3A_2, %mul3A_180 : i32
      %dma_wait3A_182 = tpu.memref_slice %arg2[%add3A_181] : memref<320000xi32, #tpu.memory_space<hbm>> -> memref<40xi32, #tpu.memory_space<hbm>>
      %dma_wait3A_183 = tpu.memref_slice %arg2[%add3A_181] : memref<320000xi32, #tpu.memory_space<hbm>> -> memref<40xi32, #tpu.memory_space<hbm>>
      tpu.wait_dma2 semaphore(%arg13 : memref<!tpu.dma_semaphore, #tpu.memory_space<semaphore_mem>>) src(%dma_wait3A_183 : memref<40xi32, #tpu.memory_space<hbm>>) dst(%arg11 : memref<40xi32, #tpu.memory_space<vmem>>)
      %dma_start3A_184 = arith.constant 0 : i32
      %dma_start3A_185 = arith.constant 0 : i32
      %dma_start3A_186 = tpu.memref_slice %arg4[%dma_start3A_184, %dma_start3A_185] : memref<10000x128xf32, #tpu.memory_space<vmem_shared>> -> memref<10000x128xf32, #tpu.memory_space<vmem_shared>>
      tpu.enqueue_indirect_dma source(%arg6 : memref<40x128xf32, #tpu.memory_space<vmem>>) target(%dma_start3A_186 : memref<10000x128xf32, #tpu.memory_space<vmem_shared>>) offsets(%arg11 : memref<40xi32, #tpu.memory_space<vmem>>) semaphore(%arg12 : memref<!tpu.dma_semaphore, #tpu.memory_space<semaphore_mem>>) {add = true}
      %add3A_187 = arith.constant 3 : i32
      %add3A_188 = arith.addi %add3A_173, %add3A_187 : i32
      %lt3A_189 = arith.constant 250 : i32
      %lt3A_190 = arith.cmpi slt, %add3A_188, %lt3A_189 : i32
      %add3A_191 = arith.constant 3 : i32
      %add3A_192 = arith.addi %add3A_173, %add3A_191 : i32
      %convert_element_type3A_193 = arith.extui %lt3A_190 : i1 to i32
      %cond3A_194 = arith.constant 0 : i32
      %cond3A_195 = arith.cmpi ne, %convert_element_type3A_193, %cond3A_194 : i32
      scf.if %cond3A_195 {
        %mul3A_197 = arith.constant 40 : i32
        %mul3A_198 = arith.muli %add3A_192, %mul3A_197 : i32
        %add3A_199 = arith.addi %mul3A_2, %mul3A_198 : i32
        %dma_start3A_200 = tpu.memref_slice %arg2[%add3A_199] : memref<320000xi32, #tpu.memory_space<hbm>> -> memref<40xi32, #tpu.memory_space<hbm>>
        %dma_start3A_201 = tpu.memref_slice %arg2[%add3A_199] : memref<320000xi32, #tpu.memory_space<hbm>> -> memref<40xi32, #tpu.memory_space<hbm>>
        tpu.enqueue_dma source(%dma_start3A_201 : memref<40xi32, #tpu.memory_space<hbm>>) target(%arg9 : memref<40xi32, #tpu.memory_space<vmem>>) target_semaphore(%arg13 : memref<!tpu.dma_semaphore, #tpu.memory_space<semaphore_mem>>)
      } else {
      }
      %scan3A_196 = arith.constant 0 : i32
      scf.yield %scan3A_196 : i32
    }
    %scan3A_47 = arith.constant 50 : i32
    %dma_wait3A = arith.constant 0 : i32
    %dma_wait3A_48 = arith.constant 0 : i32
    %dma_wait3A_49 = tpu.memref_slice %arg4[%dma_wait3A, %dma_wait3A_48] : memref<10000x128xf32, #tpu.memory_space<vmem_shared>> -> memref<10000x128xf32, #tpu.memory_space<vmem_shared>>
    tpu.wait_indirect_dma semaphore(%arg12 : memref<!tpu.dma_semaphore, #tpu.memory_space<semaphore_mem>>) src(%arg6 : memref<40x128xf32, #tpu.memory_space<vmem>>) dst(%dma_wait3A_49 : memref<10000x128xf32, #tpu.memory_space<vmem_shared>>)
    %dma_wait3A_50 = arith.constant 0 : i32
    %dma_wait3A_51 = arith.constant 0 : i32
    %dma_wait3A_52 = tpu.memref_slice %arg4[%dma_wait3A_50, %dma_wait3A_51] : memref<10000x128xf32, #tpu.memory_space<vmem_shared>> -> memref<10000x128xf32, #tpu.memory_space<vmem_shared>>
    tpu.wait_indirect_dma semaphore(%arg12 : memref<!tpu.dma_semaphore, #tpu.memory_space<semaphore_mem>>) src(%arg6 : memref<40x128xf32, #tpu.memory_space<vmem>>) dst(%dma_wait3A_52 : memref<10000x128xf32, #tpu.memory_space<vmem_shared>>)
    %barrier3A_53 = arith.constant 0 : index
    tpu.barrier barrier_id(%barrier3A_53)
    %scan3A_54 = arith.constant 0 : i32
    %scan3A_55 = arith.constant 0 : i32
    %scan3A_56 = arith.constant 16 : i32
    %scan3A_57 = arith.addi %scan3A_55, %scan3A_56 : i32
    %scan3A_58 = arith.constant 1 : i32
    %scan3A_59 = scf.for %scan3A_68 = %scan3A_55 to %scan3A_57 step %scan3A_58 iter_args(%scan3A_69 = %scan3A_54) -> (i32)  : i32 {
      %mul3A_70 = arith.constant 16 : i32
      %mul3A_71 = arith.muli %scan3A_68, %mul3A_70 : i32
      %add3A_72 = arith.addi %mul3A_71, %arg1 : i32
      %lt3A = arith.constant 250 : i32
      %lt3A_73 = arith.cmpi slt, %add3A_72, %lt3A : i32
      %convert_element_type3A = arith.extui %lt3A_73 : i1 to i32
      %cond3A = arith.constant 0 : i32
      %cond3A_74 = arith.cmpi ne, %convert_element_type3A, %cond3A : i32
      scf.if %cond3A_74 {
        %mul3A_76 = arith.constant 40 : i32
        %mul3A_77 = arith.muli %add3A_72, %mul3A_76 : i32
        %mul3A_78 = arith.constant 40 : i32
        %mul3A_79 = arith.muli %add3A_72, %mul3A_78 : i32
        %dma_start3A_80 = arith.constant 0 : i32
        %dma_start3A_81 = tpu.memref_slice %arg3[%arg0, %mul3A_79, %dma_start3A_80] : memref<2x10000x128xf32, #tpu.memory_space<hbm>> -> memref<1x40x128xf32, #tpu.memory_space<hbm>>
        %dma_start3A_82 = tpu.memref_squeeze %dma_start3A_81 : memref<1x40x128xf32, #tpu.memory_space<hbm>> -> memref<40x128xf32, #tpu.memory_space<hbm>>
        %dma_start3A_83 = arith.constant 0 : i32
        %dma_start3A_84 = tpu.memref_slice %arg4[%mul3A_77, %dma_start3A_83] : memref<10000x128xf32, #tpu.memory_space<vmem_shared>> -> memref<40x128xf32, #tpu.memory_space<vmem_shared>>
        tpu.enqueue_dma source(%dma_start3A_84 : memref<40x128xf32, #tpu.memory_space<vmem_shared>>) target(%dma_start3A_82 : memref<40x128xf32, #tpu.memory_space<hbm>>) target_semaphore(%arg13 : memref<!tpu.dma_semaphore, #tpu.memory_space<semaphore_mem>>)
      } else {
      }
      %scan3A_75 = arith.constant 0 : i32
      scf.yield %scan3A_75 : i32
    }
    %scan3A_60 = arith.constant 16 : i32
    %scan3A_61 = arith.constant 0 : i32
    %scan3A_62 = arith.constant 0 : i32
    %scan3A_63 = arith.constant 16 : i32
    %scan3A_64 = arith.addi %scan3A_62, %scan3A_63 : i32
    %scan3A_65 = arith.constant 1 : i32
    %scan3A_66 = scf.for %scan3A_68 = %scan3A_62 to %scan3A_64 step %scan3A_65 iter_args(%scan3A_69 = %scan3A_61) -> (i32)  : i32 {
      %mul3A_70 = arith.constant 16 : i32
      %mul3A_71 = arith.muli %scan3A_68, %mul3A_70 : i32
      %add3A_72 = arith.addi %mul3A_71, %arg1 : i32
      %lt3A = arith.constant 250 : i32
      %lt3A_73 = arith.cmpi slt, %add3A_72, %lt3A : i32
      %convert_element_type3A = arith.extui %lt3A_73 : i1 to i32
      %cond3A = arith.constant 0 : i32
      %cond3A_74 = arith.cmpi ne, %convert_element_type3A, %cond3A : i32
      scf.if %cond3A_74 {
        %mul3A_76 = arith.constant 40 : i32
        %mul3A_77 = arith.muli %add3A_72, %mul3A_76 : i32
        %mul3A_78 = arith.constant 40 : i32
        %mul3A_79 = arith.muli %add3A_72, %mul3A_78 : i32
        %dma_wait3A_80 = arith.constant 0 : i32
        %dma_wait3A_81 = tpu.memref_slice %arg3[%arg0, %mul3A_79, %dma_wait3A_80] : memref<2x10000x128xf32, #tpu.memory_space<hbm>> -> memref<1x40x128xf32, #tpu.memory_space<hbm>>
        %dma_wait3A_82 = tpu.memref_squeeze %dma_wait3A_81 : memref<1x40x128xf32, #tpu.memory_space<hbm>> -> memref<40x128xf32, #tpu.memory_space<hbm>>
        %dma_wait3A_83 = arith.constant 0 : i32
        %dma_wait3A_84 = tpu.memref_slice %arg4[%mul3A_77, %dma_wait3A_83] : memref<10000x128xf32, #tpu.memory_space<vmem_shared>> -> memref<40x128xf32, #tpu.memory_space<vmem_shared>>
        tpu.wait_dma2 semaphore(%arg13 : memref<!tpu.dma_semaphore, #tpu.memory_space<semaphore_mem>>) src(%dma_wait3A_84 : memref<40x128xf32, #tpu.memory_space<vmem_shared>>) dst(%dma_wait3A_82 : memref<40x128xf32, #tpu.memory_space<hbm>>)
      } else {
      }
      %scan3A_75 = arith.constant 0 : i32
      scf.yield %scan3A_75 : i32
    }
    %scan3A_67 = arith.constant 16 : i32
    return
  }
}

#map = affine_map<(d0, d1) -> (0, 0)>
#map1 = affine_map<(d0, d1) -> (0)>
#map2 = affine_map<(d0, d1) -> (0, 0, 0)>
module attributes {stable_mosaic.version = 14 : i64} {
  func.func @scat(%arg0: i32, %arg1: i32, %arg2: memref<10000x128xf32, #tpu.memory_space<hbm>>, %arg3: memref<320000xi32, #tpu.memory_space<hbm>>, %arg4: memref<320000xi32, #tpu.memory_space<hbm>>, %arg5: memref<2x10000x128xf32, #tpu.memory_space<hbm>>, %arg6: memref<10000x128xf32, #tpu.memory_space<vmem_shared>>, %arg7: memref<10000xi32, #tpu.memory_space<vmem>>, %arg8: memref<40xi32, #tpu.memory_space<vmem>>, %arg9: memref<40xi32, #tpu.memory_space<vmem>>, %arg10: memref<40xi32, #tpu.memory_space<vmem>>, %arg11: memref<40xi32, #tpu.memory_space<vmem>>, %arg12: memref<40xi32, #tpu.memory_space<vmem>>, %arg13: memref<40x128xf32, #tpu.memory_space<vmem>>, %arg14: memref<40x128xf32, #tpu.memory_space<vmem>>, %arg15: memref<40x128xf32, #tpu.memory_space<vmem>>, %arg16: memref<40x128xf32, #tpu.memory_space<vmem>>, %arg17: memref<40x128xf32, #tpu.memory_space<vmem>>, %arg18: memref<!tpu.dma_semaphore, #tpu.memory_space<semaphore_mem>>, %arg19: memref<!tpu.dma_semaphore, #tpu.memory_space<semaphore_mem>>, %arg20: memref<!tpu.dma_semaphore, #tpu.memory_space<semaphore_mem>>, %arg21: memref<!tpu.dma_semaphore, #tpu.memory_space<semaphore_mem>>) attributes {dimension_semantics = [#tpu.dimension_semantics<core_parallel>, #tpu.dimension_semantics<subcore_parallel>], iteration_bounds = array<i64: 2, 16>, scalar_prefetch = 0 : i64, scratch_operands = 16 : i64, tpu.core_type = #tpu.core_type<sc_vector_subcore>, window_params = [{transform_indices = #map}, {transform_indices = #map1}, {transform_indices = #map1}, {transform_indices = #map2}]} {
    %mul3A = arith.constant 2 : i32
    %mul3A_0 = arith.muli %arg1, %mul3A : i32
    %add3A = arith.addi %mul3A_0, %arg0 : i32
    %mul3A_1 = arith.constant 10000 : i32
    %mul3A_2 = arith.muli %add3A, %mul3A_1 : i32
    %dma_start3A = tpu.memref_slice %arg3[%mul3A_2] : memref<320000xi32, #tpu.memory_space<hbm>> -> memref<10000xi32, #tpu.memory_space<hbm>>
    %dma_start3A_3 = tpu.memref_slice %arg3[%mul3A_2] : memref<320000xi32, #tpu.memory_space<hbm>> -> memref<10000xi32, #tpu.memory_space<hbm>>
    tpu.enqueue_dma source(%dma_start3A_3 : memref<10000xi32, #tpu.memory_space<hbm>>) target(%arg7 : memref<10000xi32, #tpu.memory_space<vmem>>) target_semaphore(%arg20 : memref<!tpu.dma_semaphore, #tpu.memory_space<semaphore_mem>>)
    %scan3A = arith.constant 0 : i32
    %scan3A_4 = arith.constant 0 : i32
    %scan3A_5 = arith.constant 40 : i32
    %scan3A_6 = arith.addi %scan3A_4, %scan3A_5 : i32
    %scan3A_7 = arith.constant 1 : i32
    %scan3A_8 = scf.for %scan3A_80 = %scan3A_4 to %scan3A_6 step %scan3A_7 iter_args(%scan3A_81 = %scan3A) -> (i32)  : i32 {
      %broadcast_in_dim3A = arith.constant 0.000000e+00 : f32
      %broadcast_in_dim3A_82 = vector.broadcast %broadcast_in_dim3A : f32 to vector<16xf32>
      %swap3A = arith.index_cast %scan3A_80 : i32 to index
      %swap3A_83 = arith.constant 0 : index
      %swap3A_84 = tpu.vector_load %arg13[%swap3A, %swap3A_83] {strides = array<i32>} : memref<40x128xf32, #tpu.memory_space<vmem>>, vector<1x16xf32>,
      %swap3A_85 = vector.shape_cast %swap3A_84 : vector<1x16xf32> to vector<16xf32>
      %swap3A_86 = vector.shape_cast %broadcast_in_dim3A_82 : vector<16xf32> to vector<1x16xf32>
      tpu.vector_store %arg13[%swap3A, %swap3A_83], %swap3A_86 {strides = array<i32>} : memref<40x128xf32, #tpu.memory_space<vmem>>, vector<1x16xf32>,
      %broadcast_in_dim3A_87 = arith.constant 0.000000e+00 : f32
      %broadcast_in_dim3A_88 = vector.broadcast %broadcast_in_dim3A_87 : f32 to vector<16xf32>
      %swap3A_89 = arith.index_cast %scan3A_80 : i32 to index
      %swap3A_90 = arith.constant 16 : index
      %swap3A_91 = tpu.vector_load %arg13[%swap3A_89, %swap3A_90] {strides = array<i32>} : memref<40x128xf32, #tpu.memory_space<vmem>>, vector<1x16xf32>,
      %swap3A_92 = vector.shape_cast %swap3A_91 : vector<1x16xf32> to vector<16xf32>
      %swap3A_93 = vector.shape_cast %broadcast_in_dim3A_88 : vector<16xf32> to vector<1x16xf32>
      tpu.vector_store %arg13[%swap3A_89, %swap3A_90], %swap3A_93 {strides = array<i32>} : memref<40x128xf32, #tpu.memory_space<vmem>>, vector<1x16xf32>,
      %broadcast_in_dim3A_94 = arith.constant 0.000000e+00 : f32
      %broadcast_in_dim3A_95 = vector.broadcast %broadcast_in_dim3A_94 : f32 to vector<16xf32>
      %swap3A_96 = arith.index_cast %scan3A_80 : i32 to index
      %swap3A_97 = arith.constant 32 : index
      %swap3A_98 = tpu.vector_load %arg13[%swap3A_96, %swap3A_97] {strides = array<i32>} : memref<40x128xf32, #tpu.memory_space<vmem>>, vector<1x16xf32>,
      %swap3A_99 = vector.shape_cast %swap3A_98 : vector<1x16xf32> to vector<16xf32>
      %swap3A_100 = vector.shape_cast %broadcast_in_dim3A_95 : vector<16xf32> to vector<1x16xf32>
      tpu.vector_store %arg13[%swap3A_96, %swap3A_97], %swap3A_100 {strides = array<i32>} : memref<40x128xf32, #tpu.memory_space<vmem>>, vector<1x16xf32>,
      %broadcast_in_dim3A_101 = arith.constant 0.000000e+00 : f32
      %broadcast_in_dim3A_102 = vector.broadcast %broadcast_in_dim3A_101 : f32 to vector<16xf32>
      %swap3A_103 = arith.index_cast %scan3A_80 : i32 to index
      %swap3A_104 = arith.constant 48 : index
      %swap3A_105 = tpu.vector_load %arg13[%swap3A_103, %swap3A_104] {strides = array<i32>} : memref<40x128xf32, #tpu.memory_space<vmem>>, vector<1x16xf32>,
      %swap3A_106 = vector.shape_cast %swap3A_105 : vector<1x16xf32> to vector<16xf32>
      %swap3A_107 = vector.shape_cast %broadcast_in_dim3A_102 : vector<16xf32> to vector<1x16xf32>
      tpu.vector_store %arg13[%swap3A_103, %swap3A_104], %swap3A_107 {strides = array<i32>} : memref<40x128xf32, #tpu.memory_space<vmem>>, vector<1x16xf32>,
      %broadcast_in_dim3A_108 = arith.constant 0.000000e+00 : f32
      %broadcast_in_dim3A_109 = vector.broadcast %broadcast_in_dim3A_108 : f32 to vector<16xf32>
      %swap3A_110 = arith.index_cast %scan3A_80 : i32 to index
      %swap3A_111 = arith.constant 64 : index
      %swap3A_112 = tpu.vector_load %arg13[%swap3A_110, %swap3A_111] {strides = array<i32>} : memref<40x128xf32, #tpu.memory_space<vmem>>, vector<1x16xf32>,
      %swap3A_113 = vector.shape_cast %swap3A_112 : vector<1x16xf32> to vector<16xf32>
      %swap3A_114 = vector.shape_cast %broadcast_in_dim3A_109 : vector<16xf32> to vector<1x16xf32>
      tpu.vector_store %arg13[%swap3A_110, %swap3A_111], %swap3A_114 {strides = array<i32>} : memref<40x128xf32, #tpu.memory_space<vmem>>, vector<1x16xf32>,
      %broadcast_in_dim3A_115 = arith.constant 0.000000e+00 : f32
      %broadcast_in_dim3A_116 = vector.broadcast %broadcast_in_dim3A_115 : f32 to vector<16xf32>
      %swap3A_117 = arith.index_cast %scan3A_80 : i32 to index
      %swap3A_118 = arith.constant 80 : index
      %swap3A_119 = tpu.vector_load %arg13[%swap3A_117, %swap3A_118] {strides = array<i32>} : memref<40x128xf32, #tpu.memory_space<vmem>>, vector<1x16xf32>,
      %swap3A_120 = vector.shape_cast %swap3A_119 : vector<1x16xf32> to vector<16xf32>
      %swap3A_121 = vector.shape_cast %broadcast_in_dim3A_116 : vector<16xf32> to vector<1x16xf32>
      tpu.vector_store %arg13[%swap3A_117, %swap3A_118], %swap3A_121 {strides = array<i32>} : memref<40x128xf32, #tpu.memory_space<vmem>>, vector<1x16xf32>,
      %broadcast_in_dim3A_122 = arith.constant 0.000000e+00 : f32
      %broadcast_in_dim3A_123 = vector.broadcast %broadcast_in_dim3A_122 : f32 to vector<16xf32>
      %swap3A_124 = arith.index_cast %scan3A_80 : i32 to index
      %swap3A_125 = arith.constant 96 : index
      %swap3A_126 = tpu.vector_load %arg13[%swap3A_124, %swap3A_125] {strides = array<i32>} : memref<40x128xf32, #tpu.memory_space<vmem>>, vector<1x16xf32>,
      %swap3A_127 = vector.shape_cast %swap3A_126 : vector<1x16xf32> to vector<16xf32>
      %swap3A_128 = vector.shape_cast %broadcast_in_dim3A_123 : vector<16xf32> to vector<1x16xf32>
      tpu.vector_store %arg13[%swap3A_124, %swap3A_125], %swap3A_128 {strides = array<i32>} : memref<40x128xf32, #tpu.memory_space<vmem>>, vector<1x16xf32>,
      %broadcast_in_dim3A_129 = arith.constant 0.000000e+00 : f32
      %broadcast_in_dim3A_130 = vector.broadcast %broadcast_in_dim3A_129 : f32 to vector<16xf32>
      %swap3A_131 = arith.index_cast %scan3A_80 : i32 to index
      %swap3A_132 = arith.constant 112 : index
      %swap3A_133 = tpu.vector_load %arg13[%swap3A_131, %swap3A_132] {strides = array<i32>} : memref<40x128xf32, #tpu.memory_space<vmem>>, vector<1x16xf32>,
      %swap3A_134 = vector.shape_cast %swap3A_133 : vector<1x16xf32> to vector<16xf32>
      %swap3A_135 = vector.shape_cast %broadcast_in_dim3A_130 : vector<16xf32> to vector<1x16xf32>
      tpu.vector_store %arg13[%swap3A_131, %swap3A_132], %swap3A_135 {strides = array<i32>} : memref<40x128xf32, #tpu.memory_space<vmem>>, vector<1x16xf32>,
      %scan3A_136 = arith.constant 0 : i32
      scf.yield %scan3A_136 : i32
    }
    %scan3A_9 = arith.constant 40 : i32
    %scan3A_10 = arith.constant 0 : i32
    %scan3A_11 = arith.constant 0 : i32
    %scan3A_12 = arith.constant 16 : i32
    %scan3A_13 = arith.addi %scan3A_11, %scan3A_12 : i32
    %scan3A_14 = arith.constant 1 : i32
    %scan3A_15 = scf.for %scan3A_80 = %scan3A_11 to %scan3A_13 step %scan3A_14 iter_args(%scan3A_81 = %scan3A_10) -> (i32)  : i32 {
      %mul3A_82 = arith.constant 16 : i32
      %mul3A_83 = arith.muli %scan3A_80, %mul3A_82 : i32
      %add3A_84 = arith.addi %mul3A_83, %arg1 : i32
      %lt3A = arith.constant 250 : i32
      %lt3A_85 = arith.cmpi slt, %add3A_84, %lt3A : i32
      %convert_element_type3A = arith.extui %lt3A_85 : i1 to i32
      %cond3A = arith.constant 0 : i32
      %cond3A_86 = arith.cmpi ne, %convert_element_type3A, %cond3A : i32
      scf.if %cond3A_86 {
        %mul3A_88 = arith.constant 40 : i32
        %mul3A_89 = arith.muli %add3A_84, %mul3A_88 : i32
        %dma_start3A_90 = arith.constant 0 : i32
        %dma_start3A_91 = arith.constant 0 : i32
        %dma_start3A_92 = tpu.memref_slice %arg13[%dma_start3A_90, %dma_start3A_91] : memref<40x128xf32, #tpu.memory_space<vmem>> -> memref<40x128xf32, #tpu.memory_space<vmem>>
        %dma_start3A_93 = arith.constant 0 : i32
        %dma_start3A_94 = tpu.memref_slice %arg6[%mul3A_89, %dma_start3A_93] : memref<10000x128xf32, #tpu.memory_space<vmem_shared>> -> memref<40x128xf32, #tpu.memory_space<vmem_shared>>
        %dma_start3A_95 = arith.constant 0 : i32
        %dma_start3A_96 = tpu.memref_slice %arg6[%mul3A_89, %dma_start3A_95] : memref<10000x128xf32, #tpu.memory_space<vmem_shared>> -> memref<40x128xf32, #tpu.memory_space<vmem_shared>>
        %dma_start3A_97 = arith.constant 0 : i32
        %dma_start3A_98 = arith.constant 0 : i32
        %dma_start3A_99 = tpu.memref_slice %arg13[%dma_start3A_97, %dma_start3A_98] : memref<40x128xf32, #tpu.memory_space<vmem>> -> memref<40x128xf32, #tpu.memory_space<vmem>>
        tpu.enqueue_dma source(%dma_start3A_99 : memref<40x128xf32, #tpu.memory_space<vmem>>) target(%dma_start3A_96 : memref<40x128xf32, #tpu.memory_space<vmem_shared>>) target_semaphore(%arg19 : memref<!tpu.dma_semaphore, #tpu.memory_space<semaphore_mem>>)
      } else {
      }
      %scan3A_87 = arith.constant 0 : i32
      scf.yield %scan3A_87 : i32
    }
    %scan3A_16 = arith.constant 16 : i32
    %scan3A_17 = arith.constant 0 : i32
    %scan3A_18 = arith.constant 0 : i32
    %scan3A_19 = arith.constant 16 : i32
    %scan3A_20 = arith.addi %scan3A_18, %scan3A_19 : i32
    %scan3A_21 = arith.constant 1 : i32
    %scan3A_22 = scf.for %scan3A_80 = %scan3A_18 to %scan3A_20 step %scan3A_21 iter_args(%scan3A_81 = %scan3A_17) -> (i32)  : i32 {
      %mul3A_82 = arith.constant 16 : i32
      %mul3A_83 = arith.muli %scan3A_80, %mul3A_82 : i32
      %add3A_84 = arith.addi %mul3A_83, %arg1 : i32
      %lt3A = arith.constant 250 : i32
      %lt3A_85 = arith.cmpi slt, %add3A_84, %lt3A : i32
      %convert_element_type3A = arith.extui %lt3A_85 : i1 to i32
      %cond3A = arith.constant 0 : i32
      %cond3A_86 = arith.cmpi ne, %convert_element_type3A, %cond3A : i32
      scf.if %cond3A_86 {
        %mul3A_88 = arith.constant 40 : i32
        %mul3A_89 = arith.muli %add3A_84, %mul3A_88 : i32
        %dma_wait3A_90 = arith.constant 0 : i32
        %dma_wait3A_91 = arith.constant 0 : i32
        %dma_wait3A_92 = tpu.memref_slice %arg13[%dma_wait3A_90, %dma_wait3A_91] : memref<40x128xf32, #tpu.memory_space<vmem>> -> memref<40x128xf32, #tpu.memory_space<vmem>>
        %dma_wait3A_93 = arith.constant 0 : i32
        %dma_wait3A_94 = tpu.memref_slice %arg6[%mul3A_89, %dma_wait3A_93] : memref<10000x128xf32, #tpu.memory_space<vmem_shared>> -> memref<40x128xf32, #tpu.memory_space<vmem_shared>>
        %dma_wait3A_95 = arith.constant 0 : i32
        %dma_wait3A_96 = tpu.memref_slice %arg6[%mul3A_89, %dma_wait3A_95] : memref<10000x128xf32, #tpu.memory_space<vmem_shared>> -> memref<40x128xf32, #tpu.memory_space<vmem_shared>>
        %dma_wait3A_97 = arith.constant 0 : i32
        %dma_wait3A_98 = arith.constant 0 : i32
        %dma_wait3A_99 = tpu.memref_slice %arg13[%dma_wait3A_97, %dma_wait3A_98] : memref<40x128xf32, #tpu.memory_space<vmem>> -> memref<40x128xf32, #tpu.memory_space<vmem>>
        tpu.wait_dma2 semaphore(%arg19 : memref<!tpu.dma_semaphore, #tpu.memory_space<semaphore_mem>>) src(%dma_wait3A_99 : memref<40x128xf32, #tpu.memory_space<vmem>>) dst(%dma_wait3A_96 : memref<40x128xf32, #tpu.memory_space<vmem_shared>>)
      } else {
      }
      %scan3A_87 = arith.constant 0 : i32
      scf.yield %scan3A_87 : i32
    }
    %scan3A_23 = arith.constant 16 : i32
    %barrier3A = arith.constant 0 : index
    tpu.barrier barrier_id(%barrier3A)
    %add3A_24 = arith.constant 0 : i32
    %add3A_25 = arith.addi %mul3A_2, %add3A_24 : i32
    %dma_start3A_26 = tpu.memref_slice %arg4[%add3A_25] : memref<320000xi32, #tpu.memory_space<hbm>> -> memref<40xi32, #tpu.memory_space<hbm>>
    %dma_start3A_27 = tpu.memref_slice %arg4[%add3A_25] : memref<320000xi32, #tpu.memory_space<hbm>> -> memref<40xi32, #tpu.memory_space<hbm>>
    tpu.enqueue_dma source(%dma_start3A_27 : memref<40xi32, #tpu.memory_space<hbm>>) target(%arg8 : memref<40xi32, #tpu.memory_space<vmem>>) target_semaphore(%arg21 : memref<!tpu.dma_semaphore, #tpu.memory_space<semaphore_mem>>)
    %add3A_28 = arith.constant 40 : i32
    %add3A_29 = arith.addi %mul3A_2, %add3A_28 : i32
    %dma_start3A_30 = tpu.memref_slice %arg4[%add3A_29] : memref<320000xi32, #tpu.memory_space<hbm>> -> memref<40xi32, #tpu.memory_space<hbm>>
    %dma_start3A_31 = tpu.memref_slice %arg4[%add3A_29] : memref<320000xi32, #tpu.memory_space<hbm>> -> memref<40xi32, #tpu.memory_space<hbm>>
    tpu.enqueue_dma source(%dma_start3A_31 : memref<40xi32, #tpu.memory_space<hbm>>) target(%arg9 : memref<40xi32, #tpu.memory_space<vmem>>) target_semaphore(%arg21 : memref<!tpu.dma_semaphore, #tpu.memory_space<semaphore_mem>>)
    %add3A_32 = arith.constant 80 : i32
    %add3A_33 = arith.addi %mul3A_2, %add3A_32 : i32
    %dma_start3A_34 = tpu.memref_slice %arg4[%add3A_33] : memref<320000xi32, #tpu.memory_space<hbm>> -> memref<40xi32, #tpu.memory_space<hbm>>
    %dma_start3A_35 = tpu.memref_slice %arg4[%add3A_33] : memref<320000xi32, #tpu.memory_space<hbm>> -> memref<40xi32, #tpu.memory_space<hbm>>
    tpu.enqueue_dma source(%dma_start3A_35 : memref<40xi32, #tpu.memory_space<hbm>>) target(%arg10 : memref<40xi32, #tpu.memory_space<vmem>>) target_semaphore(%arg21 : memref<!tpu.dma_semaphore, #tpu.memory_space<semaphore_mem>>)
    %dma_wait3A = tpu.memref_slice %arg3[%mul3A_2] : memref<320000xi32, #tpu.memory_space<hbm>> -> memref<10000xi32, #tpu.memory_space<hbm>>
    %dma_wait3A_36 = tpu.memref_slice %arg3[%mul3A_2] : memref<320000xi32, #tpu.memory_space<hbm>> -> memref<10000xi32, #tpu.memory_space<hbm>>
    tpu.wait_dma2 semaphore(%arg20 : memref<!tpu.dma_semaphore, #tpu.memory_space<semaphore_mem>>) src(%dma_wait3A_36 : memref<10000xi32, #tpu.memory_space<hbm>>) dst(%arg7 : memref<10000xi32, #tpu.memory_space<vmem>>)
    %dma_start3A_37 = arith.constant 0 : i32
    %dma_start3A_38 = tpu.memref_slice %arg7[%dma_start3A_37] : memref<10000xi32, #tpu.memory_space<vmem>> -> memref<40xi32, #tpu.memory_space<vmem>>
    %dma_start3A_39 = arith.constant 0 : i32
    %dma_start3A_40 = arith.constant 0 : i32
    %dma_start3A_41 = tpu.memref_slice %arg2[%dma_start3A_39, %dma_start3A_40] : memref<10000x128xf32, #tpu.memory_space<hbm>> -> memref<10000x128xf32, #tpu.memory_space<hbm>>
    tpu.enqueue_indirect_dma source(%dma_start3A_41 : memref<10000x128xf32, #tpu.memory_space<hbm>>) target(%arg13 : memref<40x128xf32, #tpu.memory_space<vmem>>) offsets(%dma_start3A_38 : memref<40xi32, #tpu.memory_space<vmem>>) semaphore(%arg18 : memref<!tpu.dma_semaphore, #tpu.memory_space<semaphore_mem>>)
    %dma_start3A_42 = arith.constant 40 : i32
    %dma_start3A_43 = tpu.memref_slice %arg7[%dma_start3A_42] : memref<10000xi32, #tpu.memory_space<vmem>> -> memref<40xi32, #tpu.memory_space<vmem>>
    %dma_start3A_44 = arith.constant 0 : i32
    %dma_start3A_45 = arith.constant 0 : i32
    %dma_start3A_46 = tpu.memref_slice %arg2[%dma_start3A_44, %dma_start3A_45] : memref<10000x128xf32, #tpu.memory_space<hbm>> -> memref<10000x128xf32, #tpu.memory_space<hbm>>
    tpu.enqueue_indirect_dma source(%dma_start3A_46 : memref<10000x128xf32, #tpu.memory_space<hbm>>) target(%arg14 : memref<40x128xf32, #tpu.memory_space<vmem>>) offsets(%dma_start3A_43 : memref<40xi32, #tpu.memory_space<vmem>>) semaphore(%arg18 : memref<!tpu.dma_semaphore, #tpu.memory_space<semaphore_mem>>)
    %dma_start3A_47 = arith.constant 80 : i32
    %dma_start3A_48 = tpu.memref_slice %arg7[%dma_start3A_47] : memref<10000xi32, #tpu.memory_space<vmem>> -> memref<40xi32, #tpu.memory_space<vmem>>
    %dma_start3A_49 = arith.constant 0 : i32
    %dma_start3A_50 = arith.constant 0 : i32
    %dma_start3A_51 = tpu.memref_slice %arg2[%dma_start3A_49, %dma_start3A_50] : memref<10000x128xf32, #tpu.memory_space<hbm>> -> memref<10000x128xf32, #tpu.memory_space<hbm>>
    tpu.enqueue_indirect_dma source(%dma_start3A_51 : memref<10000x128xf32, #tpu.memory_space<hbm>>) target(%arg15 : memref<40x128xf32, #tpu.memory_space<vmem>>) offsets(%dma_start3A_48 : memref<40xi32, #tpu.memory_space<vmem>>) semaphore(%arg18 : memref<!tpu.dma_semaphore, #tpu.memory_space<semaphore_mem>>)
    %scan3A_52 = arith.constant 0 : i32
    %scan3A_53 = arith.constant 0 : i32
    %scan3A_54 = arith.constant 50 : i32
    %scan3A_55 = arith.addi %scan3A_53, %scan3A_54 : i32
    %scan3A_56 = arith.constant 1 : i32
    %scan3A_57 = scf.for %scan3A_80 = %scan3A_53 to %scan3A_55 step %scan3A_56 iter_args(%scan3A_81 = %scan3A_52) -> (i32)  : i32 {
      %mul3A_82 = arith.constant 5 : i32
      %mul3A_83 = arith.muli %scan3A_80, %mul3A_82 : i32
      %add3A_84 = arith.constant 0 : i32
      %add3A_85 = arith.addi %mul3A_83, %add3A_84 : i32
      %ge3A = arith.constant 2 : i32
      %ge3A_86 = arith.cmpi sge, %add3A_85, %ge3A : i32
      %convert_element_type3A = arith.extui %ge3A_86 : i1 to i32
      %cond3A = arith.constant 0 : i32
      %cond3A_87 = arith.cmpi ne, %convert_element_type3A, %cond3A : i32
      scf.if %cond3A_87 {
        %dma_wait3A_284 = arith.constant 0 : i32
        %dma_wait3A_285 = arith.constant 0 : i32
        %dma_wait3A_286 = tpu.memref_slice %arg6[%dma_wait3A_284, %dma_wait3A_285] : memref<10000x128xf32, #tpu.memory_space<vmem_shared>> -> memref<10000x128xf32, #tpu.memory_space<vmem_shared>>
        tpu.wait_indirect_dma semaphore(%arg19 : memref<!tpu.dma_semaphore, #tpu.memory_space<semaphore_mem>>) src(%arg16 : memref<40x128xf32, #tpu.memory_space<vmem>>) dst(%dma_wait3A_286 : memref<10000x128xf32, #tpu.memory_space<vmem_shared>>)
      } else {
      }
      %add3A_88 = arith.constant 3 : i32
      %add3A_89 = arith.addi %add3A_85, %add3A_88 : i32
      %lt3A = arith.constant 250 : i32
      %lt3A_90 = arith.cmpi slt, %add3A_89, %lt3A : i32
      %add3A_91 = arith.constant 3 : i32
      %add3A_92 = arith.addi %add3A_85, %add3A_91 : i32
      %convert_element_type3A_93 = arith.extui %lt3A_90 : i1 to i32
      %cond3A_94 = arith.constant 0 : i32
      %cond3A_95 = arith.cmpi ne, %convert_element_type3A_93, %cond3A_94 : i32
      scf.if %cond3A_95 {
        %mul3A_284 = arith.constant 40 : i32
        %mul3A_285 = arith.muli %add3A_92, %mul3A_284 : i32
        %dma_start3A_286 = tpu.memref_slice %arg7[%mul3A_285] : memref<10000xi32, #tpu.memory_space<vmem>> -> memref<40xi32, #tpu.memory_space<vmem>>
        %dma_start3A_287 = arith.constant 0 : i32
        %dma_start3A_288 = arith.constant 0 : i32
        %dma_start3A_289 = tpu.memref_slice %arg2[%dma_start3A_287, %dma_start3A_288] : memref<10000x128xf32, #tpu.memory_space<hbm>> -> memref<10000x128xf32, #tpu.memory_space<hbm>>
        tpu.enqueue_indirect_dma source(%dma_start3A_289 : memref<10000x128xf32, #tpu.memory_space<hbm>>) target(%arg16 : memref<40x128xf32, #tpu.memory_space<vmem>>) offsets(%dma_start3A_286 : memref<40xi32, #tpu.memory_space<vmem>>) semaphore(%arg18 : memref<!tpu.dma_semaphore, #tpu.memory_space<semaphore_mem>>)
      } else {
      }
      %mul3A_96 = arith.constant 40 : i32
      %mul3A_97 = arith.muli %add3A_85, %mul3A_96 : i32
      %dma_wait3A_98 = tpu.memref_slice %arg7[%mul3A_97] : memref<10000xi32, #tpu.memory_space<vmem>> -> memref<40xi32, #tpu.memory_space<vmem>>
      %dma_wait3A_99 = arith.constant 0 : i32
      %dma_wait3A_100 = arith.constant 0 : i32
      %dma_wait3A_101 = tpu.memref_slice %arg2[%dma_wait3A_99, %dma_wait3A_100] : memref<10000x128xf32, #tpu.memory_space<hbm>> -> memref<10000x128xf32, #tpu.memory_space<hbm>>
      tpu.wait_indirect_dma semaphore(%arg18 : memref<!tpu.dma_semaphore, #tpu.memory_space<semaphore_mem>>) src(%dma_wait3A_101 : memref<10000x128xf32, #tpu.memory_space<hbm>>) dst(%arg13 : memref<40x128xf32, #tpu.memory_space<vmem>>)
      %mul3A_102 = arith.constant 40 : i32
      %mul3A_103 = arith.muli %add3A_85, %mul3A_102 : i32
      %add3A_104 = arith.addi %mul3A_2, %mul3A_103 : i32
      %dma_wait3A_105 = tpu.memref_slice %arg4[%add3A_104] : memref<320000xi32, #tpu.memory_space<hbm>> -> memref<40xi32, #tpu.memory_space<hbm>>
      %dma_wait3A_106 = tpu.memref_slice %arg4[%add3A_104] : memref<320000xi32, #tpu.memory_space<hbm>> -> memref<40xi32, #tpu.memory_space<hbm>>
      tpu.wait_dma2 semaphore(%arg21 : memref<!tpu.dma_semaphore, #tpu.memory_space<semaphore_mem>>) src(%dma_wait3A_106 : memref<40xi32, #tpu.memory_space<hbm>>) dst(%arg8 : memref<40xi32, #tpu.memory_space<vmem>>)
      %dma_start3A_107 = arith.constant 0 : i32
      %dma_start3A_108 = arith.constant 0 : i32
      %dma_start3A_109 = tpu.memref_slice %arg6[%dma_start3A_107, %dma_start3A_108] : memref<10000x128xf32, #tpu.memory_space<vmem_shared>> -> memref<10000x128xf32, #tpu.memory_space<vmem_shared>>
      tpu.enqueue_indirect_dma source(%arg13 : memref<40x128xf32, #tpu.memory_space<vmem>>) target(%dma_start3A_109 : memref<10000x128xf32, #tpu.memory_space<vmem_shared>>) offsets(%arg8 : memref<40xi32, #tpu.memory_space<vmem>>) semaphore(%arg19 : memref<!tpu.dma_semaphore, #tpu.memory_space<semaphore_mem>>) {add = true}
      %add3A_110 = arith.constant 3 : i32
      %add3A_111 = arith.addi %add3A_85, %add3A_110 : i32
      %lt3A_112 = arith.constant 250 : i32
      %lt3A_113 = arith.cmpi slt, %add3A_111, %lt3A_112 : i32
      %add3A_114 = arith.constant 3 : i32
      %add3A_115 = arith.addi %add3A_85, %add3A_114 : i32
      %convert_element_type3A_116 = arith.extui %lt3A_113 : i1 to i32
      %cond3A_117 = arith.constant 0 : i32
      %cond3A_118 = arith.cmpi ne, %convert_element_type3A_116, %cond3A_117 : i32
      scf.if %cond3A_118 {
        %mul3A_284 = arith.constant 40 : i32
        %mul3A_285 = arith.muli %add3A_115, %mul3A_284 : i32
        %add3A_286 = arith.addi %mul3A_2, %mul3A_285 : i32
        %dma_start3A_287 = tpu.memref_slice %arg4[%add3A_286] : memref<320000xi32, #tpu.memory_space<hbm>> -> memref<40xi32, #tpu.memory_space<hbm>>
        %dma_start3A_288 = tpu.memref_slice %arg4[%add3A_286] : memref<320000xi32, #tpu.memory_space<hbm>> -> memref<40xi32, #tpu.memory_space<hbm>>
        tpu.enqueue_dma source(%dma_start3A_288 : memref<40xi32, #tpu.memory_space<hbm>>) target(%arg11 : memref<40xi32, #tpu.memory_space<vmem>>) target_semaphore(%arg21 : memref<!tpu.dma_semaphore, #tpu.memory_space<semaphore_mem>>)
      } else {
      }
      %mul3A_119 = arith.constant 5 : i32
      %mul3A_120 = arith.muli %scan3A_80, %mul3A_119 : i32
      %add3A_121 = arith.constant 1 : i32
      %add3A_122 = arith.addi %mul3A_120, %add3A_121 : i32
      %ge3A_123 = arith.constant 2 : i32
      %ge3A_124 = arith.cmpi sge, %add3A_122, %ge3A_123 : i32
      %convert_element_type3A_125 = arith.extui %ge3A_124 : i1 to i32
      %cond3A_126 = arith.constant 0 : i32
      %cond3A_127 = arith.cmpi ne, %convert_element_type3A_125, %cond3A_126 : i32
      scf.if %cond3A_127 {
        %dma_wait3A_284 = arith.constant 0 : i32
        %dma_wait3A_285 = arith.constant 0 : i32
        %dma_wait3A_286 = tpu.memref_slice %arg6[%dma_wait3A_284, %dma_wait3A_285] : memref<10000x128xf32, #tpu.memory_space<vmem_shared>> -> memref<10000x128xf32, #tpu.memory_space<vmem_shared>>
        tpu.wait_indirect_dma semaphore(%arg19 : memref<!tpu.dma_semaphore, #tpu.memory_space<semaphore_mem>>) src(%arg17 : memref<40x128xf32, #tpu.memory_space<vmem>>) dst(%dma_wait3A_286 : memref<10000x128xf32, #tpu.memory_space<vmem_shared>>)
      } else {
      }
      %add3A_128 = arith.constant 3 : i32
      %add3A_129 = arith.addi %add3A_122, %add3A_128 : i32
      %lt3A_130 = arith.constant 250 : i32
      %lt3A_131 = arith.cmpi slt, %add3A_129, %lt3A_130 : i32
      %add3A_132 = arith.constant 3 : i32
      %add3A_133 = arith.addi %add3A_122, %add3A_132 : i32
      %convert_element_type3A_134 = arith.extui %lt3A_131 : i1 to i32
      %cond3A_135 = arith.constant 0 : i32
      %cond3A_136 = arith.cmpi ne, %convert_element_type3A_134, %cond3A_135 : i32
      scf.if %cond3A_136 {
        %mul3A_284 = arith.constant 40 : i32
        %mul3A_285 = arith.muli %add3A_133, %mul3A_284 : i32
        %dma_start3A_286 = tpu.memref_slice %arg7[%mul3A_285] : memref<10000xi32, #tpu.memory_space<vmem>> -> memref<40xi32, #tpu.memory_space<vmem>>
        %dma_start3A_287 = arith.constant 0 : i32
        %dma_start3A_288 = arith.constant 0 : i32
        %dma_start3A_289 = tpu.memref_slice %arg2[%dma_start3A_287, %dma_start3A_288] : memref<10000x128xf32, #tpu.memory_space<hbm>> -> memref<10000x128xf32, #tpu.memory_space<hbm>>
        tpu.enqueue_indirect_dma source(%dma_start3A_289 : memref<10000x128xf32, #tpu.memory_space<hbm>>) target(%arg17 : memref<40x128xf32, #tpu.memory_space<vmem>>) offsets(%dma_start3A_286 : memref<40xi32, #tpu.memory_space<vmem>>) semaphore(%arg18 : memref<!tpu.dma_semaphore, #tpu.memory_space<semaphore_mem>>)
      } else {
      }
      %mul3A_137 = arith.constant 40 : i32
      %mul3A_138 = arith.muli %add3A_122, %mul3A_137 : i32
      %dma_wait3A_139 = tpu.memref_slice %arg7[%mul3A_138] : memref<10000xi32, #tpu.memory_space<vmem>> -> memref<40xi32, #tpu.memory_space<vmem>>
      %dma_wait3A_140 = arith.constant 0 : i32
      %dma_wait3A_141 = arith.constant 0 : i32
      %dma_wait3A_142 = tpu.memref_slice %arg2[%dma_wait3A_140, %dma_wait3A_141] : memref<10000x128xf32, #tpu.memory_space<hbm>> -> memref<10000x128xf32, #tpu.memory_space<hbm>>
      tpu.wait_indirect_dma semaphore(%arg18 : memref<!tpu.dma_semaphore, #tpu.memory_space<semaphore_mem>>) src(%dma_wait3A_142 : memref<10000x128xf32, #tpu.memory_space<hbm>>) dst(%arg14 : memref<40x128xf32, #tpu.memory_space<vmem>>)
      %mul3A_143 = arith.constant 40 : i32
      %mul3A_144 = arith.muli %add3A_122, %mul3A_143 : i32
      %add3A_145 = arith.addi %mul3A_2, %mul3A_144 : i32
      %dma_wait3A_146 = tpu.memref_slice %arg4[%add3A_145] : memref<320000xi32, #tpu.memory_space<hbm>> -> memref<40xi32, #tpu.memory_space<hbm>>
      %dma_wait3A_147 = tpu.memref_slice %arg4[%add3A_145] : memref<320000xi32, #tpu.memory_space<hbm>> -> memref<40xi32, #tpu.memory_space<hbm>>
      tpu.wait_dma2 semaphore(%arg21 : memref<!tpu.dma_semaphore, #tpu.memory_space<semaphore_mem>>) src(%dma_wait3A_147 : memref<40xi32, #tpu.memory_space<hbm>>) dst(%arg9 : memref<40xi32, #tpu.memory_space<vmem>>)
      %dma_start3A_148 = arith.constant 0 : i32
      %dma_start3A_149 = arith.constant 0 : i32
      %dma_start3A_150 = tpu.memref_slice %arg6[%dma_start3A_148, %dma_start3A_149] : memref<10000x128xf32, #tpu.memory_space<vmem_shared>> -> memref<10000x128xf32, #tpu.memory_space<vmem_shared>>
      tpu.enqueue_indirect_dma source(%arg14 : memref<40x128xf32, #tpu.memory_space<vmem>>) target(%dma_start3A_150 : memref<10000x128xf32, #tpu.memory_space<vmem_shared>>) offsets(%arg9 : memref<40xi32, #tpu.memory_space<vmem>>) semaphore(%arg19 : memref<!tpu.dma_semaphore, #tpu.memory_space<semaphore_mem>>) {add = true}
      %add3A_151 = arith.constant 3 : i32
      %add3A_152 = arith.addi %add3A_122, %add3A_151 : i32
      %lt3A_153 = arith.constant 250 : i32
      %lt3A_154 = arith.cmpi slt, %add3A_152, %lt3A_153 : i32
      %add3A_155 = arith.constant 3 : i32
      %add3A_156 = arith.addi %add3A_122, %add3A_155 : i32
      %convert_element_type3A_157 = arith.extui %lt3A_154 : i1 to i32
      %cond3A_158 = arith.constant 0 : i32
      %cond3A_159 = arith.cmpi ne, %convert_element_type3A_157, %cond3A_158 : i32
      scf.if %cond3A_159 {
        %mul3A_284 = arith.constant 40 : i32
        %mul3A_285 = arith.muli %add3A_156, %mul3A_284 : i32
        %add3A_286 = arith.addi %mul3A_2, %mul3A_285 : i32
        %dma_start3A_287 = tpu.memref_slice %arg4[%add3A_286] : memref<320000xi32, #tpu.memory_space<hbm>> -> memref<40xi32, #tpu.memory_space<hbm>>
        %dma_start3A_288 = tpu.memref_slice %arg4[%add3A_286] : memref<320000xi32, #tpu.memory_space<hbm>> -> memref<40xi32, #tpu.memory_space<hbm>>
        tpu.enqueue_dma source(%dma_start3A_288 : memref<40xi32, #tpu.memory_space<hbm>>) target(%arg12 : memref<40xi32, #tpu.memory_space<vmem>>) target_semaphore(%arg21 : memref<!tpu.dma_semaphore, #tpu.memory_space<semaphore_mem>>)
      } else {
      }
      %mul3A_160 = arith.constant 5 : i32
      %mul3A_161 = arith.muli %scan3A_80, %mul3A_160 : i32
      %add3A_162 = arith.constant 2 : i32
      %add3A_163 = arith.addi %mul3A_161, %add3A_162 : i32
      %ge3A_164 = arith.constant 2 : i32
      %ge3A_165 = arith.cmpi sge, %add3A_163, %ge3A_164 : i32
      %convert_element_type3A_166 = arith.extui %ge3A_165 : i1 to i32
      %cond3A_167 = arith.constant 0 : i32
      %cond3A_168 = arith.cmpi ne, %convert_element_type3A_166, %cond3A_167 : i32
      scf.if %cond3A_168 {
        %dma_wait3A_284 = arith.constant 0 : i32
        %dma_wait3A_285 = arith.constant 0 : i32
        %dma_wait3A_286 = tpu.memref_slice %arg6[%dma_wait3A_284, %dma_wait3A_285] : memref<10000x128xf32, #tpu.memory_space<vmem_shared>> -> memref<10000x128xf32, #tpu.memory_space<vmem_shared>>
        tpu.wait_indirect_dma semaphore(%arg19 : memref<!tpu.dma_semaphore, #tpu.memory_space<semaphore_mem>>) src(%arg13 : memref<40x128xf32, #tpu.memory_space<vmem>>) dst(%dma_wait3A_286 : memref<10000x128xf32, #tpu.memory_space<vmem_shared>>)
      } else {
      }
      %add3A_169 = arith.constant 3 : i32
      %add3A_170 = arith.addi %add3A_163, %add3A_169 : i32
      %lt3A_171 = arith.constant 250 : i32
      %lt3A_172 = arith.cmpi slt, %add3A_170, %lt3A_171 : i32
      %add3A_173 = arith.constant 3 : i32
      %add3A_174 = arith.addi %add3A_163, %add3A_173 : i32
      %convert_element_type3A_175 = arith.extui %lt3A_172 : i1 to i32
      %cond3A_176 = arith.constant 0 : i32
      %cond3A_177 = arith.cmpi ne, %convert_element_type3A_175, %cond3A_176 : i32
      scf.if %cond3A_177 {
        %mul3A_284 = arith.constant 40 : i32
        %mul3A_285 = arith.muli %add3A_174, %mul3A_284 : i32
        %dma_start3A_286 = tpu.memref_slice %arg7[%mul3A_285] : memref<10000xi32, #tpu.memory_space<vmem>> -> memref<40xi32, #tpu.memory_space<vmem>>
        %dma_start3A_287 = arith.constant 0 : i32
        %dma_start3A_288 = arith.constant 0 : i32
        %dma_start3A_289 = tpu.memref_slice %arg2[%dma_start3A_287, %dma_start3A_288] : memref<10000x128xf32, #tpu.memory_space<hbm>> -> memref<10000x128xf32, #tpu.memory_space<hbm>>
        tpu.enqueue_indirect_dma source(%dma_start3A_289 : memref<10000x128xf32, #tpu.memory_space<hbm>>) target(%arg13 : memref<40x128xf32, #tpu.memory_space<vmem>>) offsets(%dma_start3A_286 : memref<40xi32, #tpu.memory_space<vmem>>) semaphore(%arg18 : memref<!tpu.dma_semaphore, #tpu.memory_space<semaphore_mem>>)
      } else {
      }
      %mul3A_178 = arith.constant 40 : i32
      %mul3A_179 = arith.muli %add3A_163, %mul3A_178 : i32
      %dma_wait3A_180 = tpu.memref_slice %arg7[%mul3A_179] : memref<10000xi32, #tpu.memory_space<vmem>> -> memref<40xi32, #tpu.memory_space<vmem>>
      %dma_wait3A_181 = arith.constant 0 : i32
      %dma_wait3A_182 = arith.constant 0 : i32
      %dma_wait3A_183 = tpu.memref_slice %arg2[%dma_wait3A_181, %dma_wait3A_182] : memref<10000x128xf32, #tpu.memory_space<hbm>> -> memref<10000x128xf32, #tpu.memory_space<hbm>>
      tpu.wait_indirect_dma semaphore(%arg18 : memref<!tpu.dma_semaphore, #tpu.memory_space<semaphore_mem>>) src(%dma_wait3A_183 : memref<10000x128xf32, #tpu.memory_space<hbm>>) dst(%arg15 : memref<40x128xf32, #tpu.memory_space<vmem>>)
      %mul3A_184 = arith.constant 40 : i32
      %mul3A_185 = arith.muli %add3A_163, %mul3A_184 : i32
      %add3A_186 = arith.addi %mul3A_2, %mul3A_185 : i32
      %dma_wait3A_187 = tpu.memref_slice %arg4[%add3A_186] : memref<320000xi32, #tpu.memory_space<hbm>> -> memref<40xi32, #tpu.memory_space<hbm>>
      %dma_wait3A_188 = tpu.memref_slice %arg4[%add3A_186] : memref<320000xi32, #tpu.memory_space<hbm>> -> memref<40xi32, #tpu.memory_space<hbm>>
      tpu.wait_dma2 semaphore(%arg21 : memref<!tpu.dma_semaphore, #tpu.memory_space<semaphore_mem>>) src(%dma_wait3A_188 : memref<40xi32, #tpu.memory_space<hbm>>) dst(%arg10 : memref<40xi32, #tpu.memory_space<vmem>>)
      %dma_start3A_189 = arith.constant 0 : i32
      %dma_start3A_190 = arith.constant 0 : i32
      %dma_start3A_191 = tpu.memref_slice %arg6[%dma_start3A_189, %dma_start3A_190] : memref<10000x128xf32, #tpu.memory_space<vmem_shared>> -> memref<10000x128xf32, #tpu.memory_space<vmem_shared>>
      tpu.enqueue_indirect_dma source(%arg15 : memref<40x128xf32, #tpu.memory_space<vmem>>) target(%dma_start3A_191 : memref<10000x128xf32, #tpu.memory_space<vmem_shared>>) offsets(%arg10 : memref<40xi32, #tpu.memory_space<vmem>>) semaphore(%arg19 : memref<!tpu.dma_semaphore, #tpu.memory_space<semaphore_mem>>) {add = true}
      %add3A_192 = arith.constant 3 : i32
      %add3A_193 = arith.addi %add3A_163, %add3A_192 : i32
      %lt3A_194 = arith.constant 250 : i32
      %lt3A_195 = arith.cmpi slt, %add3A_193, %lt3A_194 : i32
      %add3A_196 = arith.constant 3 : i32
      %add3A_197 = arith.addi %add3A_163, %add3A_196 : i32
      %convert_element_type3A_198 = arith.extui %lt3A_195 : i1 to i32
      %cond3A_199 = arith.constant 0 : i32
      %cond3A_200 = arith.cmpi ne, %convert_element_type3A_198, %cond3A_199 : i32
      scf.if %cond3A_200 {
        %mul3A_284 = arith.constant 40 : i32
        %mul3A_285 = arith.muli %add3A_197, %mul3A_284 : i32
        %add3A_286 = arith.addi %mul3A_2, %mul3A_285 : i32
        %dma_start3A_287 = tpu.memref_slice %arg4[%add3A_286] : memref<320000xi32, #tpu.memory_space<hbm>> -> memref<40xi32, #tpu.memory_space<hbm>>
        %dma_start3A_288 = tpu.memref_slice %arg4[%add3A_286] : memref<320000xi32, #tpu.memory_space<hbm>> -> memref<40xi32, #tpu.memory_space<hbm>>
        tpu.enqueue_dma source(%dma_start3A_288 : memref<40xi32, #tpu.memory_space<hbm>>) target(%arg8 : memref<40xi32, #tpu.memory_space<vmem>>) target_semaphore(%arg21 : memref<!tpu.dma_semaphore, #tpu.memory_space<semaphore_mem>>)
      } else {
      }
      %mul3A_201 = arith.constant 5 : i32
      %mul3A_202 = arith.muli %scan3A_80, %mul3A_201 : i32
      %add3A_203 = arith.constant 3 : i32
      %add3A_204 = arith.addi %mul3A_202, %add3A_203 : i32
      %ge3A_205 = arith.constant 2 : i32
      %ge3A_206 = arith.cmpi sge, %add3A_204, %ge3A_205 : i32
      %convert_element_type3A_207 = arith.extui %ge3A_206 : i1 to i32
      %cond3A_208 = arith.constant 0 : i32
      %cond3A_209 = arith.cmpi ne, %convert_element_type3A_207, %cond3A_208 : i32
      scf.if %cond3A_209 {
        %dma_wait3A_284 = arith.constant 0 : i32
        %dma_wait3A_285 = arith.constant 0 : i32
        %dma_wait3A_286 = tpu.memref_slice %arg6[%dma_wait3A_284, %dma_wait3A_285] : memref<10000x128xf32, #tpu.memory_space<vmem_shared>> -> memref<10000x128xf32, #tpu.memory_space<vmem_shared>>
        tpu.wait_indirect_dma semaphore(%arg19 : memref<!tpu.dma_semaphore, #tpu.memory_space<semaphore_mem>>) src(%arg14 : memref<40x128xf32, #tpu.memory_space<vmem>>) dst(%dma_wait3A_286 : memref<10000x128xf32, #tpu.memory_space<vmem_shared>>)
      } else {
      }
      %add3A_210 = arith.constant 3 : i32
      %add3A_211 = arith.addi %add3A_204, %add3A_210 : i32
      %lt3A_212 = arith.constant 250 : i32
      %lt3A_213 = arith.cmpi slt, %add3A_211, %lt3A_212 : i32
      %add3A_214 = arith.constant 3 : i32
      %add3A_215 = arith.addi %add3A_204, %add3A_214 : i32
      %convert_element_type3A_216 = arith.extui %lt3A_213 : i1 to i32
      %cond3A_217 = arith.constant 0 : i32
      %cond3A_218 = arith.cmpi ne, %convert_element_type3A_216, %cond3A_217 : i32
      scf.if %cond3A_218 {
        %mul3A_284 = arith.constant 40 : i32
        %mul3A_285 = arith.muli %add3A_215, %mul3A_284 : i32
        %dma_start3A_286 = tpu.memref_slice %arg7[%mul3A_285] : memref<10000xi32, #tpu.memory_space<vmem>> -> memref<40xi32, #tpu.memory_space<vmem>>
        %dma_start3A_287 = arith.constant 0 : i32
        %dma_start3A_288 = arith.constant 0 : i32
        %dma_start3A_289 = tpu.memref_slice %arg2[%dma_start3A_287, %dma_start3A_288] : memref<10000x128xf32, #tpu.memory_space<hbm>> -> memref<10000x128xf32, #tpu.memory_space<hbm>>
        tpu.enqueue_indirect_dma source(%dma_start3A_289 : memref<10000x128xf32, #tpu.memory_space<hbm>>) target(%arg14 : memref<40x128xf32, #tpu.memory_space<vmem>>) offsets(%dma_start3A_286 : memref<40xi32, #tpu.memory_space<vmem>>) semaphore(%arg18 : memref<!tpu.dma_semaphore, #tpu.memory_space<semaphore_mem>>)
      } else {
      }
      %mul3A_219 = arith.constant 40 : i32
      %mul3A_220 = arith.muli %add3A_204, %mul3A_219 : i32
      %dma_wait3A_221 = tpu.memref_slice %arg7[%mul3A_220] : memref<10000xi32, #tpu.memory_space<vmem>> -> memref<40xi32, #tpu.memory_space<vmem>>
      %dma_wait3A_222 = arith.constant 0 : i32
      %dma_wait3A_223 = arith.constant 0 : i32
      %dma_wait3A_224 = tpu.memref_slice %arg2[%dma_wait3A_222, %dma_wait3A_223] : memref<10000x128xf32, #tpu.memory_space<hbm>> -> memref<10000x128xf32, #tpu.memory_space<hbm>>
      tpu.wait_indirect_dma semaphore(%arg18 : memref<!tpu.dma_semaphore, #tpu.memory_space<semaphore_mem>>) src(%dma_wait3A_224 : memref<10000x128xf32, #tpu.memory_space<hbm>>) dst(%arg16 : memref<40x128xf32, #tpu.memory_space<vmem>>)
      %mul3A_225 = arith.constant 40 : i32
      %mul3A_226 = arith.muli %add3A_204, %mul3A_225 : i32
      %add3A_227 = arith.addi %mul3A_2, %mul3A_226 : i32
      %dma_wait3A_228 = tpu.memref_slice %arg4[%add3A_227] : memref<320000xi32, #tpu.memory_space<hbm>> -> memref<40xi32, #tpu.memory_space<hbm>>
      %dma_wait3A_229 = tpu.memref_slice %arg4[%add3A_227] : memref<320000xi32, #tpu.memory_space<hbm>> -> memref<40xi32, #tpu.memory_space<hbm>>
      tpu.wait_dma2 semaphore(%arg21 : memref<!tpu.dma_semaphore, #tpu.memory_space<semaphore_mem>>) src(%dma_wait3A_229 : memref<40xi32, #tpu.memory_space<hbm>>) dst(%arg11 : memref<40xi32, #tpu.memory_space<vmem>>)
      %dma_start3A_230 = arith.constant 0 : i32
      %dma_start3A_231 = arith.constant 0 : i32
      %dma_start3A_232 = tpu.memref_slice %arg6[%dma_start3A_230, %dma_start3A_231] : memref<10000x128xf32, #tpu.memory_space<vmem_shared>> -> memref<10000x128xf32, #tpu.memory_space<vmem_shared>>
      tpu.enqueue_indirect_dma source(%arg16 : memref<40x128xf32, #tpu.memory_space<vmem>>) target(%dma_start3A_232 : memref<10000x128xf32, #tpu.memory_space<vmem_shared>>) offsets(%arg11 : memref<40xi32, #tpu.memory_space<vmem>>) semaphore(%arg19 : memref<!tpu.dma_semaphore, #tpu.memory_space<semaphore_mem>>) {add = true}
      %add3A_233 = arith.constant 3 : i32
      %add3A_234 = arith.addi %add3A_204, %add3A_233 : i32
      %lt3A_235 = arith.constant 250 : i32
      %lt3A_236 = arith.cmpi slt, %add3A_234, %lt3A_235 : i32
      %add3A_237 = arith.constant 3 : i32
      %add3A_238 = arith.addi %add3A_204, %add3A_237 : i32
      %convert_element_type3A_239 = arith.extui %lt3A_236 : i1 to i32
      %cond3A_240 = arith.constant 0 : i32
      %cond3A_241 = arith.cmpi ne, %convert_element_type3A_239, %cond3A_240 : i32
      scf.if %cond3A_241 {
        %mul3A_284 = arith.constant 40 : i32
        %mul3A_285 = arith.muli %add3A_238, %mul3A_284 : i32
        %add3A_286 = arith.addi %mul3A_2, %mul3A_285 : i32
        %dma_start3A_287 = tpu.memref_slice %arg4[%add3A_286] : memref<320000xi32, #tpu.memory_space<hbm>> -> memref<40xi32, #tpu.memory_space<hbm>>
        %dma_start3A_288 = tpu.memref_slice %arg4[%add3A_286] : memref<320000xi32, #tpu.memory_space<hbm>> -> memref<40xi32, #tpu.memory_space<hbm>>
        tpu.enqueue_dma source(%dma_start3A_288 : memref<40xi32, #tpu.memory_space<hbm>>) target(%arg9 : memref<40xi32, #tpu.memory_space<vmem>>) target_semaphore(%arg21 : memref<!tpu.dma_semaphore, #tpu.memory_space<semaphore_mem>>)
      } else {
      }
      %mul3A_242 = arith.constant 5 : i32
      %mul3A_243 = arith.muli %scan3A_80, %mul3A_242 : i32
      %add3A_244 = arith.constant 4 : i32
      %add3A_245 = arith.addi %mul3A_243, %add3A_244 : i32
      %ge3A_246 = arith.constant 2 : i32
      %ge3A_247 = arith.cmpi sge, %add3A_245, %ge3A_246 : i32
      %convert_element_type3A_248 = arith.extui %ge3A_247 : i1 to i32
      %cond3A_249 = arith.constant 0 : i32
      %cond3A_250 = arith.cmpi ne, %convert_element_type3A_248, %cond3A_249 : i32
      scf.if %cond3A_250 {
        %dma_wait3A_284 = arith.constant 0 : i32
        %dma_wait3A_285 = arith.constant 0 : i32
        %dma_wait3A_286 = tpu.memref_slice %arg6[%dma_wait3A_284, %dma_wait3A_285] : memref<10000x128xf32, #tpu.memory_space<vmem_shared>> -> memref<10000x128xf32, #tpu.memory_space<vmem_shared>>
        tpu.wait_indirect_dma semaphore(%arg19 : memref<!tpu.dma_semaphore, #tpu.memory_space<semaphore_mem>>) src(%arg15 : memref<40x128xf32, #tpu.memory_space<vmem>>) dst(%dma_wait3A_286 : memref<10000x128xf32, #tpu.memory_space<vmem_shared>>)
      } else {
      }
      %add3A_251 = arith.constant 3 : i32
      %add3A_252 = arith.addi %add3A_245, %add3A_251 : i32
      %lt3A_253 = arith.constant 250 : i32
      %lt3A_254 = arith.cmpi slt, %add3A_252, %lt3A_253 : i32
      %add3A_255 = arith.constant 3 : i32
      %add3A_256 = arith.addi %add3A_245, %add3A_255 : i32
      %convert_element_type3A_257 = arith.extui %lt3A_254 : i1 to i32
      %cond3A_258 = arith.constant 0 : i32
      %cond3A_259 = arith.cmpi ne, %convert_element_type3A_257, %cond3A_258 : i32
      scf.if %cond3A_259 {
        %mul3A_284 = arith.constant 40 : i32
        %mul3A_285 = arith.muli %add3A_256, %mul3A_284 : i32
        %dma_start3A_286 = tpu.memref_slice %arg7[%mul3A_285] : memref<10000xi32, #tpu.memory_space<vmem>> -> memref<40xi32, #tpu.memory_space<vmem>>
        %dma_start3A_287 = arith.constant 0 : i32
        %dma_start3A_288 = arith.constant 0 : i32
        %dma_start3A_289 = tpu.memref_slice %arg2[%dma_start3A_287, %dma_start3A_288] : memref<10000x128xf32, #tpu.memory_space<hbm>> -> memref<10000x128xf32, #tpu.memory_space<hbm>>
        tpu.enqueue_indirect_dma source(%dma_start3A_289 : memref<10000x128xf32, #tpu.memory_space<hbm>>) target(%arg15 : memref<40x128xf32, #tpu.memory_space<vmem>>) offsets(%dma_start3A_286 : memref<40xi32, #tpu.memory_space<vmem>>) semaphore(%arg18 : memref<!tpu.dma_semaphore, #tpu.memory_space<semaphore_mem>>)
      } else {
      }
      %mul3A_260 = arith.constant 40 : i32
      %mul3A_261 = arith.muli %add3A_245, %mul3A_260 : i32
      %dma_wait3A_262 = tpu.memref_slice %arg7[%mul3A_261] : memref<10000xi32, #tpu.memory_space<vmem>> -> memref<40xi32, #tpu.memory_space<vmem>>
      %dma_wait3A_263 = arith.constant 0 : i32
      %dma_wait3A_264 = arith.constant 0 : i32
      %dma_wait3A_265 = tpu.memref_slice %arg2[%dma_wait3A_263, %dma_wait3A_264] : memref<10000x128xf32, #tpu.memory_space<hbm>> -> memref<10000x128xf32, #tpu.memory_space<hbm>>
      tpu.wait_indirect_dma semaphore(%arg18 : memref<!tpu.dma_semaphore, #tpu.memory_space<semaphore_mem>>) src(%dma_wait3A_265 : memref<10000x128xf32, #tpu.memory_space<hbm>>) dst(%arg17 : memref<40x128xf32, #tpu.memory_space<vmem>>)
      %mul3A_266 = arith.constant 40 : i32
      %mul3A_267 = arith.muli %add3A_245, %mul3A_266 : i32
      %add3A_268 = arith.addi %mul3A_2, %mul3A_267 : i32
      %dma_wait3A_269 = tpu.memref_slice %arg4[%add3A_268] : memref<320000xi32, #tpu.memory_space<hbm>> -> memref<40xi32, #tpu.memory_space<hbm>>
      %dma_wait3A_270 = tpu.memref_slice %arg4[%add3A_268] : memref<320000xi32, #tpu.memory_space<hbm>> -> memref<40xi32, #tpu.memory_space<hbm>>
      tpu.wait_dma2 semaphore(%arg21 : memref<!tpu.dma_semaphore, #tpu.memory_space<semaphore_mem>>) src(%dma_wait3A_270 : memref<40xi32, #tpu.memory_space<hbm>>) dst(%arg12 : memref<40xi32, #tpu.memory_space<vmem>>)
      %dma_start3A_271 = arith.constant 0 : i32
      %dma_start3A_272 = arith.constant 0 : i32
      %dma_start3A_273 = tpu.memref_slice %arg6[%dma_start3A_271, %dma_start3A_272] : memref<10000x128xf32, #tpu.memory_space<vmem_shared>> -> memref<10000x128xf32, #tpu.memory_space<vmem_shared>>
      tpu.enqueue_indirect_dma source(%arg17 : memref<40x128xf32, #tpu.memory_space<vmem>>) target(%dma_start3A_273 : memref<10000x128xf32, #tpu.memory_space<vmem_shared>>) offsets(%arg12 : memref<40xi32, #tpu.memory_space<vmem>>) semaphore(%arg19 : memref<!tpu.dma_semaphore, #tpu.memory_space<semaphore_mem>>) {add = true}
      %add3A_274 = arith.constant 3 : i32
      %add3A_275 = arith.addi %add3A_245, %add3A_274 : i32
      %lt3A_276 = arith.constant 250 : i32
      %lt3A_277 = arith.cmpi slt, %add3A_275, %lt3A_276 : i32
      %add3A_278 = arith.constant 3 : i32
      %add3A_279 = arith.addi %add3A_245, %add3A_278 : i32
      %convert_element_type3A_280 = arith.extui %lt3A_277 : i1 to i32
      %cond3A_281 = arith.constant 0 : i32
      %cond3A_282 = arith.cmpi ne, %convert_element_type3A_280, %cond3A_281 : i32
      scf.if %cond3A_282 {
        %mul3A_284 = arith.constant 40 : i32
        %mul3A_285 = arith.muli %add3A_279, %mul3A_284 : i32
        %add3A_286 = arith.addi %mul3A_2, %mul3A_285 : i32
        %dma_start3A_287 = tpu.memref_slice %arg4[%add3A_286] : memref<320000xi32, #tpu.memory_space<hbm>> -> memref<40xi32, #tpu.memory_space<hbm>>
        %dma_start3A_288 = tpu.memref_slice %arg4[%add3A_286] : memref<320000xi32, #tpu.memory_space<hbm>> -> memref<40xi32, #tpu.memory_space<hbm>>
        tpu.enqueue_dma source(%dma_start3A_288 : memref<40xi32, #tpu.memory_space<hbm>>) target(%arg10 : memref<40xi32, #tpu.memory_space<vmem>>) target_semaphore(%arg21 : memref<!tpu.dma_semaphore, #tpu.memory_space<semaphore_mem>>)
      } else {
      }
      %scan3A_283 = arith.constant 0 : i32
      scf.yield %scan3A_283 : i32
    }
    %scan3A_58 = arith.constant 50 : i32
    %dma_wait3A_59 = arith.constant 0 : i32
    %dma_wait3A_60 = arith.constant 0 : i32
    %dma_wait3A_61 = tpu.memref_slice %arg6[%dma_wait3A_59, %dma_wait3A_60] : memref<10000x128xf32, #tpu.memory_space<vmem_shared>> -> memref<10000x128xf32, #tpu.memory_space<vmem_shared>>
    tpu.wait_indirect_dma semaphore(%arg19 : memref<!tpu.dma_semaphore, #tpu.memory_space<semaphore_mem>>) src(%arg16 : memref<40x128xf32, #tpu.memory_space<vmem>>) dst(%dma_wait3A_61 : memref<10000x128xf32, #tpu.memory_space<vmem_shared>>)
    %dma_wait3A_62 = arith.constant 0 : i32
    %dma_wait3A_63 = arith.constant 0 : i32
    %dma_wait3A_64 = tpu.memref_slice %arg6[%dma_wait3A_62, %dma_wait3A_63] : memref<10000x128xf32, #tpu.memory_space<vmem_shared>> -> memref<10000x128xf32, #tpu.memory_space<vmem_shared>>
    tpu.wait_indirect_dma semaphore(%arg19 : memref<!tpu.dma_semaphore, #tpu.memory_space<semaphore_mem>>) src(%arg17 : memref<40x128xf32, #tpu.memory_space<vmem>>) dst(%dma_wait3A_64 : memref<10000x128xf32, #tpu.memory_space<vmem_shared>>)
    %barrier3A_65 = arith.constant 0 : index
    tpu.barrier barrier_id(%barrier3A_65)
    %scan3A_66 = arith.constant 0 : i32
    %scan3A_67 = arith.constant 0 : i32
    %scan3A_68 = arith.constant 16 : i32
    %scan3A_69 = arith.addi %scan3A_67, %scan3A_68 : i32
    %scan3A_70 = arith.constant 1 : i32
    %scan3A_71 = scf.for %scan3A_80 = %scan3A_67 to %scan3A_69 step %scan3A_70 iter_args(%scan3A_81 = %scan3A_66) -> (i32)  : i32 {
      %mul3A_82 = arith.constant 16 : i32
      %mul3A_83 = arith.muli %scan3A_80, %mul3A_82 : i32
      %add3A_84 = arith.addi %mul3A_83, %arg1 : i32
      %lt3A = arith.constant 250 : i32
      %lt3A_85 = arith.cmpi slt, %add3A_84, %lt3A : i32
      %convert_element_type3A = arith.extui %lt3A_85 : i1 to i32
      %cond3A = arith.constant 0 : i32
      %cond3A_86 = arith.cmpi ne, %convert_element_type3A, %cond3A : i32
      scf.if %cond3A_86 {
        %mul3A_88 = arith.constant 40 : i32
        %mul3A_89 = arith.muli %add3A_84, %mul3A_88 : i32
        %mul3A_90 = arith.constant 40 : i32
        %mul3A_91 = arith.muli %add3A_84, %mul3A_90 : i32
        %dma_start3A_92 = arith.constant 0 : i32
        %dma_start3A_93 = tpu.memref_slice %arg5[%arg0, %mul3A_91, %dma_start3A_92] : memref<2x10000x128xf32, #tpu.memory_space<hbm>> -> memref<1x40x128xf32, #tpu.memory_space<hbm>>
        %dma_start3A_94 = tpu.memref_squeeze %dma_start3A_93 : memref<1x40x128xf32, #tpu.memory_space<hbm>> -> memref<40x128xf32, #tpu.memory_space<hbm>>
        %dma_start3A_95 = arith.constant 0 : i32
        %dma_start3A_96 = tpu.memref_slice %arg6[%mul3A_89, %dma_start3A_95] : memref<10000x128xf32, #tpu.memory_space<vmem_shared>> -> memref<40x128xf32, #tpu.memory_space<vmem_shared>>
        tpu.enqueue_dma source(%dma_start3A_96 : memref<40x128xf32, #tpu.memory_space<vmem_shared>>) target(%dma_start3A_94 : memref<40x128xf32, #tpu.memory_space<hbm>>) target_semaphore(%arg21 : memref<!tpu.dma_semaphore, #tpu.memory_space<semaphore_mem>>)
      } else {
      }
      %scan3A_87 = arith.constant 0 : i32
      scf.yield %scan3A_87 : i32
    }
    %scan3A_72 = arith.constant 16 : i32
    %scan3A_73 = arith.constant 0 : i32
    %scan3A_74 = arith.constant 0 : i32
    %scan3A_75 = arith.constant 16 : i32
    %scan3A_76 = arith.addi %scan3A_74, %scan3A_75 : i32
    %scan3A_77 = arith.constant 1 : i32
    %scan3A_78 = scf.for %scan3A_80 = %scan3A_74 to %scan3A_76 step %scan3A_77 iter_args(%scan3A_81 = %scan3A_73) -> (i32)  : i32 {
      %mul3A_82 = arith.constant 16 : i32
      %mul3A_83 = arith.muli %scan3A_80, %mul3A_82 : i32
      %add3A_84 = arith.addi %mul3A_83, %arg1 : i32
      %lt3A = arith.constant 250 : i32
      %lt3A_85 = arith.cmpi slt, %add3A_84, %lt3A : i32
      %convert_element_type3A = arith.extui %lt3A_85 : i1 to i32
      %cond3A = arith.constant 0 : i32
      %cond3A_86 = arith.cmpi ne, %convert_element_type3A, %cond3A : i32
      scf.if %cond3A_86 {
        %mul3A_88 = arith.constant 40 : i32
        %mul3A_89 = arith.muli %add3A_84, %mul3A_88 : i32
        %mul3A_90 = arith.constant 40 : i32
        %mul3A_91 = arith.muli %add3A_84, %mul3A_90 : i32
        %dma_wait3A_92 = arith.constant 0 : i32
        %dma_wait3A_93 = tpu.memref_slice %arg5[%arg0, %mul3A_91, %dma_wait3A_92] : memref<2x10000x128xf32, #tpu.memory_space<hbm>> -> memref<1x40x128xf32, #tpu.memory_space<hbm>>
        %dma_wait3A_94 = tpu.memref_squeeze %dma_wait3A_93 : memref<1x40x128xf32, #tpu.memory_space<hbm>> -> memref<40x128xf32, #tpu.memory_space<hbm>>
        %dma_wait3A_95 = arith.constant 0 : i32
        %dma_wait3A_96 = tpu.memref_slice %arg6[%mul3A_89, %dma_wait3A_95] : memref<10000x128xf32, #tpu.memory_space<vmem_shared>> -> memref<40x128xf32, #tpu.memory_space<vmem_shared>>
        tpu.wait_dma2 semaphore(%arg21 : memref<!tpu.dma_semaphore, #tpu.memory_space<semaphore_mem>>) src(%dma_wait3A_96 : memref<40x128xf32, #tpu.memory_space<vmem_shared>>) dst(%dma_wait3A_94 : memref<40x128xf32, #tpu.memory_space<hbm>>)
      } else {
      }
      %scan3A_87 = arith.constant 0 : i32
      scf.yield %scan3A_87 : i32
    }
    %scan3A_79 = arith.constant 16 : i32
    return
  }
}

#map = affine_map<(d0, d1) -> (0, 0)>
#map1 = affine_map<(d0, d1) -> (0)>
#map2 = affine_map<(d0, d1) -> (0, 0, 0)>
module attributes {stable_mosaic.version = 14 : i64} {
  func.func @scat(%arg0: i32, %arg1: i32, %arg2: memref<10000x128xf32, #tpu.memory_space<hbm>>, %arg3: memref<320000xi32, #tpu.memory_space<hbm>>, %arg4: memref<320000xi32, #tpu.memory_space<hbm>>, %arg5: memref<2x10000x128xf32, #tpu.memory_space<hbm>>, %arg6: memref<10000x128xf32, #tpu.memory_space<vmem_shared>>, %arg7: memref<10000xi32, #tpu.memory_space<vmem>>, %arg8: memref<40xi32, #tpu.memory_space<vmem>>, %arg9: memref<40xi32, #tpu.memory_space<vmem>>, %arg10: memref<40xi32, #tpu.memory_space<vmem>>, %arg11: memref<40xi32, #tpu.memory_space<vmem>>, %arg12: memref<40xi32, #tpu.memory_space<vmem>>, %arg13: memref<40x128xf32, #tpu.memory_space<vmem>>, %arg14: memref<40x128xf32, #tpu.memory_space<vmem>>, %arg15: memref<40x128xf32, #tpu.memory_space<vmem>>, %arg16: memref<40x128xf32, #tpu.memory_space<vmem>>, %arg17: memref<40x128xf32, #tpu.memory_space<vmem>>, %arg18: memref<!tpu.dma_semaphore, #tpu.memory_space<semaphore_mem>>, %arg19: memref<!tpu.dma_semaphore, #tpu.memory_space<semaphore_mem>>, %arg20: memref<!tpu.dma_semaphore, #tpu.memory_space<semaphore_mem>>, %arg21: memref<!tpu.dma_semaphore, #tpu.memory_space<semaphore_mem>>) attributes {dimension_semantics = [#tpu.dimension_semantics<core_parallel>, #tpu.dimension_semantics<subcore_parallel>], iteration_bounds = array<i64: 2, 16>, scalar_prefetch = 0 : i64, scratch_operands = 16 : i64, tpu.core_type = #tpu.core_type<sc_vector_subcore>, window_params = [{transform_indices = #map}, {transform_indices = #map1}, {transform_indices = #map1}, {transform_indices = #map2}]} {
    %mul3A = arith.constant 2 : i32
    %mul3A_0 = arith.muli %arg1, %mul3A : i32
    %add3A = arith.addi %mul3A_0, %arg0 : i32
    %mul3A_1 = arith.constant 10000 : i32
    %mul3A_2 = arith.muli %add3A, %mul3A_1 : i32
    %dma_start3A = tpu.memref_slice %arg3[%mul3A_2] : memref<320000xi32, #tpu.memory_space<hbm>> -> memref<10000xi32, #tpu.memory_space<hbm>>
    %dma_start3A_3 = tpu.memref_slice %arg3[%mul3A_2] : memref<320000xi32, #tpu.memory_space<hbm>> -> memref<10000xi32, #tpu.memory_space<hbm>>
    tpu.enqueue_dma source(%dma_start3A_3 : memref<10000xi32, #tpu.memory_space<hbm>>) target(%arg7 : memref<10000xi32, #tpu.memory_space<vmem>>) target_semaphore(%arg20 : memref<!tpu.dma_semaphore, #tpu.memory_space<semaphore_mem>>)
    %scan3A = arith.constant 0 : i32
    %scan3A_4 = arith.constant 0 : i32
    %scan3A_5 = arith.constant 40 : i32
    %scan3A_6 = arith.addi %scan3A_4, %scan3A_5 : i32
    %scan3A_7 = arith.constant 1 : i32
    %scan3A_8 = scf.for %scan3A_80 = %scan3A_4 to %scan3A_6 step %scan3A_7 iter_args(%scan3A_81 = %scan3A) -> (i32)  : i32 {
      %broadcast_in_dim3A = arith.constant 0.000000e+00 : f32
      %broadcast_in_dim3A_82 = vector.broadcast %broadcast_in_dim3A : f32 to vector<16xf32>
      %swap3A = arith.index_cast %scan3A_80 : i32 to index
      %swap3A_83 = arith.constant 0 : index
      %swap3A_84 = tpu.vector_load %arg13[%swap3A, %swap3A_83] {strides = array<i32>} : memref<40x128xf32, #tpu.memory_space<vmem>>, vector<1x16xf32>,
      %swap3A_85 = vector.shape_cast %swap3A_84 : vector<1x16xf32> to vector<16xf32>
      %swap3A_86 = vector.shape_cast %broadcast_in_dim3A_82 : vector<16xf32> to vector<1x16xf32>
      tpu.vector_store %arg13[%swap3A, %swap3A_83], %swap3A_86 {strides = array<i32>} : memref<40x128xf32, #tpu.memory_space<vmem>>, vector<1x16xf32>,
      %broadcast_in_dim3A_87 = arith.constant 0.000000e+00 : f32
      %broadcast_in_dim3A_88 = vector.broadcast %broadcast_in_dim3A_87 : f32 to vector<16xf32>
      %swap3A_89 = arith.index_cast %scan3A_80 : i32 to index
      %swap3A_90 = arith.constant 16 : index
      %swap3A_91 = tpu.vector_load %arg13[%swap3A_89, %swap3A_90] {strides = array<i32>} : memref<40x128xf32, #tpu.memory_space<vmem>>, vector<1x16xf32>,
      %swap3A_92 = vector.shape_cast %swap3A_91 : vector<1x16xf32> to vector<16xf32>
      %swap3A_93 = vector.shape_cast %broadcast_in_dim3A_88 : vector<16xf32> to vector<1x16xf32>
      tpu.vector_store %arg13[%swap3A_89, %swap3A_90], %swap3A_93 {strides = array<i32>} : memref<40x128xf32, #tpu.memory_space<vmem>>, vector<1x16xf32>,
      %broadcast_in_dim3A_94 = arith.constant 0.000000e+00 : f32
      %broadcast_in_dim3A_95 = vector.broadcast %broadcast_in_dim3A_94 : f32 to vector<16xf32>
      %swap3A_96 = arith.index_cast %scan3A_80 : i32 to index
      %swap3A_97 = arith.constant 32 : index
      %swap3A_98 = tpu.vector_load %arg13[%swap3A_96, %swap3A_97] {strides = array<i32>} : memref<40x128xf32, #tpu.memory_space<vmem>>, vector<1x16xf32>,
      %swap3A_99 = vector.shape_cast %swap3A_98 : vector<1x16xf32> to vector<16xf32>
      %swap3A_100 = vector.shape_cast %broadcast_in_dim3A_95 : vector<16xf32> to vector<1x16xf32>
      tpu.vector_store %arg13[%swap3A_96, %swap3A_97], %swap3A_100 {strides = array<i32>} : memref<40x128xf32, #tpu.memory_space<vmem>>, vector<1x16xf32>,
      %broadcast_in_dim3A_101 = arith.constant 0.000000e+00 : f32
      %broadcast_in_dim3A_102 = vector.broadcast %broadcast_in_dim3A_101 : f32 to vector<16xf32>
      %swap3A_103 = arith.index_cast %scan3A_80 : i32 to index
      %swap3A_104 = arith.constant 48 : index
      %swap3A_105 = tpu.vector_load %arg13[%swap3A_103, %swap3A_104] {strides = array<i32>} : memref<40x128xf32, #tpu.memory_space<vmem>>, vector<1x16xf32>,
      %swap3A_106 = vector.shape_cast %swap3A_105 : vector<1x16xf32> to vector<16xf32>
      %swap3A_107 = vector.shape_cast %broadcast_in_dim3A_102 : vector<16xf32> to vector<1x16xf32>
      tpu.vector_store %arg13[%swap3A_103, %swap3A_104], %swap3A_107 {strides = array<i32>} : memref<40x128xf32, #tpu.memory_space<vmem>>, vector<1x16xf32>,
      %broadcast_in_dim3A_108 = arith.constant 0.000000e+00 : f32
      %broadcast_in_dim3A_109 = vector.broadcast %broadcast_in_dim3A_108 : f32 to vector<16xf32>
      %swap3A_110 = arith.index_cast %scan3A_80 : i32 to index
      %swap3A_111 = arith.constant 64 : index
      %swap3A_112 = tpu.vector_load %arg13[%swap3A_110, %swap3A_111] {strides = array<i32>} : memref<40x128xf32, #tpu.memory_space<vmem>>, vector<1x16xf32>,
      %swap3A_113 = vector.shape_cast %swap3A_112 : vector<1x16xf32> to vector<16xf32>
      %swap3A_114 = vector.shape_cast %broadcast_in_dim3A_109 : vector<16xf32> to vector<1x16xf32>
      tpu.vector_store %arg13[%swap3A_110, %swap3A_111], %swap3A_114 {strides = array<i32>} : memref<40x128xf32, #tpu.memory_space<vmem>>, vector<1x16xf32>,
      %broadcast_in_dim3A_115 = arith.constant 0.000000e+00 : f32
      %broadcast_in_dim3A_116 = vector.broadcast %broadcast_in_dim3A_115 : f32 to vector<16xf32>
      %swap3A_117 = arith.index_cast %scan3A_80 : i32 to index
      %swap3A_118 = arith.constant 80 : index
      %swap3A_119 = tpu.vector_load %arg13[%swap3A_117, %swap3A_118] {strides = array<i32>} : memref<40x128xf32, #tpu.memory_space<vmem>>, vector<1x16xf32>,
      %swap3A_120 = vector.shape_cast %swap3A_119 : vector<1x16xf32> to vector<16xf32>
      %swap3A_121 = vector.shape_cast %broadcast_in_dim3A_116 : vector<16xf32> to vector<1x16xf32>
      tpu.vector_store %arg13[%swap3A_117, %swap3A_118], %swap3A_121 {strides = array<i32>} : memref<40x128xf32, #tpu.memory_space<vmem>>, vector<1x16xf32>,
      %broadcast_in_dim3A_122 = arith.constant 0.000000e+00 : f32
      %broadcast_in_dim3A_123 = vector.broadcast %broadcast_in_dim3A_122 : f32 to vector<16xf32>
      %swap3A_124 = arith.index_cast %scan3A_80 : i32 to index
      %swap3A_125 = arith.constant 96 : index
      %swap3A_126 = tpu.vector_load %arg13[%swap3A_124, %swap3A_125] {strides = array<i32>} : memref<40x128xf32, #tpu.memory_space<vmem>>, vector<1x16xf32>,
      %swap3A_127 = vector.shape_cast %swap3A_126 : vector<1x16xf32> to vector<16xf32>
      %swap3A_128 = vector.shape_cast %broadcast_in_dim3A_123 : vector<16xf32> to vector<1x16xf32>
      tpu.vector_store %arg13[%swap3A_124, %swap3A_125], %swap3A_128 {strides = array<i32>} : memref<40x128xf32, #tpu.memory_space<vmem>>, vector<1x16xf32>,
      %broadcast_in_dim3A_129 = arith.constant 0.000000e+00 : f32
      %broadcast_in_dim3A_130 = vector.broadcast %broadcast_in_dim3A_129 : f32 to vector<16xf32>
      %swap3A_131 = arith.index_cast %scan3A_80 : i32 to index
      %swap3A_132 = arith.constant 112 : index
      %swap3A_133 = tpu.vector_load %arg13[%swap3A_131, %swap3A_132] {strides = array<i32>} : memref<40x128xf32, #tpu.memory_space<vmem>>, vector<1x16xf32>,
      %swap3A_134 = vector.shape_cast %swap3A_133 : vector<1x16xf32> to vector<16xf32>
      %swap3A_135 = vector.shape_cast %broadcast_in_dim3A_130 : vector<16xf32> to vector<1x16xf32>
      tpu.vector_store %arg13[%swap3A_131, %swap3A_132], %swap3A_135 {strides = array<i32>} : memref<40x128xf32, #tpu.memory_space<vmem>>, vector<1x16xf32>,
      %scan3A_136 = arith.constant 0 : i32
      scf.yield %scan3A_136 : i32
    }
    %scan3A_9 = arith.constant 40 : i32
    %scan3A_10 = arith.constant 0 : i32
    %scan3A_11 = arith.constant 0 : i32
    %scan3A_12 = arith.constant 16 : i32
    %scan3A_13 = arith.addi %scan3A_11, %scan3A_12 : i32
    %scan3A_14 = arith.constant 1 : i32
    %scan3A_15 = scf.for %scan3A_80 = %scan3A_11 to %scan3A_13 step %scan3A_14 iter_args(%scan3A_81 = %scan3A_10) -> (i32)  : i32 {
      %mul3A_82 = arith.constant 16 : i32
      %mul3A_83 = arith.muli %scan3A_80, %mul3A_82 : i32
      %add3A_84 = arith.addi %mul3A_83, %arg1 : i32
      %lt3A = arith.constant 250 : i32
      %lt3A_85 = arith.cmpi slt, %add3A_84, %lt3A : i32
      %convert_element_type3A = arith.extui %lt3A_85 : i1 to i32
      %cond3A = arith.constant 0 : i32
      %cond3A_86 = arith.cmpi ne, %convert_element_type3A, %cond3A : i32
      scf.if %cond3A_86 {
        %mul3A_88 = arith.constant 40 : i32
        %mul3A_89 = arith.muli %add3A_84, %mul3A_88 : i32
        %dma_start3A_90 = arith.constant 0 : i32
        %dma_start3A_91 = arith.constant 0 : i32
        %dma_start3A_92 = tpu.memref_slice %arg13[%dma_start3A_90, %dma_start3A_91] : memref<40x128xf32, #tpu.memory_space<vmem>> -> memref<40x128xf32, #tpu.memory_space<vmem>>
        %dma_start3A_93 = arith.constant 0 : i32
        %dma_start3A_94 = tpu.memref_slice %arg6[%mul3A_89, %dma_start3A_93] : memref<10000x128xf32, #tpu.memory_space<vmem_shared>> -> memref<40x128xf32, #tpu.memory_space<vmem_shared>>
        %dma_start3A_95 = arith.constant 0 : i32
        %dma_start3A_96 = tpu.memref_slice %arg6[%mul3A_89, %dma_start3A_95] : memref<10000x128xf32, #tpu.memory_space<vmem_shared>> -> memref<40x128xf32, #tpu.memory_space<vmem_shared>>
        %dma_start3A_97 = arith.constant 0 : i32
        %dma_start3A_98 = arith.constant 0 : i32
        %dma_start3A_99 = tpu.memref_slice %arg13[%dma_start3A_97, %dma_start3A_98] : memref<40x128xf32, #tpu.memory_space<vmem>> -> memref<40x128xf32, #tpu.memory_space<vmem>>
        tpu.enqueue_dma source(%dma_start3A_99 : memref<40x128xf32, #tpu.memory_space<vmem>>) target(%dma_start3A_96 : memref<40x128xf32, #tpu.memory_space<vmem_shared>>) target_semaphore(%arg19 : memref<!tpu.dma_semaphore, #tpu.memory_space<semaphore_mem>>)
      } else {
      }
      %scan3A_87 = arith.constant 0 : i32
      scf.yield %scan3A_87 : i32
    }
    %scan3A_16 = arith.constant 16 : i32
    %scan3A_17 = arith.constant 0 : i32
    %scan3A_18 = arith.constant 0 : i32
    %scan3A_19 = arith.constant 16 : i32
    %scan3A_20 = arith.addi %scan3A_18, %scan3A_19 : i32
    %scan3A_21 = arith.constant 1 : i32
    %scan3A_22 = scf.for %scan3A_80 = %scan3A_18 to %scan3A_20 step %scan3A_21 iter_args(%scan3A_81 = %scan3A_17) -> (i32)  : i32 {
      %mul3A_82 = arith.constant 16 : i32
      %mul3A_83 = arith.muli %scan3A_80, %mul3A_82 : i32
      %add3A_84 = arith.addi %mul3A_83, %arg1 : i32
      %lt3A = arith.constant 250 : i32
      %lt3A_85 = arith.cmpi slt, %add3A_84, %lt3A : i32
      %convert_element_type3A = arith.extui %lt3A_85 : i1 to i32
      %cond3A = arith.constant 0 : i32
      %cond3A_86 = arith.cmpi ne, %convert_element_type3A, %cond3A : i32
      scf.if %cond3A_86 {
        %mul3A_88 = arith.constant 40 : i32
        %mul3A_89 = arith.muli %add3A_84, %mul3A_88 : i32
        %dma_wait3A_90 = arith.constant 0 : i32
        %dma_wait3A_91 = arith.constant 0 : i32
        %dma_wait3A_92 = tpu.memref_slice %arg13[%dma_wait3A_90, %dma_wait3A_91] : memref<40x128xf32, #tpu.memory_space<vmem>> -> memref<40x128xf32, #tpu.memory_space<vmem>>
        %dma_wait3A_93 = arith.constant 0 : i32
        %dma_wait3A_94 = tpu.memref_slice %arg6[%mul3A_89, %dma_wait3A_93] : memref<10000x128xf32, #tpu.memory_space<vmem_shared>> -> memref<40x128xf32, #tpu.memory_space<vmem_shared>>
        %dma_wait3A_95 = arith.constant 0 : i32
        %dma_wait3A_96 = tpu.memref_slice %arg6[%mul3A_89, %dma_wait3A_95] : memref<10000x128xf32, #tpu.memory_space<vmem_shared>> -> memref<40x128xf32, #tpu.memory_space<vmem_shared>>
        %dma_wait3A_97 = arith.constant 0 : i32
        %dma_wait3A_98 = arith.constant 0 : i32
        %dma_wait3A_99 = tpu.memref_slice %arg13[%dma_wait3A_97, %dma_wait3A_98] : memref<40x128xf32, #tpu.memory_space<vmem>> -> memref<40x128xf32, #tpu.memory_space<vmem>>
        tpu.wait_dma2 semaphore(%arg19 : memref<!tpu.dma_semaphore, #tpu.memory_space<semaphore_mem>>) src(%dma_wait3A_99 : memref<40x128xf32, #tpu.memory_space<vmem>>) dst(%dma_wait3A_96 : memref<40x128xf32, #tpu.memory_space<vmem_shared>>)
      } else {
      }
      %scan3A_87 = arith.constant 0 : i32
      scf.yield %scan3A_87 : i32
    }
    %scan3A_23 = arith.constant 16 : i32
    %barrier3A = arith.constant 0 : index
    tpu.barrier barrier_id(%barrier3A)
    %add3A_24 = arith.constant 0 : i32
    %add3A_25 = arith.addi %mul3A_2, %add3A_24 : i32
    %dma_start3A_26 = tpu.memref_slice %arg4[%add3A_25] : memref<320000xi32, #tpu.memory_space<hbm>> -> memref<40xi32, #tpu.memory_space<hbm>>
    %dma_start3A_27 = tpu.memref_slice %arg4[%add3A_25] : memref<320000xi32, #tpu.memory_space<hbm>> -> memref<40xi32, #tpu.memory_space<hbm>>
    tpu.enqueue_dma source(%dma_start3A_27 : memref<40xi32, #tpu.memory_space<hbm>>) target(%arg8 : memref<40xi32, #tpu.memory_space<vmem>>) target_semaphore(%arg21 : memref<!tpu.dma_semaphore, #tpu.memory_space<semaphore_mem>>)
    %add3A_28 = arith.constant 40 : i32
    %add3A_29 = arith.addi %mul3A_2, %add3A_28 : i32
    %dma_start3A_30 = tpu.memref_slice %arg4[%add3A_29] : memref<320000xi32, #tpu.memory_space<hbm>> -> memref<40xi32, #tpu.memory_space<hbm>>
    %dma_start3A_31 = tpu.memref_slice %arg4[%add3A_29] : memref<320000xi32, #tpu.memory_space<hbm>> -> memref<40xi32, #tpu.memory_space<hbm>>
    tpu.enqueue_dma source(%dma_start3A_31 : memref<40xi32, #tpu.memory_space<hbm>>) target(%arg9 : memref<40xi32, #tpu.memory_space<vmem>>) target_semaphore(%arg21 : memref<!tpu.dma_semaphore, #tpu.memory_space<semaphore_mem>>)
    %add3A_32 = arith.constant 80 : i32
    %add3A_33 = arith.addi %mul3A_2, %add3A_32 : i32
    %dma_start3A_34 = tpu.memref_slice %arg4[%add3A_33] : memref<320000xi32, #tpu.memory_space<hbm>> -> memref<40xi32, #tpu.memory_space<hbm>>
    %dma_start3A_35 = tpu.memref_slice %arg4[%add3A_33] : memref<320000xi32, #tpu.memory_space<hbm>> -> memref<40xi32, #tpu.memory_space<hbm>>
    tpu.enqueue_dma source(%dma_start3A_35 : memref<40xi32, #tpu.memory_space<hbm>>) target(%arg10 : memref<40xi32, #tpu.memory_space<vmem>>) target_semaphore(%arg21 : memref<!tpu.dma_semaphore, #tpu.memory_space<semaphore_mem>>)
    %dma_wait3A = tpu.memref_slice %arg3[%mul3A_2] : memref<320000xi32, #tpu.memory_space<hbm>> -> memref<10000xi32, #tpu.memory_space<hbm>>
    %dma_wait3A_36 = tpu.memref_slice %arg3[%mul3A_2] : memref<320000xi32, #tpu.memory_space<hbm>> -> memref<10000xi32, #tpu.memory_space<hbm>>
    tpu.wait_dma2 semaphore(%arg20 : memref<!tpu.dma_semaphore, #tpu.memory_space<semaphore_mem>>) src(%dma_wait3A_36 : memref<10000xi32, #tpu.memory_space<hbm>>) dst(%arg7 : memref<10000xi32, #tpu.memory_space<vmem>>)
    %dma_start3A_37 = arith.constant 0 : i32
    %dma_start3A_38 = tpu.memref_slice %arg7[%dma_start3A_37] : memref<10000xi32, #tpu.memory_space<vmem>> -> memref<40xi32, #tpu.memory_space<vmem>>
    %dma_start3A_39 = arith.constant 0 : i32
    %dma_start3A_40 = arith.constant 0 : i32
    %dma_start3A_41 = tpu.memref_slice %arg2[%dma_start3A_39, %dma_start3A_40] : memref<10000x128xf32, #tpu.memory_space<hbm>> -> memref<10000x128xf32, #tpu.memory_space<hbm>>
    tpu.enqueue_indirect_dma source(%dma_start3A_41 : memref<10000x128xf32, #tpu.memory_space<hbm>>) target(%arg13 : memref<40x128xf32, #tpu.memory_space<vmem>>) offsets(%dma_start3A_38 : memref<40xi32, #tpu.memory_space<vmem>>) semaphore(%arg18 : memref<!tpu.dma_semaphore, #tpu.memory_space<semaphore_mem>>)
    %dma_start3A_42 = arith.constant 40 : i32
    %dma_start3A_43 = tpu.memref_slice %arg7[%dma_start3A_42] : memref<10000xi32, #tpu.memory_space<vmem>> -> memref<40xi32, #tpu.memory_space<vmem>>
    %dma_start3A_44 = arith.constant 0 : i32
    %dma_start3A_45 = arith.constant 0 : i32
    %dma_start3A_46 = tpu.memref_slice %arg2[%dma_start3A_44, %dma_start3A_45] : memref<10000x128xf32, #tpu.memory_space<hbm>> -> memref<10000x128xf32, #tpu.memory_space<hbm>>
    tpu.enqueue_indirect_dma source(%dma_start3A_46 : memref<10000x128xf32, #tpu.memory_space<hbm>>) target(%arg14 : memref<40x128xf32, #tpu.memory_space<vmem>>) offsets(%dma_start3A_43 : memref<40xi32, #tpu.memory_space<vmem>>) semaphore(%arg18 : memref<!tpu.dma_semaphore, #tpu.memory_space<semaphore_mem>>)
    %dma_start3A_47 = arith.constant 80 : i32
    %dma_start3A_48 = tpu.memref_slice %arg7[%dma_start3A_47] : memref<10000xi32, #tpu.memory_space<vmem>> -> memref<40xi32, #tpu.memory_space<vmem>>
    %dma_start3A_49 = arith.constant 0 : i32
    %dma_start3A_50 = arith.constant 0 : i32
    %dma_start3A_51 = tpu.memref_slice %arg2[%dma_start3A_49, %dma_start3A_50] : memref<10000x128xf32, #tpu.memory_space<hbm>> -> memref<10000x128xf32, #tpu.memory_space<hbm>>
    tpu.enqueue_indirect_dma source(%dma_start3A_51 : memref<10000x128xf32, #tpu.memory_space<hbm>>) target(%arg15 : memref<40x128xf32, #tpu.memory_space<vmem>>) offsets(%dma_start3A_48 : memref<40xi32, #tpu.memory_space<vmem>>) semaphore(%arg18 : memref<!tpu.dma_semaphore, #tpu.memory_space<semaphore_mem>>)
    %scan3A_52 = arith.constant 0 : i32
    %scan3A_53 = arith.constant 0 : i32
    %scan3A_54 = arith.constant 50 : i32
    %scan3A_55 = arith.addi %scan3A_53, %scan3A_54 : i32
    %scan3A_56 = arith.constant 1 : i32
    %scan3A_57 = scf.for %scan3A_80 = %scan3A_53 to %scan3A_55 step %scan3A_56 iter_args(%scan3A_81 = %scan3A_52) -> (i32)  : i32 {
      %mul3A_82 = arith.constant 5 : i32
      %mul3A_83 = arith.muli %scan3A_80, %mul3A_82 : i32
      %add3A_84 = arith.constant 0 : i32
      %add3A_85 = arith.addi %mul3A_83, %add3A_84 : i32
      %ge3A = arith.constant 2 : i32
      %ge3A_86 = arith.cmpi sge, %add3A_85, %ge3A : i32
      %convert_element_type3A = arith.extui %ge3A_86 : i1 to i32
      %cond3A = arith.constant 0 : i32
      %cond3A_87 = arith.cmpi ne, %convert_element_type3A, %cond3A : i32
      scf.if %cond3A_87 {
        %dma_wait3A_284 = arith.constant 0 : i32
        %dma_wait3A_285 = arith.constant 0 : i32
        %dma_wait3A_286 = tpu.memref_slice %arg6[%dma_wait3A_284, %dma_wait3A_285] : memref<10000x128xf32, #tpu.memory_space<vmem_shared>> -> memref<10000x128xf32, #tpu.memory_space<vmem_shared>>
        tpu.wait_indirect_dma semaphore(%arg19 : memref<!tpu.dma_semaphore, #tpu.memory_space<semaphore_mem>>) src(%arg16 : memref<40x128xf32, #tpu.memory_space<vmem>>) dst(%dma_wait3A_286 : memref<10000x128xf32, #tpu.memory_space<vmem_shared>>)
      } else {
      }
      %add3A_88 = arith.constant 3 : i32
      %add3A_89 = arith.addi %add3A_85, %add3A_88 : i32
      %lt3A = arith.constant 250 : i32
      %lt3A_90 = arith.cmpi slt, %add3A_89, %lt3A : i32
      %add3A_91 = arith.constant 3 : i32
      %add3A_92 = arith.addi %add3A_85, %add3A_91 : i32
      %convert_element_type3A_93 = arith.extui %lt3A_90 : i1 to i32
      %cond3A_94 = arith.constant 0 : i32
      %cond3A_95 = arith.cmpi ne, %convert_element_type3A_93, %cond3A_94 : i32
      scf.if %cond3A_95 {
        %mul3A_284 = arith.constant 40 : i32
        %mul3A_285 = arith.muli %add3A_92, %mul3A_284 : i32
        %dma_start3A_286 = tpu.memref_slice %arg7[%mul3A_285] : memref<10000xi32, #tpu.memory_space<vmem>> -> memref<40xi32, #tpu.memory_space<vmem>>
        %dma_start3A_287 = arith.constant 0 : i32
        %dma_start3A_288 = arith.constant 0 : i32
        %dma_start3A_289 = tpu.memref_slice %arg2[%dma_start3A_287, %dma_start3A_288] : memref<10000x128xf32, #tpu.memory_space<hbm>> -> memref<10000x128xf32, #tpu.memory_space<hbm>>
        tpu.enqueue_indirect_dma source(%dma_start3A_289 : memref<10000x128xf32, #tpu.memory_space<hbm>>) target(%arg16 : memref<40x128xf32, #tpu.memory_space<vmem>>) offsets(%dma_start3A_286 : memref<40xi32, #tpu.memory_space<vmem>>) semaphore(%arg18 : memref<!tpu.dma_semaphore, #tpu.memory_space<semaphore_mem>>)
      } else {
      }
      %mul3A_96 = arith.constant 40 : i32
      %mul3A_97 = arith.muli %add3A_85, %mul3A_96 : i32
      %dma_wait3A_98 = tpu.memref_slice %arg7[%mul3A_97] : memref<10000xi32, #tpu.memory_space<vmem>> -> memref<40xi32, #tpu.memory_space<vmem>>
      %dma_wait3A_99 = arith.constant 0 : i32
      %dma_wait3A_100 = arith.constant 0 : i32
      %dma_wait3A_101 = tpu.memref_slice %arg2[%dma_wait3A_99, %dma_wait3A_100] : memref<10000x128xf32, #tpu.memory_space<hbm>> -> memref<10000x128xf32, #tpu.memory_space<hbm>>
      tpu.wait_indirect_dma semaphore(%arg18 : memref<!tpu.dma_semaphore, #tpu.memory_space<semaphore_mem>>) src(%dma_wait3A_101 : memref<10000x128xf32, #tpu.memory_space<hbm>>) dst(%arg13 : memref<40x128xf32, #tpu.memory_space<vmem>>)
      %mul3A_102 = arith.constant 40 : i32
      %mul3A_103 = arith.muli %add3A_85, %mul3A_102 : i32
      %add3A_104 = arith.addi %mul3A_2, %mul3A_103 : i32
      %dma_wait3A_105 = tpu.memref_slice %arg4[%add3A_104] : memref<320000xi32, #tpu.memory_space<hbm>> -> memref<40xi32, #tpu.memory_space<hbm>>
      %dma_wait3A_106 = tpu.memref_slice %arg4[%add3A_104] : memref<320000xi32, #tpu.memory_space<hbm>> -> memref<40xi32, #tpu.memory_space<hbm>>
      tpu.wait_dma2 semaphore(%arg21 : memref<!tpu.dma_semaphore, #tpu.memory_space<semaphore_mem>>) src(%dma_wait3A_106 : memref<40xi32, #tpu.memory_space<hbm>>) dst(%arg8 : memref<40xi32, #tpu.memory_space<vmem>>)
      %dma_start3A_107 = arith.constant 0 : i32
      %dma_start3A_108 = arith.constant 0 : i32
      %dma_start3A_109 = tpu.memref_slice %arg6[%dma_start3A_107, %dma_start3A_108] : memref<10000x128xf32, #tpu.memory_space<vmem_shared>> -> memref<10000x128xf32, #tpu.memory_space<vmem_shared>>
      tpu.enqueue_indirect_dma source(%arg13 : memref<40x128xf32, #tpu.memory_space<vmem>>) target(%dma_start3A_109 : memref<10000x128xf32, #tpu.memory_space<vmem_shared>>) offsets(%arg8 : memref<40xi32, #tpu.memory_space<vmem>>) semaphore(%arg19 : memref<!tpu.dma_semaphore, #tpu.memory_space<semaphore_mem>>) {add = true}
      %add3A_110 = arith.constant 3 : i32
      %add3A_111 = arith.addi %add3A_85, %add3A_110 : i32
      %lt3A_112 = arith.constant 250 : i32
      %lt3A_113 = arith.cmpi slt, %add3A_111, %lt3A_112 : i32
      %add3A_114 = arith.constant 3 : i32
      %add3A_115 = arith.addi %add3A_85, %add3A_114 : i32
      %convert_element_type3A_116 = arith.extui %lt3A_113 : i1 to i32
      %cond3A_117 = arith.constant 0 : i32
      %cond3A_118 = arith.cmpi ne, %convert_element_type3A_116, %cond3A_117 : i32
      scf.if %cond3A_118 {
        %mul3A_284 = arith.constant 40 : i32
        %mul3A_285 = arith.muli %add3A_115, %mul3A_284 : i32
        %add3A_286 = arith.addi %mul3A_2, %mul3A_285 : i32
        %dma_start3A_287 = tpu.memref_slice %arg4[%add3A_286] : memref<320000xi32, #tpu.memory_space<hbm>> -> memref<40xi32, #tpu.memory_space<hbm>>
        %dma_start3A_288 = tpu.memref_slice %arg4[%add3A_286] : memref<320000xi32, #tpu.memory_space<hbm>> -> memref<40xi32, #tpu.memory_space<hbm>>
        tpu.enqueue_dma source(%dma_start3A_288 : memref<40xi32, #tpu.memory_space<hbm>>) target(%arg11 : memref<40xi32, #tpu.memory_space<vmem>>) target_semaphore(%arg21 : memref<!tpu.dma_semaphore, #tpu.memory_space<semaphore_mem>>)
      } else {
      }
      %mul3A_119 = arith.constant 5 : i32
      %mul3A_120 = arith.muli %scan3A_80, %mul3A_119 : i32
      %add3A_121 = arith.constant 1 : i32
      %add3A_122 = arith.addi %mul3A_120, %add3A_121 : i32
      %ge3A_123 = arith.constant 2 : i32
      %ge3A_124 = arith.cmpi sge, %add3A_122, %ge3A_123 : i32
      %convert_element_type3A_125 = arith.extui %ge3A_124 : i1 to i32
      %cond3A_126 = arith.constant 0 : i32
      %cond3A_127 = arith.cmpi ne, %convert_element_type3A_125, %cond3A_126 : i32
      scf.if %cond3A_127 {
        %dma_wait3A_284 = arith.constant 0 : i32
        %dma_wait3A_285 = arith.constant 0 : i32
        %dma_wait3A_286 = tpu.memref_slice %arg6[%dma_wait3A_284, %dma_wait3A_285] : memref<10000x128xf32, #tpu.memory_space<vmem_shared>> -> memref<10000x128xf32, #tpu.memory_space<vmem_shared>>
        tpu.wait_indirect_dma semaphore(%arg19 : memref<!tpu.dma_semaphore, #tpu.memory_space<semaphore_mem>>) src(%arg17 : memref<40x128xf32, #tpu.memory_space<vmem>>) dst(%dma_wait3A_286 : memref<10000x128xf32, #tpu.memory_space<vmem_shared>>)
      } else {
      }
      %add3A_128 = arith.constant 3 : i32
      %add3A_129 = arith.addi %add3A_122, %add3A_128 : i32
      %lt3A_130 = arith.constant 250 : i32
      %lt3A_131 = arith.cmpi slt, %add3A_129, %lt3A_130 : i32
      %add3A_132 = arith.constant 3 : i32
      %add3A_133 = arith.addi %add3A_122, %add3A_132 : i32
      %convert_element_type3A_134 = arith.extui %lt3A_131 : i1 to i32
      %cond3A_135 = arith.constant 0 : i32
      %cond3A_136 = arith.cmpi ne, %convert_element_type3A_134, %cond3A_135 : i32
      scf.if %cond3A_136 {
        %mul3A_284 = arith.constant 40 : i32
        %mul3A_285 = arith.muli %add3A_133, %mul3A_284 : i32
        %dma_start3A_286 = tpu.memref_slice %arg7[%mul3A_285] : memref<10000xi32, #tpu.memory_space<vmem>> -> memref<40xi32, #tpu.memory_space<vmem>>
        %dma_start3A_287 = arith.constant 0 : i32
        %dma_start3A_288 = arith.constant 0 : i32
        %dma_start3A_289 = tpu.memref_slice %arg2[%dma_start3A_287, %dma_start3A_288] : memref<10000x128xf32, #tpu.memory_space<hbm>> -> memref<10000x128xf32, #tpu.memory_space<hbm>>
        tpu.enqueue_indirect_dma source(%dma_start3A_289 : memref<10000x128xf32, #tpu.memory_space<hbm>>) target(%arg17 : memref<40x128xf32, #tpu.memory_space<vmem>>) offsets(%dma_start3A_286 : memref<40xi32, #tpu.memory_space<vmem>>) semaphore(%arg18 : memref<!tpu.dma_semaphore, #tpu.memory_space<semaphore_mem>>)
      } else {
      }
      %mul3A_137 = arith.constant 40 : i32
      %mul3A_138 = arith.muli %add3A_122, %mul3A_137 : i32
      %dma_wait3A_139 = tpu.memref_slice %arg7[%mul3A_138] : memref<10000xi32, #tpu.memory_space<vmem>> -> memref<40xi32, #tpu.memory_space<vmem>>
      %dma_wait3A_140 = arith.constant 0 : i32
      %dma_wait3A_141 = arith.constant 0 : i32
      %dma_wait3A_142 = tpu.memref_slice %arg2[%dma_wait3A_140, %dma_wait3A_141] : memref<10000x128xf32, #tpu.memory_space<hbm>> -> memref<10000x128xf32, #tpu.memory_space<hbm>>
      tpu.wait_indirect_dma semaphore(%arg18 : memref<!tpu.dma_semaphore, #tpu.memory_space<semaphore_mem>>) src(%dma_wait3A_142 : memref<10000x128xf32, #tpu.memory_space<hbm>>) dst(%arg14 : memref<40x128xf32, #tpu.memory_space<vmem>>)
      %mul3A_143 = arith.constant 40 : i32
      %mul3A_144 = arith.muli %add3A_122, %mul3A_143 : i32
      %add3A_145 = arith.addi %mul3A_2, %mul3A_144 : i32
      %dma_wait3A_146 = tpu.memref_slice %arg4[%add3A_145] : memref<320000xi32, #tpu.memory_space<hbm>> -> memref<40xi32, #tpu.memory_space<hbm>>
      %dma_wait3A_147 = tpu.memref_slice %arg4[%add3A_145] : memref<320000xi32, #tpu.memory_space<hbm>> -> memref<40xi32, #tpu.memory_space<hbm>>
      tpu.wait_dma2 semaphore(%arg21 : memref<!tpu.dma_semaphore, #tpu.memory_space<semaphore_mem>>) src(%dma_wait3A_147 : memref<40xi32, #tpu.memory_space<hbm>>) dst(%arg9 : memref<40xi32, #tpu.memory_space<vmem>>)
      %dma_start3A_148 = arith.constant 0 : i32
      %dma_start3A_149 = arith.constant 0 : i32
      %dma_start3A_150 = tpu.memref_slice %arg6[%dma_start3A_148, %dma_start3A_149] : memref<10000x128xf32, #tpu.memory_space<vmem_shared>> -> memref<10000x128xf32, #tpu.memory_space<vmem_shared>>
      tpu.enqueue_indirect_dma source(%arg14 : memref<40x128xf32, #tpu.memory_space<vmem>>) target(%dma_start3A_150 : memref<10000x128xf32, #tpu.memory_space<vmem_shared>>) offsets(%arg9 : memref<40xi32, #tpu.memory_space<vmem>>) semaphore(%arg19 : memref<!tpu.dma_semaphore, #tpu.memory_space<semaphore_mem>>) {add = true}
      %add3A_151 = arith.constant 3 : i32
      %add3A_152 = arith.addi %add3A_122, %add3A_151 : i32
      %lt3A_153 = arith.constant 250 : i32
      %lt3A_154 = arith.cmpi slt, %add3A_152, %lt3A_153 : i32
      %add3A_155 = arith.constant 3 : i32
      %add3A_156 = arith.addi %add3A_122, %add3A_155 : i32
      %convert_element_type3A_157 = arith.extui %lt3A_154 : i1 to i32
      %cond3A_158 = arith.constant 0 : i32
      %cond3A_159 = arith.cmpi ne, %convert_element_type3A_157, %cond3A_158 : i32
      scf.if %cond3A_159 {
        %mul3A_284 = arith.constant 40 : i32
        %mul3A_285 = arith.muli %add3A_156, %mul3A_284 : i32
        %add3A_286 = arith.addi %mul3A_2, %mul3A_285 : i32
        %dma_start3A_287 = tpu.memref_slice %arg4[%add3A_286] : memref<320000xi32, #tpu.memory_space<hbm>> -> memref<40xi32, #tpu.memory_space<hbm>>
        %dma_start3A_288 = tpu.memref_slice %arg4[%add3A_286] : memref<320000xi32, #tpu.memory_space<hbm>> -> memref<40xi32, #tpu.memory_space<hbm>>
        tpu.enqueue_dma source(%dma_start3A_288 : memref<40xi32, #tpu.memory_space<hbm>>) target(%arg12 : memref<40xi32, #tpu.memory_space<vmem>>) target_semaphore(%arg21 : memref<!tpu.dma_semaphore, #tpu.memory_space<semaphore_mem>>)
      } else {
      }
      %mul3A_160 = arith.constant 5 : i32
      %mul3A_161 = arith.muli %scan3A_80, %mul3A_160 : i32
      %add3A_162 = arith.constant 2 : i32
      %add3A_163 = arith.addi %mul3A_161, %add3A_162 : i32
      %ge3A_164 = arith.constant 2 : i32
      %ge3A_165 = arith.cmpi sge, %add3A_163, %ge3A_164 : i32
      %convert_element_type3A_166 = arith.extui %ge3A_165 : i1 to i32
      %cond3A_167 = arith.constant 0 : i32
      %cond3A_168 = arith.cmpi ne, %convert_element_type3A_166, %cond3A_167 : i32
      scf.if %cond3A_168 {
        %dma_wait3A_284 = arith.constant 0 : i32
        %dma_wait3A_285 = arith.constant 0 : i32
        %dma_wait3A_286 = tpu.memref_slice %arg6[%dma_wait3A_284, %dma_wait3A_285] : memref<10000x128xf32, #tpu.memory_space<vmem_shared>> -> memref<10000x128xf32, #tpu.memory_space<vmem_shared>>
        tpu.wait_indirect_dma semaphore(%arg19 : memref<!tpu.dma_semaphore, #tpu.memory_space<semaphore_mem>>) src(%arg13 : memref<40x128xf32, #tpu.memory_space<vmem>>) dst(%dma_wait3A_286 : memref<10000x128xf32, #tpu.memory_space<vmem_shared>>)
      } else {
      }
      %add3A_169 = arith.constant 3 : i32
      %add3A_170 = arith.addi %add3A_163, %add3A_169 : i32
      %lt3A_171 = arith.constant 250 : i32
      %lt3A_172 = arith.cmpi slt, %add3A_170, %lt3A_171 : i32
      %add3A_173 = arith.constant 3 : i32
      %add3A_174 = arith.addi %add3A_163, %add3A_173 : i32
      %convert_element_type3A_175 = arith.extui %lt3A_172 : i1 to i32
      %cond3A_176 = arith.constant 0 : i32
      %cond3A_177 = arith.cmpi ne, %convert_element_type3A_175, %cond3A_176 : i32
      scf.if %cond3A_177 {
        %mul3A_284 = arith.constant 40 : i32
        %mul3A_285 = arith.muli %add3A_174, %mul3A_284 : i32
        %dma_start3A_286 = tpu.memref_slice %arg7[%mul3A_285] : memref<10000xi32, #tpu.memory_space<vmem>> -> memref<40xi32, #tpu.memory_space<vmem>>
        %dma_start3A_287 = arith.constant 0 : i32
        %dma_start3A_288 = arith.constant 0 : i32
        %dma_start3A_289 = tpu.memref_slice %arg2[%dma_start3A_287, %dma_start3A_288] : memref<10000x128xf32, #tpu.memory_space<hbm>> -> memref<10000x128xf32, #tpu.memory_space<hbm>>
        tpu.enqueue_indirect_dma source(%dma_start3A_289 : memref<10000x128xf32, #tpu.memory_space<hbm>>) target(%arg13 : memref<40x128xf32, #tpu.memory_space<vmem>>) offsets(%dma_start3A_286 : memref<40xi32, #tpu.memory_space<vmem>>) semaphore(%arg18 : memref<!tpu.dma_semaphore, #tpu.memory_space<semaphore_mem>>)
      } else {
      }
      %mul3A_178 = arith.constant 40 : i32
      %mul3A_179 = arith.muli %add3A_163, %mul3A_178 : i32
      %dma_wait3A_180 = tpu.memref_slice %arg7[%mul3A_179] : memref<10000xi32, #tpu.memory_space<vmem>> -> memref<40xi32, #tpu.memory_space<vmem>>
      %dma_wait3A_181 = arith.constant 0 : i32
      %dma_wait3A_182 = arith.constant 0 : i32
      %dma_wait3A_183 = tpu.memref_slice %arg2[%dma_wait3A_181, %dma_wait3A_182] : memref<10000x128xf32, #tpu.memory_space<hbm>> -> memref<10000x128xf32, #tpu.memory_space<hbm>>
      tpu.wait_indirect_dma semaphore(%arg18 : memref<!tpu.dma_semaphore, #tpu.memory_space<semaphore_mem>>) src(%dma_wait3A_183 : memref<10000x128xf32, #tpu.memory_space<hbm>>) dst(%arg15 : memref<40x128xf32, #tpu.memory_space<vmem>>)
      %mul3A_184 = arith.constant 40 : i32
      %mul3A_185 = arith.muli %add3A_163, %mul3A_184 : i32
      %add3A_186 = arith.addi %mul3A_2, %mul3A_185 : i32
      %dma_wait3A_187 = tpu.memref_slice %arg4[%add3A_186] : memref<320000xi32, #tpu.memory_space<hbm>> -> memref<40xi32, #tpu.memory_space<hbm>>
      %dma_wait3A_188 = tpu.memref_slice %arg4[%add3A_186] : memref<320000xi32, #tpu.memory_space<hbm>> -> memref<40xi32, #tpu.memory_space<hbm>>
      tpu.wait_dma2 semaphore(%arg21 : memref<!tpu.dma_semaphore, #tpu.memory_space<semaphore_mem>>) src(%dma_wait3A_188 : memref<40xi32, #tpu.memory_space<hbm>>) dst(%arg10 : memref<40xi32, #tpu.memory_space<vmem>>)
      %dma_start3A_189 = arith.constant 0 : i32
      %dma_start3A_190 = arith.constant 0 : i32
      %dma_start3A_191 = tpu.memref_slice %arg6[%dma_start3A_189, %dma_start3A_190] : memref<10000x128xf32, #tpu.memory_space<vmem_shared>> -> memref<10000x128xf32, #tpu.memory_space<vmem_shared>>
      tpu.enqueue_indirect_dma source(%arg15 : memref<40x128xf32, #tpu.memory_space<vmem>>) target(%dma_start3A_191 : memref<10000x128xf32, #tpu.memory_space<vmem_shared>>) offsets(%arg10 : memref<40xi32, #tpu.memory_space<vmem>>) semaphore(%arg19 : memref<!tpu.dma_semaphore, #tpu.memory_space<semaphore_mem>>) {add = true}
      %add3A_192 = arith.constant 3 : i32
      %add3A_193 = arith.addi %add3A_163, %add3A_192 : i32
      %lt3A_194 = arith.constant 250 : i32
      %lt3A_195 = arith.cmpi slt, %add3A_193, %lt3A_194 : i32
      %add3A_196 = arith.constant 3 : i32
      %add3A_197 = arith.addi %add3A_163, %add3A_196 : i32
      %convert_element_type3A_198 = arith.extui %lt3A_195 : i1 to i32
      %cond3A_199 = arith.constant 0 : i32
      %cond3A_200 = arith.cmpi ne, %convert_element_type3A_198, %cond3A_199 : i32
      scf.if %cond3A_200 {
        %mul3A_284 = arith.constant 40 : i32
        %mul3A_285 = arith.muli %add3A_197, %mul3A_284 : i32
        %add3A_286 = arith.addi %mul3A_2, %mul3A_285 : i32
        %dma_start3A_287 = tpu.memref_slice %arg4[%add3A_286] : memref<320000xi32, #tpu.memory_space<hbm>> -> memref<40xi32, #tpu.memory_space<hbm>>
        %dma_start3A_288 = tpu.memref_slice %arg4[%add3A_286] : memref<320000xi32, #tpu.memory_space<hbm>> -> memref<40xi32, #tpu.memory_space<hbm>>
        tpu.enqueue_dma source(%dma_start3A_288 : memref<40xi32, #tpu.memory_space<hbm>>) target(%arg8 : memref<40xi32, #tpu.memory_space<vmem>>) target_semaphore(%arg21 : memref<!tpu.dma_semaphore, #tpu.memory_space<semaphore_mem>>)
      } else {
      }
      %mul3A_201 = arith.constant 5 : i32
      %mul3A_202 = arith.muli %scan3A_80, %mul3A_201 : i32
      %add3A_203 = arith.constant 3 : i32
      %add3A_204 = arith.addi %mul3A_202, %add3A_203 : i32
      %ge3A_205 = arith.constant 2 : i32
      %ge3A_206 = arith.cmpi sge, %add3A_204, %ge3A_205 : i32
      %convert_element_type3A_207 = arith.extui %ge3A_206 : i1 to i32
      %cond3A_208 = arith.constant 0 : i32
      %cond3A_209 = arith.cmpi ne, %convert_element_type3A_207, %cond3A_208 : i32
      scf.if %cond3A_209 {
        %dma_wait3A_284 = arith.constant 0 : i32
        %dma_wait3A_285 = arith.constant 0 : i32
        %dma_wait3A_286 = tpu.memref_slice %arg6[%dma_wait3A_284, %dma_wait3A_285] : memref<10000x128xf32, #tpu.memory_space<vmem_shared>> -> memref<10000x128xf32, #tpu.memory_space<vmem_shared>>
        tpu.wait_indirect_dma semaphore(%arg19 : memref<!tpu.dma_semaphore, #tpu.memory_space<semaphore_mem>>) src(%arg14 : memref<40x128xf32, #tpu.memory_space<vmem>>) dst(%dma_wait3A_286 : memref<10000x128xf32, #tpu.memory_space<vmem_shared>>)
      } else {
      }
      %add3A_210 = arith.constant 3 : i32
      %add3A_211 = arith.addi %add3A_204, %add3A_210 : i32
      %lt3A_212 = arith.constant 250 : i32
      %lt3A_213 = arith.cmpi slt, %add3A_211, %lt3A_212 : i32
      %add3A_214 = arith.constant 3 : i32
      %add3A_215 = arith.addi %add3A_204, %add3A_214 : i32
      %convert_element_type3A_216 = arith.extui %lt3A_213 : i1 to i32
      %cond3A_217 = arith.constant 0 : i32
      %cond3A_218 = arith.cmpi ne, %convert_element_type3A_216, %cond3A_217 : i32
      scf.if %cond3A_218 {
        %mul3A_284 = arith.constant 40 : i32
        %mul3A_285 = arith.muli %add3A_215, %mul3A_284 : i32
        %dma_start3A_286 = tpu.memref_slice %arg7[%mul3A_285] : memref<10000xi32, #tpu.memory_space<vmem>> -> memref<40xi32, #tpu.memory_space<vmem>>
        %dma_start3A_287 = arith.constant 0 : i32
        %dma_start3A_288 = arith.constant 0 : i32
        %dma_start3A_289 = tpu.memref_slice %arg2[%dma_start3A_287, %dma_start3A_288] : memref<10000x128xf32, #tpu.memory_space<hbm>> -> memref<10000x128xf32, #tpu.memory_space<hbm>>
        tpu.enqueue_indirect_dma source(%dma_start3A_289 : memref<10000x128xf32, #tpu.memory_space<hbm>>) target(%arg14 : memref<40x128xf32, #tpu.memory_space<vmem>>) offsets(%dma_start3A_286 : memref<40xi32, #tpu.memory_space<vmem>>) semaphore(%arg18 : memref<!tpu.dma_semaphore, #tpu.memory_space<semaphore_mem>>)
      } else {
      }
      %mul3A_219 = arith.constant 40 : i32
      %mul3A_220 = arith.muli %add3A_204, %mul3A_219 : i32
      %dma_wait3A_221 = tpu.memref_slice %arg7[%mul3A_220] : memref<10000xi32, #tpu.memory_space<vmem>> -> memref<40xi32, #tpu.memory_space<vmem>>
      %dma_wait3A_222 = arith.constant 0 : i32
      %dma_wait3A_223 = arith.constant 0 : i32
      %dma_wait3A_224 = tpu.memref_slice %arg2[%dma_wait3A_222, %dma_wait3A_223] : memref<10000x128xf32, #tpu.memory_space<hbm>> -> memref<10000x128xf32, #tpu.memory_space<hbm>>
      tpu.wait_indirect_dma semaphore(%arg18 : memref<!tpu.dma_semaphore, #tpu.memory_space<semaphore_mem>>) src(%dma_wait3A_224 : memref<10000x128xf32, #tpu.memory_space<hbm>>) dst(%arg16 : memref<40x128xf32, #tpu.memory_space<vmem>>)
      %mul3A_225 = arith.constant 40 : i32
      %mul3A_226 = arith.muli %add3A_204, %mul3A_225 : i32
      %add3A_227 = arith.addi %mul3A_2, %mul3A_226 : i32
      %dma_wait3A_228 = tpu.memref_slice %arg4[%add3A_227] : memref<320000xi32, #tpu.memory_space<hbm>> -> memref<40xi32, #tpu.memory_space<hbm>>
      %dma_wait3A_229 = tpu.memref_slice %arg4[%add3A_227] : memref<320000xi32, #tpu.memory_space<hbm>> -> memref<40xi32, #tpu.memory_space<hbm>>
      tpu.wait_dma2 semaphore(%arg21 : memref<!tpu.dma_semaphore, #tpu.memory_space<semaphore_mem>>) src(%dma_wait3A_229 : memref<40xi32, #tpu.memory_space<hbm>>) dst(%arg11 : memref<40xi32, #tpu.memory_space<vmem>>)
      %dma_start3A_230 = arith.constant 0 : i32
      %dma_start3A_231 = arith.constant 0 : i32
      %dma_start3A_232 = tpu.memref_slice %arg6[%dma_start3A_230, %dma_start3A_231] : memref<10000x128xf32, #tpu.memory_space<vmem_shared>> -> memref<10000x128xf32, #tpu.memory_space<vmem_shared>>
      tpu.enqueue_indirect_dma source(%arg16 : memref<40x128xf32, #tpu.memory_space<vmem>>) target(%dma_start3A_232 : memref<10000x128xf32, #tpu.memory_space<vmem_shared>>) offsets(%arg11 : memref<40xi32, #tpu.memory_space<vmem>>) semaphore(%arg19 : memref<!tpu.dma_semaphore, #tpu.memory_space<semaphore_mem>>) {add = true}
      %add3A_233 = arith.constant 3 : i32
      %add3A_234 = arith.addi %add3A_204, %add3A_233 : i32
      %lt3A_235 = arith.constant 250 : i32
      %lt3A_236 = arith.cmpi slt, %add3A_234, %lt3A_235 : i32
      %add3A_237 = arith.constant 3 : i32
      %add3A_238 = arith.addi %add3A_204, %add3A_237 : i32
      %convert_element_type3A_239 = arith.extui %lt3A_236 : i1 to i32
      %cond3A_240 = arith.constant 0 : i32
      %cond3A_241 = arith.cmpi ne, %convert_element_type3A_239, %cond3A_240 : i32
      scf.if %cond3A_241 {
        %mul3A_284 = arith.constant 40 : i32
        %mul3A_285 = arith.muli %add3A_238, %mul3A_284 : i32
        %add3A_286 = arith.addi %mul3A_2, %mul3A_285 : i32
        %dma_start3A_287 = tpu.memref_slice %arg4[%add3A_286] : memref<320000xi32, #tpu.memory_space<hbm>> -> memref<40xi32, #tpu.memory_space<hbm>>
        %dma_start3A_288 = tpu.memref_slice %arg4[%add3A_286] : memref<320000xi32, #tpu.memory_space<hbm>> -> memref<40xi32, #tpu.memory_space<hbm>>
        tpu.enqueue_dma source(%dma_start3A_288 : memref<40xi32, #tpu.memory_space<hbm>>) target(%arg9 : memref<40xi32, #tpu.memory_space<vmem>>) target_semaphore(%arg21 : memref<!tpu.dma_semaphore, #tpu.memory_space<semaphore_mem>>)
      } else {
      }
      %mul3A_242 = arith.constant 5 : i32
      %mul3A_243 = arith.muli %scan3A_80, %mul3A_242 : i32
      %add3A_244 = arith.constant 4 : i32
      %add3A_245 = arith.addi %mul3A_243, %add3A_244 : i32
      %ge3A_246 = arith.constant 2 : i32
      %ge3A_247 = arith.cmpi sge, %add3A_245, %ge3A_246 : i32
      %convert_element_type3A_248 = arith.extui %ge3A_247 : i1 to i32
      %cond3A_249 = arith.constant 0 : i32
      %cond3A_250 = arith.cmpi ne, %convert_element_type3A_248, %cond3A_249 : i32
      scf.if %cond3A_250 {
        %dma_wait3A_284 = arith.constant 0 : i32
        %dma_wait3A_285 = arith.constant 0 : i32
        %dma_wait3A_286 = tpu.memref_slice %arg6[%dma_wait3A_284, %dma_wait3A_285] : memref<10000x128xf32, #tpu.memory_space<vmem_shared>> -> memref<10000x128xf32, #tpu.memory_space<vmem_shared>>
        tpu.wait_indirect_dma semaphore(%arg19 : memref<!tpu.dma_semaphore, #tpu.memory_space<semaphore_mem>>) src(%arg15 : memref<40x128xf32, #tpu.memory_space<vmem>>) dst(%dma_wait3A_286 : memref<10000x128xf32, #tpu.memory_space<vmem_shared>>)
      } else {
      }
      %add3A_251 = arith.constant 3 : i32
      %add3A_252 = arith.addi %add3A_245, %add3A_251 : i32
      %lt3A_253 = arith.constant 250 : i32
      %lt3A_254 = arith.cmpi slt, %add3A_252, %lt3A_253 : i32
      %add3A_255 = arith.constant 3 : i32
      %add3A_256 = arith.addi %add3A_245, %add3A_255 : i32
      %convert_element_type3A_257 = arith.extui %lt3A_254 : i1 to i32
      %cond3A_258 = arith.constant 0 : i32
      %cond3A_259 = arith.cmpi ne, %convert_element_type3A_257, %cond3A_258 : i32
      scf.if %cond3A_259 {
        %mul3A_284 = arith.constant 40 : i32
        %mul3A_285 = arith.muli %add3A_256, %mul3A_284 : i32
        %dma_start3A_286 = tpu.memref_slice %arg7[%mul3A_285] : memref<10000xi32, #tpu.memory_space<vmem>> -> memref<40xi32, #tpu.memory_space<vmem>>
        %dma_start3A_287 = arith.constant 0 : i32
        %dma_start3A_288 = arith.constant 0 : i32
        %dma_start3A_289 = tpu.memref_slice %arg2[%dma_start3A_287, %dma_start3A_288] : memref<10000x128xf32, #tpu.memory_space<hbm>> -> memref<10000x128xf32, #tpu.memory_space<hbm>>
        tpu.enqueue_indirect_dma source(%dma_start3A_289 : memref<10000x128xf32, #tpu.memory_space<hbm>>) target(%arg15 : memref<40x128xf32, #tpu.memory_space<vmem>>) offsets(%dma_start3A_286 : memref<40xi32, #tpu.memory_space<vmem>>) semaphore(%arg18 : memref<!tpu.dma_semaphore, #tpu.memory_space<semaphore_mem>>)
      } else {
      }
      %mul3A_260 = arith.constant 40 : i32
      %mul3A_261 = arith.muli %add3A_245, %mul3A_260 : i32
      %dma_wait3A_262 = tpu.memref_slice %arg7[%mul3A_261] : memref<10000xi32, #tpu.memory_space<vmem>> -> memref<40xi32, #tpu.memory_space<vmem>>
      %dma_wait3A_263 = arith.constant 0 : i32
      %dma_wait3A_264 = arith.constant 0 : i32
      %dma_wait3A_265 = tpu.memref_slice %arg2[%dma_wait3A_263, %dma_wait3A_264] : memref<10000x128xf32, #tpu.memory_space<hbm>> -> memref<10000x128xf32, #tpu.memory_space<hbm>>
      tpu.wait_indirect_dma semaphore(%arg18 : memref<!tpu.dma_semaphore, #tpu.memory_space<semaphore_mem>>) src(%dma_wait3A_265 : memref<10000x128xf32, #tpu.memory_space<hbm>>) dst(%arg17 : memref<40x128xf32, #tpu.memory_space<vmem>>)
      %mul3A_266 = arith.constant 40 : i32
      %mul3A_267 = arith.muli %add3A_245, %mul3A_266 : i32
      %add3A_268 = arith.addi %mul3A_2, %mul3A_267 : i32
      %dma_wait3A_269 = tpu.memref_slice %arg4[%add3A_268] : memref<320000xi32, #tpu.memory_space<hbm>> -> memref<40xi32, #tpu.memory_space<hbm>>
      %dma_wait3A_270 = tpu.memref_slice %arg4[%add3A_268] : memref<320000xi32, #tpu.memory_space<hbm>> -> memref<40xi32, #tpu.memory_space<hbm>>
      tpu.wait_dma2 semaphore(%arg21 : memref<!tpu.dma_semaphore, #tpu.memory_space<semaphore_mem>>) src(%dma_wait3A_270 : memref<40xi32, #tpu.memory_space<hbm>>) dst(%arg12 : memref<40xi32, #tpu.memory_space<vmem>>)
      %dma_start3A_271 = arith.constant 0 : i32
      %dma_start3A_272 = arith.constant 0 : i32
      %dma_start3A_273 = tpu.memref_slice %arg6[%dma_start3A_271, %dma_start3A_272] : memref<10000x128xf32, #tpu.memory_space<vmem_shared>> -> memref<10000x128xf32, #tpu.memory_space<vmem_shared>>
      tpu.enqueue_indirect_dma source(%arg17 : memref<40x128xf32, #tpu.memory_space<vmem>>) target(%dma_start3A_273 : memref<10000x128xf32, #tpu.memory_space<vmem_shared>>) offsets(%arg12 : memref<40xi32, #tpu.memory_space<vmem>>) semaphore(%arg19 : memref<!tpu.dma_semaphore, #tpu.memory_space<semaphore_mem>>) {add = true}
      %add3A_274 = arith.constant 3 : i32
      %add3A_275 = arith.addi %add3A_245, %add3A_274 : i32
      %lt3A_276 = arith.constant 250 : i32
      %lt3A_277 = arith.cmpi slt, %add3A_275, %lt3A_276 : i32
      %add3A_278 = arith.constant 3 : i32
      %add3A_279 = arith.addi %add3A_245, %add3A_278 : i32
      %convert_element_type3A_280 = arith.extui %lt3A_277 : i1 to i32
      %cond3A_281 = arith.constant 0 : i32
      %cond3A_282 = arith.cmpi ne, %convert_element_type3A_280, %cond3A_281 : i32
      scf.if %cond3A_282 {
        %mul3A_284 = arith.constant 40 : i32
        %mul3A_285 = arith.muli %add3A_279, %mul3A_284 : i32
        %add3A_286 = arith.addi %mul3A_2, %mul3A_285 : i32
        %dma_start3A_287 = tpu.memref_slice %arg4[%add3A_286] : memref<320000xi32, #tpu.memory_space<hbm>> -> memref<40xi32, #tpu.memory_space<hbm>>
        %dma_start3A_288 = tpu.memref_slice %arg4[%add3A_286] : memref<320000xi32, #tpu.memory_space<hbm>> -> memref<40xi32, #tpu.memory_space<hbm>>
        tpu.enqueue_dma source(%dma_start3A_288 : memref<40xi32, #tpu.memory_space<hbm>>) target(%arg10 : memref<40xi32, #tpu.memory_space<vmem>>) target_semaphore(%arg21 : memref<!tpu.dma_semaphore, #tpu.memory_space<semaphore_mem>>)
      } else {
      }
      %scan3A_283 = arith.constant 0 : i32
      scf.yield %scan3A_283 : i32
    }
    %scan3A_58 = arith.constant 50 : i32
    %dma_wait3A_59 = arith.constant 0 : i32
    %dma_wait3A_60 = arith.constant 0 : i32
    %dma_wait3A_61 = tpu.memref_slice %arg6[%dma_wait3A_59, %dma_wait3A_60] : memref<10000x128xf32, #tpu.memory_space<vmem_shared>> -> memref<10000x128xf32, #tpu.memory_space<vmem_shared>>
    tpu.wait_indirect_dma semaphore(%arg19 : memref<!tpu.dma_semaphore, #tpu.memory_space<semaphore_mem>>) src(%arg16 : memref<40x128xf32, #tpu.memory_space<vmem>>) dst(%dma_wait3A_61 : memref<10000x128xf32, #tpu.memory_space<vmem_shared>>)
    %dma_wait3A_62 = arith.constant 0 : i32
    %dma_wait3A_63 = arith.constant 0 : i32
    %dma_wait3A_64 = tpu.memref_slice %arg6[%dma_wait3A_62, %dma_wait3A_63] : memref<10000x128xf32, #tpu.memory_space<vmem_shared>> -> memref<10000x128xf32, #tpu.memory_space<vmem_shared>>
    tpu.wait_indirect_dma semaphore(%arg19 : memref<!tpu.dma_semaphore, #tpu.memory_space<semaphore_mem>>) src(%arg17 : memref<40x128xf32, #tpu.memory_space<vmem>>) dst(%dma_wait3A_64 : memref<10000x128xf32, #tpu.memory_space<vmem_shared>>)
    %barrier3A_65 = arith.constant 0 : index
    tpu.barrier barrier_id(%barrier3A_65)
    %scan3A_66 = arith.constant 0 : i32
    %scan3A_67 = arith.constant 0 : i32
    %scan3A_68 = arith.constant 16 : i32
    %scan3A_69 = arith.addi %scan3A_67, %scan3A_68 : i32
    %scan3A_70 = arith.constant 1 : i32
    %scan3A_71 = scf.for %scan3A_80 = %scan3A_67 to %scan3A_69 step %scan3A_70 iter_args(%scan3A_81 = %scan3A_66) -> (i32)  : i32 {
      %mul3A_82 = arith.constant 16 : i32
      %mul3A_83 = arith.muli %scan3A_80, %mul3A_82 : i32
      %add3A_84 = arith.addi %mul3A_83, %arg1 : i32
      %lt3A = arith.constant 250 : i32
      %lt3A_85 = arith.cmpi slt, %add3A_84, %lt3A : i32
      %convert_element_type3A = arith.extui %lt3A_85 : i1 to i32
      %cond3A = arith.constant 0 : i32
      %cond3A_86 = arith.cmpi ne, %convert_element_type3A, %cond3A : i32
      scf.if %cond3A_86 {
        %mul3A_88 = arith.constant 40 : i32
        %mul3A_89 = arith.muli %add3A_84, %mul3A_88 : i32
        %mul3A_90 = arith.constant 40 : i32
        %mul3A_91 = arith.muli %add3A_84, %mul3A_90 : i32
        %dma_start3A_92 = arith.constant 0 : i32
        %dma_start3A_93 = tpu.memref_slice %arg5[%arg0, %mul3A_91, %dma_start3A_92] : memref<2x10000x128xf32, #tpu.memory_space<hbm>> -> memref<1x40x128xf32, #tpu.memory_space<hbm>>
        %dma_start3A_94 = tpu.memref_squeeze %dma_start3A_93 : memref<1x40x128xf32, #tpu.memory_space<hbm>> -> memref<40x128xf32, #tpu.memory_space<hbm>>
        %dma_start3A_95 = arith.constant 0 : i32
        %dma_start3A_96 = tpu.memref_slice %arg6[%mul3A_89, %dma_start3A_95] : memref<10000x128xf32, #tpu.memory_space<vmem_shared>> -> memref<40x128xf32, #tpu.memory_space<vmem_shared>>
        tpu.enqueue_dma source(%dma_start3A_96 : memref<40x128xf32, #tpu.memory_space<vmem_shared>>) target(%dma_start3A_94 : memref<40x128xf32, #tpu.memory_space<hbm>>) target_semaphore(%arg21 : memref<!tpu.dma_semaphore, #tpu.memory_space<semaphore_mem>>)
      } else {
      }
      %scan3A_87 = arith.constant 0 : i32
      scf.yield %scan3A_87 : i32
    }
    %scan3A_72 = arith.constant 16 : i32
    %scan3A_73 = arith.constant 0 : i32
    %scan3A_74 = arith.constant 0 : i32
    %scan3A_75 = arith.constant 16 : i32
    %scan3A_76 = arith.addi %scan3A_74, %scan3A_75 : i32
    %scan3A_77 = arith.constant 1 : i32
    %scan3A_78 = scf.for %scan3A_80 = %scan3A_74 to %scan3A_76 step %scan3A_77 iter_args(%scan3A_81 = %scan3A_73) -> (i32)  : i32 {
      %mul3A_82 = arith.constant 16 : i32
      %mul3A_83 = arith.muli %scan3A_80, %mul3A_82 : i32
      %add3A_84 = arith.addi %mul3A_83, %arg1 : i32
      %lt3A = arith.constant 250 : i32
      %lt3A_85 = arith.cmpi slt, %add3A_84, %lt3A : i32
      %convert_element_type3A = arith.extui %lt3A_85 : i1 to i32
      %cond3A = arith.constant 0 : i32
      %cond3A_86 = arith.cmpi ne, %convert_element_type3A, %cond3A : i32
      scf.if %cond3A_86 {
        %mul3A_88 = arith.constant 40 : i32
        %mul3A_89 = arith.muli %add3A_84, %mul3A_88 : i32
        %mul3A_90 = arith.constant 40 : i32
        %mul3A_91 = arith.muli %add3A_84, %mul3A_90 : i32
        %dma_wait3A_92 = arith.constant 0 : i32
        %dma_wait3A_93 = tpu.memref_slice %arg5[%arg0, %mul3A_91, %dma_wait3A_92] : memref<2x10000x128xf32, #tpu.memory_space<hbm>> -> memref<1x40x128xf32, #tpu.memory_space<hbm>>
        %dma_wait3A_94 = tpu.memref_squeeze %dma_wait3A_93 : memref<1x40x128xf32, #tpu.memory_space<hbm>> -> memref<40x128xf32, #tpu.memory_space<hbm>>
        %dma_wait3A_95 = arith.constant 0 : i32
        %dma_wait3A_96 = tpu.memref_slice %arg6[%mul3A_89, %dma_wait3A_95] : memref<10000x128xf32, #tpu.memory_space<vmem_shared>> -> memref<40x128xf32, #tpu.memory_space<vmem_shared>>
        tpu.wait_dma2 semaphore(%arg21 : memref<!tpu.dma_semaphore, #tpu.memory_space<semaphore_mem>>) src(%dma_wait3A_96 : memref<40x128xf32, #tpu.memory_space<vmem_shared>>) dst(%dma_wait3A_94 : memref<40x128xf32, #tpu.memory_space<hbm>>)
      } else {
      }
      %scan3A_87 = arith.constant 0 : i32
      scf.yield %scan3A_87 : i32
    }
    %scan3A_79 = arith.constant 16 : i32
    return
  }
}

#map = affine_map<(d0, d1) -> (0, 0)>
#map1 = affine_map<(d0, d1) -> (0)>
#map2 = affine_map<(d0, d1) -> (0, 0, 0)>
module attributes {stable_mosaic.version = 14 : i64} {
  func.func @scat(%arg0: i32, %arg1: i32, %arg2: memref<10000x128xf32, #tpu.memory_space<hbm>>, %arg3: memref<320000xi32, #tpu.memory_space<hbm>>, %arg4: memref<320000xi32, #tpu.memory_space<hbm>>, %arg5: memref<2x10000x128xf32, #tpu.memory_space<hbm>>, %arg6: memref<10000x128xf32, #tpu.memory_space<vmem_shared>>, %arg7: memref<10000xi32, #tpu.memory_space<vmem>>, %arg8: memref<40xi32, #tpu.memory_space<vmem>>, %arg9: memref<40xi32, #tpu.memory_space<vmem>>, %arg10: memref<40xi32, #tpu.memory_space<vmem>>, %arg11: memref<40xi32, #tpu.memory_space<vmem>>, %arg12: memref<40xi32, #tpu.memory_space<vmem>>, %arg13: memref<40x128xf32, #tpu.memory_space<vmem>>, %arg14: memref<40x128xf32, #tpu.memory_space<vmem>>, %arg15: memref<40x128xf32, #tpu.memory_space<vmem>>, %arg16: memref<40x128xf32, #tpu.memory_space<vmem>>, %arg17: memref<40x128xf32, #tpu.memory_space<vmem>>, %arg18: memref<!tpu.dma_semaphore, #tpu.memory_space<semaphore_mem>>, %arg19: memref<!tpu.dma_semaphore, #tpu.memory_space<semaphore_mem>>, %arg20: memref<!tpu.dma_semaphore, #tpu.memory_space<semaphore_mem>>, %arg21: memref<!tpu.dma_semaphore, #tpu.memory_space<semaphore_mem>>) attributes {dimension_semantics = [#tpu.dimension_semantics<core_parallel>, #tpu.dimension_semantics<subcore_parallel>], iteration_bounds = array<i64: 2, 16>, scalar_prefetch = 0 : i64, scratch_operands = 16 : i64, tpu.core_type = #tpu.core_type<sc_vector_subcore>, window_params = [{transform_indices = #map}, {transform_indices = #map1}, {transform_indices = #map1}, {transform_indices = #map2}]} {
    %mul3A = arith.constant 2 : i32
    %mul3A_0 = arith.muli %arg1, %mul3A : i32
    %add3A = arith.addi %mul3A_0, %arg0 : i32
    %mul3A_1 = arith.constant 10000 : i32
    %mul3A_2 = arith.muli %add3A, %mul3A_1 : i32
    %dma_start3A = tpu.memref_slice %arg3[%mul3A_2] : memref<320000xi32, #tpu.memory_space<hbm>> -> memref<10000xi32, #tpu.memory_space<hbm>>
    %dma_start3A_3 = tpu.memref_slice %arg3[%mul3A_2] : memref<320000xi32, #tpu.memory_space<hbm>> -> memref<10000xi32, #tpu.memory_space<hbm>>
    tpu.enqueue_dma source(%dma_start3A_3 : memref<10000xi32, #tpu.memory_space<hbm>>) target(%arg7 : memref<10000xi32, #tpu.memory_space<vmem>>) target_semaphore(%arg20 : memref<!tpu.dma_semaphore, #tpu.memory_space<semaphore_mem>>)
    %scan3A = arith.constant 0 : i32
    %scan3A_4 = arith.constant 0 : i32
    %scan3A_5 = arith.constant 40 : i32
    %scan3A_6 = arith.addi %scan3A_4, %scan3A_5 : i32
    %scan3A_7 = arith.constant 1 : i32
    %scan3A_8 = scf.for %scan3A_80 = %scan3A_4 to %scan3A_6 step %scan3A_7 iter_args(%scan3A_81 = %scan3A) -> (i32)  : i32 {
      %broadcast_in_dim3A = arith.constant 0.000000e+00 : f32
      %broadcast_in_dim3A_82 = vector.broadcast %broadcast_in_dim3A : f32 to vector<16xf32>
      %swap3A = arith.index_cast %scan3A_80 : i32 to index
      %swap3A_83 = arith.constant 0 : index
      %swap3A_84 = tpu.vector_load %arg13[%swap3A, %swap3A_83] {strides = array<i32>} : memref<40x128xf32, #tpu.memory_space<vmem>>, vector<1x16xf32>,
      %swap3A_85 = vector.shape_cast %swap3A_84 : vector<1x16xf32> to vector<16xf32>
      %swap3A_86 = vector.shape_cast %broadcast_in_dim3A_82 : vector<16xf32> to vector<1x16xf32>
      tpu.vector_store %arg13[%swap3A, %swap3A_83], %swap3A_86 {strides = array<i32>} : memref<40x128xf32, #tpu.memory_space<vmem>>, vector<1x16xf32>,
      %broadcast_in_dim3A_87 = arith.constant 0.000000e+00 : f32
      %broadcast_in_dim3A_88 = vector.broadcast %broadcast_in_dim3A_87 : f32 to vector<16xf32>
      %swap3A_89 = arith.index_cast %scan3A_80 : i32 to index
      %swap3A_90 = arith.constant 16 : index
      %swap3A_91 = tpu.vector_load %arg13[%swap3A_89, %swap3A_90] {strides = array<i32>} : memref<40x128xf32, #tpu.memory_space<vmem>>, vector<1x16xf32>,
      %swap3A_92 = vector.shape_cast %swap3A_91 : vector<1x16xf32> to vector<16xf32>
      %swap3A_93 = vector.shape_cast %broadcast_in_dim3A_88 : vector<16xf32> to vector<1x16xf32>
      tpu.vector_store %arg13[%swap3A_89, %swap3A_90], %swap3A_93 {strides = array<i32>} : memref<40x128xf32, #tpu.memory_space<vmem>>, vector<1x16xf32>,
      %broadcast_in_dim3A_94 = arith.constant 0.000000e+00 : f32
      %broadcast_in_dim3A_95 = vector.broadcast %broadcast_in_dim3A_94 : f32 to vector<16xf32>
      %swap3A_96 = arith.index_cast %scan3A_80 : i32 to index
      %swap3A_97 = arith.constant 32 : index
      %swap3A_98 = tpu.vector_load %arg13[%swap3A_96, %swap3A_97] {strides = array<i32>} : memref<40x128xf32, #tpu.memory_space<vmem>>, vector<1x16xf32>,
      %swap3A_99 = vector.shape_cast %swap3A_98 : vector<1x16xf32> to vector<16xf32>
      %swap3A_100 = vector.shape_cast %broadcast_in_dim3A_95 : vector<16xf32> to vector<1x16xf32>
      tpu.vector_store %arg13[%swap3A_96, %swap3A_97], %swap3A_100 {strides = array<i32>} : memref<40x128xf32, #tpu.memory_space<vmem>>, vector<1x16xf32>,
      %broadcast_in_dim3A_101 = arith.constant 0.000000e+00 : f32
      %broadcast_in_dim3A_102 = vector.broadcast %broadcast_in_dim3A_101 : f32 to vector<16xf32>
      %swap3A_103 = arith.index_cast %scan3A_80 : i32 to index
      %swap3A_104 = arith.constant 48 : index
      %swap3A_105 = tpu.vector_load %arg13[%swap3A_103, %swap3A_104] {strides = array<i32>} : memref<40x128xf32, #tpu.memory_space<vmem>>, vector<1x16xf32>,
      %swap3A_106 = vector.shape_cast %swap3A_105 : vector<1x16xf32> to vector<16xf32>
      %swap3A_107 = vector.shape_cast %broadcast_in_dim3A_102 : vector<16xf32> to vector<1x16xf32>
      tpu.vector_store %arg13[%swap3A_103, %swap3A_104], %swap3A_107 {strides = array<i32>} : memref<40x128xf32, #tpu.memory_space<vmem>>, vector<1x16xf32>,
      %broadcast_in_dim3A_108 = arith.constant 0.000000e+00 : f32
      %broadcast_in_dim3A_109 = vector.broadcast %broadcast_in_dim3A_108 : f32 to vector<16xf32>
      %swap3A_110 = arith.index_cast %scan3A_80 : i32 to index
      %swap3A_111 = arith.constant 64 : index
      %swap3A_112 = tpu.vector_load %arg13[%swap3A_110, %swap3A_111] {strides = array<i32>} : memref<40x128xf32, #tpu.memory_space<vmem>>, vector<1x16xf32>,
      %swap3A_113 = vector.shape_cast %swap3A_112 : vector<1x16xf32> to vector<16xf32>
      %swap3A_114 = vector.shape_cast %broadcast_in_dim3A_109 : vector<16xf32> to vector<1x16xf32>
      tpu.vector_store %arg13[%swap3A_110, %swap3A_111], %swap3A_114 {strides = array<i32>} : memref<40x128xf32, #tpu.memory_space<vmem>>, vector<1x16xf32>,
      %broadcast_in_dim3A_115 = arith.constant 0.000000e+00 : f32
      %broadcast_in_dim3A_116 = vector.broadcast %broadcast_in_dim3A_115 : f32 to vector<16xf32>
      %swap3A_117 = arith.index_cast %scan3A_80 : i32 to index
      %swap3A_118 = arith.constant 80 : index
      %swap3A_119 = tpu.vector_load %arg13[%swap3A_117, %swap3A_118] {strides = array<i32>} : memref<40x128xf32, #tpu.memory_space<vmem>>, vector<1x16xf32>,
      %swap3A_120 = vector.shape_cast %swap3A_119 : vector<1x16xf32> to vector<16xf32>
      %swap3A_121 = vector.shape_cast %broadcast_in_dim3A_116 : vector<16xf32> to vector<1x16xf32>
      tpu.vector_store %arg13[%swap3A_117, %swap3A_118], %swap3A_121 {strides = array<i32>} : memref<40x128xf32, #tpu.memory_space<vmem>>, vector<1x16xf32>,
      %broadcast_in_dim3A_122 = arith.constant 0.000000e+00 : f32
      %broadcast_in_dim3A_123 = vector.broadcast %broadcast_in_dim3A_122 : f32 to vector<16xf32>
      %swap3A_124 = arith.index_cast %scan3A_80 : i32 to index
      %swap3A_125 = arith.constant 96 : index
      %swap3A_126 = tpu.vector_load %arg13[%swap3A_124, %swap3A_125] {strides = array<i32>} : memref<40x128xf32, #tpu.memory_space<vmem>>, vector<1x16xf32>,
      %swap3A_127 = vector.shape_cast %swap3A_126 : vector<1x16xf32> to vector<16xf32>
      %swap3A_128 = vector.shape_cast %broadcast_in_dim3A_123 : vector<16xf32> to vector<1x16xf32>
      tpu.vector_store %arg13[%swap3A_124, %swap3A_125], %swap3A_128 {strides = array<i32>} : memref<40x128xf32, #tpu.memory_space<vmem>>, vector<1x16xf32>,
      %broadcast_in_dim3A_129 = arith.constant 0.000000e+00 : f32
      %broadcast_in_dim3A_130 = vector.broadcast %broadcast_in_dim3A_129 : f32 to vector<16xf32>
      %swap3A_131 = arith.index_cast %scan3A_80 : i32 to index
      %swap3A_132 = arith.constant 112 : index
      %swap3A_133 = tpu.vector_load %arg13[%swap3A_131, %swap3A_132] {strides = array<i32>} : memref<40x128xf32, #tpu.memory_space<vmem>>, vector<1x16xf32>,
      %swap3A_134 = vector.shape_cast %swap3A_133 : vector<1x16xf32> to vector<16xf32>
      %swap3A_135 = vector.shape_cast %broadcast_in_dim3A_130 : vector<16xf32> to vector<1x16xf32>
      tpu.vector_store %arg13[%swap3A_131, %swap3A_132], %swap3A_135 {strides = array<i32>} : memref<40x128xf32, #tpu.memory_space<vmem>>, vector<1x16xf32>,
      %scan3A_136 = arith.constant 0 : i32
      scf.yield %scan3A_136 : i32
    }
    %scan3A_9 = arith.constant 40 : i32
    %scan3A_10 = arith.constant 0 : i32
    %scan3A_11 = arith.constant 0 : i32
    %scan3A_12 = arith.constant 16 : i32
    %scan3A_13 = arith.addi %scan3A_11, %scan3A_12 : i32
    %scan3A_14 = arith.constant 1 : i32
    %scan3A_15 = scf.for %scan3A_80 = %scan3A_11 to %scan3A_13 step %scan3A_14 iter_args(%scan3A_81 = %scan3A_10) -> (i32)  : i32 {
      %mul3A_82 = arith.constant 16 : i32
      %mul3A_83 = arith.muli %scan3A_80, %mul3A_82 : i32
      %add3A_84 = arith.addi %mul3A_83, %arg1 : i32
      %lt3A = arith.constant 250 : i32
      %lt3A_85 = arith.cmpi slt, %add3A_84, %lt3A : i32
      %convert_element_type3A = arith.extui %lt3A_85 : i1 to i32
      %cond3A = arith.constant 0 : i32
      %cond3A_86 = arith.cmpi ne, %convert_element_type3A, %cond3A : i32
      scf.if %cond3A_86 {
        %mul3A_88 = arith.constant 40 : i32
        %mul3A_89 = arith.muli %add3A_84, %mul3A_88 : i32
        %dma_start3A_90 = arith.constant 0 : i32
        %dma_start3A_91 = arith.constant 0 : i32
        %dma_start3A_92 = tpu.memref_slice %arg13[%dma_start3A_90, %dma_start3A_91] : memref<40x128xf32, #tpu.memory_space<vmem>> -> memref<40x128xf32, #tpu.memory_space<vmem>>
        %dma_start3A_93 = arith.constant 0 : i32
        %dma_start3A_94 = tpu.memref_slice %arg6[%mul3A_89, %dma_start3A_93] : memref<10000x128xf32, #tpu.memory_space<vmem_shared>> -> memref<40x128xf32, #tpu.memory_space<vmem_shared>>
        %dma_start3A_95 = arith.constant 0 : i32
        %dma_start3A_96 = tpu.memref_slice %arg6[%mul3A_89, %dma_start3A_95] : memref<10000x128xf32, #tpu.memory_space<vmem_shared>> -> memref<40x128xf32, #tpu.memory_space<vmem_shared>>
        %dma_start3A_97 = arith.constant 0 : i32
        %dma_start3A_98 = arith.constant 0 : i32
        %dma_start3A_99 = tpu.memref_slice %arg13[%dma_start3A_97, %dma_start3A_98] : memref<40x128xf32, #tpu.memory_space<vmem>> -> memref<40x128xf32, #tpu.memory_space<vmem>>
        tpu.enqueue_dma source(%dma_start3A_99 : memref<40x128xf32, #tpu.memory_space<vmem>>) target(%dma_start3A_96 : memref<40x128xf32, #tpu.memory_space<vmem_shared>>) target_semaphore(%arg19 : memref<!tpu.dma_semaphore, #tpu.memory_space<semaphore_mem>>)
      } else {
      }
      %scan3A_87 = arith.constant 0 : i32
      scf.yield %scan3A_87 : i32
    }
    %scan3A_16 = arith.constant 16 : i32
    %scan3A_17 = arith.constant 0 : i32
    %scan3A_18 = arith.constant 0 : i32
    %scan3A_19 = arith.constant 16 : i32
    %scan3A_20 = arith.addi %scan3A_18, %scan3A_19 : i32
    %scan3A_21 = arith.constant 1 : i32
    %scan3A_22 = scf.for %scan3A_80 = %scan3A_18 to %scan3A_20 step %scan3A_21 iter_args(%scan3A_81 = %scan3A_17) -> (i32)  : i32 {
      %mul3A_82 = arith.constant 16 : i32
      %mul3A_83 = arith.muli %scan3A_80, %mul3A_82 : i32
      %add3A_84 = arith.addi %mul3A_83, %arg1 : i32
      %lt3A = arith.constant 250 : i32
      %lt3A_85 = arith.cmpi slt, %add3A_84, %lt3A : i32
      %convert_element_type3A = arith.extui %lt3A_85 : i1 to i32
      %cond3A = arith.constant 0 : i32
      %cond3A_86 = arith.cmpi ne, %convert_element_type3A, %cond3A : i32
      scf.if %cond3A_86 {
        %mul3A_88 = arith.constant 40 : i32
        %mul3A_89 = arith.muli %add3A_84, %mul3A_88 : i32
        %dma_wait3A_90 = arith.constant 0 : i32
        %dma_wait3A_91 = arith.constant 0 : i32
        %dma_wait3A_92 = tpu.memref_slice %arg13[%dma_wait3A_90, %dma_wait3A_91] : memref<40x128xf32, #tpu.memory_space<vmem>> -> memref<40x128xf32, #tpu.memory_space<vmem>>
        %dma_wait3A_93 = arith.constant 0 : i32
        %dma_wait3A_94 = tpu.memref_slice %arg6[%mul3A_89, %dma_wait3A_93] : memref<10000x128xf32, #tpu.memory_space<vmem_shared>> -> memref<40x128xf32, #tpu.memory_space<vmem_shared>>
        %dma_wait3A_95 = arith.constant 0 : i32
        %dma_wait3A_96 = tpu.memref_slice %arg6[%mul3A_89, %dma_wait3A_95] : memref<10000x128xf32, #tpu.memory_space<vmem_shared>> -> memref<40x128xf32, #tpu.memory_space<vmem_shared>>
        %dma_wait3A_97 = arith.constant 0 : i32
        %dma_wait3A_98 = arith.constant 0 : i32
        %dma_wait3A_99 = tpu.memref_slice %arg13[%dma_wait3A_97, %dma_wait3A_98] : memref<40x128xf32, #tpu.memory_space<vmem>> -> memref<40x128xf32, #tpu.memory_space<vmem>>
        tpu.wait_dma2 semaphore(%arg19 : memref<!tpu.dma_semaphore, #tpu.memory_space<semaphore_mem>>) src(%dma_wait3A_99 : memref<40x128xf32, #tpu.memory_space<vmem>>) dst(%dma_wait3A_96 : memref<40x128xf32, #tpu.memory_space<vmem_shared>>)
      } else {
      }
      %scan3A_87 = arith.constant 0 : i32
      scf.yield %scan3A_87 : i32
    }
    %scan3A_23 = arith.constant 16 : i32
    %barrier3A = arith.constant 0 : index
    tpu.barrier barrier_id(%barrier3A)
    %add3A_24 = arith.constant 0 : i32
    %add3A_25 = arith.addi %mul3A_2, %add3A_24 : i32
    %dma_start3A_26 = tpu.memref_slice %arg4[%add3A_25] : memref<320000xi32, #tpu.memory_space<hbm>> -> memref<40xi32, #tpu.memory_space<hbm>>
    %dma_start3A_27 = tpu.memref_slice %arg4[%add3A_25] : memref<320000xi32, #tpu.memory_space<hbm>> -> memref<40xi32, #tpu.memory_space<hbm>>
    tpu.enqueue_dma source(%dma_start3A_27 : memref<40xi32, #tpu.memory_space<hbm>>) target(%arg8 : memref<40xi32, #tpu.memory_space<vmem>>) target_semaphore(%arg21 : memref<!tpu.dma_semaphore, #tpu.memory_space<semaphore_mem>>)
    %add3A_28 = arith.constant 40 : i32
    %add3A_29 = arith.addi %mul3A_2, %add3A_28 : i32
    %dma_start3A_30 = tpu.memref_slice %arg4[%add3A_29] : memref<320000xi32, #tpu.memory_space<hbm>> -> memref<40xi32, #tpu.memory_space<hbm>>
    %dma_start3A_31 = tpu.memref_slice %arg4[%add3A_29] : memref<320000xi32, #tpu.memory_space<hbm>> -> memref<40xi32, #tpu.memory_space<hbm>>
    tpu.enqueue_dma source(%dma_start3A_31 : memref<40xi32, #tpu.memory_space<hbm>>) target(%arg9 : memref<40xi32, #tpu.memory_space<vmem>>) target_semaphore(%arg21 : memref<!tpu.dma_semaphore, #tpu.memory_space<semaphore_mem>>)
    %add3A_32 = arith.constant 80 : i32
    %add3A_33 = arith.addi %mul3A_2, %add3A_32 : i32
    %dma_start3A_34 = tpu.memref_slice %arg4[%add3A_33] : memref<320000xi32, #tpu.memory_space<hbm>> -> memref<40xi32, #tpu.memory_space<hbm>>
    %dma_start3A_35 = tpu.memref_slice %arg4[%add3A_33] : memref<320000xi32, #tpu.memory_space<hbm>> -> memref<40xi32, #tpu.memory_space<hbm>>
    tpu.enqueue_dma source(%dma_start3A_35 : memref<40xi32, #tpu.memory_space<hbm>>) target(%arg10 : memref<40xi32, #tpu.memory_space<vmem>>) target_semaphore(%arg21 : memref<!tpu.dma_semaphore, #tpu.memory_space<semaphore_mem>>)
    %dma_wait3A = tpu.memref_slice %arg3[%mul3A_2] : memref<320000xi32, #tpu.memory_space<hbm>> -> memref<10000xi32, #tpu.memory_space<hbm>>
    %dma_wait3A_36 = tpu.memref_slice %arg3[%mul3A_2] : memref<320000xi32, #tpu.memory_space<hbm>> -> memref<10000xi32, #tpu.memory_space<hbm>>
    tpu.wait_dma2 semaphore(%arg20 : memref<!tpu.dma_semaphore, #tpu.memory_space<semaphore_mem>>) src(%dma_wait3A_36 : memref<10000xi32, #tpu.memory_space<hbm>>) dst(%arg7 : memref<10000xi32, #tpu.memory_space<vmem>>)
    %dma_start3A_37 = arith.constant 0 : i32
    %dma_start3A_38 = tpu.memref_slice %arg7[%dma_start3A_37] : memref<10000xi32, #tpu.memory_space<vmem>> -> memref<40xi32, #tpu.memory_space<vmem>>
    %dma_start3A_39 = arith.constant 0 : i32
    %dma_start3A_40 = arith.constant 0 : i32
    %dma_start3A_41 = tpu.memref_slice %arg2[%dma_start3A_39, %dma_start3A_40] : memref<10000x128xf32, #tpu.memory_space<hbm>> -> memref<10000x128xf32, #tpu.memory_space<hbm>>
    tpu.enqueue_indirect_dma source(%dma_start3A_41 : memref<10000x128xf32, #tpu.memory_space<hbm>>) target(%arg13 : memref<40x128xf32, #tpu.memory_space<vmem>>) offsets(%dma_start3A_38 : memref<40xi32, #tpu.memory_space<vmem>>) semaphore(%arg18 : memref<!tpu.dma_semaphore, #tpu.memory_space<semaphore_mem>>)
    %dma_start3A_42 = arith.constant 40 : i32
    %dma_start3A_43 = tpu.memref_slice %arg7[%dma_start3A_42] : memref<10000xi32, #tpu.memory_space<vmem>> -> memref<40xi32, #tpu.memory_space<vmem>>
    %dma_start3A_44 = arith.constant 0 : i32
    %dma_start3A_45 = arith.constant 0 : i32
    %dma_start3A_46 = tpu.memref_slice %arg2[%dma_start3A_44, %dma_start3A_45] : memref<10000x128xf32, #tpu.memory_space<hbm>> -> memref<10000x128xf32, #tpu.memory_space<hbm>>
    tpu.enqueue_indirect_dma source(%dma_start3A_46 : memref<10000x128xf32, #tpu.memory_space<hbm>>) target(%arg14 : memref<40x128xf32, #tpu.memory_space<vmem>>) offsets(%dma_start3A_43 : memref<40xi32, #tpu.memory_space<vmem>>) semaphore(%arg18 : memref<!tpu.dma_semaphore, #tpu.memory_space<semaphore_mem>>)
    %dma_start3A_47 = arith.constant 80 : i32
    %dma_start3A_48 = tpu.memref_slice %arg7[%dma_start3A_47] : memref<10000xi32, #tpu.memory_space<vmem>> -> memref<40xi32, #tpu.memory_space<vmem>>
    %dma_start3A_49 = arith.constant 0 : i32
    %dma_start3A_50 = arith.constant 0 : i32
    %dma_start3A_51 = tpu.memref_slice %arg2[%dma_start3A_49, %dma_start3A_50] : memref<10000x128xf32, #tpu.memory_space<hbm>> -> memref<10000x128xf32, #tpu.memory_space<hbm>>
    tpu.enqueue_indirect_dma source(%dma_start3A_51 : memref<10000x128xf32, #tpu.memory_space<hbm>>) target(%arg15 : memref<40x128xf32, #tpu.memory_space<vmem>>) offsets(%dma_start3A_48 : memref<40xi32, #tpu.memory_space<vmem>>) semaphore(%arg18 : memref<!tpu.dma_semaphore, #tpu.memory_space<semaphore_mem>>)
    %scan3A_52 = arith.constant 0 : i32
    %scan3A_53 = arith.constant 0 : i32
    %scan3A_54 = arith.constant 50 : i32
    %scan3A_55 = arith.addi %scan3A_53, %scan3A_54 : i32
    %scan3A_56 = arith.constant 1 : i32
    %scan3A_57 = scf.for %scan3A_80 = %scan3A_53 to %scan3A_55 step %scan3A_56 iter_args(%scan3A_81 = %scan3A_52) -> (i32)  : i32 {
      %mul3A_82 = arith.constant 5 : i32
      %mul3A_83 = arith.muli %scan3A_80, %mul3A_82 : i32
      %add3A_84 = arith.constant 0 : i32
      %add3A_85 = arith.addi %mul3A_83, %add3A_84 : i32
      %ge3A = arith.constant 2 : i32
      %ge3A_86 = arith.cmpi sge, %add3A_85, %ge3A : i32
      %convert_element_type3A = arith.extui %ge3A_86 : i1 to i32
      %cond3A = arith.constant 0 : i32
      %cond3A_87 = arith.cmpi ne, %convert_element_type3A, %cond3A : i32
      scf.if %cond3A_87 {
        %dma_wait3A_284 = arith.constant 0 : i32
        %dma_wait3A_285 = arith.constant 0 : i32
        %dma_wait3A_286 = tpu.memref_slice %arg6[%dma_wait3A_284, %dma_wait3A_285] : memref<10000x128xf32, #tpu.memory_space<vmem_shared>> -> memref<10000x128xf32, #tpu.memory_space<vmem_shared>>
        tpu.wait_indirect_dma semaphore(%arg19 : memref<!tpu.dma_semaphore, #tpu.memory_space<semaphore_mem>>) src(%arg16 : memref<40x128xf32, #tpu.memory_space<vmem>>) dst(%dma_wait3A_286 : memref<10000x128xf32, #tpu.memory_space<vmem_shared>>)
      } else {
      }
      %add3A_88 = arith.constant 3 : i32
      %add3A_89 = arith.addi %add3A_85, %add3A_88 : i32
      %lt3A = arith.constant 250 : i32
      %lt3A_90 = arith.cmpi slt, %add3A_89, %lt3A : i32
      %add3A_91 = arith.constant 3 : i32
      %add3A_92 = arith.addi %add3A_85, %add3A_91 : i32
      %convert_element_type3A_93 = arith.extui %lt3A_90 : i1 to i32
      %cond3A_94 = arith.constant 0 : i32
      %cond3A_95 = arith.cmpi ne, %convert_element_type3A_93, %cond3A_94 : i32
      scf.if %cond3A_95 {
        %mul3A_284 = arith.constant 40 : i32
        %mul3A_285 = arith.muli %add3A_92, %mul3A_284 : i32
        %dma_start3A_286 = tpu.memref_slice %arg7[%mul3A_285] : memref<10000xi32, #tpu.memory_space<vmem>> -> memref<40xi32, #tpu.memory_space<vmem>>
        %dma_start3A_287 = arith.constant 0 : i32
        %dma_start3A_288 = arith.constant 0 : i32
        %dma_start3A_289 = tpu.memref_slice %arg2[%dma_start3A_287, %dma_start3A_288] : memref<10000x128xf32, #tpu.memory_space<hbm>> -> memref<10000x128xf32, #tpu.memory_space<hbm>>
        tpu.enqueue_indirect_dma source(%dma_start3A_289 : memref<10000x128xf32, #tpu.memory_space<hbm>>) target(%arg16 : memref<40x128xf32, #tpu.memory_space<vmem>>) offsets(%dma_start3A_286 : memref<40xi32, #tpu.memory_space<vmem>>) semaphore(%arg18 : memref<!tpu.dma_semaphore, #tpu.memory_space<semaphore_mem>>)
      } else {
      }
      %mul3A_96 = arith.constant 40 : i32
      %mul3A_97 = arith.muli %add3A_85, %mul3A_96 : i32
      %dma_wait3A_98 = tpu.memref_slice %arg7[%mul3A_97] : memref<10000xi32, #tpu.memory_space<vmem>> -> memref<40xi32, #tpu.memory_space<vmem>>
      %dma_wait3A_99 = arith.constant 0 : i32
      %dma_wait3A_100 = arith.constant 0 : i32
      %dma_wait3A_101 = tpu.memref_slice %arg2[%dma_wait3A_99, %dma_wait3A_100] : memref<10000x128xf32, #tpu.memory_space<hbm>> -> memref<10000x128xf32, #tpu.memory_space<hbm>>
      tpu.wait_indirect_dma semaphore(%arg18 : memref<!tpu.dma_semaphore, #tpu.memory_space<semaphore_mem>>) src(%dma_wait3A_101 : memref<10000x128xf32, #tpu.memory_space<hbm>>) dst(%arg13 : memref<40x128xf32, #tpu.memory_space<vmem>>)
      %mul3A_102 = arith.constant 40 : i32
      %mul3A_103 = arith.muli %add3A_85, %mul3A_102 : i32
      %add3A_104 = arith.addi %mul3A_2, %mul3A_103 : i32
      %dma_wait3A_105 = tpu.memref_slice %arg4[%add3A_104] : memref<320000xi32, #tpu.memory_space<hbm>> -> memref<40xi32, #tpu.memory_space<hbm>>
      %dma_wait3A_106 = tpu.memref_slice %arg4[%add3A_104] : memref<320000xi32, #tpu.memory_space<hbm>> -> memref<40xi32, #tpu.memory_space<hbm>>
      tpu.wait_dma2 semaphore(%arg21 : memref<!tpu.dma_semaphore, #tpu.memory_space<semaphore_mem>>) src(%dma_wait3A_106 : memref<40xi32, #tpu.memory_space<hbm>>) dst(%arg8 : memref<40xi32, #tpu.memory_space<vmem>>)
      %dma_start3A_107 = arith.constant 0 : i32
      %dma_start3A_108 = arith.constant 0 : i32
      %dma_start3A_109 = tpu.memref_slice %arg6[%dma_start3A_107, %dma_start3A_108] : memref<10000x128xf32, #tpu.memory_space<vmem_shared>> -> memref<10000x128xf32, #tpu.memory_space<vmem_shared>>
      tpu.enqueue_indirect_dma source(%arg13 : memref<40x128xf32, #tpu.memory_space<vmem>>) target(%dma_start3A_109 : memref<10000x128xf32, #tpu.memory_space<vmem_shared>>) offsets(%arg8 : memref<40xi32, #tpu.memory_space<vmem>>) semaphore(%arg19 : memref<!tpu.dma_semaphore, #tpu.memory_space<semaphore_mem>>) {add = true}
      %add3A_110 = arith.constant 3 : i32
      %add3A_111 = arith.addi %add3A_85, %add3A_110 : i32
      %lt3A_112 = arith.constant 250 : i32
      %lt3A_113 = arith.cmpi slt, %add3A_111, %lt3A_112 : i32
      %add3A_114 = arith.constant 3 : i32
      %add3A_115 = arith.addi %add3A_85, %add3A_114 : i32
      %convert_element_type3A_116 = arith.extui %lt3A_113 : i1 to i32
      %cond3A_117 = arith.constant 0 : i32
      %cond3A_118 = arith.cmpi ne, %convert_element_type3A_116, %cond3A_117 : i32
      scf.if %cond3A_118 {
        %mul3A_284 = arith.constant 40 : i32
        %mul3A_285 = arith.muli %add3A_115, %mul3A_284 : i32
        %add3A_286 = arith.addi %mul3A_2, %mul3A_285 : i32
        %dma_start3A_287 = tpu.memref_slice %arg4[%add3A_286] : memref<320000xi32, #tpu.memory_space<hbm>> -> memref<40xi32, #tpu.memory_space<hbm>>
        %dma_start3A_288 = tpu.memref_slice %arg4[%add3A_286] : memref<320000xi32, #tpu.memory_space<hbm>> -> memref<40xi32, #tpu.memory_space<hbm>>
        tpu.enqueue_dma source(%dma_start3A_288 : memref<40xi32, #tpu.memory_space<hbm>>) target(%arg11 : memref<40xi32, #tpu.memory_space<vmem>>) target_semaphore(%arg21 : memref<!tpu.dma_semaphore, #tpu.memory_space<semaphore_mem>>)
      } else {
      }
      %mul3A_119 = arith.constant 5 : i32
      %mul3A_120 = arith.muli %scan3A_80, %mul3A_119 : i32
      %add3A_121 = arith.constant 1 : i32
      %add3A_122 = arith.addi %mul3A_120, %add3A_121 : i32
      %ge3A_123 = arith.constant 2 : i32
      %ge3A_124 = arith.cmpi sge, %add3A_122, %ge3A_123 : i32
      %convert_element_type3A_125 = arith.extui %ge3A_124 : i1 to i32
      %cond3A_126 = arith.constant 0 : i32
      %cond3A_127 = arith.cmpi ne, %convert_element_type3A_125, %cond3A_126 : i32
      scf.if %cond3A_127 {
        %dma_wait3A_284 = arith.constant 0 : i32
        %dma_wait3A_285 = arith.constant 0 : i32
        %dma_wait3A_286 = tpu.memref_slice %arg6[%dma_wait3A_284, %dma_wait3A_285] : memref<10000x128xf32, #tpu.memory_space<vmem_shared>> -> memref<10000x128xf32, #tpu.memory_space<vmem_shared>>
        tpu.wait_indirect_dma semaphore(%arg19 : memref<!tpu.dma_semaphore, #tpu.memory_space<semaphore_mem>>) src(%arg17 : memref<40x128xf32, #tpu.memory_space<vmem>>) dst(%dma_wait3A_286 : memref<10000x128xf32, #tpu.memory_space<vmem_shared>>)
      } else {
      }
      %add3A_128 = arith.constant 3 : i32
      %add3A_129 = arith.addi %add3A_122, %add3A_128 : i32
      %lt3A_130 = arith.constant 250 : i32
      %lt3A_131 = arith.cmpi slt, %add3A_129, %lt3A_130 : i32
      %add3A_132 = arith.constant 3 : i32
      %add3A_133 = arith.addi %add3A_122, %add3A_132 : i32
      %convert_element_type3A_134 = arith.extui %lt3A_131 : i1 to i32
      %cond3A_135 = arith.constant 0 : i32
      %cond3A_136 = arith.cmpi ne, %convert_element_type3A_134, %cond3A_135 : i32
      scf.if %cond3A_136 {
        %mul3A_284 = arith.constant 40 : i32
        %mul3A_285 = arith.muli %add3A_133, %mul3A_284 : i32
        %dma_start3A_286 = tpu.memref_slice %arg7[%mul3A_285] : memref<10000xi32, #tpu.memory_space<vmem>> -> memref<40xi32, #tpu.memory_space<vmem>>
        %dma_start3A_287 = arith.constant 0 : i32
        %dma_start3A_288 = arith.constant 0 : i32
        %dma_start3A_289 = tpu.memref_slice %arg2[%dma_start3A_287, %dma_start3A_288] : memref<10000x128xf32, #tpu.memory_space<hbm>> -> memref<10000x128xf32, #tpu.memory_space<hbm>>
        tpu.enqueue_indirect_dma source(%dma_start3A_289 : memref<10000x128xf32, #tpu.memory_space<hbm>>) target(%arg17 : memref<40x128xf32, #tpu.memory_space<vmem>>) offsets(%dma_start3A_286 : memref<40xi32, #tpu.memory_space<vmem>>) semaphore(%arg18 : memref<!tpu.dma_semaphore, #tpu.memory_space<semaphore_mem>>)
      } else {
      }
      %mul3A_137 = arith.constant 40 : i32
      %mul3A_138 = arith.muli %add3A_122, %mul3A_137 : i32
      %dma_wait3A_139 = tpu.memref_slice %arg7[%mul3A_138] : memref<10000xi32, #tpu.memory_space<vmem>> -> memref<40xi32, #tpu.memory_space<vmem>>
      %dma_wait3A_140 = arith.constant 0 : i32
      %dma_wait3A_141 = arith.constant 0 : i32
      %dma_wait3A_142 = tpu.memref_slice %arg2[%dma_wait3A_140, %dma_wait3A_141] : memref<10000x128xf32, #tpu.memory_space<hbm>> -> memref<10000x128xf32, #tpu.memory_space<hbm>>
      tpu.wait_indirect_dma semaphore(%arg18 : memref<!tpu.dma_semaphore, #tpu.memory_space<semaphore_mem>>) src(%dma_wait3A_142 : memref<10000x128xf32, #tpu.memory_space<hbm>>) dst(%arg14 : memref<40x128xf32, #tpu.memory_space<vmem>>)
      %mul3A_143 = arith.constant 40 : i32
      %mul3A_144 = arith.muli %add3A_122, %mul3A_143 : i32
      %add3A_145 = arith.addi %mul3A_2, %mul3A_144 : i32
      %dma_wait3A_146 = tpu.memref_slice %arg4[%add3A_145] : memref<320000xi32, #tpu.memory_space<hbm>> -> memref<40xi32, #tpu.memory_space<hbm>>
      %dma_wait3A_147 = tpu.memref_slice %arg4[%add3A_145] : memref<320000xi32, #tpu.memory_space<hbm>> -> memref<40xi32, #tpu.memory_space<hbm>>
      tpu.wait_dma2 semaphore(%arg21 : memref<!tpu.dma_semaphore, #tpu.memory_space<semaphore_mem>>) src(%dma_wait3A_147 : memref<40xi32, #tpu.memory_space<hbm>>) dst(%arg9 : memref<40xi32, #tpu.memory_space<vmem>>)
      %dma_start3A_148 = arith.constant 0 : i32
      %dma_start3A_149 = arith.constant 0 : i32
      %dma_start3A_150 = tpu.memref_slice %arg6[%dma_start3A_148, %dma_start3A_149] : memref<10000x128xf32, #tpu.memory_space<vmem_shared>> -> memref<10000x128xf32, #tpu.memory_space<vmem_shared>>
      tpu.enqueue_indirect_dma source(%arg14 : memref<40x128xf32, #tpu.memory_space<vmem>>) target(%dma_start3A_150 : memref<10000x128xf32, #tpu.memory_space<vmem_shared>>) offsets(%arg9 : memref<40xi32, #tpu.memory_space<vmem>>) semaphore(%arg19 : memref<!tpu.dma_semaphore, #tpu.memory_space<semaphore_mem>>) {add = true}
      %add3A_151 = arith.constant 3 : i32
      %add3A_152 = arith.addi %add3A_122, %add3A_151 : i32
      %lt3A_153 = arith.constant 250 : i32
      %lt3A_154 = arith.cmpi slt, %add3A_152, %lt3A_153 : i32
      %add3A_155 = arith.constant 3 : i32
      %add3A_156 = arith.addi %add3A_122, %add3A_155 : i32
      %convert_element_type3A_157 = arith.extui %lt3A_154 : i1 to i32
      %cond3A_158 = arith.constant 0 : i32
      %cond3A_159 = arith.cmpi ne, %convert_element_type3A_157, %cond3A_158 : i32
      scf.if %cond3A_159 {
        %mul3A_284 = arith.constant 40 : i32
        %mul3A_285 = arith.muli %add3A_156, %mul3A_284 : i32
        %add3A_286 = arith.addi %mul3A_2, %mul3A_285 : i32
        %dma_start3A_287 = tpu.memref_slice %arg4[%add3A_286] : memref<320000xi32, #tpu.memory_space<hbm>> -> memref<40xi32, #tpu.memory_space<hbm>>
        %dma_start3A_288 = tpu.memref_slice %arg4[%add3A_286] : memref<320000xi32, #tpu.memory_space<hbm>> -> memref<40xi32, #tpu.memory_space<hbm>>
        tpu.enqueue_dma source(%dma_start3A_288 : memref<40xi32, #tpu.memory_space<hbm>>) target(%arg12 : memref<40xi32, #tpu.memory_space<vmem>>) target_semaphore(%arg21 : memref<!tpu.dma_semaphore, #tpu.memory_space<semaphore_mem>>)
      } else {
      }
      %mul3A_160 = arith.constant 5 : i32
      %mul3A_161 = arith.muli %scan3A_80, %mul3A_160 : i32
      %add3A_162 = arith.constant 2 : i32
      %add3A_163 = arith.addi %mul3A_161, %add3A_162 : i32
      %ge3A_164 = arith.constant 2 : i32
      %ge3A_165 = arith.cmpi sge, %add3A_163, %ge3A_164 : i32
      %convert_element_type3A_166 = arith.extui %ge3A_165 : i1 to i32
      %cond3A_167 = arith.constant 0 : i32
      %cond3A_168 = arith.cmpi ne, %convert_element_type3A_166, %cond3A_167 : i32
      scf.if %cond3A_168 {
        %dma_wait3A_284 = arith.constant 0 : i32
        %dma_wait3A_285 = arith.constant 0 : i32
        %dma_wait3A_286 = tpu.memref_slice %arg6[%dma_wait3A_284, %dma_wait3A_285] : memref<10000x128xf32, #tpu.memory_space<vmem_shared>> -> memref<10000x128xf32, #tpu.memory_space<vmem_shared>>
        tpu.wait_indirect_dma semaphore(%arg19 : memref<!tpu.dma_semaphore, #tpu.memory_space<semaphore_mem>>) src(%arg13 : memref<40x128xf32, #tpu.memory_space<vmem>>) dst(%dma_wait3A_286 : memref<10000x128xf32, #tpu.memory_space<vmem_shared>>)
      } else {
      }
      %add3A_169 = arith.constant 3 : i32
      %add3A_170 = arith.addi %add3A_163, %add3A_169 : i32
      %lt3A_171 = arith.constant 250 : i32
      %lt3A_172 = arith.cmpi slt, %add3A_170, %lt3A_171 : i32
      %add3A_173 = arith.constant 3 : i32
      %add3A_174 = arith.addi %add3A_163, %add3A_173 : i32
      %convert_element_type3A_175 = arith.extui %lt3A_172 : i1 to i32
      %cond3A_176 = arith.constant 0 : i32
      %cond3A_177 = arith.cmpi ne, %convert_element_type3A_175, %cond3A_176 : i32
      scf.if %cond3A_177 {
        %mul3A_284 = arith.constant 40 : i32
        %mul3A_285 = arith.muli %add3A_174, %mul3A_284 : i32
        %dma_start3A_286 = tpu.memref_slice %arg7[%mul3A_285] : memref<10000xi32, #tpu.memory_space<vmem>> -> memref<40xi32, #tpu.memory_space<vmem>>
        %dma_start3A_287 = arith.constant 0 : i32
        %dma_start3A_288 = arith.constant 0 : i32
        %dma_start3A_289 = tpu.memref_slice %arg2[%dma_start3A_287, %dma_start3A_288] : memref<10000x128xf32, #tpu.memory_space<hbm>> -> memref<10000x128xf32, #tpu.memory_space<hbm>>
        tpu.enqueue_indirect_dma source(%dma_start3A_289 : memref<10000x128xf32, #tpu.memory_space<hbm>>) target(%arg13 : memref<40x128xf32, #tpu.memory_space<vmem>>) offsets(%dma_start3A_286 : memref<40xi32, #tpu.memory_space<vmem>>) semaphore(%arg18 : memref<!tpu.dma_semaphore, #tpu.memory_space<semaphore_mem>>)
      } else {
      }
      %mul3A_178 = arith.constant 40 : i32
      %mul3A_179 = arith.muli %add3A_163, %mul3A_178 : i32
      %dma_wait3A_180 = tpu.memref_slice %arg7[%mul3A_179] : memref<10000xi32, #tpu.memory_space<vmem>> -> memref<40xi32, #tpu.memory_space<vmem>>
      %dma_wait3A_181 = arith.constant 0 : i32
      %dma_wait3A_182 = arith.constant 0 : i32
      %dma_wait3A_183 = tpu.memref_slice %arg2[%dma_wait3A_181, %dma_wait3A_182] : memref<10000x128xf32, #tpu.memory_space<hbm>> -> memref<10000x128xf32, #tpu.memory_space<hbm>>
      tpu.wait_indirect_dma semaphore(%arg18 : memref<!tpu.dma_semaphore, #tpu.memory_space<semaphore_mem>>) src(%dma_wait3A_183 : memref<10000x128xf32, #tpu.memory_space<hbm>>) dst(%arg15 : memref<40x128xf32, #tpu.memory_space<vmem>>)
      %mul3A_184 = arith.constant 40 : i32
      %mul3A_185 = arith.muli %add3A_163, %mul3A_184 : i32
      %add3A_186 = arith.addi %mul3A_2, %mul3A_185 : i32
      %dma_wait3A_187 = tpu.memref_slice %arg4[%add3A_186] : memref<320000xi32, #tpu.memory_space<hbm>> -> memref<40xi32, #tpu.memory_space<hbm>>
      %dma_wait3A_188 = tpu.memref_slice %arg4[%add3A_186] : memref<320000xi32, #tpu.memory_space<hbm>> -> memref<40xi32, #tpu.memory_space<hbm>>
      tpu.wait_dma2 semaphore(%arg21 : memref<!tpu.dma_semaphore, #tpu.memory_space<semaphore_mem>>) src(%dma_wait3A_188 : memref<40xi32, #tpu.memory_space<hbm>>) dst(%arg10 : memref<40xi32, #tpu.memory_space<vmem>>)
      %dma_start3A_189 = arith.constant 0 : i32
      %dma_start3A_190 = arith.constant 0 : i32
      %dma_start3A_191 = tpu.memref_slice %arg6[%dma_start3A_189, %dma_start3A_190] : memref<10000x128xf32, #tpu.memory_space<vmem_shared>> -> memref<10000x128xf32, #tpu.memory_space<vmem_shared>>
      tpu.enqueue_indirect_dma source(%arg15 : memref<40x128xf32, #tpu.memory_space<vmem>>) target(%dma_start3A_191 : memref<10000x128xf32, #tpu.memory_space<vmem_shared>>) offsets(%arg10 : memref<40xi32, #tpu.memory_space<vmem>>) semaphore(%arg19 : memref<!tpu.dma_semaphore, #tpu.memory_space<semaphore_mem>>) {add = true}
      %add3A_192 = arith.constant 3 : i32
      %add3A_193 = arith.addi %add3A_163, %add3A_192 : i32
      %lt3A_194 = arith.constant 250 : i32
      %lt3A_195 = arith.cmpi slt, %add3A_193, %lt3A_194 : i32
      %add3A_196 = arith.constant 3 : i32
      %add3A_197 = arith.addi %add3A_163, %add3A_196 : i32
      %convert_element_type3A_198 = arith.extui %lt3A_195 : i1 to i32
      %cond3A_199 = arith.constant 0 : i32
      %cond3A_200 = arith.cmpi ne, %convert_element_type3A_198, %cond3A_199 : i32
      scf.if %cond3A_200 {
        %mul3A_284 = arith.constant 40 : i32
        %mul3A_285 = arith.muli %add3A_197, %mul3A_284 : i32
        %add3A_286 = arith.addi %mul3A_2, %mul3A_285 : i32
        %dma_start3A_287 = tpu.memref_slice %arg4[%add3A_286] : memref<320000xi32, #tpu.memory_space<hbm>> -> memref<40xi32, #tpu.memory_space<hbm>>
        %dma_start3A_288 = tpu.memref_slice %arg4[%add3A_286] : memref<320000xi32, #tpu.memory_space<hbm>> -> memref<40xi32, #tpu.memory_space<hbm>>
        tpu.enqueue_dma source(%dma_start3A_288 : memref<40xi32, #tpu.memory_space<hbm>>) target(%arg8 : memref<40xi32, #tpu.memory_space<vmem>>) target_semaphore(%arg21 : memref<!tpu.dma_semaphore, #tpu.memory_space<semaphore_mem>>)
      } else {
      }
      %mul3A_201 = arith.constant 5 : i32
      %mul3A_202 = arith.muli %scan3A_80, %mul3A_201 : i32
      %add3A_203 = arith.constant 3 : i32
      %add3A_204 = arith.addi %mul3A_202, %add3A_203 : i32
      %ge3A_205 = arith.constant 2 : i32
      %ge3A_206 = arith.cmpi sge, %add3A_204, %ge3A_205 : i32
      %convert_element_type3A_207 = arith.extui %ge3A_206 : i1 to i32
      %cond3A_208 = arith.constant 0 : i32
      %cond3A_209 = arith.cmpi ne, %convert_element_type3A_207, %cond3A_208 : i32
      scf.if %cond3A_209 {
        %dma_wait3A_284 = arith.constant 0 : i32
        %dma_wait3A_285 = arith.constant 0 : i32
        %dma_wait3A_286 = tpu.memref_slice %arg6[%dma_wait3A_284, %dma_wait3A_285] : memref<10000x128xf32, #tpu.memory_space<vmem_shared>> -> memref<10000x128xf32, #tpu.memory_space<vmem_shared>>
        tpu.wait_indirect_dma semaphore(%arg19 : memref<!tpu.dma_semaphore, #tpu.memory_space<semaphore_mem>>) src(%arg14 : memref<40x128xf32, #tpu.memory_space<vmem>>) dst(%dma_wait3A_286 : memref<10000x128xf32, #tpu.memory_space<vmem_shared>>)
      } else {
      }
      %add3A_210 = arith.constant 3 : i32
      %add3A_211 = arith.addi %add3A_204, %add3A_210 : i32
      %lt3A_212 = arith.constant 250 : i32
      %lt3A_213 = arith.cmpi slt, %add3A_211, %lt3A_212 : i32
      %add3A_214 = arith.constant 3 : i32
      %add3A_215 = arith.addi %add3A_204, %add3A_214 : i32
      %convert_element_type3A_216 = arith.extui %lt3A_213 : i1 to i32
      %cond3A_217 = arith.constant 0 : i32
      %cond3A_218 = arith.cmpi ne, %convert_element_type3A_216, %cond3A_217 : i32
      scf.if %cond3A_218 {
        %mul3A_284 = arith.constant 40 : i32
        %mul3A_285 = arith.muli %add3A_215, %mul3A_284 : i32
        %dma_start3A_286 = tpu.memref_slice %arg7[%mul3A_285] : memref<10000xi32, #tpu.memory_space<vmem>> -> memref<40xi32, #tpu.memory_space<vmem>>
        %dma_start3A_287 = arith.constant 0 : i32
        %dma_start3A_288 = arith.constant 0 : i32
        %dma_start3A_289 = tpu.memref_slice %arg2[%dma_start3A_287, %dma_start3A_288] : memref<10000x128xf32, #tpu.memory_space<hbm>> -> memref<10000x128xf32, #tpu.memory_space<hbm>>
        tpu.enqueue_indirect_dma source(%dma_start3A_289 : memref<10000x128xf32, #tpu.memory_space<hbm>>) target(%arg14 : memref<40x128xf32, #tpu.memory_space<vmem>>) offsets(%dma_start3A_286 : memref<40xi32, #tpu.memory_space<vmem>>) semaphore(%arg18 : memref<!tpu.dma_semaphore, #tpu.memory_space<semaphore_mem>>)
      } else {
      }
      %mul3A_219 = arith.constant 40 : i32
      %mul3A_220 = arith.muli %add3A_204, %mul3A_219 : i32
      %dma_wait3A_221 = tpu.memref_slice %arg7[%mul3A_220] : memref<10000xi32, #tpu.memory_space<vmem>> -> memref<40xi32, #tpu.memory_space<vmem>>
      %dma_wait3A_222 = arith.constant 0 : i32
      %dma_wait3A_223 = arith.constant 0 : i32
      %dma_wait3A_224 = tpu.memref_slice %arg2[%dma_wait3A_222, %dma_wait3A_223] : memref<10000x128xf32, #tpu.memory_space<hbm>> -> memref<10000x128xf32, #tpu.memory_space<hbm>>
      tpu.wait_indirect_dma semaphore(%arg18 : memref<!tpu.dma_semaphore, #tpu.memory_space<semaphore_mem>>) src(%dma_wait3A_224 : memref<10000x128xf32, #tpu.memory_space<hbm>>) dst(%arg16 : memref<40x128xf32, #tpu.memory_space<vmem>>)
      %mul3A_225 = arith.constant 40 : i32
      %mul3A_226 = arith.muli %add3A_204, %mul3A_225 : i32
      %add3A_227 = arith.addi %mul3A_2, %mul3A_226 : i32
      %dma_wait3A_228 = tpu.memref_slice %arg4[%add3A_227] : memref<320000xi32, #tpu.memory_space<hbm>> -> memref<40xi32, #tpu.memory_space<hbm>>
      %dma_wait3A_229 = tpu.memref_slice %arg4[%add3A_227] : memref<320000xi32, #tpu.memory_space<hbm>> -> memref<40xi32, #tpu.memory_space<hbm>>
      tpu.wait_dma2 semaphore(%arg21 : memref<!tpu.dma_semaphore, #tpu.memory_space<semaphore_mem>>) src(%dma_wait3A_229 : memref<40xi32, #tpu.memory_space<hbm>>) dst(%arg11 : memref<40xi32, #tpu.memory_space<vmem>>)
      %dma_start3A_230 = arith.constant 0 : i32
      %dma_start3A_231 = arith.constant 0 : i32
      %dma_start3A_232 = tpu.memref_slice %arg6[%dma_start3A_230, %dma_start3A_231] : memref<10000x128xf32, #tpu.memory_space<vmem_shared>> -> memref<10000x128xf32, #tpu.memory_space<vmem_shared>>
      tpu.enqueue_indirect_dma source(%arg16 : memref<40x128xf32, #tpu.memory_space<vmem>>) target(%dma_start3A_232 : memref<10000x128xf32, #tpu.memory_space<vmem_shared>>) offsets(%arg11 : memref<40xi32, #tpu.memory_space<vmem>>) semaphore(%arg19 : memref<!tpu.dma_semaphore, #tpu.memory_space<semaphore_mem>>) {add = true}
      %add3A_233 = arith.constant 3 : i32
      %add3A_234 = arith.addi %add3A_204, %add3A_233 : i32
      %lt3A_235 = arith.constant 250 : i32
      %lt3A_236 = arith.cmpi slt, %add3A_234, %lt3A_235 : i32
      %add3A_237 = arith.constant 3 : i32
      %add3A_238 = arith.addi %add3A_204, %add3A_237 : i32
      %convert_element_type3A_239 = arith.extui %lt3A_236 : i1 to i32
      %cond3A_240 = arith.constant 0 : i32
      %cond3A_241 = arith.cmpi ne, %convert_element_type3A_239, %cond3A_240 : i32
      scf.if %cond3A_241 {
        %mul3A_284 = arith.constant 40 : i32
        %mul3A_285 = arith.muli %add3A_238, %mul3A_284 : i32
        %add3A_286 = arith.addi %mul3A_2, %mul3A_285 : i32
        %dma_start3A_287 = tpu.memref_slice %arg4[%add3A_286] : memref<320000xi32, #tpu.memory_space<hbm>> -> memref<40xi32, #tpu.memory_space<hbm>>
        %dma_start3A_288 = tpu.memref_slice %arg4[%add3A_286] : memref<320000xi32, #tpu.memory_space<hbm>> -> memref<40xi32, #tpu.memory_space<hbm>>
        tpu.enqueue_dma source(%dma_start3A_288 : memref<40xi32, #tpu.memory_space<hbm>>) target(%arg9 : memref<40xi32, #tpu.memory_space<vmem>>) target_semaphore(%arg21 : memref<!tpu.dma_semaphore, #tpu.memory_space<semaphore_mem>>)
      } else {
      }
      %mul3A_242 = arith.constant 5 : i32
      %mul3A_243 = arith.muli %scan3A_80, %mul3A_242 : i32
      %add3A_244 = arith.constant 4 : i32
      %add3A_245 = arith.addi %mul3A_243, %add3A_244 : i32
      %ge3A_246 = arith.constant 2 : i32
      %ge3A_247 = arith.cmpi sge, %add3A_245, %ge3A_246 : i32
      %convert_element_type3A_248 = arith.extui %ge3A_247 : i1 to i32
      %cond3A_249 = arith.constant 0 : i32
      %cond3A_250 = arith.cmpi ne, %convert_element_type3A_248, %cond3A_249 : i32
      scf.if %cond3A_250 {
        %dma_wait3A_284 = arith.constant 0 : i32
        %dma_wait3A_285 = arith.constant 0 : i32
        %dma_wait3A_286 = tpu.memref_slice %arg6[%dma_wait3A_284, %dma_wait3A_285] : memref<10000x128xf32, #tpu.memory_space<vmem_shared>> -> memref<10000x128xf32, #tpu.memory_space<vmem_shared>>
        tpu.wait_indirect_dma semaphore(%arg19 : memref<!tpu.dma_semaphore, #tpu.memory_space<semaphore_mem>>) src(%arg15 : memref<40x128xf32, #tpu.memory_space<vmem>>) dst(%dma_wait3A_286 : memref<10000x128xf32, #tpu.memory_space<vmem_shared>>)
      } else {
      }
      %add3A_251 = arith.constant 3 : i32
      %add3A_252 = arith.addi %add3A_245, %add3A_251 : i32
      %lt3A_253 = arith.constant 250 : i32
      %lt3A_254 = arith.cmpi slt, %add3A_252, %lt3A_253 : i32
      %add3A_255 = arith.constant 3 : i32
      %add3A_256 = arith.addi %add3A_245, %add3A_255 : i32
      %convert_element_type3A_257 = arith.extui %lt3A_254 : i1 to i32
      %cond3A_258 = arith.constant 0 : i32
      %cond3A_259 = arith.cmpi ne, %convert_element_type3A_257, %cond3A_258 : i32
      scf.if %cond3A_259 {
        %mul3A_284 = arith.constant 40 : i32
        %mul3A_285 = arith.muli %add3A_256, %mul3A_284 : i32
        %dma_start3A_286 = tpu.memref_slice %arg7[%mul3A_285] : memref<10000xi32, #tpu.memory_space<vmem>> -> memref<40xi32, #tpu.memory_space<vmem>>
        %dma_start3A_287 = arith.constant 0 : i32
        %dma_start3A_288 = arith.constant 0 : i32
        %dma_start3A_289 = tpu.memref_slice %arg2[%dma_start3A_287, %dma_start3A_288] : memref<10000x128xf32, #tpu.memory_space<hbm>> -> memref<10000x128xf32, #tpu.memory_space<hbm>>
        tpu.enqueue_indirect_dma source(%dma_start3A_289 : memref<10000x128xf32, #tpu.memory_space<hbm>>) target(%arg15 : memref<40x128xf32, #tpu.memory_space<vmem>>) offsets(%dma_start3A_286 : memref<40xi32, #tpu.memory_space<vmem>>) semaphore(%arg18 : memref<!tpu.dma_semaphore, #tpu.memory_space<semaphore_mem>>)
      } else {
      }
      %mul3A_260 = arith.constant 40 : i32
      %mul3A_261 = arith.muli %add3A_245, %mul3A_260 : i32
      %dma_wait3A_262 = tpu.memref_slice %arg7[%mul3A_261] : memref<10000xi32, #tpu.memory_space<vmem>> -> memref<40xi32, #tpu.memory_space<vmem>>
      %dma_wait3A_263 = arith.constant 0 : i32
      %dma_wait3A_264 = arith.constant 0 : i32
      %dma_wait3A_265 = tpu.memref_slice %arg2[%dma_wait3A_263, %dma_wait3A_264] : memref<10000x128xf32, #tpu.memory_space<hbm>> -> memref<10000x128xf32, #tpu.memory_space<hbm>>
      tpu.wait_indirect_dma semaphore(%arg18 : memref<!tpu.dma_semaphore, #tpu.memory_space<semaphore_mem>>) src(%dma_wait3A_265 : memref<10000x128xf32, #tpu.memory_space<hbm>>) dst(%arg17 : memref<40x128xf32, #tpu.memory_space<vmem>>)
      %mul3A_266 = arith.constant 40 : i32
      %mul3A_267 = arith.muli %add3A_245, %mul3A_266 : i32
      %add3A_268 = arith.addi %mul3A_2, %mul3A_267 : i32
      %dma_wait3A_269 = tpu.memref_slice %arg4[%add3A_268] : memref<320000xi32, #tpu.memory_space<hbm>> -> memref<40xi32, #tpu.memory_space<hbm>>
      %dma_wait3A_270 = tpu.memref_slice %arg4[%add3A_268] : memref<320000xi32, #tpu.memory_space<hbm>> -> memref<40xi32, #tpu.memory_space<hbm>>
      tpu.wait_dma2 semaphore(%arg21 : memref<!tpu.dma_semaphore, #tpu.memory_space<semaphore_mem>>) src(%dma_wait3A_270 : memref<40xi32, #tpu.memory_space<hbm>>) dst(%arg12 : memref<40xi32, #tpu.memory_space<vmem>>)
      %dma_start3A_271 = arith.constant 0 : i32
      %dma_start3A_272 = arith.constant 0 : i32
      %dma_start3A_273 = tpu.memref_slice %arg6[%dma_start3A_271, %dma_start3A_272] : memref<10000x128xf32, #tpu.memory_space<vmem_shared>> -> memref<10000x128xf32, #tpu.memory_space<vmem_shared>>
      tpu.enqueue_indirect_dma source(%arg17 : memref<40x128xf32, #tpu.memory_space<vmem>>) target(%dma_start3A_273 : memref<10000x128xf32, #tpu.memory_space<vmem_shared>>) offsets(%arg12 : memref<40xi32, #tpu.memory_space<vmem>>) semaphore(%arg19 : memref<!tpu.dma_semaphore, #tpu.memory_space<semaphore_mem>>) {add = true}
      %add3A_274 = arith.constant 3 : i32
      %add3A_275 = arith.addi %add3A_245, %add3A_274 : i32
      %lt3A_276 = arith.constant 250 : i32
      %lt3A_277 = arith.cmpi slt, %add3A_275, %lt3A_276 : i32
      %add3A_278 = arith.constant 3 : i32
      %add3A_279 = arith.addi %add3A_245, %add3A_278 : i32
      %convert_element_type3A_280 = arith.extui %lt3A_277 : i1 to i32
      %cond3A_281 = arith.constant 0 : i32
      %cond3A_282 = arith.cmpi ne, %convert_element_type3A_280, %cond3A_281 : i32
      scf.if %cond3A_282 {
        %mul3A_284 = arith.constant 40 : i32
        %mul3A_285 = arith.muli %add3A_279, %mul3A_284 : i32
        %add3A_286 = arith.addi %mul3A_2, %mul3A_285 : i32
        %dma_start3A_287 = tpu.memref_slice %arg4[%add3A_286] : memref<320000xi32, #tpu.memory_space<hbm>> -> memref<40xi32, #tpu.memory_space<hbm>>
        %dma_start3A_288 = tpu.memref_slice %arg4[%add3A_286] : memref<320000xi32, #tpu.memory_space<hbm>> -> memref<40xi32, #tpu.memory_space<hbm>>
        tpu.enqueue_dma source(%dma_start3A_288 : memref<40xi32, #tpu.memory_space<hbm>>) target(%arg10 : memref<40xi32, #tpu.memory_space<vmem>>) target_semaphore(%arg21 : memref<!tpu.dma_semaphore, #tpu.memory_space<semaphore_mem>>)
      } else {
      }
      %scan3A_283 = arith.constant 0 : i32
      scf.yield %scan3A_283 : i32
    }
    %scan3A_58 = arith.constant 50 : i32
    %dma_wait3A_59 = arith.constant 0 : i32
    %dma_wait3A_60 = arith.constant 0 : i32
    %dma_wait3A_61 = tpu.memref_slice %arg6[%dma_wait3A_59, %dma_wait3A_60] : memref<10000x128xf32, #tpu.memory_space<vmem_shared>> -> memref<10000x128xf32, #tpu.memory_space<vmem_shared>>
    tpu.wait_indirect_dma semaphore(%arg19 : memref<!tpu.dma_semaphore, #tpu.memory_space<semaphore_mem>>) src(%arg16 : memref<40x128xf32, #tpu.memory_space<vmem>>) dst(%dma_wait3A_61 : memref<10000x128xf32, #tpu.memory_space<vmem_shared>>)
    %dma_wait3A_62 = arith.constant 0 : i32
    %dma_wait3A_63 = arith.constant 0 : i32
    %dma_wait3A_64 = tpu.memref_slice %arg6[%dma_wait3A_62, %dma_wait3A_63] : memref<10000x128xf32, #tpu.memory_space<vmem_shared>> -> memref<10000x128xf32, #tpu.memory_space<vmem_shared>>
    tpu.wait_indirect_dma semaphore(%arg19 : memref<!tpu.dma_semaphore, #tpu.memory_space<semaphore_mem>>) src(%arg17 : memref<40x128xf32, #tpu.memory_space<vmem>>) dst(%dma_wait3A_64 : memref<10000x128xf32, #tpu.memory_space<vmem_shared>>)
    %barrier3A_65 = arith.constant 0 : index
    tpu.barrier barrier_id(%barrier3A_65)
    %scan3A_66 = arith.constant 0 : i32
    %scan3A_67 = arith.constant 0 : i32
    %scan3A_68 = arith.constant 16 : i32
    %scan3A_69 = arith.addi %scan3A_67, %scan3A_68 : i32
    %scan3A_70 = arith.constant 1 : i32
    %scan3A_71 = scf.for %scan3A_80 = %scan3A_67 to %scan3A_69 step %scan3A_70 iter_args(%scan3A_81 = %scan3A_66) -> (i32)  : i32 {
      %mul3A_82 = arith.constant 16 : i32
      %mul3A_83 = arith.muli %scan3A_80, %mul3A_82 : i32
      %add3A_84 = arith.addi %mul3A_83, %arg1 : i32
      %lt3A = arith.constant 250 : i32
      %lt3A_85 = arith.cmpi slt, %add3A_84, %lt3A : i32
      %convert_element_type3A = arith.extui %lt3A_85 : i1 to i32
      %cond3A = arith.constant 0 : i32
      %cond3A_86 = arith.cmpi ne, %convert_element_type3A, %cond3A : i32
      scf.if %cond3A_86 {
        %mul3A_88 = arith.constant 40 : i32
        %mul3A_89 = arith.muli %add3A_84, %mul3A_88 : i32
        %mul3A_90 = arith.constant 40 : i32
        %mul3A_91 = arith.muli %add3A_84, %mul3A_90 : i32
        %dma_start3A_92 = arith.constant 0 : i32
        %dma_start3A_93 = tpu.memref_slice %arg5[%arg0, %mul3A_91, %dma_start3A_92] : memref<2x10000x128xf32, #tpu.memory_space<hbm>> -> memref<1x40x128xf32, #tpu.memory_space<hbm>>
        %dma_start3A_94 = tpu.memref_squeeze %dma_start3A_93 : memref<1x40x128xf32, #tpu.memory_space<hbm>> -> memref<40x128xf32, #tpu.memory_space<hbm>>
        %dma_start3A_95 = arith.constant 0 : i32
        %dma_start3A_96 = tpu.memref_slice %arg6[%mul3A_89, %dma_start3A_95] : memref<10000x128xf32, #tpu.memory_space<vmem_shared>> -> memref<40x128xf32, #tpu.memory_space<vmem_shared>>
        tpu.enqueue_dma source(%dma_start3A_96 : memref<40x128xf32, #tpu.memory_space<vmem_shared>>) target(%dma_start3A_94 : memref<40x128xf32, #tpu.memory_space<hbm>>) target_semaphore(%arg21 : memref<!tpu.dma_semaphore, #tpu.memory_space<semaphore_mem>>)
      } else {
      }
      %scan3A_87 = arith.constant 0 : i32
      scf.yield %scan3A_87 : i32
    }
    %scan3A_72 = arith.constant 16 : i32
    %scan3A_73 = arith.constant 0 : i32
    %scan3A_74 = arith.constant 0 : i32
    %scan3A_75 = arith.constant 16 : i32
    %scan3A_76 = arith.addi %scan3A_74, %scan3A_75 : i32
    %scan3A_77 = arith.constant 1 : i32
    %scan3A_78 = scf.for %scan3A_80 = %scan3A_74 to %scan3A_76 step %scan3A_77 iter_args(%scan3A_81 = %scan3A_73) -> (i32)  : i32 {
      %mul3A_82 = arith.constant 16 : i32
      %mul3A_83 = arith.muli %scan3A_80, %mul3A_82 : i32
      %add3A_84 = arith.addi %mul3A_83, %arg1 : i32
      %lt3A = arith.constant 250 : i32
      %lt3A_85 = arith.cmpi slt, %add3A_84, %lt3A : i32
      %convert_element_type3A = arith.extui %lt3A_85 : i1 to i32
      %cond3A = arith.constant 0 : i32
      %cond3A_86 = arith.cmpi ne, %convert_element_type3A, %cond3A : i32
      scf.if %cond3A_86 {
        %mul3A_88 = arith.constant 40 : i32
        %mul3A_89 = arith.muli %add3A_84, %mul3A_88 : i32
        %mul3A_90 = arith.constant 40 : i32
        %mul3A_91 = arith.muli %add3A_84, %mul3A_90 : i32
        %dma_wait3A_92 = arith.constant 0 : i32
        %dma_wait3A_93 = tpu.memref_slice %arg5[%arg0, %mul3A_91, %dma_wait3A_92] : memref<2x10000x128xf32, #tpu.memory_space<hbm>> -> memref<1x40x128xf32, #tpu.memory_space<hbm>>
        %dma_wait3A_94 = tpu.memref_squeeze %dma_wait3A_93 : memref<1x40x128xf32, #tpu.memory_space<hbm>> -> memref<40x128xf32, #tpu.memory_space<hbm>>
        %dma_wait3A_95 = arith.constant 0 : i32
        %dma_wait3A_96 = tpu.memref_slice %arg6[%mul3A_89, %dma_wait3A_95] : memref<10000x128xf32, #tpu.memory_space<vmem_shared>> -> memref<40x128xf32, #tpu.memory_space<vmem_shared>>
        tpu.wait_dma2 semaphore(%arg21 : memref<!tpu.dma_semaphore, #tpu.memory_space<semaphore_mem>>) src(%dma_wait3A_96 : memref<40x128xf32, #tpu.memory_space<vmem_shared>>) dst(%dma_wait3A_94 : memref<40x128xf32, #tpu.memory_space<hbm>>)
      } else {
      }
      %scan3A_87 = arith.constant 0 : i32
      scf.yield %scan3A_87 : i32
    }
    %scan3A_79 = arith.constant 16 : i32
    return
  }
}

#map = affine_map<(d0, d1) -> (0, 0)>
#map1 = affine_map<(d0, d1) -> (0)>
#map2 = affine_map<(d0, d1) -> (0, 0, 0)>
module attributes {stable_mosaic.version = 14 : i64} {
  func.func @scat(%arg0: i32, %arg1: i32, %arg2: memref<10000x128xf32, #tpu.memory_space<hbm>>, %arg3: memref<320000xi32, #tpu.memory_space<hbm>>, %arg4: memref<320000xi32, #tpu.memory_space<hbm>>, %arg5: memref<2x10000x128xf32, #tpu.memory_space<hbm>>, %arg6: memref<10000x128xf32, #tpu.memory_space<vmem_shared>>, %arg7: memref<10000xi32, #tpu.memory_space<vmem>>, %arg8: memref<40xi32, #tpu.memory_space<vmem>>, %arg9: memref<40xi32, #tpu.memory_space<vmem>>, %arg10: memref<40xi32, #tpu.memory_space<vmem>>, %arg11: memref<40xi32, #tpu.memory_space<vmem>>, %arg12: memref<40xi32, #tpu.memory_space<vmem>>, %arg13: memref<40x128xf32, #tpu.memory_space<vmem>>, %arg14: memref<40x128xf32, #tpu.memory_space<vmem>>, %arg15: memref<40x128xf32, #tpu.memory_space<vmem>>, %arg16: memref<40x128xf32, #tpu.memory_space<vmem>>, %arg17: memref<40x128xf32, #tpu.memory_space<vmem>>, %arg18: memref<!tpu.dma_semaphore, #tpu.memory_space<semaphore_mem>>, %arg19: memref<!tpu.dma_semaphore, #tpu.memory_space<semaphore_mem>>, %arg20: memref<!tpu.dma_semaphore, #tpu.memory_space<semaphore_mem>>, %arg21: memref<!tpu.dma_semaphore, #tpu.memory_space<semaphore_mem>>) attributes {dimension_semantics = [#tpu.dimension_semantics<core_parallel>, #tpu.dimension_semantics<subcore_parallel>], iteration_bounds = array<i64: 2, 16>, scalar_prefetch = 0 : i64, scratch_operands = 16 : i64, tpu.core_type = #tpu.core_type<sc_vector_subcore>, window_params = [{transform_indices = #map}, {transform_indices = #map1}, {transform_indices = #map1}, {transform_indices = #map2}]} {
    %mul3A = arith.constant 2 : i32
    %mul3A_0 = arith.muli %arg1, %mul3A : i32
    %add3A = arith.addi %mul3A_0, %arg0 : i32
    %mul3A_1 = arith.constant 10000 : i32
    %mul3A_2 = arith.muli %add3A, %mul3A_1 : i32
    %dma_start3A = tpu.memref_slice %arg3[%mul3A_2] : memref<320000xi32, #tpu.memory_space<hbm>> -> memref<10000xi32, #tpu.memory_space<hbm>>
    %dma_start3A_3 = tpu.memref_slice %arg3[%mul3A_2] : memref<320000xi32, #tpu.memory_space<hbm>> -> memref<10000xi32, #tpu.memory_space<hbm>>
    tpu.enqueue_dma source(%dma_start3A_3 : memref<10000xi32, #tpu.memory_space<hbm>>) target(%arg7 : memref<10000xi32, #tpu.memory_space<vmem>>) target_semaphore(%arg20 : memref<!tpu.dma_semaphore, #tpu.memory_space<semaphore_mem>>)
    %scan3A = arith.constant 0 : i32
    %scan3A_4 = arith.constant 0 : i32
    %scan3A_5 = arith.constant 40 : i32
    %scan3A_6 = arith.addi %scan3A_4, %scan3A_5 : i32
    %scan3A_7 = arith.constant 1 : i32
    %scan3A_8 = scf.for %scan3A_80 = %scan3A_4 to %scan3A_6 step %scan3A_7 iter_args(%scan3A_81 = %scan3A) -> (i32)  : i32 {
      %broadcast_in_dim3A = arith.constant 0.000000e+00 : f32
      %broadcast_in_dim3A_82 = vector.broadcast %broadcast_in_dim3A : f32 to vector<16xf32>
      %swap3A = arith.index_cast %scan3A_80 : i32 to index
      %swap3A_83 = arith.constant 0 : index
      %swap3A_84 = tpu.vector_load %arg13[%swap3A, %swap3A_83] {strides = array<i32>} : memref<40x128xf32, #tpu.memory_space<vmem>>, vector<1x16xf32>,
      %swap3A_85 = vector.shape_cast %swap3A_84 : vector<1x16xf32> to vector<16xf32>
      %swap3A_86 = vector.shape_cast %broadcast_in_dim3A_82 : vector<16xf32> to vector<1x16xf32>
      tpu.vector_store %arg13[%swap3A, %swap3A_83], %swap3A_86 {strides = array<i32>} : memref<40x128xf32, #tpu.memory_space<vmem>>, vector<1x16xf32>,
      %broadcast_in_dim3A_87 = arith.constant 0.000000e+00 : f32
      %broadcast_in_dim3A_88 = vector.broadcast %broadcast_in_dim3A_87 : f32 to vector<16xf32>
      %swap3A_89 = arith.index_cast %scan3A_80 : i32 to index
      %swap3A_90 = arith.constant 16 : index
      %swap3A_91 = tpu.vector_load %arg13[%swap3A_89, %swap3A_90] {strides = array<i32>} : memref<40x128xf32, #tpu.memory_space<vmem>>, vector<1x16xf32>,
      %swap3A_92 = vector.shape_cast %swap3A_91 : vector<1x16xf32> to vector<16xf32>
      %swap3A_93 = vector.shape_cast %broadcast_in_dim3A_88 : vector<16xf32> to vector<1x16xf32>
      tpu.vector_store %arg13[%swap3A_89, %swap3A_90], %swap3A_93 {strides = array<i32>} : memref<40x128xf32, #tpu.memory_space<vmem>>, vector<1x16xf32>,
      %broadcast_in_dim3A_94 = arith.constant 0.000000e+00 : f32
      %broadcast_in_dim3A_95 = vector.broadcast %broadcast_in_dim3A_94 : f32 to vector<16xf32>
      %swap3A_96 = arith.index_cast %scan3A_80 : i32 to index
      %swap3A_97 = arith.constant 32 : index
      %swap3A_98 = tpu.vector_load %arg13[%swap3A_96, %swap3A_97] {strides = array<i32>} : memref<40x128xf32, #tpu.memory_space<vmem>>, vector<1x16xf32>,
      %swap3A_99 = vector.shape_cast %swap3A_98 : vector<1x16xf32> to vector<16xf32>
      %swap3A_100 = vector.shape_cast %broadcast_in_dim3A_95 : vector<16xf32> to vector<1x16xf32>
      tpu.vector_store %arg13[%swap3A_96, %swap3A_97], %swap3A_100 {strides = array<i32>} : memref<40x128xf32, #tpu.memory_space<vmem>>, vector<1x16xf32>,
      %broadcast_in_dim3A_101 = arith.constant 0.000000e+00 : f32
      %broadcast_in_dim3A_102 = vector.broadcast %broadcast_in_dim3A_101 : f32 to vector<16xf32>
      %swap3A_103 = arith.index_cast %scan3A_80 : i32 to index
      %swap3A_104 = arith.constant 48 : index
      %swap3A_105 = tpu.vector_load %arg13[%swap3A_103, %swap3A_104] {strides = array<i32>} : memref<40x128xf32, #tpu.memory_space<vmem>>, vector<1x16xf32>,
      %swap3A_106 = vector.shape_cast %swap3A_105 : vector<1x16xf32> to vector<16xf32>
      %swap3A_107 = vector.shape_cast %broadcast_in_dim3A_102 : vector<16xf32> to vector<1x16xf32>
      tpu.vector_store %arg13[%swap3A_103, %swap3A_104], %swap3A_107 {strides = array<i32>} : memref<40x128xf32, #tpu.memory_space<vmem>>, vector<1x16xf32>,
      %broadcast_in_dim3A_108 = arith.constant 0.000000e+00 : f32
      %broadcast_in_dim3A_109 = vector.broadcast %broadcast_in_dim3A_108 : f32 to vector<16xf32>
      %swap3A_110 = arith.index_cast %scan3A_80 : i32 to index
      %swap3A_111 = arith.constant 64 : index
      %swap3A_112 = tpu.vector_load %arg13[%swap3A_110, %swap3A_111] {strides = array<i32>} : memref<40x128xf32, #tpu.memory_space<vmem>>, vector<1x16xf32>,
      %swap3A_113 = vector.shape_cast %swap3A_112 : vector<1x16xf32> to vector<16xf32>
      %swap3A_114 = vector.shape_cast %broadcast_in_dim3A_109 : vector<16xf32> to vector<1x16xf32>
      tpu.vector_store %arg13[%swap3A_110, %swap3A_111], %swap3A_114 {strides = array<i32>} : memref<40x128xf32, #tpu.memory_space<vmem>>, vector<1x16xf32>,
      %broadcast_in_dim3A_115 = arith.constant 0.000000e+00 : f32
      %broadcast_in_dim3A_116 = vector.broadcast %broadcast_in_dim3A_115 : f32 to vector<16xf32>
      %swap3A_117 = arith.index_cast %scan3A_80 : i32 to index
      %swap3A_118 = arith.constant 80 : index
      %swap3A_119 = tpu.vector_load %arg13[%swap3A_117, %swap3A_118] {strides = array<i32>} : memref<40x128xf32, #tpu.memory_space<vmem>>, vector<1x16xf32>,
      %swap3A_120 = vector.shape_cast %swap3A_119 : vector<1x16xf32> to vector<16xf32>
      %swap3A_121 = vector.shape_cast %broadcast_in_dim3A_116 : vector<16xf32> to vector<1x16xf32>
      tpu.vector_store %arg13[%swap3A_117, %swap3A_118], %swap3A_121 {strides = array<i32>} : memref<40x128xf32, #tpu.memory_space<vmem>>, vector<1x16xf32>,
      %broadcast_in_dim3A_122 = arith.constant 0.000000e+00 : f32
      %broadcast_in_dim3A_123 = vector.broadcast %broadcast_in_dim3A_122 : f32 to vector<16xf32>
      %swap3A_124 = arith.index_cast %scan3A_80 : i32 to index
      %swap3A_125 = arith.constant 96 : index
      %swap3A_126 = tpu.vector_load %arg13[%swap3A_124, %swap3A_125] {strides = array<i32>} : memref<40x128xf32, #tpu.memory_space<vmem>>, vector<1x16xf32>,
      %swap3A_127 = vector.shape_cast %swap3A_126 : vector<1x16xf32> to vector<16xf32>
      %swap3A_128 = vector.shape_cast %broadcast_in_dim3A_123 : vector<16xf32> to vector<1x16xf32>
      tpu.vector_store %arg13[%swap3A_124, %swap3A_125], %swap3A_128 {strides = array<i32>} : memref<40x128xf32, #tpu.memory_space<vmem>>, vector<1x16xf32>,
      %broadcast_in_dim3A_129 = arith.constant 0.000000e+00 : f32
      %broadcast_in_dim3A_130 = vector.broadcast %broadcast_in_dim3A_129 : f32 to vector<16xf32>
      %swap3A_131 = arith.index_cast %scan3A_80 : i32 to index
      %swap3A_132 = arith.constant 112 : index
      %swap3A_133 = tpu.vector_load %arg13[%swap3A_131, %swap3A_132] {strides = array<i32>} : memref<40x128xf32, #tpu.memory_space<vmem>>, vector<1x16xf32>,
      %swap3A_134 = vector.shape_cast %swap3A_133 : vector<1x16xf32> to vector<16xf32>
      %swap3A_135 = vector.shape_cast %broadcast_in_dim3A_130 : vector<16xf32> to vector<1x16xf32>
      tpu.vector_store %arg13[%swap3A_131, %swap3A_132], %swap3A_135 {strides = array<i32>} : memref<40x128xf32, #tpu.memory_space<vmem>>, vector<1x16xf32>,
      %scan3A_136 = arith.constant 0 : i32
      scf.yield %scan3A_136 : i32
    }
    %scan3A_9 = arith.constant 40 : i32
    %scan3A_10 = arith.constant 0 : i32
    %scan3A_11 = arith.constant 0 : i32
    %scan3A_12 = arith.constant 16 : i32
    %scan3A_13 = arith.addi %scan3A_11, %scan3A_12 : i32
    %scan3A_14 = arith.constant 1 : i32
    %scan3A_15 = scf.for %scan3A_80 = %scan3A_11 to %scan3A_13 step %scan3A_14 iter_args(%scan3A_81 = %scan3A_10) -> (i32)  : i32 {
      %mul3A_82 = arith.constant 16 : i32
      %mul3A_83 = arith.muli %scan3A_80, %mul3A_82 : i32
      %add3A_84 = arith.addi %mul3A_83, %arg1 : i32
      %lt3A = arith.constant 250 : i32
      %lt3A_85 = arith.cmpi slt, %add3A_84, %lt3A : i32
      %convert_element_type3A = arith.extui %lt3A_85 : i1 to i32
      %cond3A = arith.constant 0 : i32
      %cond3A_86 = arith.cmpi ne, %convert_element_type3A, %cond3A : i32
      scf.if %cond3A_86 {
        %mul3A_88 = arith.constant 40 : i32
        %mul3A_89 = arith.muli %add3A_84, %mul3A_88 : i32
        %dma_start3A_90 = arith.constant 0 : i32
        %dma_start3A_91 = arith.constant 0 : i32
        %dma_start3A_92 = tpu.memref_slice %arg13[%dma_start3A_90, %dma_start3A_91] : memref<40x128xf32, #tpu.memory_space<vmem>> -> memref<40x128xf32, #tpu.memory_space<vmem>>
        %dma_start3A_93 = arith.constant 0 : i32
        %dma_start3A_94 = tpu.memref_slice %arg6[%mul3A_89, %dma_start3A_93] : memref<10000x128xf32, #tpu.memory_space<vmem_shared>> -> memref<40x128xf32, #tpu.memory_space<vmem_shared>>
        %dma_start3A_95 = arith.constant 0 : i32
        %dma_start3A_96 = tpu.memref_slice %arg6[%mul3A_89, %dma_start3A_95] : memref<10000x128xf32, #tpu.memory_space<vmem_shared>> -> memref<40x128xf32, #tpu.memory_space<vmem_shared>>
        %dma_start3A_97 = arith.constant 0 : i32
        %dma_start3A_98 = arith.constant 0 : i32
        %dma_start3A_99 = tpu.memref_slice %arg13[%dma_start3A_97, %dma_start3A_98] : memref<40x128xf32, #tpu.memory_space<vmem>> -> memref<40x128xf32, #tpu.memory_space<vmem>>
        tpu.enqueue_dma source(%dma_start3A_99 : memref<40x128xf32, #tpu.memory_space<vmem>>) target(%dma_start3A_96 : memref<40x128xf32, #tpu.memory_space<vmem_shared>>) target_semaphore(%arg19 : memref<!tpu.dma_semaphore, #tpu.memory_space<semaphore_mem>>)
      } else {
      }
      %scan3A_87 = arith.constant 0 : i32
      scf.yield %scan3A_87 : i32
    }
    %scan3A_16 = arith.constant 16 : i32
    %scan3A_17 = arith.constant 0 : i32
    %scan3A_18 = arith.constant 0 : i32
    %scan3A_19 = arith.constant 16 : i32
    %scan3A_20 = arith.addi %scan3A_18, %scan3A_19 : i32
    %scan3A_21 = arith.constant 1 : i32
    %scan3A_22 = scf.for %scan3A_80 = %scan3A_18 to %scan3A_20 step %scan3A_21 iter_args(%scan3A_81 = %scan3A_17) -> (i32)  : i32 {
      %mul3A_82 = arith.constant 16 : i32
      %mul3A_83 = arith.muli %scan3A_80, %mul3A_82 : i32
      %add3A_84 = arith.addi %mul3A_83, %arg1 : i32
      %lt3A = arith.constant 250 : i32
      %lt3A_85 = arith.cmpi slt, %add3A_84, %lt3A : i32
      %convert_element_type3A = arith.extui %lt3A_85 : i1 to i32
      %cond3A = arith.constant 0 : i32
      %cond3A_86 = arith.cmpi ne, %convert_element_type3A, %cond3A : i32
      scf.if %cond3A_86 {
        %mul3A_88 = arith.constant 40 : i32
        %mul3A_89 = arith.muli %add3A_84, %mul3A_88 : i32
        %dma_wait3A_90 = arith.constant 0 : i32
        %dma_wait3A_91 = arith.constant 0 : i32
        %dma_wait3A_92 = tpu.memref_slice %arg13[%dma_wait3A_90, %dma_wait3A_91] : memref<40x128xf32, #tpu.memory_space<vmem>> -> memref<40x128xf32, #tpu.memory_space<vmem>>
        %dma_wait3A_93 = arith.constant 0 : i32
        %dma_wait3A_94 = tpu.memref_slice %arg6[%mul3A_89, %dma_wait3A_93] : memref<10000x128xf32, #tpu.memory_space<vmem_shared>> -> memref<40x128xf32, #tpu.memory_space<vmem_shared>>
        %dma_wait3A_95 = arith.constant 0 : i32
        %dma_wait3A_96 = tpu.memref_slice %arg6[%mul3A_89, %dma_wait3A_95] : memref<10000x128xf32, #tpu.memory_space<vmem_shared>> -> memref<40x128xf32, #tpu.memory_space<vmem_shared>>
        %dma_wait3A_97 = arith.constant 0 : i32
        %dma_wait3A_98 = arith.constant 0 : i32
        %dma_wait3A_99 = tpu.memref_slice %arg13[%dma_wait3A_97, %dma_wait3A_98] : memref<40x128xf32, #tpu.memory_space<vmem>> -> memref<40x128xf32, #tpu.memory_space<vmem>>
        tpu.wait_dma2 semaphore(%arg19 : memref<!tpu.dma_semaphore, #tpu.memory_space<semaphore_mem>>) src(%dma_wait3A_99 : memref<40x128xf32, #tpu.memory_space<vmem>>) dst(%dma_wait3A_96 : memref<40x128xf32, #tpu.memory_space<vmem_shared>>)
      } else {
      }
      %scan3A_87 = arith.constant 0 : i32
      scf.yield %scan3A_87 : i32
    }
    %scan3A_23 = arith.constant 16 : i32
    %barrier3A = arith.constant 0 : index
    tpu.barrier barrier_id(%barrier3A)
    %add3A_24 = arith.constant 0 : i32
    %add3A_25 = arith.addi %mul3A_2, %add3A_24 : i32
    %dma_start3A_26 = tpu.memref_slice %arg4[%add3A_25] : memref<320000xi32, #tpu.memory_space<hbm>> -> memref<40xi32, #tpu.memory_space<hbm>>
    %dma_start3A_27 = tpu.memref_slice %arg4[%add3A_25] : memref<320000xi32, #tpu.memory_space<hbm>> -> memref<40xi32, #tpu.memory_space<hbm>>
    tpu.enqueue_dma source(%dma_start3A_27 : memref<40xi32, #tpu.memory_space<hbm>>) target(%arg8 : memref<40xi32, #tpu.memory_space<vmem>>) target_semaphore(%arg21 : memref<!tpu.dma_semaphore, #tpu.memory_space<semaphore_mem>>)
    %add3A_28 = arith.constant 40 : i32
    %add3A_29 = arith.addi %mul3A_2, %add3A_28 : i32
    %dma_start3A_30 = tpu.memref_slice %arg4[%add3A_29] : memref<320000xi32, #tpu.memory_space<hbm>> -> memref<40xi32, #tpu.memory_space<hbm>>
    %dma_start3A_31 = tpu.memref_slice %arg4[%add3A_29] : memref<320000xi32, #tpu.memory_space<hbm>> -> memref<40xi32, #tpu.memory_space<hbm>>
    tpu.enqueue_dma source(%dma_start3A_31 : memref<40xi32, #tpu.memory_space<hbm>>) target(%arg9 : memref<40xi32, #tpu.memory_space<vmem>>) target_semaphore(%arg21 : memref<!tpu.dma_semaphore, #tpu.memory_space<semaphore_mem>>)
    %add3A_32 = arith.constant 80 : i32
    %add3A_33 = arith.addi %mul3A_2, %add3A_32 : i32
    %dma_start3A_34 = tpu.memref_slice %arg4[%add3A_33] : memref<320000xi32, #tpu.memory_space<hbm>> -> memref<40xi32, #tpu.memory_space<hbm>>
    %dma_start3A_35 = tpu.memref_slice %arg4[%add3A_33] : memref<320000xi32, #tpu.memory_space<hbm>> -> memref<40xi32, #tpu.memory_space<hbm>>
    tpu.enqueue_dma source(%dma_start3A_35 : memref<40xi32, #tpu.memory_space<hbm>>) target(%arg10 : memref<40xi32, #tpu.memory_space<vmem>>) target_semaphore(%arg21 : memref<!tpu.dma_semaphore, #tpu.memory_space<semaphore_mem>>)
    %dma_wait3A = tpu.memref_slice %arg3[%mul3A_2] : memref<320000xi32, #tpu.memory_space<hbm>> -> memref<10000xi32, #tpu.memory_space<hbm>>
    %dma_wait3A_36 = tpu.memref_slice %arg3[%mul3A_2] : memref<320000xi32, #tpu.memory_space<hbm>> -> memref<10000xi32, #tpu.memory_space<hbm>>
    tpu.wait_dma2 semaphore(%arg20 : memref<!tpu.dma_semaphore, #tpu.memory_space<semaphore_mem>>) src(%dma_wait3A_36 : memref<10000xi32, #tpu.memory_space<hbm>>) dst(%arg7 : memref<10000xi32, #tpu.memory_space<vmem>>)
    %dma_start3A_37 = arith.constant 0 : i32
    %dma_start3A_38 = tpu.memref_slice %arg7[%dma_start3A_37] : memref<10000xi32, #tpu.memory_space<vmem>> -> memref<40xi32, #tpu.memory_space<vmem>>
    %dma_start3A_39 = arith.constant 0 : i32
    %dma_start3A_40 = arith.constant 0 : i32
    %dma_start3A_41 = tpu.memref_slice %arg2[%dma_start3A_39, %dma_start3A_40] : memref<10000x128xf32, #tpu.memory_space<hbm>> -> memref<10000x128xf32, #tpu.memory_space<hbm>>
    tpu.enqueue_indirect_dma source(%dma_start3A_41 : memref<10000x128xf32, #tpu.memory_space<hbm>>) target(%arg13 : memref<40x128xf32, #tpu.memory_space<vmem>>) offsets(%dma_start3A_38 : memref<40xi32, #tpu.memory_space<vmem>>) semaphore(%arg18 : memref<!tpu.dma_semaphore, #tpu.memory_space<semaphore_mem>>)
    %dma_start3A_42 = arith.constant 40 : i32
    %dma_start3A_43 = tpu.memref_slice %arg7[%dma_start3A_42] : memref<10000xi32, #tpu.memory_space<vmem>> -> memref<40xi32, #tpu.memory_space<vmem>>
    %dma_start3A_44 = arith.constant 0 : i32
    %dma_start3A_45 = arith.constant 0 : i32
    %dma_start3A_46 = tpu.memref_slice %arg2[%dma_start3A_44, %dma_start3A_45] : memref<10000x128xf32, #tpu.memory_space<hbm>> -> memref<10000x128xf32, #tpu.memory_space<hbm>>
    tpu.enqueue_indirect_dma source(%dma_start3A_46 : memref<10000x128xf32, #tpu.memory_space<hbm>>) target(%arg14 : memref<40x128xf32, #tpu.memory_space<vmem>>) offsets(%dma_start3A_43 : memref<40xi32, #tpu.memory_space<vmem>>) semaphore(%arg18 : memref<!tpu.dma_semaphore, #tpu.memory_space<semaphore_mem>>)
    %dma_start3A_47 = arith.constant 80 : i32
    %dma_start3A_48 = tpu.memref_slice %arg7[%dma_start3A_47] : memref<10000xi32, #tpu.memory_space<vmem>> -> memref<40xi32, #tpu.memory_space<vmem>>
    %dma_start3A_49 = arith.constant 0 : i32
    %dma_start3A_50 = arith.constant 0 : i32
    %dma_start3A_51 = tpu.memref_slice %arg2[%dma_start3A_49, %dma_start3A_50] : memref<10000x128xf32, #tpu.memory_space<hbm>> -> memref<10000x128xf32, #tpu.memory_space<hbm>>
    tpu.enqueue_indirect_dma source(%dma_start3A_51 : memref<10000x128xf32, #tpu.memory_space<hbm>>) target(%arg15 : memref<40x128xf32, #tpu.memory_space<vmem>>) offsets(%dma_start3A_48 : memref<40xi32, #tpu.memory_space<vmem>>) semaphore(%arg18 : memref<!tpu.dma_semaphore, #tpu.memory_space<semaphore_mem>>)
    %scan3A_52 = arith.constant 0 : i32
    %scan3A_53 = arith.constant 0 : i32
    %scan3A_54 = arith.constant 50 : i32
    %scan3A_55 = arith.addi %scan3A_53, %scan3A_54 : i32
    %scan3A_56 = arith.constant 1 : i32
    %scan3A_57 = scf.for %scan3A_80 = %scan3A_53 to %scan3A_55 step %scan3A_56 iter_args(%scan3A_81 = %scan3A_52) -> (i32)  : i32 {
      %mul3A_82 = arith.constant 5 : i32
      %mul3A_83 = arith.muli %scan3A_80, %mul3A_82 : i32
      %add3A_84 = arith.constant 0 : i32
      %add3A_85 = arith.addi %mul3A_83, %add3A_84 : i32
      %ge3A = arith.constant 2 : i32
      %ge3A_86 = arith.cmpi sge, %add3A_85, %ge3A : i32
      %convert_element_type3A = arith.extui %ge3A_86 : i1 to i32
      %cond3A = arith.constant 0 : i32
      %cond3A_87 = arith.cmpi ne, %convert_element_type3A, %cond3A : i32
      scf.if %cond3A_87 {
        %dma_wait3A_284 = arith.constant 0 : i32
        %dma_wait3A_285 = arith.constant 0 : i32
        %dma_wait3A_286 = tpu.memref_slice %arg6[%dma_wait3A_284, %dma_wait3A_285] : memref<10000x128xf32, #tpu.memory_space<vmem_shared>> -> memref<10000x128xf32, #tpu.memory_space<vmem_shared>>
        tpu.wait_indirect_dma semaphore(%arg19 : memref<!tpu.dma_semaphore, #tpu.memory_space<semaphore_mem>>) src(%arg16 : memref<40x128xf32, #tpu.memory_space<vmem>>) dst(%dma_wait3A_286 : memref<10000x128xf32, #tpu.memory_space<vmem_shared>>)
      } else {
      }
      %add3A_88 = arith.constant 3 : i32
      %add3A_89 = arith.addi %add3A_85, %add3A_88 : i32
      %lt3A = arith.constant 250 : i32
      %lt3A_90 = arith.cmpi slt, %add3A_89, %lt3A : i32
      %add3A_91 = arith.constant 3 : i32
      %add3A_92 = arith.addi %add3A_85, %add3A_91 : i32
      %convert_element_type3A_93 = arith.extui %lt3A_90 : i1 to i32
      %cond3A_94 = arith.constant 0 : i32
      %cond3A_95 = arith.cmpi ne, %convert_element_type3A_93, %cond3A_94 : i32
      scf.if %cond3A_95 {
        %mul3A_284 = arith.constant 40 : i32
        %mul3A_285 = arith.muli %add3A_92, %mul3A_284 : i32
        %dma_start3A_286 = tpu.memref_slice %arg7[%mul3A_285] : memref<10000xi32, #tpu.memory_space<vmem>> -> memref<40xi32, #tpu.memory_space<vmem>>
        %dma_start3A_287 = arith.constant 0 : i32
        %dma_start3A_288 = arith.constant 0 : i32
        %dma_start3A_289 = tpu.memref_slice %arg2[%dma_start3A_287, %dma_start3A_288] : memref<10000x128xf32, #tpu.memory_space<hbm>> -> memref<10000x128xf32, #tpu.memory_space<hbm>>
        tpu.enqueue_indirect_dma source(%dma_start3A_289 : memref<10000x128xf32, #tpu.memory_space<hbm>>) target(%arg16 : memref<40x128xf32, #tpu.memory_space<vmem>>) offsets(%dma_start3A_286 : memref<40xi32, #tpu.memory_space<vmem>>) semaphore(%arg18 : memref<!tpu.dma_semaphore, #tpu.memory_space<semaphore_mem>>)
      } else {
      }
      %mul3A_96 = arith.constant 40 : i32
      %mul3A_97 = arith.muli %add3A_85, %mul3A_96 : i32
      %dma_wait3A_98 = tpu.memref_slice %arg7[%mul3A_97] : memref<10000xi32, #tpu.memory_space<vmem>> -> memref<40xi32, #tpu.memory_space<vmem>>
      %dma_wait3A_99 = arith.constant 0 : i32
      %dma_wait3A_100 = arith.constant 0 : i32
      %dma_wait3A_101 = tpu.memref_slice %arg2[%dma_wait3A_99, %dma_wait3A_100] : memref<10000x128xf32, #tpu.memory_space<hbm>> -> memref<10000x128xf32, #tpu.memory_space<hbm>>
      tpu.wait_indirect_dma semaphore(%arg18 : memref<!tpu.dma_semaphore, #tpu.memory_space<semaphore_mem>>) src(%dma_wait3A_101 : memref<10000x128xf32, #tpu.memory_space<hbm>>) dst(%arg13 : memref<40x128xf32, #tpu.memory_space<vmem>>)
      %mul3A_102 = arith.constant 40 : i32
      %mul3A_103 = arith.muli %add3A_85, %mul3A_102 : i32
      %add3A_104 = arith.addi %mul3A_2, %mul3A_103 : i32
      %dma_wait3A_105 = tpu.memref_slice %arg4[%add3A_104] : memref<320000xi32, #tpu.memory_space<hbm>> -> memref<40xi32, #tpu.memory_space<hbm>>
      %dma_wait3A_106 = tpu.memref_slice %arg4[%add3A_104] : memref<320000xi32, #tpu.memory_space<hbm>> -> memref<40xi32, #tpu.memory_space<hbm>>
      tpu.wait_dma2 semaphore(%arg21 : memref<!tpu.dma_semaphore, #tpu.memory_space<semaphore_mem>>) src(%dma_wait3A_106 : memref<40xi32, #tpu.memory_space<hbm>>) dst(%arg8 : memref<40xi32, #tpu.memory_space<vmem>>)
      %dma_start3A_107 = arith.constant 0 : i32
      %dma_start3A_108 = arith.constant 0 : i32
      %dma_start3A_109 = tpu.memref_slice %arg6[%dma_start3A_107, %dma_start3A_108] : memref<10000x128xf32, #tpu.memory_space<vmem_shared>> -> memref<10000x128xf32, #tpu.memory_space<vmem_shared>>
      tpu.enqueue_indirect_dma source(%arg13 : memref<40x128xf32, #tpu.memory_space<vmem>>) target(%dma_start3A_109 : memref<10000x128xf32, #tpu.memory_space<vmem_shared>>) offsets(%arg8 : memref<40xi32, #tpu.memory_space<vmem>>) semaphore(%arg19 : memref<!tpu.dma_semaphore, #tpu.memory_space<semaphore_mem>>) {add = true}
      %add3A_110 = arith.constant 3 : i32
      %add3A_111 = arith.addi %add3A_85, %add3A_110 : i32
      %lt3A_112 = arith.constant 250 : i32
      %lt3A_113 = arith.cmpi slt, %add3A_111, %lt3A_112 : i32
      %add3A_114 = arith.constant 3 : i32
      %add3A_115 = arith.addi %add3A_85, %add3A_114 : i32
      %convert_element_type3A_116 = arith.extui %lt3A_113 : i1 to i32
      %cond3A_117 = arith.constant 0 : i32
      %cond3A_118 = arith.cmpi ne, %convert_element_type3A_116, %cond3A_117 : i32
      scf.if %cond3A_118 {
        %mul3A_284 = arith.constant 40 : i32
        %mul3A_285 = arith.muli %add3A_115, %mul3A_284 : i32
        %add3A_286 = arith.addi %mul3A_2, %mul3A_285 : i32
        %dma_start3A_287 = tpu.memref_slice %arg4[%add3A_286] : memref<320000xi32, #tpu.memory_space<hbm>> -> memref<40xi32, #tpu.memory_space<hbm>>
        %dma_start3A_288 = tpu.memref_slice %arg4[%add3A_286] : memref<320000xi32, #tpu.memory_space<hbm>> -> memref<40xi32, #tpu.memory_space<hbm>>
        tpu.enqueue_dma source(%dma_start3A_288 : memref<40xi32, #tpu.memory_space<hbm>>) target(%arg11 : memref<40xi32, #tpu.memory_space<vmem>>) target_semaphore(%arg21 : memref<!tpu.dma_semaphore, #tpu.memory_space<semaphore_mem>>)
      } else {
      }
      %mul3A_119 = arith.constant 5 : i32
      %mul3A_120 = arith.muli %scan3A_80, %mul3A_119 : i32
      %add3A_121 = arith.constant 1 : i32
      %add3A_122 = arith.addi %mul3A_120, %add3A_121 : i32
      %ge3A_123 = arith.constant 2 : i32
      %ge3A_124 = arith.cmpi sge, %add3A_122, %ge3A_123 : i32
      %convert_element_type3A_125 = arith.extui %ge3A_124 : i1 to i32
      %cond3A_126 = arith.constant 0 : i32
      %cond3A_127 = arith.cmpi ne, %convert_element_type3A_125, %cond3A_126 : i32
      scf.if %cond3A_127 {
        %dma_wait3A_284 = arith.constant 0 : i32
        %dma_wait3A_285 = arith.constant 0 : i32
        %dma_wait3A_286 = tpu.memref_slice %arg6[%dma_wait3A_284, %dma_wait3A_285] : memref<10000x128xf32, #tpu.memory_space<vmem_shared>> -> memref<10000x128xf32, #tpu.memory_space<vmem_shared>>
        tpu.wait_indirect_dma semaphore(%arg19 : memref<!tpu.dma_semaphore, #tpu.memory_space<semaphore_mem>>) src(%arg17 : memref<40x128xf32, #tpu.memory_space<vmem>>) dst(%dma_wait3A_286 : memref<10000x128xf32, #tpu.memory_space<vmem_shared>>)
      } else {
      }
      %add3A_128 = arith.constant 3 : i32
      %add3A_129 = arith.addi %add3A_122, %add3A_128 : i32
      %lt3A_130 = arith.constant 250 : i32
      %lt3A_131 = arith.cmpi slt, %add3A_129, %lt3A_130 : i32
      %add3A_132 = arith.constant 3 : i32
      %add3A_133 = arith.addi %add3A_122, %add3A_132 : i32
      %convert_element_type3A_134 = arith.extui %lt3A_131 : i1 to i32
      %cond3A_135 = arith.constant 0 : i32
      %cond3A_136 = arith.cmpi ne, %convert_element_type3A_134, %cond3A_135 : i32
      scf.if %cond3A_136 {
        %mul3A_284 = arith.constant 40 : i32
        %mul3A_285 = arith.muli %add3A_133, %mul3A_284 : i32
        %dma_start3A_286 = tpu.memref_slice %arg7[%mul3A_285] : memref<10000xi32, #tpu.memory_space<vmem>> -> memref<40xi32, #tpu.memory_space<vmem>>
        %dma_start3A_287 = arith.constant 0 : i32
        %dma_start3A_288 = arith.constant 0 : i32
        %dma_start3A_289 = tpu.memref_slice %arg2[%dma_start3A_287, %dma_start3A_288] : memref<10000x128xf32, #tpu.memory_space<hbm>> -> memref<10000x128xf32, #tpu.memory_space<hbm>>
        tpu.enqueue_indirect_dma source(%dma_start3A_289 : memref<10000x128xf32, #tpu.memory_space<hbm>>) target(%arg17 : memref<40x128xf32, #tpu.memory_space<vmem>>) offsets(%dma_start3A_286 : memref<40xi32, #tpu.memory_space<vmem>>) semaphore(%arg18 : memref<!tpu.dma_semaphore, #tpu.memory_space<semaphore_mem>>)
      } else {
      }
      %mul3A_137 = arith.constant 40 : i32
      %mul3A_138 = arith.muli %add3A_122, %mul3A_137 : i32
      %dma_wait3A_139 = tpu.memref_slice %arg7[%mul3A_138] : memref<10000xi32, #tpu.memory_space<vmem>> -> memref<40xi32, #tpu.memory_space<vmem>>
      %dma_wait3A_140 = arith.constant 0 : i32
      %dma_wait3A_141 = arith.constant 0 : i32
      %dma_wait3A_142 = tpu.memref_slice %arg2[%dma_wait3A_140, %dma_wait3A_141] : memref<10000x128xf32, #tpu.memory_space<hbm>> -> memref<10000x128xf32, #tpu.memory_space<hbm>>
      tpu.wait_indirect_dma semaphore(%arg18 : memref<!tpu.dma_semaphore, #tpu.memory_space<semaphore_mem>>) src(%dma_wait3A_142 : memref<10000x128xf32, #tpu.memory_space<hbm>>) dst(%arg14 : memref<40x128xf32, #tpu.memory_space<vmem>>)
      %mul3A_143 = arith.constant 40 : i32
      %mul3A_144 = arith.muli %add3A_122, %mul3A_143 : i32
      %add3A_145 = arith.addi %mul3A_2, %mul3A_144 : i32
      %dma_wait3A_146 = tpu.memref_slice %arg4[%add3A_145] : memref<320000xi32, #tpu.memory_space<hbm>> -> memref<40xi32, #tpu.memory_space<hbm>>
      %dma_wait3A_147 = tpu.memref_slice %arg4[%add3A_145] : memref<320000xi32, #tpu.memory_space<hbm>> -> memref<40xi32, #tpu.memory_space<hbm>>
      tpu.wait_dma2 semaphore(%arg21 : memref<!tpu.dma_semaphore, #tpu.memory_space<semaphore_mem>>) src(%dma_wait3A_147 : memref<40xi32, #tpu.memory_space<hbm>>) dst(%arg9 : memref<40xi32, #tpu.memory_space<vmem>>)
      %dma_start3A_148 = arith.constant 0 : i32
      %dma_start3A_149 = arith.constant 0 : i32
      %dma_start3A_150 = tpu.memref_slice %arg6[%dma_start3A_148, %dma_start3A_149] : memref<10000x128xf32, #tpu.memory_space<vmem_shared>> -> memref<10000x128xf32, #tpu.memory_space<vmem_shared>>
      tpu.enqueue_indirect_dma source(%arg14 : memref<40x128xf32, #tpu.memory_space<vmem>>) target(%dma_start3A_150 : memref<10000x128xf32, #tpu.memory_space<vmem_shared>>) offsets(%arg9 : memref<40xi32, #tpu.memory_space<vmem>>) semaphore(%arg19 : memref<!tpu.dma_semaphore, #tpu.memory_space<semaphore_mem>>) {add = true}
      %add3A_151 = arith.constant 3 : i32
      %add3A_152 = arith.addi %add3A_122, %add3A_151 : i32
      %lt3A_153 = arith.constant 250 : i32
      %lt3A_154 = arith.cmpi slt, %add3A_152, %lt3A_153 : i32
      %add3A_155 = arith.constant 3 : i32
      %add3A_156 = arith.addi %add3A_122, %add3A_155 : i32
      %convert_element_type3A_157 = arith.extui %lt3A_154 : i1 to i32
      %cond3A_158 = arith.constant 0 : i32
      %cond3A_159 = arith.cmpi ne, %convert_element_type3A_157, %cond3A_158 : i32
      scf.if %cond3A_159 {
        %mul3A_284 = arith.constant 40 : i32
        %mul3A_285 = arith.muli %add3A_156, %mul3A_284 : i32
        %add3A_286 = arith.addi %mul3A_2, %mul3A_285 : i32
        %dma_start3A_287 = tpu.memref_slice %arg4[%add3A_286] : memref<320000xi32, #tpu.memory_space<hbm>> -> memref<40xi32, #tpu.memory_space<hbm>>
        %dma_start3A_288 = tpu.memref_slice %arg4[%add3A_286] : memref<320000xi32, #tpu.memory_space<hbm>> -> memref<40xi32, #tpu.memory_space<hbm>>
        tpu.enqueue_dma source(%dma_start3A_288 : memref<40xi32, #tpu.memory_space<hbm>>) target(%arg12 : memref<40xi32, #tpu.memory_space<vmem>>) target_semaphore(%arg21 : memref<!tpu.dma_semaphore, #tpu.memory_space<semaphore_mem>>)
      } else {
      }
      %mul3A_160 = arith.constant 5 : i32
      %mul3A_161 = arith.muli %scan3A_80, %mul3A_160 : i32
      %add3A_162 = arith.constant 2 : i32
      %add3A_163 = arith.addi %mul3A_161, %add3A_162 : i32
      %ge3A_164 = arith.constant 2 : i32
      %ge3A_165 = arith.cmpi sge, %add3A_163, %ge3A_164 : i32
      %convert_element_type3A_166 = arith.extui %ge3A_165 : i1 to i32
      %cond3A_167 = arith.constant 0 : i32
      %cond3A_168 = arith.cmpi ne, %convert_element_type3A_166, %cond3A_167 : i32
      scf.if %cond3A_168 {
        %dma_wait3A_284 = arith.constant 0 : i32
        %dma_wait3A_285 = arith.constant 0 : i32
        %dma_wait3A_286 = tpu.memref_slice %arg6[%dma_wait3A_284, %dma_wait3A_285] : memref<10000x128xf32, #tpu.memory_space<vmem_shared>> -> memref<10000x128xf32, #tpu.memory_space<vmem_shared>>
        tpu.wait_indirect_dma semaphore(%arg19 : memref<!tpu.dma_semaphore, #tpu.memory_space<semaphore_mem>>) src(%arg13 : memref<40x128xf32, #tpu.memory_space<vmem>>) dst(%dma_wait3A_286 : memref<10000x128xf32, #tpu.memory_space<vmem_shared>>)
      } else {
      }
      %add3A_169 = arith.constant 3 : i32
      %add3A_170 = arith.addi %add3A_163, %add3A_169 : i32
      %lt3A_171 = arith.constant 250 : i32
      %lt3A_172 = arith.cmpi slt, %add3A_170, %lt3A_171 : i32
      %add3A_173 = arith.constant 3 : i32
      %add3A_174 = arith.addi %add3A_163, %add3A_173 : i32
      %convert_element_type3A_175 = arith.extui %lt3A_172 : i1 to i32
      %cond3A_176 = arith.constant 0 : i32
      %cond3A_177 = arith.cmpi ne, %convert_element_type3A_175, %cond3A_176 : i32
      scf.if %cond3A_177 {
        %mul3A_284 = arith.constant 40 : i32
        %mul3A_285 = arith.muli %add3A_174, %mul3A_284 : i32
        %dma_start3A_286 = tpu.memref_slice %arg7[%mul3A_285] : memref<10000xi32, #tpu.memory_space<vmem>> -> memref<40xi32, #tpu.memory_space<vmem>>
        %dma_start3A_287 = arith.constant 0 : i32
        %dma_start3A_288 = arith.constant 0 : i32
        %dma_start3A_289 = tpu.memref_slice %arg2[%dma_start3A_287, %dma_start3A_288] : memref<10000x128xf32, #tpu.memory_space<hbm>> -> memref<10000x128xf32, #tpu.memory_space<hbm>>
        tpu.enqueue_indirect_dma source(%dma_start3A_289 : memref<10000x128xf32, #tpu.memory_space<hbm>>) target(%arg13 : memref<40x128xf32, #tpu.memory_space<vmem>>) offsets(%dma_start3A_286 : memref<40xi32, #tpu.memory_space<vmem>>) semaphore(%arg18 : memref<!tpu.dma_semaphore, #tpu.memory_space<semaphore_mem>>)
      } else {
      }
      %mul3A_178 = arith.constant 40 : i32
      %mul3A_179 = arith.muli %add3A_163, %mul3A_178 : i32
      %dma_wait3A_180 = tpu.memref_slice %arg7[%mul3A_179] : memref<10000xi32, #tpu.memory_space<vmem>> -> memref<40xi32, #tpu.memory_space<vmem>>
      %dma_wait3A_181 = arith.constant 0 : i32
      %dma_wait3A_182 = arith.constant 0 : i32
      %dma_wait3A_183 = tpu.memref_slice %arg2[%dma_wait3A_181, %dma_wait3A_182] : memref<10000x128xf32, #tpu.memory_space<hbm>> -> memref<10000x128xf32, #tpu.memory_space<hbm>>
      tpu.wait_indirect_dma semaphore(%arg18 : memref<!tpu.dma_semaphore, #tpu.memory_space<semaphore_mem>>) src(%dma_wait3A_183 : memref<10000x128xf32, #tpu.memory_space<hbm>>) dst(%arg15 : memref<40x128xf32, #tpu.memory_space<vmem>>)
      %mul3A_184 = arith.constant 40 : i32
      %mul3A_185 = arith.muli %add3A_163, %mul3A_184 : i32
      %add3A_186 = arith.addi %mul3A_2, %mul3A_185 : i32
      %dma_wait3A_187 = tpu.memref_slice %arg4[%add3A_186] : memref<320000xi32, #tpu.memory_space<hbm>> -> memref<40xi32, #tpu.memory_space<hbm>>
      %dma_wait3A_188 = tpu.memref_slice %arg4[%add3A_186] : memref<320000xi32, #tpu.memory_space<hbm>> -> memref<40xi32, #tpu.memory_space<hbm>>
      tpu.wait_dma2 semaphore(%arg21 : memref<!tpu.dma_semaphore, #tpu.memory_space<semaphore_mem>>) src(%dma_wait3A_188 : memref<40xi32, #tpu.memory_space<hbm>>) dst(%arg10 : memref<40xi32, #tpu.memory_space<vmem>>)
      %dma_start3A_189 = arith.constant 0 : i32
      %dma_start3A_190 = arith.constant 0 : i32
      %dma_start3A_191 = tpu.memref_slice %arg6[%dma_start3A_189, %dma_start3A_190] : memref<10000x128xf32, #tpu.memory_space<vmem_shared>> -> memref<10000x128xf32, #tpu.memory_space<vmem_shared>>
      tpu.enqueue_indirect_dma source(%arg15 : memref<40x128xf32, #tpu.memory_space<vmem>>) target(%dma_start3A_191 : memref<10000x128xf32, #tpu.memory_space<vmem_shared>>) offsets(%arg10 : memref<40xi32, #tpu.memory_space<vmem>>) semaphore(%arg19 : memref<!tpu.dma_semaphore, #tpu.memory_space<semaphore_mem>>) {add = true}
      %add3A_192 = arith.constant 3 : i32
      %add3A_193 = arith.addi %add3A_163, %add3A_192 : i32
      %lt3A_194 = arith.constant 250 : i32
      %lt3A_195 = arith.cmpi slt, %add3A_193, %lt3A_194 : i32
      %add3A_196 = arith.constant 3 : i32
      %add3A_197 = arith.addi %add3A_163, %add3A_196 : i32
      %convert_element_type3A_198 = arith.extui %lt3A_195 : i1 to i32
      %cond3A_199 = arith.constant 0 : i32
      %cond3A_200 = arith.cmpi ne, %convert_element_type3A_198, %cond3A_199 : i32
      scf.if %cond3A_200 {
        %mul3A_284 = arith.constant 40 : i32
        %mul3A_285 = arith.muli %add3A_197, %mul3A_284 : i32
        %add3A_286 = arith.addi %mul3A_2, %mul3A_285 : i32
        %dma_start3A_287 = tpu.memref_slice %arg4[%add3A_286] : memref<320000xi32, #tpu.memory_space<hbm>> -> memref<40xi32, #tpu.memory_space<hbm>>
        %dma_start3A_288 = tpu.memref_slice %arg4[%add3A_286] : memref<320000xi32, #tpu.memory_space<hbm>> -> memref<40xi32, #tpu.memory_space<hbm>>
        tpu.enqueue_dma source(%dma_start3A_288 : memref<40xi32, #tpu.memory_space<hbm>>) target(%arg8 : memref<40xi32, #tpu.memory_space<vmem>>) target_semaphore(%arg21 : memref<!tpu.dma_semaphore, #tpu.memory_space<semaphore_mem>>)
      } else {
      }
      %mul3A_201 = arith.constant 5 : i32
      %mul3A_202 = arith.muli %scan3A_80, %mul3A_201 : i32
      %add3A_203 = arith.constant 3 : i32
      %add3A_204 = arith.addi %mul3A_202, %add3A_203 : i32
      %ge3A_205 = arith.constant 2 : i32
      %ge3A_206 = arith.cmpi sge, %add3A_204, %ge3A_205 : i32
      %convert_element_type3A_207 = arith.extui %ge3A_206 : i1 to i32
      %cond3A_208 = arith.constant 0 : i32
      %cond3A_209 = arith.cmpi ne, %convert_element_type3A_207, %cond3A_208 : i32
      scf.if %cond3A_209 {
        %dma_wait3A_284 = arith.constant 0 : i32
        %dma_wait3A_285 = arith.constant 0 : i32
        %dma_wait3A_286 = tpu.memref_slice %arg6[%dma_wait3A_284, %dma_wait3A_285] : memref<10000x128xf32, #tpu.memory_space<vmem_shared>> -> memref<10000x128xf32, #tpu.memory_space<vmem_shared>>
        tpu.wait_indirect_dma semaphore(%arg19 : memref<!tpu.dma_semaphore, #tpu.memory_space<semaphore_mem>>) src(%arg14 : memref<40x128xf32, #tpu.memory_space<vmem>>) dst(%dma_wait3A_286 : memref<10000x128xf32, #tpu.memory_space<vmem_shared>>)
      } else {
      }
      %add3A_210 = arith.constant 3 : i32
      %add3A_211 = arith.addi %add3A_204, %add3A_210 : i32
      %lt3A_212 = arith.constant 250 : i32
      %lt3A_213 = arith.cmpi slt, %add3A_211, %lt3A_212 : i32
      %add3A_214 = arith.constant 3 : i32
      %add3A_215 = arith.addi %add3A_204, %add3A_214 : i32
      %convert_element_type3A_216 = arith.extui %lt3A_213 : i1 to i32
      %cond3A_217 = arith.constant 0 : i32
      %cond3A_218 = arith.cmpi ne, %convert_element_type3A_216, %cond3A_217 : i32
      scf.if %cond3A_218 {
        %mul3A_284 = arith.constant 40 : i32
        %mul3A_285 = arith.muli %add3A_215, %mul3A_284 : i32
        %dma_start3A_286 = tpu.memref_slice %arg7[%mul3A_285] : memref<10000xi32, #tpu.memory_space<vmem>> -> memref<40xi32, #tpu.memory_space<vmem>>
        %dma_start3A_287 = arith.constant 0 : i32
        %dma_start3A_288 = arith.constant 0 : i32
        %dma_start3A_289 = tpu.memref_slice %arg2[%dma_start3A_287, %dma_start3A_288] : memref<10000x128xf32, #tpu.memory_space<hbm>> -> memref<10000x128xf32, #tpu.memory_space<hbm>>
        tpu.enqueue_indirect_dma source(%dma_start3A_289 : memref<10000x128xf32, #tpu.memory_space<hbm>>) target(%arg14 : memref<40x128xf32, #tpu.memory_space<vmem>>) offsets(%dma_start3A_286 : memref<40xi32, #tpu.memory_space<vmem>>) semaphore(%arg18 : memref<!tpu.dma_semaphore, #tpu.memory_space<semaphore_mem>>)
      } else {
      }
      %mul3A_219 = arith.constant 40 : i32
      %mul3A_220 = arith.muli %add3A_204, %mul3A_219 : i32
      %dma_wait3A_221 = tpu.memref_slice %arg7[%mul3A_220] : memref<10000xi32, #tpu.memory_space<vmem>> -> memref<40xi32, #tpu.memory_space<vmem>>
      %dma_wait3A_222 = arith.constant 0 : i32
      %dma_wait3A_223 = arith.constant 0 : i32
      %dma_wait3A_224 = tpu.memref_slice %arg2[%dma_wait3A_222, %dma_wait3A_223] : memref<10000x128xf32, #tpu.memory_space<hbm>> -> memref<10000x128xf32, #tpu.memory_space<hbm>>
      tpu.wait_indirect_dma semaphore(%arg18 : memref<!tpu.dma_semaphore, #tpu.memory_space<semaphore_mem>>) src(%dma_wait3A_224 : memref<10000x128xf32, #tpu.memory_space<hbm>>) dst(%arg16 : memref<40x128xf32, #tpu.memory_space<vmem>>)
      %mul3A_225 = arith.constant 40 : i32
      %mul3A_226 = arith.muli %add3A_204, %mul3A_225 : i32
      %add3A_227 = arith.addi %mul3A_2, %mul3A_226 : i32
      %dma_wait3A_228 = tpu.memref_slice %arg4[%add3A_227] : memref<320000xi32, #tpu.memory_space<hbm>> -> memref<40xi32, #tpu.memory_space<hbm>>
      %dma_wait3A_229 = tpu.memref_slice %arg4[%add3A_227] : memref<320000xi32, #tpu.memory_space<hbm>> -> memref<40xi32, #tpu.memory_space<hbm>>
      tpu.wait_dma2 semaphore(%arg21 : memref<!tpu.dma_semaphore, #tpu.memory_space<semaphore_mem>>) src(%dma_wait3A_229 : memref<40xi32, #tpu.memory_space<hbm>>) dst(%arg11 : memref<40xi32, #tpu.memory_space<vmem>>)
      %dma_start3A_230 = arith.constant 0 : i32
      %dma_start3A_231 = arith.constant 0 : i32
      %dma_start3A_232 = tpu.memref_slice %arg6[%dma_start3A_230, %dma_start3A_231] : memref<10000x128xf32, #tpu.memory_space<vmem_shared>> -> memref<10000x128xf32, #tpu.memory_space<vmem_shared>>
      tpu.enqueue_indirect_dma source(%arg16 : memref<40x128xf32, #tpu.memory_space<vmem>>) target(%dma_start3A_232 : memref<10000x128xf32, #tpu.memory_space<vmem_shared>>) offsets(%arg11 : memref<40xi32, #tpu.memory_space<vmem>>) semaphore(%arg19 : memref<!tpu.dma_semaphore, #tpu.memory_space<semaphore_mem>>) {add = true}
      %add3A_233 = arith.constant 3 : i32
      %add3A_234 = arith.addi %add3A_204, %add3A_233 : i32
      %lt3A_235 = arith.constant 250 : i32
      %lt3A_236 = arith.cmpi slt, %add3A_234, %lt3A_235 : i32
      %add3A_237 = arith.constant 3 : i32
      %add3A_238 = arith.addi %add3A_204, %add3A_237 : i32
      %convert_element_type3A_239 = arith.extui %lt3A_236 : i1 to i32
      %cond3A_240 = arith.constant 0 : i32
      %cond3A_241 = arith.cmpi ne, %convert_element_type3A_239, %cond3A_240 : i32
      scf.if %cond3A_241 {
        %mul3A_284 = arith.constant 40 : i32
        %mul3A_285 = arith.muli %add3A_238, %mul3A_284 : i32
        %add3A_286 = arith.addi %mul3A_2, %mul3A_285 : i32
        %dma_start3A_287 = tpu.memref_slice %arg4[%add3A_286] : memref<320000xi32, #tpu.memory_space<hbm>> -> memref<40xi32, #tpu.memory_space<hbm>>
        %dma_start3A_288 = tpu.memref_slice %arg4[%add3A_286] : memref<320000xi32, #tpu.memory_space<hbm>> -> memref<40xi32, #tpu.memory_space<hbm>>
        tpu.enqueue_dma source(%dma_start3A_288 : memref<40xi32, #tpu.memory_space<hbm>>) target(%arg9 : memref<40xi32, #tpu.memory_space<vmem>>) target_semaphore(%arg21 : memref<!tpu.dma_semaphore, #tpu.memory_space<semaphore_mem>>)
      } else {
      }
      %mul3A_242 = arith.constant 5 : i32
      %mul3A_243 = arith.muli %scan3A_80, %mul3A_242 : i32
      %add3A_244 = arith.constant 4 : i32
      %add3A_245 = arith.addi %mul3A_243, %add3A_244 : i32
      %ge3A_246 = arith.constant 2 : i32
      %ge3A_247 = arith.cmpi sge, %add3A_245, %ge3A_246 : i32
      %convert_element_type3A_248 = arith.extui %ge3A_247 : i1 to i32
      %cond3A_249 = arith.constant 0 : i32
      %cond3A_250 = arith.cmpi ne, %convert_element_type3A_248, %cond3A_249 : i32
      scf.if %cond3A_250 {
        %dma_wait3A_284 = arith.constant 0 : i32
        %dma_wait3A_285 = arith.constant 0 : i32
        %dma_wait3A_286 = tpu.memref_slice %arg6[%dma_wait3A_284, %dma_wait3A_285] : memref<10000x128xf32, #tpu.memory_space<vmem_shared>> -> memref<10000x128xf32, #tpu.memory_space<vmem_shared>>
        tpu.wait_indirect_dma semaphore(%arg19 : memref<!tpu.dma_semaphore, #tpu.memory_space<semaphore_mem>>) src(%arg15 : memref<40x128xf32, #tpu.memory_space<vmem>>) dst(%dma_wait3A_286 : memref<10000x128xf32, #tpu.memory_space<vmem_shared>>)
      } else {
      }
      %add3A_251 = arith.constant 3 : i32
      %add3A_252 = arith.addi %add3A_245, %add3A_251 : i32
      %lt3A_253 = arith.constant 250 : i32
      %lt3A_254 = arith.cmpi slt, %add3A_252, %lt3A_253 : i32
      %add3A_255 = arith.constant 3 : i32
      %add3A_256 = arith.addi %add3A_245, %add3A_255 : i32
      %convert_element_type3A_257 = arith.extui %lt3A_254 : i1 to i32
      %cond3A_258 = arith.constant 0 : i32
      %cond3A_259 = arith.cmpi ne, %convert_element_type3A_257, %cond3A_258 : i32
      scf.if %cond3A_259 {
        %mul3A_284 = arith.constant 40 : i32
        %mul3A_285 = arith.muli %add3A_256, %mul3A_284 : i32
        %dma_start3A_286 = tpu.memref_slice %arg7[%mul3A_285] : memref<10000xi32, #tpu.memory_space<vmem>> -> memref<40xi32, #tpu.memory_space<vmem>>
        %dma_start3A_287 = arith.constant 0 : i32
        %dma_start3A_288 = arith.constant 0 : i32
        %dma_start3A_289 = tpu.memref_slice %arg2[%dma_start3A_287, %dma_start3A_288] : memref<10000x128xf32, #tpu.memory_space<hbm>> -> memref<10000x128xf32, #tpu.memory_space<hbm>>
        tpu.enqueue_indirect_dma source(%dma_start3A_289 : memref<10000x128xf32, #tpu.memory_space<hbm>>) target(%arg15 : memref<40x128xf32, #tpu.memory_space<vmem>>) offsets(%dma_start3A_286 : memref<40xi32, #tpu.memory_space<vmem>>) semaphore(%arg18 : memref<!tpu.dma_semaphore, #tpu.memory_space<semaphore_mem>>)
      } else {
      }
      %mul3A_260 = arith.constant 40 : i32
      %mul3A_261 = arith.muli %add3A_245, %mul3A_260 : i32
      %dma_wait3A_262 = tpu.memref_slice %arg7[%mul3A_261] : memref<10000xi32, #tpu.memory_space<vmem>> -> memref<40xi32, #tpu.memory_space<vmem>>
      %dma_wait3A_263 = arith.constant 0 : i32
      %dma_wait3A_264 = arith.constant 0 : i32
      %dma_wait3A_265 = tpu.memref_slice %arg2[%dma_wait3A_263, %dma_wait3A_264] : memref<10000x128xf32, #tpu.memory_space<hbm>> -> memref<10000x128xf32, #tpu.memory_space<hbm>>
      tpu.wait_indirect_dma semaphore(%arg18 : memref<!tpu.dma_semaphore, #tpu.memory_space<semaphore_mem>>) src(%dma_wait3A_265 : memref<10000x128xf32, #tpu.memory_space<hbm>>) dst(%arg17 : memref<40x128xf32, #tpu.memory_space<vmem>>)
      %mul3A_266 = arith.constant 40 : i32
      %mul3A_267 = arith.muli %add3A_245, %mul3A_266 : i32
      %add3A_268 = arith.addi %mul3A_2, %mul3A_267 : i32
      %dma_wait3A_269 = tpu.memref_slice %arg4[%add3A_268] : memref<320000xi32, #tpu.memory_space<hbm>> -> memref<40xi32, #tpu.memory_space<hbm>>
      %dma_wait3A_270 = tpu.memref_slice %arg4[%add3A_268] : memref<320000xi32, #tpu.memory_space<hbm>> -> memref<40xi32, #tpu.memory_space<hbm>>
      tpu.wait_dma2 semaphore(%arg21 : memref<!tpu.dma_semaphore, #tpu.memory_space<semaphore_mem>>) src(%dma_wait3A_270 : memref<40xi32, #tpu.memory_space<hbm>>) dst(%arg12 : memref<40xi32, #tpu.memory_space<vmem>>)
      %dma_start3A_271 = arith.constant 0 : i32
      %dma_start3A_272 = arith.constant 0 : i32
      %dma_start3A_273 = tpu.memref_slice %arg6[%dma_start3A_271, %dma_start3A_272] : memref<10000x128xf32, #tpu.memory_space<vmem_shared>> -> memref<10000x128xf32, #tpu.memory_space<vmem_shared>>
      tpu.enqueue_indirect_dma source(%arg17 : memref<40x128xf32, #tpu.memory_space<vmem>>) target(%dma_start3A_273 : memref<10000x128xf32, #tpu.memory_space<vmem_shared>>) offsets(%arg12 : memref<40xi32, #tpu.memory_space<vmem>>) semaphore(%arg19 : memref<!tpu.dma_semaphore, #tpu.memory_space<semaphore_mem>>) {add = true}
      %add3A_274 = arith.constant 3 : i32
      %add3A_275 = arith.addi %add3A_245, %add3A_274 : i32
      %lt3A_276 = arith.constant 250 : i32
      %lt3A_277 = arith.cmpi slt, %add3A_275, %lt3A_276 : i32
      %add3A_278 = arith.constant 3 : i32
      %add3A_279 = arith.addi %add3A_245, %add3A_278 : i32
      %convert_element_type3A_280 = arith.extui %lt3A_277 : i1 to i32
      %cond3A_281 = arith.constant 0 : i32
      %cond3A_282 = arith.cmpi ne, %convert_element_type3A_280, %cond3A_281 : i32
      scf.if %cond3A_282 {
        %mul3A_284 = arith.constant 40 : i32
        %mul3A_285 = arith.muli %add3A_279, %mul3A_284 : i32
        %add3A_286 = arith.addi %mul3A_2, %mul3A_285 : i32
        %dma_start3A_287 = tpu.memref_slice %arg4[%add3A_286] : memref<320000xi32, #tpu.memory_space<hbm>> -> memref<40xi32, #tpu.memory_space<hbm>>
        %dma_start3A_288 = tpu.memref_slice %arg4[%add3A_286] : memref<320000xi32, #tpu.memory_space<hbm>> -> memref<40xi32, #tpu.memory_space<hbm>>
        tpu.enqueue_dma source(%dma_start3A_288 : memref<40xi32, #tpu.memory_space<hbm>>) target(%arg10 : memref<40xi32, #tpu.memory_space<vmem>>) target_semaphore(%arg21 : memref<!tpu.dma_semaphore, #tpu.memory_space<semaphore_mem>>)
      } else {
      }
      %scan3A_283 = arith.constant 0 : i32
      scf.yield %scan3A_283 : i32
    }
    %scan3A_58 = arith.constant 50 : i32
    %dma_wait3A_59 = arith.constant 0 : i32
    %dma_wait3A_60 = arith.constant 0 : i32
    %dma_wait3A_61 = tpu.memref_slice %arg6[%dma_wait3A_59, %dma_wait3A_60] : memref<10000x128xf32, #tpu.memory_space<vmem_shared>> -> memref<10000x128xf32, #tpu.memory_space<vmem_shared>>
    tpu.wait_indirect_dma semaphore(%arg19 : memref<!tpu.dma_semaphore, #tpu.memory_space<semaphore_mem>>) src(%arg16 : memref<40x128xf32, #tpu.memory_space<vmem>>) dst(%dma_wait3A_61 : memref<10000x128xf32, #tpu.memory_space<vmem_shared>>)
    %dma_wait3A_62 = arith.constant 0 : i32
    %dma_wait3A_63 = arith.constant 0 : i32
    %dma_wait3A_64 = tpu.memref_slice %arg6[%dma_wait3A_62, %dma_wait3A_63] : memref<10000x128xf32, #tpu.memory_space<vmem_shared>> -> memref<10000x128xf32, #tpu.memory_space<vmem_shared>>
    tpu.wait_indirect_dma semaphore(%arg19 : memref<!tpu.dma_semaphore, #tpu.memory_space<semaphore_mem>>) src(%arg17 : memref<40x128xf32, #tpu.memory_space<vmem>>) dst(%dma_wait3A_64 : memref<10000x128xf32, #tpu.memory_space<vmem_shared>>)
    %barrier3A_65 = arith.constant 0 : index
    tpu.barrier barrier_id(%barrier3A_65)
    %scan3A_66 = arith.constant 0 : i32
    %scan3A_67 = arith.constant 0 : i32
    %scan3A_68 = arith.constant 16 : i32
    %scan3A_69 = arith.addi %scan3A_67, %scan3A_68 : i32
    %scan3A_70 = arith.constant 1 : i32
    %scan3A_71 = scf.for %scan3A_80 = %scan3A_67 to %scan3A_69 step %scan3A_70 iter_args(%scan3A_81 = %scan3A_66) -> (i32)  : i32 {
      %mul3A_82 = arith.constant 16 : i32
      %mul3A_83 = arith.muli %scan3A_80, %mul3A_82 : i32
      %add3A_84 = arith.addi %mul3A_83, %arg1 : i32
      %lt3A = arith.constant 250 : i32
      %lt3A_85 = arith.cmpi slt, %add3A_84, %lt3A : i32
      %convert_element_type3A = arith.extui %lt3A_85 : i1 to i32
      %cond3A = arith.constant 0 : i32
      %cond3A_86 = arith.cmpi ne, %convert_element_type3A, %cond3A : i32
      scf.if %cond3A_86 {
        %mul3A_88 = arith.constant 40 : i32
        %mul3A_89 = arith.muli %add3A_84, %mul3A_88 : i32
        %mul3A_90 = arith.constant 40 : i32
        %mul3A_91 = arith.muli %add3A_84, %mul3A_90 : i32
        %dma_start3A_92 = arith.constant 0 : i32
        %dma_start3A_93 = tpu.memref_slice %arg5[%arg0, %mul3A_91, %dma_start3A_92] : memref<2x10000x128xf32, #tpu.memory_space<hbm>> -> memref<1x40x128xf32, #tpu.memory_space<hbm>>
        %dma_start3A_94 = tpu.memref_squeeze %dma_start3A_93 : memref<1x40x128xf32, #tpu.memory_space<hbm>> -> memref<40x128xf32, #tpu.memory_space<hbm>>
        %dma_start3A_95 = arith.constant 0 : i32
        %dma_start3A_96 = tpu.memref_slice %arg6[%mul3A_89, %dma_start3A_95] : memref<10000x128xf32, #tpu.memory_space<vmem_shared>> -> memref<40x128xf32, #tpu.memory_space<vmem_shared>>
        tpu.enqueue_dma source(%dma_start3A_96 : memref<40x128xf32, #tpu.memory_space<vmem_shared>>) target(%dma_start3A_94 : memref<40x128xf32, #tpu.memory_space<hbm>>) target_semaphore(%arg21 : memref<!tpu.dma_semaphore, #tpu.memory_space<semaphore_mem>>)
      } else {
      }
      %scan3A_87 = arith.constant 0 : i32
      scf.yield %scan3A_87 : i32
    }
    %scan3A_72 = arith.constant 16 : i32
    %scan3A_73 = arith.constant 0 : i32
    %scan3A_74 = arith.constant 0 : i32
    %scan3A_75 = arith.constant 16 : i32
    %scan3A_76 = arith.addi %scan3A_74, %scan3A_75 : i32
    %scan3A_77 = arith.constant 1 : i32
    %scan3A_78 = scf.for %scan3A_80 = %scan3A_74 to %scan3A_76 step %scan3A_77 iter_args(%scan3A_81 = %scan3A_73) -> (i32)  : i32 {
      %mul3A_82 = arith.constant 16 : i32
      %mul3A_83 = arith.muli %scan3A_80, %mul3A_82 : i32
      %add3A_84 = arith.addi %mul3A_83, %arg1 : i32
      %lt3A = arith.constant 250 : i32
      %lt3A_85 = arith.cmpi slt, %add3A_84, %lt3A : i32
      %convert_element_type3A = arith.extui %lt3A_85 : i1 to i32
      %cond3A = arith.constant 0 : i32
      %cond3A_86 = arith.cmpi ne, %convert_element_type3A, %cond3A : i32
      scf.if %cond3A_86 {
        %mul3A_88 = arith.constant 40 : i32
        %mul3A_89 = arith.muli %add3A_84, %mul3A_88 : i32
        %mul3A_90 = arith.constant 40 : i32
        %mul3A_91 = arith.muli %add3A_84, %mul3A_90 : i32
        %dma_wait3A_92 = arith.constant 0 : i32
        %dma_wait3A_93 = tpu.memref_slice %arg5[%arg0, %mul3A_91, %dma_wait3A_92] : memref<2x10000x128xf32, #tpu.memory_space<hbm>> -> memref<1x40x128xf32, #tpu.memory_space<hbm>>
        %dma_wait3A_94 = tpu.memref_squeeze %dma_wait3A_93 : memref<1x40x128xf32, #tpu.memory_space<hbm>> -> memref<40x128xf32, #tpu.memory_space<hbm>>
        %dma_wait3A_95 = arith.constant 0 : i32
        %dma_wait3A_96 = tpu.memref_slice %arg6[%mul3A_89, %dma_wait3A_95] : memref<10000x128xf32, #tpu.memory_space<vmem_shared>> -> memref<40x128xf32, #tpu.memory_space<vmem_shared>>
        tpu.wait_dma2 semaphore(%arg21 : memref<!tpu.dma_semaphore, #tpu.memory_space<semaphore_mem>>) src(%dma_wait3A_96 : memref<40x128xf32, #tpu.memory_space<vmem_shared>>) dst(%dma_wait3A_94 : memref<40x128xf32, #tpu.memory_space<hbm>>)
      } else {
      }
      %scan3A_87 = arith.constant 0 : i32
      scf.yield %scan3A_87 : i32
    }
    %scan3A_79 = arith.constant 16 : i32
    return
  }
}

module attributes {stable_mosaic.version = 14 : i64} {
  func.func @_bn_body(%arg0: memref<2x10000x128xf32, #tpu.memory_space<vmem>>, %arg1: memref<10000x16xf32, #tpu.memory_space<vmem>>, %arg2: memref<10000x128xf32, #tpu.memory_space<vmem>>, %arg3: memref<10000x128xf32, #tpu.memory_space<vmem>>, %arg4: memref<3x128x128xf32, #tpu.memory_space<vmem>>, %arg5: memref<1x128xf32, #tpu.memory_space<vmem>>, %arg6: memref<1x128xf32, #tpu.memory_space<vmem>>, %arg7: memref<1x128xf32, #tpu.memory_space<vmem>>, %arg8: memref<10000x128xf32, #tpu.memory_space<vmem>>, %arg9: memref<10000x128xf32, #tpu.memory_space<vmem>>) attributes {dimension_semantics = [], scalar_prefetch = 0 : i64, scratch_operands = 0 : i64, tpu.core_type = #tpu.core_type<tc>} {
    %get3A = arith.constant 0 : index
    %get3A_0 = arith.constant 0 : index
    %get3A_1 = vector.load %arg1[%get3A, %get3A_0] : memref<10000x16xf32, #tpu.memory_space<vmem>>, vector<10000x1xf32>
    %mul3A = arith.constant -2.000000e+00 : f32
    %mul3A_2 = vector.broadcast %mul3A : f32 to vector<10000x1xf32>
    %mul3A_3 = arith.mulf %mul3A_2, %get3A_1 : vector<10000x1xf32>
    %get3A_4 = arith.constant 0 : index
    %get3A_5 = arith.constant 0 : index
    %get3A_6 = arith.constant 0 : index
    %get3A_7 = vector.load %arg0[%get3A_4, %get3A_5, %get3A_6] : memref<2x10000x128xf32, #tpu.memory_space<vmem>>, vector<1x10000x128xf32>
    %get3A_8 = vector.shape_cast %get3A_7 : vector<1x10000x128xf32> to vector<10000x128xf32>
    %get3A_9 = arith.constant 1 : index
    %get3A_10 = arith.constant 0 : index
    %get3A_11 = arith.constant 0 : index
    %get3A_12 = vector.load %arg0[%get3A_9, %get3A_10, %get3A_11] : memref<2x10000x128xf32, #tpu.memory_space<vmem>>, vector<1x10000x128xf32>
    %get3A_13 = vector.shape_cast %get3A_12 : vector<1x10000x128xf32> to vector<10000x128xf32>
    %add3A = arith.addf %get3A_8, %get3A_13 : vector<10000x128xf32>
    %mul3A_14 = vector.broadcast %mul3A_3 : vector<10000x1xf32> to vector<10000x128xf32>
    %mul3A_15 = arith.mulf %mul3A_14, %add3A : vector<10000x128xf32>
    %get3A_16 = arith.constant 0 : index
    %get3A_17 = arith.constant 0 : index
    %get3A_18 = vector.load %arg2[%get3A_16, %get3A_17] : memref<10000x128xf32, #tpu.memory_space<vmem>>, vector<10000x128xf32>
    %sub3A = arith.subf %mul3A_15, %get3A_18 : vector<10000x128xf32>
    %get3A_19 = arith.constant 0 : index
    %get3A_20 = arith.constant 0 : index
    %get3A_21 = vector.load %arg3[%get3A_19, %get3A_20] : memref<10000x128xf32, #tpu.memory_space<vmem>>, vector<10000x128xf32>
    %get3A_22 = arith.constant 2 : index
    %get3A_23 = arith.constant 0 : index
    %get3A_24 = arith.constant 0 : index
    %get3A_25 = vector.load %arg4[%get3A_22, %get3A_23, %get3A_24] : memref<3x128x128xf32, #tpu.memory_space<vmem>>, vector<1x128x128xf32>
    %get3A_26 = vector.shape_cast %get3A_25 : vector<1x128x128xf32> to vector<128x128xf32>
    %dot_general3A = arith.constant dense<0.000000e+00> : vector<10000x128xf32>
    %dot_general3A_27 = tpu.matmul %sub3A, %get3A_26, %dot_general3A {dimension_numbers = #tpu.dot_dimension_numbers<[1], [0], [0], [1], [0, 0, 1, 1], [], []>, transpose_lhs_hint = false} : vector<10000x128xf32>, vector<128x128xf32>, vector<10000x128xf32> -> vector<10000x128xf32>
    %add3A_28 = arith.addf %get3A_21, %dot_general3A_27 : vector<10000x128xf32>
    %get3A_29 = arith.constant 0 : index
    %get3A_30 = arith.constant 0 : index
    %get3A_31 = vector.load %arg5[%get3A_29, %get3A_30] : memref<1x128xf32, #tpu.memory_space<vmem>>, vector<1x128xf32>
    %add3A_32 = vector.broadcast %get3A_31 : vector<1x128xf32> to vector<10000x128xf32>
    %add3A_33 = arith.addf %add3A_28, %add3A_32 : vector<10000x128xf32>
    %max3A = arith.constant 0.000000e+00 : f32
    %max3A_34 = vector.broadcast %max3A : f32 to vector<10000x128xf32>
    %max3A_35 = arith.maximumf %add3A_33, %max3A_34 : vector<10000x128xf32>
    %reduce_sum3A = arith.constant dense<0.000000e+00> : vector<128xf32>
    %reduce_sum3A_36 = vector.multi_reduction <add>, %max3A_35, %reduce_sum3A [0] : vector<10000x128xf32> to vector<128xf32>
    %broadcast_in_dim3A = vector.shape_cast %reduce_sum3A_36 : vector<128xf32> to vector<1x128xf32>
    %div3A = arith.constant 1.000000e+04 : f32
    %div3A_37 = vector.broadcast %div3A : f32 to vector<1x128xf32>
    %div3A_38 = arith.divf %broadcast_in_dim3A, %div3A_37 : vector<1x128xf32>
    %sub3A_39 = vector.broadcast %div3A_38 : vector<1x128xf32> to vector<10000x128xf32>
    %sub3A_40 = arith.subf %max3A_35, %sub3A_39 : vector<10000x128xf32>
    %integer_pow3A = arith.mulf %sub3A_40, %sub3A_40 : vector<10000x128xf32>
    %reduce_sum3A_41 = arith.constant dense<0.000000e+00> : vector<128xf32>
    %reduce_sum3A_42 = vector.multi_reduction <add>, %integer_pow3A, %reduce_sum3A_41 [0] : vector<10000x128xf32> to vector<128xf32>
    %broadcast_in_dim3A_43 = vector.shape_cast %reduce_sum3A_42 : vector<128xf32> to vector<1x128xf32>
    %div3A_44 = arith.constant 1.000000e+04 : f32
    %div3A_45 = vector.broadcast %div3A_44 : f32 to vector<1x128xf32>
    %div3A_46 = arith.divf %broadcast_in_dim3A_43, %div3A_45 : vector<1x128xf32>
    %sub3A_47 = vector.broadcast %div3A_38 : vector<1x128xf32> to vector<10000x128xf32>
    %sub3A_48 = arith.subf %max3A_35, %sub3A_47 : vector<10000x128xf32>
    %add3A_49 = arith.constant 9.99999974E-6 : f32
    %add3A_50 = vector.broadcast %add3A_49 : f32 to vector<1x128xf32>
    %add3A_51 = arith.addf %div3A_46, %add3A_50 : vector<1x128xf32>
    %sqrt3A = math.sqrt %add3A_51 : vector<1x128xf32>
    %div3A_52 = vector.broadcast %sqrt3A : vector<1x128xf32> to vector<10000x128xf32>
    %div3A_53 = arith.divf %sub3A_48, %div3A_52 : vector<10000x128xf32>
    %get3A_54 = arith.constant 0 : index
    %get3A_55 = arith.constant 0 : index
    %get3A_56 = vector.load %arg6[%get3A_54, %get3A_55] : memref<1x128xf32, #tpu.memory_space<vmem>>, vector<1x128xf32>
    %mul3A_57 = vector.broadcast %get3A_56 : vector<1x128xf32> to vector<10000x128xf32>
    %mul3A_58 = arith.mulf %div3A_53, %mul3A_57 : vector<10000x128xf32>
    %get3A_59 = arith.constant 0 : index
    %get3A_60 = arith.constant 0 : index
    %get3A_61 = vector.load %arg7[%get3A_59, %get3A_60] : memref<1x128xf32, #tpu.memory_space<vmem>>, vector<1x128xf32>
    %add3A_62 = vector.broadcast %get3A_61 : vector<1x128xf32> to vector<10000x128xf32>
    %add3A_63 = arith.addf %mul3A_58, %add3A_62 : vector<10000x128xf32>
    %swap3A = arith.constant 0 : index
    %swap3A_64 = arith.constant 0 : index
    %swap3A_65 = vector.load %arg8[%swap3A, %swap3A_64] : memref<10000x128xf32, #tpu.memory_space<vmem>>, vector<10000x128xf32>
    tpu.vector_store %arg8[%swap3A, %swap3A_64], %add3A_63 {strides = array<i32>} : memref<10000x128xf32, #tpu.memory_space<vmem>>, vector<10000x128xf32>,
    %mul3A_66 = vector.broadcast %get3A_1 : vector<10000x1xf32> to vector<10000x128xf32>
    %mul3A_67 = arith.mulf %mul3A_66, %add3A_63 : vector<10000x128xf32>
    %swap3A_68 = arith.constant 0 : index
    %swap3A_69 = arith.constant 0 : index
    %swap3A_70 = vector.load %arg9[%swap3A_68, %swap3A_69] : memref<10000x128xf32, #tpu.memory_space<vmem>>, vector<10000x128xf32>
    tpu.vector_store %arg9[%swap3A_68, %swap3A_69], %mul3A_67 {strides = array<i32>} : memref<10000x128xf32, #tpu.memory_space<vmem>>, vector<10000x128xf32>,
    return
  }
}

module attributes {stable_mosaic.version = 14 : i64} {
  func.func @_mid_body(%arg0: memref<2x10000x128xf32, #tpu.memory_space<vmem>>, %arg1: memref<10000x16xf32, #tpu.memory_space<vmem>>, %arg2: memref<10000x128xf32, #tpu.memory_space<vmem>>, %arg3: memref<3x128x128xf32, #tpu.memory_space<vmem>>, %arg4: memref<10000x128xf32, #tpu.memory_space<vmem>>, %arg5: memref<10000x128xf32, #tpu.memory_space<vmem>>) attributes {dimension_semantics = [], scalar_prefetch = 0 : i64, scratch_operands = 0 : i64, tpu.core_type = #tpu.core_type<tc>} {
    %get3A = arith.constant 0 : index
    %get3A_0 = arith.constant 0 : index
    %get3A_1 = vector.load %arg1[%get3A, %get3A_0] : memref<10000x16xf32, #tpu.memory_space<vmem>>, vector<10000x1xf32>
    %neg3A = arith.constant 0.000000e+00 : f32
    %neg3A_2 = vector.broadcast %neg3A : f32 to vector<10000x1xf32>
    %neg3A_3 = arith.subf %neg3A_2, %get3A_1 : vector<10000x1xf32>
    %get3A_4 = arith.constant 0 : index
    %get3A_5 = arith.constant 0 : index
    %get3A_6 = arith.constant 0 : index
    %get3A_7 = vector.load %arg0[%get3A_4, %get3A_5, %get3A_6] : memref<2x10000x128xf32, #tpu.memory_space<vmem>>, vector<1x10000x128xf32>
    %get3A_8 = vector.shape_cast %get3A_7 : vector<1x10000x128xf32> to vector<10000x128xf32>
    %get3A_9 = arith.constant 1 : index
    %get3A_10 = arith.constant 0 : index
    %get3A_11 = arith.constant 0 : index
    %get3A_12 = vector.load %arg0[%get3A_9, %get3A_10, %get3A_11] : memref<2x10000x128xf32, #tpu.memory_space<vmem>>, vector<1x10000x128xf32>
    %get3A_13 = vector.shape_cast %get3A_12 : vector<1x10000x128xf32> to vector<10000x128xf32>
    %add3A = arith.addf %get3A_8, %get3A_13 : vector<10000x128xf32>
    %mul3A = vector.broadcast %neg3A_3 : vector<10000x1xf32> to vector<10000x128xf32>
    %mul3A_14 = arith.mulf %mul3A, %add3A : vector<10000x128xf32>
    %mul3A_15 = vector.broadcast %get3A_1 : vector<10000x1xf32> to vector<10000x128xf32>
    %mul3A_16 = arith.mulf %mul3A_15, %mul3A_14 : vector<10000x128xf32>
    %swap3A = arith.constant 0 : index
    %swap3A_17 = arith.constant 0 : index
    %swap3A_18 = vector.load %arg4[%swap3A, %swap3A_17] : memref<10000x128xf32, #tpu.memory_space<vmem>>, vector<10000x128xf32>
    tpu.vector_store %arg4[%swap3A, %swap3A_17], %mul3A_16 {strides = array<i32>} : memref<10000x128xf32, #tpu.memory_space<vmem>>, vector<10000x128xf32>,
    %get3A_19 = arith.constant 0 : index
    %get3A_20 = arith.constant 0 : index
    %get3A_21 = vector.load %arg2[%get3A_19, %get3A_20] : memref<10000x128xf32, #tpu.memory_space<vmem>>, vector<10000x128xf32>
    %get3A_22 = arith.constant 0 : index
    %get3A_23 = arith.constant 0 : index
    %get3A_24 = arith.constant 0 : index
    %get3A_25 = vector.load %arg3[%get3A_22, %get3A_23, %get3A_24] : memref<3x128x128xf32, #tpu.memory_space<vmem>>, vector<1x128x128xf32>
    %get3A_26 = vector.shape_cast %get3A_25 : vector<1x128x128xf32> to vector<128x128xf32>
    %dot_general3A = arith.constant dense<0.000000e+00> : vector<10000x128xf32>
    %dot_general3A_27 = tpu.matmul %get3A_21, %get3A_26, %dot_general3A {dimension_numbers = #tpu.dot_dimension_numbers<[1], [0], [0], [1], [0, 0, 1, 1], [], []>, transpose_lhs_hint = false} : vector<10000x128xf32>, vector<128x128xf32>, vector<10000x128xf32> -> vector<10000x128xf32>
    %get3A_28 = arith.constant 1 : index
    %get3A_29 = arith.constant 0 : index
    %get3A_30 = arith.constant 0 : index
    %get3A_31 = vector.load %arg3[%get3A_28, %get3A_29, %get3A_30] : memref<3x128x128xf32, #tpu.memory_space<vmem>>, vector<1x128x128xf32>
    %get3A_32 = vector.shape_cast %get3A_31 : vector<1x128x128xf32> to vector<128x128xf32>
    %dot_general3A_33 = arith.constant dense<0.000000e+00> : vector<10000x128xf32>
    %dot_general3A_34 = tpu.matmul %mul3A_14, %get3A_32, %dot_general3A_33 {dimension_numbers = #tpu.dot_dimension_numbers<[1], [0], [0], [1], [0, 0, 1, 1], [], []>, transpose_lhs_hint = false} : vector<10000x128xf32>, vector<128x128xf32>, vector<10000x128xf32> -> vector<10000x128xf32>
    %add3A_35 = arith.addf %dot_general3A_27, %dot_general3A_34 : vector<10000x128xf32>
    %swap3A_36 = arith.constant 0 : index
    %swap3A_37 = arith.constant 0 : index
    %swap3A_38 = vector.load %arg5[%swap3A_36, %swap3A_37] : memref<10000x128xf32, #tpu.memory_space<vmem>>, vector<10000x128xf32>
    tpu.vector_store %arg5[%swap3A_36, %swap3A_37], %add3A_35 {strides = array<i32>} : memref<10000x128xf32, #tpu.memory_space<vmem>>, vector<10000x128xf32>,
    return
  }
}

module attributes {stable_mosaic.version = 14 : i64} {
  func.func @_prep_body(%arg0: memref<2x10000x128xf32, #tpu.memory_space<vmem>>, %arg1: memref<10000x128xf32, #tpu.memory_space<vmem>>, %arg2: memref<10000x16xf32, #tpu.memory_space<vmem>>, %arg3: memref<10000x128xf32, #tpu.memory_space<vmem>>) attributes {dimension_semantics = [], scalar_prefetch = 0 : i64, scratch_operands = 0 : i64, tpu.core_type = #tpu.core_type<tc>} {
    %get3A = arith.constant 0 : index
    %get3A_0 = arith.constant 0 : index
    %get3A_1 = arith.constant 0 : index
    %get3A_2 = vector.load %arg0[%get3A, %get3A_0, %get3A_1] : memref<2x10000x128xf32, #tpu.memory_space<vmem>>, vector<1x10000x16xf32>
    %get3A_3 = vector.shape_cast %get3A_2 : vector<1x10000x16xf32> to vector<10000x16xf32>
    %get3A_4 = arith.constant 1 : index
    %get3A_5 = arith.constant 0 : index
    %get3A_6 = arith.constant 0 : index
    %get3A_7 = vector.load %arg0[%get3A_4, %get3A_5, %get3A_6] : memref<2x10000x128xf32, #tpu.memory_space<vmem>>, vector<1x10000x16xf32>
    %get3A_8 = vector.shape_cast %get3A_7 : vector<1x10000x16xf32> to vector<10000x16xf32>
    %add3A = arith.addf %get3A_3, %get3A_8 : vector<10000x16xf32>
    %gt3A = arith.constant 0.000000e+00 : f32
    %gt3A_9 = vector.broadcast %gt3A : f32 to vector<10000x16xf32>
    %gt3A_10 = arith.cmpf ogt, %add3A, %gt3A_9 : vector<10000x16xf32>
    %max3A = arith.constant 9.99999996E-13 : f32
    %max3A_11 = vector.broadcast %max3A : f32 to vector<10000x16xf32>
    %max3A_12 = arith.maximumf %add3A, %max3A_11 : vector<10000x16xf32>
    %sqrt3A = math.sqrt %max3A_12 : vector<10000x16xf32>
    %div3A = arith.constant 1.000000e+00 : f32
    %div3A_13 = vector.broadcast %div3A : f32 to vector<10000x16xf32>
    %div3A_14 = arith.divf %div3A_13, %sqrt3A : vector<10000x16xf32>
    %jit3A = arith.constant 0.000000e+00 : f32
    %broadcast_in_dim3A = vector.broadcast %jit3A : f32 to vector<10000x16xf32>
    %select_n3A = arith.select %gt3A_10, %div3A_14, %broadcast_in_dim3A : vector<10000x16xi1>, vector<10000x16xf32>
    %swap3A = arith.constant 0 : index
    %swap3A_15 = arith.constant 0 : index
    %swap3A_16 = vector.load %arg2[%swap3A, %swap3A_15] : memref<10000x16xf32, #tpu.memory_space<vmem>>, vector<10000x16xf32>
    tpu.vector_store %arg2[%swap3A, %swap3A_15], %select_n3A {strides = array<i32>} : memref<10000x16xf32, #tpu.memory_space<vmem>>, vector<10000x16xf32>,
    %get3A_17 = arith.constant 0 : index
    %get3A_18 = arith.constant 0 : index
    %get3A_19 = vector.load %arg1[%get3A_17, %get3A_18] : memref<10000x128xf32, #tpu.memory_space<vmem>>, vector<10000x128xf32>
    %slice3A = vector.extract_strided_slice %select_n3A {offsets = [0, 0], sizes = [10000, 1], strides = [1, 1]} : vector<10000x16xf32> to vector<10000x1xf32>
    %mul3A = vector.broadcast %slice3A : vector<10000x1xf32> to vector<10000x128xf32>
    %mul3A_20 = arith.mulf %get3A_19, %mul3A : vector<10000x128xf32>
    %swap3A_21 = arith.constant 0 : index
    %swap3A_22 = arith.constant 0 : index
    %swap3A_23 = vector.load %arg3[%swap3A_21, %swap3A_22] : memref<10000x128xf32, #tpu.memory_space<vmem>>, vector<10000x128xf32>
    tpu.vector_store %arg3[%swap3A_21, %swap3A_22], %mul3A_20 {strides = array<i32>} : memref<10000x128xf32, #tpu.memory_space<vmem>>, vector<10000x128xf32>,
    return
  }
}

module attributes {stable_mosaic.version = 14 : i64} {
  func.func @_final_body(%arg0: memref<2x10000x128xf32, #tpu.memory_space<vmem>>, %arg1: memref<10000x16xf32, #tpu.memory_space<vmem>>, %arg2: memref<10000x128xf32, #tpu.memory_space<vmem>>, %arg3: memref<10000x128xf32, #tpu.memory_space<vmem>>, %arg4: memref<3x128x128xf32, #tpu.memory_space<vmem>>, %arg5: memref<1x128xf32, #tpu.memory_space<vmem>>, %arg6: memref<16x128xf32, #tpu.memory_space<vmem>>, %arg7: memref<1x16xf32, #tpu.memory_space<vmem>>, %arg8: memref<10000x16xf32, #tpu.memory_space<vmem>>) attributes {dimension_semantics = [], scalar_prefetch = 0 : i64, scratch_operands = 0 : i64, tpu.core_type = #tpu.core_type<tc>} {
    %get3A = arith.constant 0 : index
    %get3A_0 = arith.constant 0 : index
    %get3A_1 = vector.load %arg1[%get3A, %get3A_0] : memref<10000x16xf32, #tpu.memory_space<vmem>>, vector<10000x1xf32>
    %mul3A = arith.constant -2.000000e+00 : f32
    %mul3A_2 = vector.broadcast %mul3A : f32 to vector<10000x1xf32>
    %mul3A_3 = arith.mulf %mul3A_2, %get3A_1 : vector<10000x1xf32>
    %get3A_4 = arith.constant 0 : index
    %get3A_5 = arith.constant 0 : index
    %get3A_6 = arith.constant 0 : index
    %get3A_7 = vector.load %arg0[%get3A_4, %get3A_5, %get3A_6] : memref<2x10000x128xf32, #tpu.memory_space<vmem>>, vector<1x10000x128xf32>
    %get3A_8 = vector.shape_cast %get3A_7 : vector<1x10000x128xf32> to vector<10000x128xf32>
    %get3A_9 = arith.constant 1 : index
    %get3A_10 = arith.constant 0 : index
    %get3A_11 = arith.constant 0 : index
    %get3A_12 = vector.load %arg0[%get3A_9, %get3A_10, %get3A_11] : memref<2x10000x128xf32, #tpu.memory_space<vmem>>, vector<1x10000x128xf32>
    %get3A_13 = vector.shape_cast %get3A_12 : vector<1x10000x128xf32> to vector<10000x128xf32>
    %add3A = arith.addf %get3A_8, %get3A_13 : vector<10000x128xf32>
    %mul3A_14 = vector.broadcast %mul3A_3 : vector<10000x1xf32> to vector<10000x128xf32>
    %mul3A_15 = arith.mulf %mul3A_14, %add3A : vector<10000x128xf32>
    %get3A_16 = arith.constant 0 : index
    %get3A_17 = arith.constant 0 : index
    %get3A_18 = vector.load %arg2[%get3A_16, %get3A_17] : memref<10000x128xf32, #tpu.memory_space<vmem>>, vector<10000x128xf32>
    %sub3A = arith.subf %mul3A_15, %get3A_18 : vector<10000x128xf32>
    %get3A_19 = arith.constant 0 : index
    %get3A_20 = arith.constant 0 : index
    %get3A_21 = vector.load %arg3[%get3A_19, %get3A_20] : memref<10000x128xf32, #tpu.memory_space<vmem>>, vector<10000x128xf32>
    %get3A_22 = arith.constant 2 : index
    %get3A_23 = arith.constant 0 : index
    %get3A_24 = arith.constant 0 : index
    %get3A_25 = vector.load %arg4[%get3A_22, %get3A_23, %get3A_24] : memref<3x128x128xf32, #tpu.memory_space<vmem>>, vector<1x128x128xf32>
    %get3A_26 = vector.shape_cast %get3A_25 : vector<1x128x128xf32> to vector<128x128xf32>
    %dot_general3A = arith.constant dense<0.000000e+00> : vector<10000x128xf32>
    %dot_general3A_27 = tpu.matmul %sub3A, %get3A_26, %dot_general3A {dimension_numbers = #tpu.dot_dimension_numbers<[1], [0], [0], [1], [0, 0, 1, 1], [], []>, transpose_lhs_hint = false} : vector<10000x128xf32>, vector<128x128xf32>, vector<10000x128xf32> -> vector<10000x128xf32>
    %add3A_28 = arith.addf %get3A_21, %dot_general3A_27 : vector<10000x128xf32>
    %get3A_29 = arith.constant 0 : index
    %get3A_30 = arith.constant 0 : index
    %get3A_31 = vector.load %arg5[%get3A_29, %get3A_30] : memref<1x128xf32, #tpu.memory_space<vmem>>, vector<1x128xf32>
    %add3A_32 = vector.broadcast %get3A_31 : vector<1x128xf32> to vector<10000x128xf32>
    %add3A_33 = arith.addf %add3A_28, %add3A_32 : vector<10000x128xf32>
    %max3A = arith.constant 0.000000e+00 : f32
    %max3A_34 = vector.broadcast %max3A : f32 to vector<10000x128xf32>
    %max3A_35 = arith.maximumf %add3A_33, %max3A_34 : vector<10000x128xf32>
    %get3A_36 = arith.constant 0 : index
    %get3A_37 = arith.constant 0 : index
    %get3A_38 = vector.load %arg6[%get3A_36, %get3A_37] : memref<16x128xf32, #tpu.memory_space<vmem>>, vector<16x128xf32>
    %dot_general3A_39 = arith.constant dense<0.000000e+00> : vector<10000x16xf32>
    %dot_general3A_40 = tpu.matmul %max3A_35, %get3A_38, %dot_general3A_39 {dimension_numbers = #tpu.dot_dimension_numbers<[1], [1], [0], [0], [0, 0, 1, 0], [], []>, transpose_lhs_hint = false} : vector<10000x128xf32>, vector<16x128xf32>, vector<10000x16xf32> -> vector<10000x16xf32>
    %get3A_41 = arith.constant 0 : index
    %get3A_42 = arith.constant 0 : index
    %get3A_43 = vector.load %arg7[%get3A_41, %get3A_42] : memref<1x16xf32, #tpu.memory_space<vmem>>, vector<1x16xf32>
    %add3A_44 = vector.broadcast %get3A_43 : vector<1x16xf32> to vector<10000x16xf32>
    %add3A_45 = arith.addf %dot_general3A_40, %add3A_44 : vector<10000x16xf32>
    %swap3A = arith.constant 0 : index
    %swap3A_46 = arith.constant 0 : index
    %swap3A_47 = vector.load %arg8[%swap3A, %swap3A_46] : memref<10000x16xf32, #tpu.memory_space<vmem>>, vector<10000x16xf32>
    tpu.vector_store %arg8[%swap3A, %swap3A_46], %add3A_45 {strides = array<i32>} : memref<10000x16xf32, #tpu.memory_space<vmem>>, vector<10000x16xf32>,
    return
  }
}

</mosaic_0001>

<sc_bundles>
// kernel: kernel.12.cloned.1.call-start
scs
__scs_entry_jumppad:
0x0: {  	(pc) =	sbr.rel $0x88, $3  }
0x1: {  	(tag) =	ssettag $0x0;
	lr =	simm.s32 $0x1  }
0x2: {  	[smem:$0x3F97] =	sst lr;
	_ =	strace $0xD0000000  }
0x3: {  	_ = 	snop  }
0x4: {  	_ = 	snop  }
0x5: {  	_ = 	snop  }
0x6: {  	_ = 	snop  }
0x7: {  	_ = 	snop  }
__scs_overlays_trampoline_lowered:
0x8: {  	[smem:$0x3FA6] =	sst s0  }
0x9: {  	[smem:$0x3FA7] =	sst s1  }
0xa: {  	[smem:$0x3FA8] =	sst s2  }
0xb: {  	[smem:$0x3FA9] =	sst s3  }
0xc: {  	[smem:$0x3FAA] =	sst s4  }
0xd: {  	[smem:$0x3FAB] =	sst s5  }
0xe: {  	[smem:$0x3FAC] =	sst s6  }
0xf: {  	[smem:$0x3FAD] =	sst s7  }
0x10: {  	[smem:$0x3FAE] =	sst s8  }
0x11: {  	[smem:$0x3FAF] =	sst s9;
	s0 =	simm.s32 @!p0 $0x0  }
0x12: {  	s1 =	sld [smem:$0x3F95];
	s0 =	simm.s32 @p0 $0x1  }
0x13: {  	[smem:$0x3FB0] =	sst s0;
	s0 =	simm.s32 @!p1 $0x0  }
0x14: {  	s2 =	sld [smem:$0x3F94];
	s0 =	simm.s32 @p1 $0x1  }
0x15: {  	[smem:$0x3FB1] =	sst s0;
	s0 =	simm.s32 @!p2 $0x0  }
0x16: {  	s3 =	sld [smem:$0x3FDB];
	s0 =	simm.s32 @p2 $0x1  }
0x17: {  	s4 =	simm.s32 $0x1BF5;
	[smem:$0x3FB3] =	sst s0  }
0x18: {  	s0 =	sld [smem:$0x3F96];
	_ =	swait.ge [sflag:s4], $0x0  }
0x19: {  	s7 =	sld [smem:$0x3F97]  }
0x1a: {  	s8 =	sadd.s32 $0xFFFFE003, lr  }
0x1b: {  	s9 =	sadd.s32 $0xFFFFFEF7, lr;
	s5 =	simm.s32 $0xFFFFFFFF;
	p2 =	slt.u32 s8, $0xFFFFF086  }
0x1c: {  	p1 =	slt.u32 s9, $0xF7A;
	s5 =	simm.s32 @!p2 $0x0  }
0x1d: {  	s5 =	simm.s32 @p1 $0x1;
	p0 =	seq.s32 s7, s2  }
0x1e: {  	s7 =	smul.u32 @!p0 $0xF7A, s2;
	p2 =	seq.s32 @!p0 s5, $0x0  }
0x1f: {  	s9 =	smul.u32 $0xF7A, s1;
	s8 =	simm.s32 @!p0 $0x1BF5;
	p2 =	por !p2, p0  }
0x20: {  	[sflag:s8] =	ssyncset.s32 @!p0 $0xFFFFF086;
	s6 =	sadd.s32 @!p0 s3, s7;
	s7 =	simm.s32 @!p0 $0x108  }
0x21: {  	s3 =	sadd.s32 s3, s9;
	s6 =	sadd.s32 @!p0 $0x88, s6;
	s7 =	simm.s32 @p2 $0x1082  }
0x22: {  	[simem:s7], [sflag:s8] =	dma.local @!p0 [hbm:s6], $0xF7A  }
0x23: {  	s9 =	sor.u32 $0xD0000000, s2;
	s6 =	simm.s32 $0x108;
	_ =	swait.ge @!p0 [sflag:s8], $0x0  }
0x24: {  	s3 =	sadd.s32 $0x88, s3;
	s6 =	simm.s32 @!p1 $0x1082;
	[sflag:s4] =	ssyncset.s32 $0xFFFFF086  }
0x25: {  	[simem:s6], [sflag:s4] =	dma.local [hbm:s3], $0xF7A  }
0x26: {  	[smem:$0x3F97] =	sst s1;
	(tag) =	ssettag s2;
	_ =	strace s9  }
0x27: {  	s1 =	sld [smem:$0x3FA7]  }
0x28: {  	s2 =	sld [smem:$0x3FA8]  }
0x29: {  	s4 =	sld [smem:$0x3FAA]  }
0x2a: {  	p0 =	seq.s32 s5, $0x0;
	s5 =	sld [smem:$0x3FAB]  }
0x2b: {  	s6 =	sld [smem:$0x3FAC]  }
0x2c: {  	s7 =	sld [smem:$0x3FAD]  }
0x2d: {  	s3 =	simm.s32 $0x108;
	s8 =	sld [smem:$0x3FAE]  }
0x2e: {  	s3 =	simm.s32 @!p0 $0x1082;
	s9 =	sld [smem:$0x3FAF]  }
0x2f: {  	lr =	sadd.s32 s0, s3;
	s0 =	sld [smem:$0x3FA6]  }
0x30: {  	s3 =	sld [smem:$0x3FA9]  }
0x31: {  	[smem:$0x3FB2] =	sst s10  }
0x32: {  	s10 =	sld [smem:$0x3FB0];
	_ =	sdelay $0x3  }
0x33: {  	p0 =	seq.s32 s10, $0x1;
	s10 =	sld [smem:$0x3FB2];
	_ =	sdelay $0x3  }
0x34: {  	[smem:$0x3FB2] =	sst s10  }
0x35: {  	s10 =	sld [smem:$0x3FB1];
	_ =	sdelay $0x3  }
0x36: {  	p1 =	seq.s32 s10, $0x1;
	s10 =	sld [smem:$0x3FB2];
	_ =	sdelay $0x3  }
0x37: {  	[smem:$0x3FB2] =	sst s10  }
0x38: {  	s10 =	sld [smem:$0x3FB3]  }
0x39: {  	_ = 	snop;
	(pc) =	sbr.ind lr, $3  }
0x3a: {  	_ = 	snop  }
0x3b: {  	_ = 	snop  }
0x3c: {  	p2 =	seq.s32 s10, $0x1;
	s10 =	sld [smem:$0x3FB2]  }
0x3d: {  	_ =	shalt  }
0x3e: {  	_ =	shalt  }
0x3f: {  	_ =	shalt  }
0x40: {  	_ =	shalt  }
0x41: {  	_ =	shalt  }
0x42: {  	_ =	shalt  }
0x43: {  	_ =	shalt  }
0x44: {  	_ =	shalt  }
0x45: {  	_ =	shalt  }
0x46: {  	_ =	shalt  }
0x47: {  	_ =	shalt  }
0x48: {  	_ =	shalt  }
0x49: {  	_ =	shalt  }
0x4a: {  	_ =	shalt  }
0x4b: {  	_ =	shalt  }
0x4c: {  	_ =	shalt  }
0x4d: {  	_ =	shalt  }
0x4e: {  	_ =	shalt  }
0x4f: {  	_ =	shalt  }
0x50: {  	_ =	shalt  }
0x51: {  	_ =	shalt  }
0x52: {  	_ =	shalt  }
0x53: {  	_ =	shalt  }
0x54: {  	_ =	shalt  }
0x55: {  	_ =	shalt  }
0x56: {  	_ =	shalt  }
0x57: {  	_ =	shalt  }
0x58: {  	_ =	shalt  }
0x59: {  	_ =	shalt  }
0x5a: {  	_ =	shalt  }
0x5b: {  	_ =	shalt  }
0x5c: {  	_ =	shalt  }
0x5d: {  	_ =	shalt  }
0x5e: {  	_ =	shalt  }
0x5f: {  	_ =	shalt  }
0x60: {  	_ =	shalt  }
0x61: {  	_ =	shalt  }
0x62: {  	_ =	shalt  }
0x63: {  	_ =	shalt  }
0x64: {  	_ =	shalt  }
0x65: {  	_ =	shalt  }
0x66: {  	_ =	shalt  }
0x67: {  	_ =	shalt  }
0x68: {  	_ =	shalt  }
0x69: {  	_ =	shalt  }
0x6a: {  	_ =	shalt  }
0x6b: {  	_ =	shalt  }
0x6c: {  	_ =	shalt  }
0x6d: {  	_ =	shalt  }
0x6e: {  	_ =	shalt  }
0x6f: {  	_ =	shalt  }
0x70: {  	_ =	shalt  }
0x71: {  	_ =	shalt  }
0x72: {  	_ =	shalt  }
0x73: {  	_ =	shalt  }
0x74: {  	_ =	shalt  }
0x75: {  	_ =	shalt  }
0x76: {  	_ =	shalt  }
0x77: {  	_ =	shalt  }
0x78: {  	_ =	shalt  }
0x79: {  	_ =	shalt  }
0x7a: {  	_ =	shalt  }
0x7b: {  	_ =	shalt  }
0x7c: {  	_ =	shalt  }
0x7d: {  	_ =	shalt  }
0x7e: {  	_ =	shalt  }
0x7f: {  	_ =	shalt  }
0x80: {  	_ =	shalt  }
0x81: {  	_ =	shalt  }
0x82: {  	_ =	shalt  }
0x83: {  	_ =	shalt  }
0x84: {  	_ =	shalt  }
0x85: {  	_ =	shalt  }
0x86: {  	_ =	shalt  }
0x87: {  	_ =	shalt  }
.Lfunc_end0:
.L_simem_size_0:
called_computation_lowered:
.L_overlay_start_0:
0x88: {  	s2 =	sld [smem:$0x3FD9]  }
0x89: {  	s3 =	sld [smem:$0x3FFE];
	_ =	sdelay $0x1  }
0x8a: {  	s1 =	srdreg.scid  }
0x8b: {  	s0 =	sand.u32 $0x1, s1  }
0x8c: {  	s16 =	sshll.u32 s0, $0xA;
	s2 =	sadd.s32 s3, s2  }
0x8d: {  	s2 =	sadd.s32 s2, s16  }
0x8e: {  	[smem:$0x3FBE] =	sst s2  }
0x8f: {  	_ = 	snop  }
0x90: {  	(tm) =	ssettm $0x1  }
0x91: {  	s17 =	sld [smem:$0x3FFB];
	_ =	sdelay $0x3  }
0x92: {  	_ =	strace s17  }
0x93: {  	s2 =	sld [smem:$0x3FFC];
	_ =	sdelay $0x3  }
0x94: {  	_ =	strace s2  }
0x95: {  	s2 =	sld [smem:$0x3FFD];
	_ =	sdelay $0x3  }
0x96: {  	_ =	strace s2  }
0x97: {  	_ =	strace $0x8FFFFFFF  }
0x98: {  	s18 =	sld [smem:$0x3FDB];
	_ =	sdelay $0x1  }
0x99: {  	s19 =	simm.s32 $_scs_section_size  }
0x9a: {  	s4 =	simm.s32 $_size__tile_overlayer_lowered;
	s5 =	simm.s32 $_tile_overlayer_lowered  }
0x9b: {  	s22 =	simm.s32 $0x1BFF;
	s21 =	sshll.u32 s5, $0x1;
	s2 =	sadd.s32 s19, s18  }
0x9c: {  	s6 =	simm.s32 $0x0;
	s20 =	sshll.u32 s4, $0x1;
	s4 =	sadd.s32 s21, s2  }
0x9d: {  	[timem:s6], [sflag:s22] =	dma.local [hbm:s4], s20  }
0x9e: {  	_ =	swait.ge [sflag:s22], s20  }
0x9f: {  	s3 =	ssub.s32 $0x0, s20;
	[sflag:s22] =	ssyncset.done $0x0  }
0xa0: {  	[sflag:s22] =	ssyncadd.s32 s3;
	_ =	sdelay $0x1  }
0xa1: {  	s23 =	simm.s32 $0x1B8B  }
0xa2: {  	_ =	swait.ge [sflag:s23], $0x1  }
0xa3: {  	[sflag:s23] =	ssyncset.done $0x0  }
0xa4: {  	s25 =	simm.s32 $0x1B8E;
	s24 =	sld [smem:$0x3FFE];
	[sflag:s23] =	ssyncadd.s32 $0xFFFFFFFF  }
0xa5: {  	s26 =	simm.s32 $execute0_lowered;
	[smem:$0x3FD2] =	sst s25  }
0xa6: {  	s4 =	sshll.u32 s26, $0x1;
	_ =	strace $0x80000046;
	[dreg:$0x1] =	wrdreg $0xFFFFFFFF  }
0xa7: {  	s28 =	simm.s32 $_size_execute0_lowered;
	s2 =	sadd.s32 s2, s4;
	[dreg:$0x0] =	wrdreg $0x0  }
0xa8: {  	s4 =	sshll.u32 s28, $0x1;
	[dreg:$0x2] =	wrdreg s2  }
0xa9: {  	[dreg:$0x3] =	wrdreg s4  }
0xaa: {  	[dreg:$0x4] =	wrdreg $0xC0  }
0xab: {  	_ =	task [dreg:s6], $0x5FFFF  }
0xac: {  	[dreg:$0x1] =	wrdreg $0xFFFFFFFF  }
0xad: {  	[dreg:$0x0] =	wrdreg $0x60  }
0xae: {  	[dreg:$0x2] =	wrdreg s24  }
0xaf: {  	[dreg:$0x3] =	wrdreg $0x0  }
0xb0: {  	[dreg:$0x4] =	wrdreg $0x9  }
0xb1: {  	_ =	task.clear_ibuf [dreg:s6], $0x5FFFF;
	_ =	strace $0x90000046  }
0xb2: {  	s29 =	simm.s32 $0x9;
	_ =	strace $0x80000048  }
0xb3: {  	_ =	swait.ge [sflag:s29], $0x1  }
0xb4: {  	[sflag:s29] =	ssyncadd.s32 $0xFFFFFFFF  }
0xb5: {  	_ =	strace $0x90000048  }
0xb6: {  	_ =	sfence  }
0xb7: {  	s30 =	sld [smem:$0x0];
	_ =	sdelay $0x2  }
0xb8: {  	s31 =	sshll.u32 s1, $0xD;
	s1 =	sshrl.u32 s1, $0x2  }
0xb9: {  	s3 =	sand.u32 $0x4000, s31;
	s1 =	sadd.s32 s1, s30  }
0xba: {  	s0 =	sor.u32 s3, s0;
	s1 =	sshll.u32 s1, $0x11  }
0xbb: {  	s0 =	sor.u32 s1, s0  }
0xbc: {  	s0 =	sadd.s32 $0x8F2B, s0  }
0xbd: {  	[sflag:s0] =	ssyncadd.remote.s32 $0x1  }
0xbe: {  	_ =	sfence.sel $0xFFFF  }
0xbf: {  	[dreg:$0x0] =	wrdreg $0xFFFFFFFF;
	(pc) =	sbr.abs _section_cstart, $3  }
0xc0: {  	[dreg:$0x1] =	wrdreg $0xFFFFFFFF  }
0xc1: {  	_ =	task.clear_ibuf [dreg:s6], $0x2FFFF;
	_ =	strace $0x9FFFFFFF  }
0xc2: {  	(tm) =	ssettm $0x7FFFFFFF  }
0xc3: {  	_ =	shalt  }
tec
execute0_lowered:
.L_overlay_start_1:
0x0: {  	(tag) =	ssettag $0x1  }
0x1: {  	s0 =	srdreg.scid;
	s1 =	rddreg [dreg:$0x0]  }
0x2: {  	s2 =	rddreg [dreg:$0x1];
	s5 =	sand.u32 $0x1, s0  }
0x3: {  	s3 =	simm.s32 $0x0;
	s0 =	stileid.u32;
	s4 =	smul.u32 $0x138800, s5  }
0x4: {  	[smem:$0x7FF] =	sst s3;
	s6 =	smul.u32 $0x1400, s0;
	s7 =	sshll.u32 s0, $0x1  }
0x5: {  	_ =	strace $0x80000047;
	s21 =	ssub.s32 $0x2, s5;
	s10 =	smul.u32 $0x5000, s0  }
0x6: {  	s28 =	smul.u32 $0x4E20, s0;
	s14 =	sor.u32 $0xF0, s0;
	p1 =	sgt.u32 s0, $0x9  }
0x7: {  	s19 =	sor.u32 s5, s7;
	s8 =	sshrl.u32 s21, $0x1;
	s5 =	smul.u32 $0x2710, s5  }
0x8: {  	s16 =	smul.u32 $0x5000, s14;
	p0 =	sgt.u32 s14, $0xF9;
	s14 =	simm.s32 $0x16200  }
0x9: {  	s4 =	sadd.s32 s6, s4;
	s6 =	smul.u32 $0x2710, s19;
	s7 =	ssub.s32 s21, s8  }
0xa: {  	s25 =	sshrl.u32 s10, $0x2;
	s20 =	sshrl.u32 s4, $0x3;
	s4 =	sadd.s32 $0xD400, s1  }
0xb: {  	s7 =	smax.u32 s7, $0x1;
	s5 =	sadd.s32 s5, s28;
	s8 =	sshrl.u32 s16, $0x2  }
0xc: {  	s16 =	simm.s32 $0x0;
	s1 =	sadd.s32 s20, s1;
	s9 =	sadd.s32 $0x28, s6  }
0xd: {  	s6 =	sshrl.u32 s6, $0x3;
	[dreg:$0x6] =	wrdreg s7;
	s8 =	sadd.s32 s8, s2  }
0xe: {  	s22 =	sshrl.u32 s9, $0x3;
	s23 =	sadd.s32 s4, s6;
	[dreg:$0xf] =	wrdreg s8  }
0xf: {  	s20 =	sadd.s32 $0x118, s5;
	s24 =	sadd.s32 s4, s22;
	[dreg:$0x3] =	wrdreg s23  }
0x10: {  	s9 =	sadd.s32 s25, s2;
	s26 =	sadd.s32 $0xA, s23;
	[dreg:$0x4] =	wrdreg s24  }
0x11: {  	s21 =	sadd.s32 $0xF0, s5;
	s6 =	sadd.s32 $0x28000, s9;
	[dreg:$0x5] =	wrdreg s26  }
0x12: {  	s8 =	simm.s32 $0x16100;
	s10 =	sadd.s32 $0x3C000, s9;
	[dreg:$0x7] =	wrdreg s6  }
0x13: {  	s19 =	sadd.s32 $0x14000, s9;
	s11 =	sadd.s32 $0x50000, s9;
	[dreg:$0x8] =	wrdreg s10  }
0x14: {  	s12 =	sadd.s32 $0x64000, s9;
	s13 =	sadd.s32 $0x78000, s9;
	[dreg:$0x9] =	wrdreg s11  }
0x15: {  	s15 =	sadd.s32 $0x8C000, s9;
	s17 =	sadd.s32 $0xA0000, s9;
	[dreg:$0xa] =	wrdreg s12  }
0x16: {  	s18 =	sadd.s32 $0xB4000, s9;
	s22 =	sshrl.u32 s21, $0x3;
	[dreg:$0xb] =	wrdreg s13  }
0x17: {  	s23 =	sadd.s32 $0xA0, s5;
	s28 =	sadd.s32 $0xDC000, s9;
	[dreg:$0xc] =	wrdreg s15  }
0x18: {  	s29 =	sadd.s32 $0xF0000, s9;
	s30 =	sadd.s32 $0x104000, s9;
	[dreg:$0xd] =	wrdreg s17  }
0x19: {  	s31 =	sadd.s32 $0x118000, s9;
	[dreg:$0xe] =	wrdreg s18;
	s6 =	sshrl.u32 s20, $0x3  }
0x1a: {  	s24 =	sadd.s32 $0x78, s5;
	s21 =	sadd.s32 s22, s4;
	s25 =	sshrl.u32 s23, $0x3  }
0x1b: {  	s5 =	sadd.s32 $0xC8, s5;
	s18 =	sadd.s32 $0x17200, s1;
	s26 =	sadd.s32 $0xC8000, s9  }
0x1c: {  	[dreg:$0x12] =	wrdreg s28;
	s1 =	simm.s32 $0x13880;
	s11 =	simm.s32 $0x16180  }
0x1d: {  	s12 =	simm.s32 $0x2;
	s13 =	simm.s32 $0x28;
	s15 =	simm.s32 $0x16280  }
0x1e: {  	s20 =	sadd.s32 s6, s4;
	s7 =	sshrl.u32 s24, $0x3;
	[dreg:$0x10] =	wrdreg s5  }
0x1f: {  	s23 =	sadd.s32 s25, s4;
	[dreg:$0x11] =	wrdreg s26;
	s6 =	simm.s32 $0x1  }
0x20: {  	v0 =	vimm.f32 $0.0e+00;
	v1 =	vimm.f32 $1.000000000e+00;
	s5 =	simm.s32 $0x14C80;
	s24 =	sadd.s32 s7, s4;
	s7 =	simm.s32 $0x16080  }
.LBB2_1:
0x21: {  	s17 =	simm.s32 $0x0;
	s10 =	simm.s32 $0x200  }
.LBB2_2:
0x22: {  	p2 =	sne.s32 s10, $0x4E00;
	[tilespmem:s17+$0x138F0] =	vst v0  }
0x23: {  	[tilespmem:s17+$0x13880] =	vst v0  }
0x24: {  	[tilespmem:s17+$0x13890] =	vst v0  }
.Ltmp0:
0x25: {  	[tilespmem:s17+$0x138A0] =	vst v0;
	(pc) =	sbr.rel @p2 .LBB2_2-.Ltmp0, $4  }
0x26: {  	[tilespmem:s17+$0x138B0] =	vst v0  }
0x27: {  	[tilespmem:s17+$0x138C0] =	vst v0  }
0x28: {  	[tilespmem:s17+$0x138D0] =	vst v0  }
0x29: {  	[tilespmem:s17+$0x138E0] =	vst v0;
	s17 =	sshra.s32 s10, $0x2;
	s10 =	sadd.s32 $0x200, s10  }
0x2a: {  	[tilespmem:s17+$0x138F0] =	vst v0  }
0x2b: {  	[tilespmem:s17+$0x13880] =	vst v0  }
0x2c: {  	[tilespmem:s17+$0x13890] =	vst v0  }
0x2d: {  	[tilespmem:s17+$0x138A0] =	vst v0  }
0x2e: {  	[tilespmem:s17+$0x138B0] =	vst v0  }
0x2f: {  	[tilespmem:s17+$0x138C0] =	vst v0  }
0x30: {  	[tilespmem:s17+$0x138D0] =	vst v0  }
0x31: {  	[tilespmem:s17+$0x138E0] =	vst v0;
	s17 =	simm.s32 $0x0;
	s22 =	simm.s32 $0x200  }
.LBB2_4:
0x32: {  	p2 =	sne.s32 s22, $0x4E00;
	[tilespmem:s17+$0x14CF0] =	vst v1  }
0x33: {  	[tilespmem:s17+$0x14C80] =	vst v1  }
0x34: {  	[tilespmem:s17+$0x14C90] =	vst v1  }
.Ltmp1:
0x35: {  	[tilespmem:s17+$0x14CA0] =	vst v1;
	(pc) =	sbr.rel @p2 .LBB2_4-.Ltmp1, $4  }
0x36: {  	[tilespmem:s17+$0x14CB0] =	vst v1  }
0x37: {  	[tilespmem:s17+$0x14CC0] =	vst v1  }
0x38: {  	[tilespmem:s17+$0x14CD0] =	vst v1  }
0x39: {  	[tilespmem:s17+$0x14CE0] =	vst v1;
	s17 =	sshra.s32 s22, $0x2;
	s22 =	sadd.s32 $0x200, s22  }
0x3a: {  	[tilespmem:s17+$0x14CF0] =	vst v1  }
0x3b: {  	[tilespmem:s17+$0x14C80] =	vst v1  }
0x3c: {  	[tilespmem:s17+$0x14C90] =	vst v1  }
0x3d: {  	[tilespmem:s17+$0x14CA0] =	vst v1  }
0x3e: {  	[tilespmem:s17+$0x14CB0] =	vst v1  }
0x3f: {  	[tilespmem:s17+$0x14CC0] =	vst v1  }
0x40: {  	[tilespmem:s17+$0x14CD0] =	vst v1  }
0x41: {  	[tilespmem:s17+$0x14CE0] =	vst v1  }
0x42: {  	[spmem:s9] =	stream.linear.scatter [tilespmem:s1], [sflag:$0x1], $0x1400, $0x38;
	[tilespmem:$0x16300] =	vst v63  }
0x43: {  	_ = 	snop  }
0x44: {  	[spmem:s19] =	stream.linear.scatter [tilespmem:s1], [sflag:$0x1], $0x1400, $0x38;
	[tilespmem:$0x16300] =	vst v63  }
0x45: {  	s10 =	rddreg [dreg:$0x7]  }
0x46: {  	[spmem:s10] =	stream.linear.scatter [tilespmem:s1], [sflag:$0x1], $0x1400, $0x38;
	[tilespmem:$0x16300] =	vst v63  }
0x47: {  	s26 =	rddreg [dreg:$0x8]  }
0x48: {  	[spmem:s26] =	stream.linear.scatter [tilespmem:s1], [sflag:$0x1], $0x1400, $0x38;
	[tilespmem:$0x16300] =	vst v63  }
0x49: {  	s28 =	rddreg [dreg:$0x9]  }
0x4a: {  	[spmem:s28] =	stream.linear.scatter [tilespmem:s1], [sflag:$0x1], $0x1400, $0x38;
	[tilespmem:$0x16300] =	vst v63  }
0x4b: {  	s17 =	rddreg [dreg:$0xa]  }
0x4c: {  	[spmem:s17] =	stream.linear.scatter [tilespmem:s1], [sflag:$0x1], $0x1400, $0x38;
	[tilespmem:$0x16300] =	vst v63  }
0x4d: {  	s22 =	rddreg [dreg:$0xb]  }
0x4e: {  	[spmem:s22] =	stream.linear.scatter [tilespmem:s1], [sflag:$0x1], $0x1400, $0x38;
	[tilespmem:$0x16300] =	vst v63  }
0x4f: {  	s25 =	rddreg [dreg:$0xc]  }
0x50: {  	[spmem:s25] =	stream.linear.scatter [tilespmem:s1], [sflag:$0x1], $0x1400, $0x38;
	[tilespmem:$0x16300] =	vst v63  }
0x51: {  	s26 =	rddreg [dreg:$0xd]  }
0x52: {  	[spmem:s26] =	stream.linear.scatter [tilespmem:s1], [sflag:$0x1], $0x1400, $0x38;
	[tilespmem:$0x16300] =	vst v63  }
0x53: {  	s28 =	rddreg [dreg:$0xe]  }
0x54: {  	[spmem:s28] =	stream.linear.scatter [tilespmem:s1], [sflag:$0x1], $0x1400, $0x38;
	[tilespmem:$0x16300] =	vst v63  }
0x55: {  	s17 =	rddreg [dreg:$0x11]  }
0x56: {  	[spmem:s17] =	stream.linear.scatter [tilespmem:s1], [sflag:$0x1], $0x1400, $0x38;
	[tilespmem:$0x16300] =	vst v63  }
0x57: {  	s22 =	rddreg [dreg:$0x12]  }
0x58: {  	[spmem:s22] =	stream.linear.scatter [tilespmem:s1], [sflag:$0x1], $0x1400, $0x38;
	[tilespmem:$0x16300] =	vst v63  }
0x59: {  	_ = 	snop  }
0x5a: {  	[spmem:s29] =	stream.linear.scatter [tilespmem:s1], [sflag:$0x1], $0x1400, $0x38;
	[tilespmem:$0x16300] =	vst v63  }
0x5b: {  	_ = 	snop  }
0x5c: {  	[spmem:s30] =	stream.linear.scatter [tilespmem:s1], [sflag:$0x1], $0x1400, $0x38;
	[tilespmem:$0x16300] =	vst v63  }
0x5d: {  	_ = 	snop  }
0x5e: {  	[spmem:s31] =	stream.linear.scatter [tilespmem:s1], [sflag:$0x1], $0x1400, $0x38;
	[tilespmem:$0x16300] =	vst v63  }
0x5f: {  	s10 =	simm.s32 @!p0 $0x13880;
	s17 =	rddreg [dreg:$0xf]  }
0x60: {  	[spmem:s17] =	stream.linear.scatter @!p0 [tilespmem:s10], [sflag:$0x1], $0x1400, $0x38;
	[tilespmem:$0x16300] =	vst v63  }
0x61: {  	_ =	swait.ge [sflag:s6], $0x1400  }
0x62: {  	[sflag:s6] =	ssyncset.done $0x0  }
0x63: {  	[sflag:s6] =	ssyncadd.s32 $0xFFFFEC00  }
0x64: {  	_ =	swait.ge [sflag:s6], $0x1400  }
0x65: {  	[sflag:s6] =	ssyncset.done $0x0  }
0x66: {  	[sflag:s6] =	ssyncadd.s32 $0xFFFFEC00  }
0x67: {  	_ =	swait.ge [sflag:s6], $0x1400  }
0x68: {  	[sflag:s6] =	ssyncset.done $0x0  }
0x69: {  	[sflag:s6] =	ssyncadd.s32 $0xFFFFEC00  }
0x6a: {  	_ =	swait.ge [sflag:s6], $0x1400  }
0x6b: {  	[sflag:s6] =	ssyncset.done $0x0  }
0x6c: {  	[sflag:s6] =	ssyncadd.s32 $0xFFFFEC00  }
0x6d: {  	_ =	swait.ge [sflag:s6], $0x1400  }
0x6e: {  	[sflag:s6] =	ssyncset.done $0x0  }
0x6f: {  	[sflag:s6] =	ssyncadd.s32 $0xFFFFEC00  }
0x70: {  	_ =	swait.ge [sflag:s6], $0x1400  }
0x71: {  	[sflag:s6] =	ssyncset.done $0x0  }
0x72: {  	[sflag:s6] =	ssyncadd.s32 $0xFFFFEC00  }
0x73: {  	_ =	swait.ge [sflag:s6], $0x1400  }
0x74: {  	[sflag:s6] =	ssyncset.done $0x0  }
0x75: {  	[sflag:s6] =	ssyncadd.s32 $0xFFFFEC00  }
0x76: {  	_ =	swait.ge [sflag:s6], $0x1400  }
0x77: {  	[sflag:s6] =	ssyncset.done $0x0  }
0x78: {  	[sflag:s6] =	ssyncadd.s32 $0xFFFFEC00  }
0x79: {  	_ =	swait.ge [sflag:s6], $0x1400  }
0x7a: {  	[sflag:s6] =	ssyncset.done $0x0  }
0x7b: {  	[sflag:s6] =	ssyncadd.s32 $0xFFFFEC00  }
0x7c: {  	_ =	swait.ge [sflag:s6], $0x1400  }
0x7d: {  	[sflag:s6] =	ssyncset.done $0x0  }
0x7e: {  	[sflag:s6] =	ssyncadd.s32 $0xFFFFEC00  }
0x7f: {  	_ =	swait.ge [sflag:s6], $0x1400  }
0x80: {  	[sflag:s6] =	ssyncset.done $0x0  }
0x81: {  	[sflag:s6] =	ssyncadd.s32 $0xFFFFEC00  }
0x82: {  	_ =	swait.ge [sflag:s6], $0x1400  }
0x83: {  	[sflag:s6] =	ssyncset.done $0x0  }
0x84: {  	[sflag:s6] =	ssyncadd.s32 $0xFFFFEC00  }
0x85: {  	_ =	swait.ge [sflag:s6], $0x1400  }
0x86: {  	[sflag:s6] =	ssyncset.done $0x0  }
0x87: {  	[sflag:s6] =	ssyncadd.s32 $0xFFFFEC00  }
0x88: {  	_ =	swait.ge [sflag:s6], $0x1400  }
0x89: {  	[sflag:s6] =	ssyncset.done $0x0  }
0x8a: {  	[sflag:s6] =	ssyncadd.s32 $0xFFFFEC00  }
0x8b: {  	_ =	swait.ge [sflag:s6], $0x1400  }
0x8c: {  	[sflag:s6] =	ssyncset.done $0x0  }
0x8d: {  	s10 =	simm.s32 @!p1 $0x1;
	[sflag:s6] =	ssyncadd.s32 $0xFFFFEC00  }
0x8e: {  	_ =	swait.ge @!p1 [sflag:s10], $0x1400  }
0x8f: {  	[sflag:s10] =	ssyncset.done @!p1 $0x0  }
0x90: {  	[sflag:s10] =	ssyncadd.s32 @!p1 $0xFFFFEC00  }
0x91: {  	[bflag:$0x0] =	sbarrier.arrive $0xFFFF  }
0x92: {  	s25 =	rddreg [dreg:$0x3]  }
0x93: {  	s17 =	simm.s32 $0x0;
	s26 =	rddreg [dreg:$0x4]  }
0x94: {  	[tilespmem:s7], [sflag:$0x2] =	stream.linear.gather [hbm4b:s25+s17], $0x28, $0x38;
	[tilespmem:$0x16300] =	vst v63  }
0x95: {  	s28 =	rddreg [dreg:$0x5]  }
0x96: {  	[tilespmem:s8], [sflag:$0x2] =	stream.linear.gather [hbm4b:s26+s17], $0x28, $0x38;
	[tilespmem:$0x16300] =	vst v63  }
0x97: {  	s22 =	rddreg [dreg:$0x10]  }
0x98: {  	[tilespmem:s11], [sflag:$0x2] =	stream.linear.gather [hbm4b:s28+s17], $0x28, $0x38;
	[tilespmem:$0x16300] =	vst v63  }
.LBB2_6:
0x99: {  	p2 =	seq.s32 s17, $0x0  }
0x9a: {  	s10 =	simm.s32 @!p2 $0x1  }
0x9b: {  	_ =	swait.ge @!p2 [sflag:s10], $0x1400  }
0x9c: {  	[sflag:s10] =	ssyncset.done @!p2 $0x0  }
0x9d: {  	[sflag:s10] =	ssyncadd.s32 @!p2 $0xFFFFEC00  }
0x9e: {  	_ =	swait.ge [sflag:s12], $0x28  }
0x9f: {  	[sflag:s12] =	ssyncset.done $0x0  }
0xa0: {  	[sflag:s12] =	ssyncadd.s32 $0xFFFFFFD8  }
0xa1: {  	[spmem:s2] =	stream.indirect.scatter.add.f32 [tilespmem:s5], [sflag:$0x1], $0x80, s7, s13, $0xb8;
	[tilespmem:$0x16300] =	vst v63  }
0xa2: {  	s25 =	sadd.s32 s17, s24  }
0xa3: {  	[tilespmem:s14], [sflag:$0x2] =	stream.linear.gather [hbm4b:s25+s3], $0x28, $0x38;
	[tilespmem:$0x16300] =	vst v63  }
0xa4: {  	_ =	swait.ge @!p2 [sflag:s10], $0x1400  }
0xa5: {  	[sflag:s10] =	ssyncset.done @!p2 $0x0  }
0xa6: {  	[sflag:s10] =	ssyncadd.s32 @!p2 $0xFFFFEC00  }
0xa7: {  	_ =	swait.ge [sflag:s12], $0x28  }
0xa8: {  	[sflag:s12] =	ssyncset.done $0x0  }
0xa9: {  	[sflag:s12] =	ssyncadd.s32 $0xFFFFFFD8  }
0xaa: {  	[spmem:s2] =	stream.indirect.scatter.add.f32 [tilespmem:s5], [sflag:$0x1], $0x80, s8, s13, $0xb8;
	[tilespmem:$0x16300] =	vst v63  }
0xab: {  	s28 =	sadd.s32 s17, s23  }
0xac: {  	[tilespmem:s15], [sflag:$0x2] =	stream.linear.gather [hbm4b:s28+s3], $0x28, $0x38;
	[tilespmem:$0x16300] =	vst v63  }
0xad: {  	_ =	swait.ge [sflag:s6], $0x1400  }
0xae: {  	[sflag:s6] =	ssyncset.done $0x0  }
0xaf: {  	[sflag:s6] =	ssyncadd.s32 $0xFFFFEC00  }
0xb0: {  	_ =	swait.ge [sflag:s12], $0x28  }
0xb1: {  	p2 =	seq.s32 s17, $0x4C9;
	[sflag:s12] =	ssyncset.done $0x0  }
0xb2: {  	s10 =	simm.s32 @p2 $0x1;
	[sflag:s12] =	ssyncadd.s32 $0xFFFFFFD8  }
0xb3: {  	[spmem:s2] =	stream.indirect.scatter.add.f32 [tilespmem:s5], [sflag:$0x1], $0x80, s11, s13, $0xb8;
	[tilespmem:$0x16300] =	vst v63  }
0xb4: {  	_ =	swait.ge @p2 [sflag:s10], $0x1400  }
0xb5: {  	[sflag:s10] =	ssyncset.done @p2 $0x0  }
0xb6: {  	[sflag:s10] =	ssyncadd.s32 @p2 $0xFFFFEC00;
	s10 =	simm.s32 @p2 $0x2  }
0xb7: {  	_ =	swait.ge @p2 [sflag:s10], $0x28  }
0xb8: {  	s25 =	simm.s32 @p2 $0x16200;
	[sflag:s10] =	ssyncset.done @p2 $0x0  }
0xb9: {  	s26 =	simm.s32 @p2 $0x14C80;
	[sflag:s10] =	ssyncadd.s32 @p2 $0xFFFFFFD8;
	s10 =	simm.s32 @p2 $0x28  }
0xba: {  	[spmem:s2] =	stream.indirect.scatter.add.f32 @p2 [tilespmem:s26], [sflag:$0x1], $0x80, s25, s10, $0xb8;
	[tilespmem:$0x16300] =	vst v63  }
0xbb: {  	s10 =	sshrl.u32 @!p2 s22, $0x3  }
0xbc: {  	s25 =	simm.s32 @!p2 $0x0;
	s26 =	simm.s32 @!p2 $0x16080;
	s10 =	sadd.s32 @!p2 s4, s10  }
0xbd: {  	[tilespmem:s26], [sflag:$0x2] =	stream.linear.gather @!p2 [hbm4b:s10+s25], $0x28, $0x38;
	[tilespmem:$0x16300] =	vst v63  }
0xbe: {  	s10 =	simm.s32 @!p2 $0x1  }
0xbf: {  	_ =	swait.ge @!p2 [sflag:s10], $0x1400  }
0xc0: {  	[sflag:s10] =	ssyncset.done @!p2 $0x0  }
0xc1: {  	[sflag:s10] =	ssyncadd.s32 @!p2 $0xFFFFEC00;
	s10 =	simm.s32 @!p2 $0x2  }
0xc2: {  	_ =	swait.ge @!p2 [sflag:s10], $0x28  }
0xc3: {  	s28 =	simm.s32 @!p2 $0x14C80;
	[sflag:s10] =	ssyncset.done @!p2 $0x0  }
0xc4: {  	s26 =	simm.s32 @!p2 $0x16200;
	[sflag:s10] =	ssyncadd.s32 @!p2 $0xFFFFFFD8;
	s10 =	simm.s32 @!p2 $0x28  }
0xc5: {  	[spmem:s2] =	stream.indirect.scatter.add.f32 @!p2 [tilespmem:s28], [sflag:$0x1], $0x80, s26, s10, $0xb8;
	[tilespmem:$0x16300] =	vst v63  }
0xc6: {  	s10 =	sadd.s32 @!p2 s17, s21;
	s26 =	simm.s32 @!p2 $0x16100  }
0xc7: {  	[tilespmem:s26], [sflag:$0x2] =	stream.linear.gather @!p2 [hbm4b:s10+s25], $0x28, $0x38;
	[tilespmem:$0x16300] =	vst v63  }
0xc8: {  	_ =	swait.ge [sflag:s6], $0x1400  }
0xc9: {  	[sflag:s6] =	ssyncset.done $0x0  }
.Ltmp2:
0xca: {  	[sflag:s6] =	ssyncadd.s32 $0xFFFFEC00;
	(pc) =	sbr.rel @p2 .LBB2_8-.Ltmp2, $4  }
0xcb: {  	_ =	swait.ge [sflag:s12], $0x28  }
0xcc: {  	[sflag:s12] =	ssyncset.done $0x0  }
0xcd: {  	[sflag:s12] =	ssyncadd.s32 $0xFFFFFFD8  }
0xce: {  	[spmem:s2] =	stream.indirect.scatter.add.f32 [tilespmem:s5], [sflag:$0x1], $0x80, s15, s13, $0xb8;
	[tilespmem:$0x16300] =	vst v63  }
.Ltmp3:
0xcf: {  	(pc) =	sbr.rel .LBB2_6-.Ltmp3, $3  }
0xd0: {  	_ =	sdelay $0x1  }
0xd1: {  	s10 =	sadd.s32 s17, s20;
	s17 =	sadd.s32 $0x19, s17;
	s22 =	sadd.s32 $0xC8, s22  }
0xd2: {  	[tilespmem:s11], [sflag:$0x2] =	stream.linear.gather [hbm4b:s10+s3], $0x28, $0x38;
	[tilespmem:$0x16300] =	vst v63  }
.LBB2_8:
0xd3: {  	_ =	swait.ge [sflag:s6], $0x1400  }
0xd4: {  	[sflag:s6] =	ssyncset.done $0x0  }
0xd5: {  	s10 =	sadd.s32 $0x0, s0;
	[sflag:s6] =	ssyncadd.s32 $0xFFFFEC00  }
0xd6: {  	s17 =	simm.s32 $0x10;
	s22 =	sadd.s32 $0x2800, s18;
	_ =	swait.ge [sflag:s6], $0x1400  }
0xd7: {  	s25 =	smov.u32 s18;
	p2 =	sgt.u32 s10, $0xF9;
	[sflag:s6] =	ssyncset.done $0x0  }
0xd8: {  	s10 =	sshll.u32 @!p2 s0, $0x6;
	s28 =	sshrl.u32 @!p2 s9, $0x3;
	[sflag:s6] =	ssyncadd.s32 $0xFFFFEC00  }
0xd9: {  	s26 =	sor.u32 @!p2 $0x1C02, s10;
	s10 =	smov.u32 s19;
	[bflag:$0x0] =	sbarrier.arrive $0xFFFF  }
.LBB2_9:
0xda: {  	[hbm:s25], [sflag:s26] =	dma.local @!p2 [spmem:s28], $0x280  }
0xdb: {  	s25 =	smov.u32 s17;
	s17 =	sadd.s32 $0x10, s17  }
0xdc: {  	p3 =	sne.s32 s17, $0x100  }
.Ltmp4:
0xdd: {  	(pc) =	sbr.rel @p3 .LBB2_9-.Ltmp4, $4  }
0xde: {  	s28 =	smov.u32 s10;
	s25 =	sadd.s32 s25, s0  }
0xdf: {  	p2 =	sgt.u32 s25, $0xF9;
	s25 =	smov.u32 s22  }
0xe0: {  	s10 =	sadd.s32 $0x14000, s10;
	s26 =	sshll.u32 @!p2 s0, $0x6  }
0xe1: {  	s22 =	sadd.s32 $0x2800, s22;
	s28 =	sshrl.u32 @!p2 s28, $0x3;
	s26 =	sor.u32 @!p2 $0x1C02, s26  }
0xe2: {  	[hbm:s25], [sflag:s26] =	dma.local @!p2 [spmem:s28], $0x280  }
0xe3: {  	_ =	swait.ge [sflag:s12], $0x280  }
0xe4: {  	[sflag:s12] =	ssyncset.done $0x0  }
0xe5: {  	[sflag:s12] =	ssyncadd.s32 $0xFFFFFD80  }
0xe6: {  	_ =	swait.ge [sflag:s12], $0x280  }
0xe7: {  	[sflag:s12] =	ssyncset.done $0x0  }
0xe8: {  	[sflag:s12] =	ssyncadd.s32 $0xFFFFFD80  }
0xe9: {  	_ =	swait.ge [sflag:s12], $0x280  }
0xea: {  	[sflag:s12] =	ssyncset.done $0x0  }
0xeb: {  	[sflag:s12] =	ssyncadd.s32 $0xFFFFFD80  }
0xec: {  	_ =	swait.ge [sflag:s12], $0x280  }
0xed: {  	[sflag:s12] =	ssyncset.done $0x0  }
0xee: {  	[sflag:s12] =	ssyncadd.s32 $0xFFFFFD80  }
0xef: {  	_ =	swait.ge [sflag:s12], $0x280  }
0xf0: {  	[sflag:s12] =	ssyncset.done $0x0  }
0xf1: {  	[sflag:s12] =	ssyncadd.s32 $0xFFFFFD80  }
0xf2: {  	_ =	swait.ge [sflag:s12], $0x280  }
0xf3: {  	[sflag:s12] =	ssyncset.done $0x0  }
0xf4: {  	[sflag:s12] =	ssyncadd.s32 $0xFFFFFD80  }
0xf5: {  	_ =	swait.ge [sflag:s12], $0x280  }
0xf6: {  	[sflag:s12] =	ssyncset.done $0x0  }
0xf7: {  	[sflag:s12] =	ssyncadd.s32 $0xFFFFFD80  }
0xf8: {  	_ =	swait.ge [sflag:s12], $0x280  }
0xf9: {  	[sflag:s12] =	ssyncset.done $0x0  }
0xfa: {  	[sflag:s12] =	ssyncadd.s32 $0xFFFFFD80  }
0xfb: {  	_ =	swait.ge [sflag:s12], $0x280  }
0xfc: {  	[sflag:s12] =	ssyncset.done $0x0  }
0xfd: {  	[sflag:s12] =	ssyncadd.s32 $0xFFFFFD80  }
0xfe: {  	_ =	swait.ge [sflag:s12], $0x280  }
0xff: {  	[sflag:s12] =	ssyncset.done $0x0  }
0x100: {  	[sflag:s12] =	ssyncadd.s32 $0xFFFFFD80  }
0x101: {  	_ =	swait.ge [sflag:s12], $0x280  }
0x102: {  	[sflag:s12] =	ssyncset.done $0x0  }
0x103: {  	[sflag:s12] =	ssyncadd.s32 $0xFFFFFD80  }
0x104: {  	_ =	swait.ge [sflag:s12], $0x280  }
0x105: {  	[sflag:s12] =	ssyncset.done $0x0  }
0x106: {  	[sflag:s12] =	ssyncadd.s32 $0xFFFFFD80  }
0x107: {  	_ =	swait.ge [sflag:s12], $0x280  }
0x108: {  	[sflag:s12] =	ssyncset.done $0x0  }
0x109: {  	[sflag:s12] =	ssyncadd.s32 $0xFFFFFD80  }
0x10a: {  	_ =	swait.ge [sflag:s12], $0x280  }
0x10b: {  	[sflag:s12] =	ssyncset.done $0x0  }
0x10c: {  	[sflag:s12] =	ssyncadd.s32 $0xFFFFFD80  }
0x10d: {  	_ =	swait.ge [sflag:s12], $0x280  }
0x10e: {  	[sflag:s12] =	ssyncset.done $0x0  }
0x10f: {  	s10 =	simm.s32 @!p1 $0x2;
	[sflag:s12] =	ssyncadd.s32 $0xFFFFFD80  }
0x110: {  	_ =	swait.ge @!p1 [sflag:s10], $0x280  }
0x111: {  	s16 =	sadd.s32 $0x1, s16;
	s17 =	rddreg [dreg:$0x6]  }
0x112: {  	p2 =	sne.s32 s16, s17  }
.Ltmp5:
0x113: {  	_ = 	snop;
	(pc) =	sbr.rel @p2 .LBB2_1-.Ltmp5, $3  }
0x114: {  	_ =	sdelay $0x1  }
0x115: {  	[sflag:s10] =	ssyncset.done @!p1 $0x0  }
0x116: {  	[sflag:s10] =	ssyncadd.s32 @!p1 $0xFFFFFD80  }
0x117: {  	_ =	sfence.sel $0x180000  }
0x118: {  	[bflag:$0x0] =	sbarrier.arrive $0xFFFF  }
0x119: {  	_ =	strace $0x90000047  }
0x11a: {  	[bflag:$0x2] =	sbarrier.arrive $0xFFFF  }
0x11b: {  	p0 =	sne.s32 s0, $0x0;
	s0 =	rddreg [dreg:$0x2]  }
0x11c: {  	s0 =	sadd.s32 @!p0 $0x100000, s0  }
0x11d: {  	[sflag:s0] =	ssyncadd.tile.s32 @!p0 $0x1;
	_ =	shalt  }
.Lfunc_end2:
_tile_overlayer_lowered:
.L_overlay_start_2:
0x11e: {  	(tag) =	ssettag $0x2  }
0x11f: {  	s0 =	rddreg [dreg:$0x0];
	s2 =	stileid.u32  }
0x120: {  	s1 =	rddreg [dreg:$0x1];
	p0 =	sne.s32 s2, $0x0  }
0x121: {  	s3 =	rddreg [dreg:$0x2];
	[bflag:$0x3] =	sbarrier.arrive $0xFFFF;
	s2 =	simm.s32 @!p0 $0x1C03  }
0x122: {  	[timem:s3], [sflag:s2] =	dma.local @!p0 [hbm:s0], s1  }
0x123: {  	s0 =	simm.s32 @!p0 $0x3  }
0x124: {  	_ =	swait.ge @!p0 [sflag:s0], s1  }
0x125: {  	s1 =	ssub.s32 @!p0 $0x0, s1;
	[sflag:s0] =	ssyncset.done @!p0 $0x0  }
0x126: {  	[sflag:s0] =	ssyncadd.s32 @!p0 s1  }
0x127: {  	[bflag:$0x3] =	sbarrier.arrive $0xFFFF  }
0x128: {  	_ =	shalt  }

// kernel: kernel.15.cloned.1.call-start
scs
__scs_entry_jumppad:
0x0: {  	(pc) =	sbr.rel $0x88, $3  }
0x1: {  	(tag) =	ssettag $0x0;
	lr =	simm.s32 $0x1  }
0x2: {  	[smem:$0x3F97] =	sst lr;
	_ =	strace $0xD0000000  }
0x3: {  	_ = 	snop  }
0x4: {  	_ = 	snop  }
0x5: {  	_ = 	snop  }
0x6: {  	_ = 	snop  }
0x7: {  	_ = 	snop  }
__scs_overlays_trampoline_lowered:
0x8: {  	[smem:$0x3FA6] =	sst s0  }
0x9: {  	[smem:$0x3FA7] =	sst s1  }
0xa: {  	[smem:$0x3FA8] =	sst s2  }
0xb: {  	[smem:$0x3FA9] =	sst s3  }
0xc: {  	[smem:$0x3FAA] =	sst s4  }
0xd: {  	[smem:$0x3FAB] =	sst s5  }
0xe: {  	[smem:$0x3FAC] =	sst s6  }
0xf: {  	[smem:$0x3FAD] =	sst s7  }
0x10: {  	[smem:$0x3FAE] =	sst s8  }
0x11: {  	[smem:$0x3FAF] =	sst s9;
	s0 =	simm.s32 @!p0 $0x0  }
0x12: {  	s1 =	sld [smem:$0x3F95];
	s0 =	simm.s32 @p0 $0x1  }
0x13: {  	[smem:$0x3FB0] =	sst s0;
	s0 =	simm.s32 @!p1 $0x0  }
0x14: {  	s2 =	sld [smem:$0x3F94];
	s0 =	simm.s32 @p1 $0x1  }
0x15: {  	[smem:$0x3FB1] =	sst s0;
	s0 =	simm.s32 @!p2 $0x0  }
0x16: {  	s3 =	sld [smem:$0x3FDB];
	s0 =	simm.s32 @p2 $0x1  }
0x17: {  	s4 =	simm.s32 $0x1BF5;
	[smem:$0x3FB3] =	sst s0  }
0x18: {  	s0 =	sld [smem:$0x3F96];
	_ =	swait.ge [sflag:s4], $0x0  }
0x19: {  	s7 =	sld [smem:$0x3F97]  }
0x1a: {  	s8 =	sadd.s32 $0xFFFFE003, lr  }
0x1b: {  	s9 =	sadd.s32 $0xFFFFFEF7, lr;
	s5 =	simm.s32 $0xFFFFFFFF;
	p2 =	slt.u32 s8, $0xFFFFF086  }
0x1c: {  	p1 =	slt.u32 s9, $0xF7A;
	s5 =	simm.s32 @!p2 $0x0  }
0x1d: {  	s5 =	simm.s32 @p1 $0x1;
	p0 =	seq.s32 s7, s2  }
0x1e: {  	s7 =	smul.u32 @!p0 $0xF7A, s2;
	p2 =	seq.s32 @!p0 s5, $0x0  }
0x1f: {  	s9 =	smul.u32 $0xF7A, s1;
	s8 =	simm.s32 @!p0 $0x1BF5;
	p2 =	por !p2, p0  }
0x20: {  	[sflag:s8] =	ssyncset.s32 @!p0 $0xFFFFF086;
	s6 =	sadd.s32 @!p0 s3, s7;
	s7 =	simm.s32 @!p0 $0x108  }
0x21: {  	s3 =	sadd.s32 s3, s9;
	s6 =	sadd.s32 @!p0 $0x88, s6;
	s7 =	simm.s32 @p2 $0x1082  }
0x22: {  	[simem:s7], [sflag:s8] =	dma.local @!p0 [hbm:s6], $0xF7A  }
0x23: {  	s9 =	sor.u32 $0xD0000000, s2;
	s6 =	simm.s32 $0x108;
	_ =	swait.ge @!p0 [sflag:s8], $0x0  }
0x24: {  	s3 =	sadd.s32 $0x88, s3;
	s6 =	simm.s32 @!p1 $0x1082;
	[sflag:s4] =	ssyncset.s32 $0xFFFFF086  }
0x25: {  	[simem:s6], [sflag:s4] =	dma.local [hbm:s3], $0xF7A  }
0x26: {  	[smem:$0x3F97] =	sst s1;
	(tag) =	ssettag s2;
	_ =	strace s9  }
0x27: {  	s1 =	sld [smem:$0x3FA7]  }
0x28: {  	s2 =	sld [smem:$0x3FA8]  }
0x29: {  	s4 =	sld [smem:$0x3FAA]  }
0x2a: {  	p0 =	seq.s32 s5, $0x0;
	s5 =	sld [smem:$0x3FAB]  }
0x2b: {  	s6 =	sld [smem:$0x3FAC]  }
0x2c: {  	s7 =	sld [smem:$0x3FAD]  }
0x2d: {  	s3 =	simm.s32 $0x108;
	s8 =	sld [smem:$0x3FAE]  }
0x2e: {  	s3 =	simm.s32 @!p0 $0x1082;
	s9 =	sld [smem:$0x3FAF]  }
0x2f: {  	lr =	sadd.s32 s0, s3;
	s0 =	sld [smem:$0x3FA6]  }
0x30: {  	s3 =	sld [smem:$0x3FA9]  }
0x31: {  	[smem:$0x3FB2] =	sst s10  }
0x32: {  	s10 =	sld [smem:$0x3FB0];
	_ =	sdelay $0x3  }
0x33: {  	p0 =	seq.s32 s10, $0x1;
	s10 =	sld [smem:$0x3FB2];
	_ =	sdelay $0x3  }
0x34: {  	[smem:$0x3FB2] =	sst s10  }
0x35: {  	s10 =	sld [smem:$0x3FB1];
	_ =	sdelay $0x3  }
0x36: {  	p1 =	seq.s32 s10, $0x1;
	s10 =	sld [smem:$0x3FB2];
	_ =	sdelay $0x3  }
0x37: {  	[smem:$0x3FB2] =	sst s10  }
0x38: {  	s10 =	sld [smem:$0x3FB3]  }
0x39: {  	_ = 	snop;
	(pc) =	sbr.ind lr, $3  }
0x3a: {  	_ = 	snop  }
0x3b: {  	_ = 	snop  }
0x3c: {  	p2 =	seq.s32 s10, $0x1;
	s10 =	sld [smem:$0x3FB2]  }
0x3d: {  	_ =	shalt  }
0x3e: {  	_ =	shalt  }
0x3f: {  	_ =	shalt  }
0x40: {  	_ =	shalt  }
0x41: {  	_ =	shalt  }
0x42: {  	_ =	shalt  }
0x43: {  	_ =	shalt  }
0x44: {  	_ =	shalt  }
0x45: {  	_ =	shalt  }
0x46: {  	_ =	shalt  }
0x47: {  	_ =	shalt  }
0x48: {  	_ =	shalt  }
0x49: {  	_ =	shalt  }
0x4a: {  	_ =	shalt  }
0x4b: {  	_ =	shalt  }
0x4c: {  	_ =	shalt  }
0x4d: {  	_ =	shalt  }
0x4e: {  	_ =	shalt  }
0x4f: {  	_ =	shalt  }
0x50: {  	_ =	shalt  }
0x51: {  	_ =	shalt  }
0x52: {  	_ =	shalt  }
0x53: {  	_ =	shalt  }
0x54: {  	_ =	shalt  }
0x55: {  	_ =	shalt  }
0x56: {  	_ =	shalt  }
0x57: {  	_ =	shalt  }
0x58: {  	_ =	shalt  }
0x59: {  	_ =	shalt  }
0x5a: {  	_ =	shalt  }
0x5b: {  	_ =	shalt  }
0x5c: {  	_ =	shalt  }
0x5d: {  	_ =	shalt  }
0x5e: {  	_ =	shalt  }
0x5f: {  	_ =	shalt  }
0x60: {  	_ =	shalt  }
0x61: {  	_ =	shalt  }
0x62: {  	_ =	shalt  }
0x63: {  	_ =	shalt  }
0x64: {  	_ =	shalt  }
0x65: {  	_ =	shalt  }
0x66: {  	_ =	shalt  }
0x67: {  	_ =	shalt  }
0x68: {  	_ =	shalt  }
0x69: {  	_ =	shalt  }
0x6a: {  	_ =	shalt  }
0x6b: {  	_ =	shalt  }
0x6c: {  	_ =	shalt  }
0x6d: {  	_ =	shalt  }
0x6e: {  	_ =	shalt  }
0x6f: {  	_ =	shalt  }
0x70: {  	_ =	shalt  }
0x71: {  	_ =	shalt  }
0x72: {  	_ =	shalt  }
0x73: {  	_ =	shalt  }
0x74: {  	_ =	shalt  }
0x75: {  	_ =	shalt  }
0x76: {  	_ =	shalt  }
0x77: {  	_ =	shalt  }
0x78: {  	_ =	shalt  }
0x79: {  	_ =	shalt  }
0x7a: {  	_ =	shalt  }
0x7b: {  	_ =	shalt  }
0x7c: {  	_ =	shalt  }
0x7d: {  	_ =	shalt  }
0x7e: {  	_ =	shalt  }
0x7f: {  	_ =	shalt  }
0x80: {  	_ =	shalt  }
0x81: {  	_ =	shalt  }
0x82: {  	_ =	shalt  }
0x83: {  	_ =	shalt  }
0x84: {  	_ =	shalt  }
0x85: {  	_ =	shalt  }
0x86: {  	_ =	shalt  }
0x87: {  	_ =	shalt  }
.Lfunc_end0:
.L_simem_size_0:
called_computation.1_lowered:
.L_overlay_start_0:
0x88: {  	s2 =	sld [smem:$0x3FD9]  }
0x89: {  	s3 =	sld [smem:$0x3FFE];
	_ =	sdelay $0x1  }
0x8a: {  	s1 =	srdreg.scid  }
0x8b: {  	s0 =	sand.u32 $0x1, s1  }
0x8c: {  	s16 =	sshll.u32 s0, $0xA;
	s2 =	sadd.s32 s3, s2  }
0x8d: {  	s2 =	sadd.s32 s2, s16  }
0x8e: {  	[smem:$0x3FBE] =	sst s2  }
0x8f: {  	_ = 	snop  }
0x90: {  	(tm) =	ssettm $0x1  }
0x91: {  	s17 =	sld [smem:$0x3FFB];
	_ =	sdelay $0x3  }
0x92: {  	_ =	strace s17  }
0x93: {  	s2 =	sld [smem:$0x3FFC];
	_ =	sdelay $0x3  }
0x94: {  	_ =	strace s2  }
0x95: {  	s2 =	sld [smem:$0x3FFD];
	_ =	sdelay $0x3  }
0x96: {  	_ =	strace s2  }
0x97: {  	_ =	strace $0x8FFFFFFF  }
0x98: {  	s18 =	sld [smem:$0x3FDB];
	_ =	sdelay $0x1  }
0x99: {  	s19 =	simm.s32 $_scs_section_size  }
0x9a: {  	s4 =	simm.s32 $_size__tile_overlayer_lowered;
	s5 =	simm.s32 $_tile_overlayer_lowered  }
0x9b: {  	s22 =	simm.s32 $0x1BFF;
	s21 =	sshll.u32 s5, $0x1;
	s2 =	sadd.s32 s19, s18  }
0x9c: {  	s6 =	simm.s32 $0x0;
	s20 =	sshll.u32 s4, $0x1;
	s4 =	sadd.s32 s21, s2  }
0x9d: {  	[timem:s6], [sflag:s22] =	dma.local [hbm:s4], s20  }
0x9e: {  	_ =	swait.ge [sflag:s22], s20  }
0x9f: {  	s3 =	ssub.s32 $0x0, s20;
	[sflag:s22] =	ssyncset.done $0x0  }
0xa0: {  	[sflag:s22] =	ssyncadd.s32 s3;
	_ =	sdelay $0x1  }
0xa1: {  	s23 =	simm.s32 $0x1B8B  }
0xa2: {  	_ =	swait.ge [sflag:s23], $0x1  }
0xa3: {  	[sflag:s23] =	ssyncset.done $0x0  }
0xa4: {  	s25 =	simm.s32 $0x1B8E;
	s24 =	sld [smem:$0x3FFE];
	[sflag:s23] =	ssyncadd.s32 $0xFFFFFFFF  }
0xa5: {  	s26 =	simm.s32 $execute0_lowered;
	[smem:$0x3FD2] =	sst s25  }
0xa6: {  	s4 =	sshll.u32 s26, $0x1;
	_ =	strace $0x80000049;
	[dreg:$0x1] =	wrdreg $0xFFFFFFFF  }
0xa7: {  	s28 =	simm.s32 $_size_execute0_lowered;
	s2 =	sadd.s32 s2, s4;
	[dreg:$0x0] =	wrdreg $0x0  }
0xa8: {  	s4 =	sshll.u32 s28, $0x1;
	[dreg:$0x2] =	wrdreg s2  }
0xa9: {  	[dreg:$0x3] =	wrdreg s4  }
0xaa: {  	[dreg:$0x4] =	wrdreg $0xC0  }
0xab: {  	_ =	task [dreg:s6], $0x5FFFF  }
0xac: {  	[dreg:$0x1] =	wrdreg $0xFFFFFFFF  }
0xad: {  	[dreg:$0x0] =	wrdreg $0x60  }
0xae: {  	[dreg:$0x2] =	wrdreg s24  }
0xaf: {  	[dreg:$0x3] =	wrdreg $0x0  }
0xb0: {  	[dreg:$0x4] =	wrdreg $0x9  }
0xb1: {  	_ =	task.clear_ibuf [dreg:s6], $0x5FFFF;
	_ =	strace $0x90000049  }
0xb2: {  	s29 =	simm.s32 $0x9;
	_ =	strace $0x8000004B  }
0xb3: {  	_ =	swait.ge [sflag:s29], $0x1  }
0xb4: {  	[sflag:s29] =	ssyncadd.s32 $0xFFFFFFFF  }
0xb5: {  	_ =	strace $0x9000004B  }
0xb6: {  	_ =	sfence  }
0xb7: {  	s30 =	sld [smem:$0x0];
	_ =	sdelay $0x2  }
0xb8: {  	s31 =	sshll.u32 s1, $0xD;
	s1 =	sshrl.u32 s1, $0x2  }
0xb9: {  	s3 =	sand.u32 $0x4000, s31;
	s1 =	sadd.s32 s1, s30  }
0xba: {  	s0 =	sor.u32 s3, s0;
	s1 =	sshll.u32 s1, $0x11  }
0xbb: {  	s0 =	sor.u32 s1, s0  }
0xbc: {  	s0 =	sadd.s32 $0x8F2B, s0  }
0xbd: {  	[sflag:s0] =	ssyncadd.remote.s32 $0x1  }
0xbe: {  	_ =	sfence.sel $0xFFFF  }
0xbf: {  	[dreg:$0x0] =	wrdreg $0xFFFFFFFF;
	(pc) =	sbr.abs _section_cstart, $3  }
0xc0: {  	[dreg:$0x1] =	wrdreg $0xFFFFFFFF  }
0xc1: {  	_ =	task.clear_ibuf [dreg:s6], $0x2FFFF;
	_ =	strace $0x9FFFFFFF  }
0xc2: {  	(tm) =	ssettm $0x7FFFFFFF  }
0xc3: {  	_ =	shalt  }
tec
execute0_lowered:
.L_overlay_start_1:
0x0: {  	(tag) =	ssettag $0x1  }
0x1: {  	s0 =	stileid.u32  }
0x2: {  	s1 =	srdreg.scid;
	s8 =	smul.u32 $0x1400, s0  }
0x3: {  	s6 =	rddreg [dreg:$0x0];
	s1 =	sand.u32 $0x1, s1;
	s12 =	smul.u32 $0x5000, s0  }
0x4: {  	s2 =	sshll.u32 s0, $0x1;
	s4 =	sadd.s32 $0x17200, s6;
	s24 =	smul.u32 $0x4E20, s0  }
0x5: {  	s30 =	sor.u32 $0xF0, s0;
	p1 =	sgt.u32 s0, $0x9;
	s5 =	smul.u32 $0x138800, s1  }
0x6: {  	s3 =	sor.u32 s1, s2;
	s11 =	ssub.s32 $0x2, s1;
	s1 =	smul.u32 $0x2710, s1  }
0x7: {  	s2 =	rddreg [dreg:$0x1];
	p0 =	sgt.u32 s30, $0xF9;
	s7 =	smul.u32 $0x2710, s3  }
0x8: {  	s3 =	simm.s32 $0x0;
	s19 =	sshrl.u32 s11, $0x1;
	s21 =	sshrl.u32 s12, $0x2  }
0x9: {  	s12 =	smul.u32 $0x5000, s30;
	[smem:$0x7FF] =	sst s3;
	s8 =	sadd.s32 s8, s5  }
0xa: {  	s5 =	sadd.s32 $0x3600, s6;
	s1 =	sadd.s32 s1, s24;
	_ =	strace $0x8000004A  }
0xb: {  	s9 =	sshrl.u32 s7, $0x3;
	s8 =	sshrl.u32 s8, $0x3;
	s7 =	sadd.s32 $0x28, s7  }
0xc: {  	s14 =	sadd.s32 $0x118, s1;
	s15 =	sadd.s32 $0xF0, s1;
	s17 =	sadd.s32 $0xA0, s1  }
0xd: {  	s18 =	sadd.s32 $0x78, s1;
	s1 =	sadd.s32 $0xC8, s1;
	s10 =	sadd.s32 s9, s6  }
0xe: {  	s6 =	sadd.s32 s8, s6;
	s20 =	sadd.s32 s5, s9;
	[dreg:$0x11] =	wrdreg s1  }
0xf: {  	s7 =	sshrl.u32 s7, $0x3;
	s10 =	sadd.s32 $0xD400, s10;
	[dreg:$0x4] =	wrdreg s20  }
0x10: {  	s8 =	ssub.s32 s11, s19;
	s7 =	sadd.s32 s5, s7;
	[dreg:$0x3] =	wrdreg s10  }
0x11: {  	s11 =	sshrl.u32 s15, $0x3;
	s22 =	sadd.s32 $0xA, s20;
	[dreg:$0x5] =	wrdreg s7  }
0x12: {  	s19 =	sshrl.u32 s17, $0x3;
	s23 =	smax.u32 s8, $0x1;
	[dreg:$0x6] =	wrdreg s22  }
0x13: {  	s15 =	simm.s32 $0x16100;
	s16 =	sadd.s32 s11, s5;
	[dreg:$0x7] =	wrdreg s23  }
0x14: {  	s20 =	sshrl.u32 s18, $0x3;
	s1 =	sadd.s32 s19, s5;
	[dreg:$0x10] =	wrdreg s16  }
0x15: {  	s10 =	sadd.s32 s21, s2;
	[dreg:$0x12] =	wrdreg s1;
	s21 =	sadd.s32 s20, s5  }
0x16: {  	s17 =	simm.s32 $0x17680;
	s22 =	sadd.s32 $0x3E400, s6;
	[dreg:$0x13] =	wrdreg s21  }
0x17: {  	s11 =	simm.s32 $0x2;
	s25 =	sadd.s32 $0x28000, s10;
	[dreg:$0x14] =	wrdreg s22  }
0x18: {  	s18 =	simm.s32 $0x18A80;
	s26 =	sadd.s32 $0x3C000, s10;
	[dreg:$0x8] =	wrdreg s25  }
0x19: {  	s19 =	simm.s32 $0x19E80;
	s28 =	sadd.s32 $0x50000, s10;
	[dreg:$0x9] =	wrdreg s26  }
0x1a: {  	s7 =	sshrl.u32 s14, $0x3;
	s29 =	sadd.s32 $0x64000, s10;
	[dreg:$0xa] =	wrdreg s28  }
0x1b: {  	s14 =	simm.s32 $0x16080;
	s9 =	sadd.s32 $0x78000, s10;
	[dreg:$0xb] =	wrdreg s29  }
0x1c: {  	s16 =	simm.s32 $0x28;
	s13 =	sadd.s32 $0x8C000, s10;
	[dreg:$0xc] =	wrdreg s9  }
0x1d: {  	s20 =	simm.s32 $0x1;
	s7 =	sadd.s32 s7, s5;
	[dreg:$0xd] =	wrdreg s13  }
0x1e: {  	s31 =	sadd.s32 $0x14000, s10;
	s23 =	sadd.s32 $0xA0000, s10;
	[dreg:$0xf] =	wrdreg s7  }
0x1f: {  	s24 =	sadd.s32 $0xB4000, s10;
	s30 =	sadd.s32 $0x118000, s10;
	[dreg:$0x15] =	wrdreg s23  }
0x20: {  	s21 =	simm.s32 $0x4;
	s22 =	simm.s32 $0x16180;
	[dreg:$0x16] =	wrdreg s24  }
0x21: {  	s9 =	sshrl.u32 s12, $0x2;
	s25 =	sadd.s32 $0xC8000, s10;
	[dreg:$0x1b] =	wrdreg s30  }
0x22: {  	s26 =	sadd.s32 $0xDC000, s10;
	s28 =	sadd.s32 $0xF0000, s10;
	[dreg:$0x17] =	wrdreg s25  }
0x23: {  	s29 =	sadd.s32 $0x104000, s10;
	s7 =	simm.s32 $0x13880;
	[dreg:$0x18] =	wrdreg s26  }
0x24: {  	s13 =	simm.s32 $0x16000;
	s23 =	simm.s32 $0x1B280;
	[dreg:$0x19] =	wrdreg s28  }
0x25: {  	s24 =	simm.s32 $0x0;
	s9 =	sadd.s32 s9, s2;
	[dreg:$0x1a] =	wrdreg s29  }
0x26: {  	v0 =	vimm.f32 $0.0e+00;
	s26 =	simm.s32 $0x16200;
	[dreg:$0xe] =	wrdreg s9;
	s9 =	simm.s32 $0x16280  }
.LBB2_1:
0x27: {  	s1 =	rddreg [dreg:$0x3]  }
0x28: {  	[tilespmem:s7], [sflag:$0x3] =	stream.linear.gather [hbm4b:s1+s3], $0x2710, $0x38;
	[tilespmem:$0x1C680] =	vst v63  }
0x29: {  	s6 =	simm.s32 $0x200;
	s1 =	simm.s32 $0x0  }
.LBB2_2:
0x2a: {  	p2 =	sne.s32 s6, $0x4E00;
	[tilespmem:s1+$0x162F0] =	vst v0  }
0x2b: {  	[tilespmem:s1+$0x16280] =	vst v0  }
0x2c: {  	[tilespmem:s1+$0x16290] =	vst v0  }
.Ltmp0:
0x2d: {  	[tilespmem:s1+$0x162A0] =	vst v0;
	(pc) =	sbr.rel @p2 .LBB2_2-.Ltmp0, $4  }
0x2e: {  	[tilespmem:s1+$0x162B0] =	vst v0  }
0x2f: {  	[tilespmem:s1+$0x162C0] =	vst v0  }
0x30: {  	[tilespmem:s1+$0x162D0] =	vst v0  }
0x31: {  	[tilespmem:s1+$0x162E0] =	vst v0;
	s1 =	sshra.s32 s6, $0x2;
	s6 =	sadd.s32 $0x200, s6  }
0x32: {  	[tilespmem:s1+$0x162F0] =	vst v0  }
0x33: {  	[tilespmem:s1+$0x16280] =	vst v0  }
0x34: {  	[tilespmem:s1+$0x16290] =	vst v0  }
0x35: {  	[tilespmem:s1+$0x162A0] =	vst v0  }
0x36: {  	[tilespmem:s1+$0x162B0] =	vst v0  }
0x37: {  	[tilespmem:s1+$0x162C0] =	vst v0  }
0x38: {  	[tilespmem:s1+$0x162D0] =	vst v0  }
0x39: {  	[tilespmem:s1+$0x162E0] =	vst v0  }
0x3a: {  	[spmem:s10] =	stream.linear.scatter [tilespmem:s9], [sflag:$0x2], $0x1400, $0x38;
	[tilespmem:$0x1C680] =	vst v63  }
0x3b: {  	_ = 	snop  }
0x3c: {  	[spmem:s31] =	stream.linear.scatter [tilespmem:s9], [sflag:$0x2], $0x1400, $0x38;
	[tilespmem:$0x1C680] =	vst v63  }
0x3d: {  	s12 =	rddreg [dreg:$0x8]  }
0x3e: {  	[spmem:s12] =	stream.linear.scatter [tilespmem:s9], [sflag:$0x2], $0x1400, $0x38;
	[tilespmem:$0x1C680] =	vst v63  }
0x3f: {  	s6 =	rddreg [dreg:$0x9]  }
0x40: {  	[spmem:s6] =	stream.linear.scatter [tilespmem:s9], [sflag:$0x2], $0x1400, $0x38;
	[tilespmem:$0x1C680] =	vst v63  }
0x41: {  	s8 =	rddreg [dreg:$0xa]  }
0x42: {  	[spmem:s8] =	stream.linear.scatter [tilespmem:s9], [sflag:$0x2], $0x1400, $0x38;
	[tilespmem:$0x1C680] =	vst v63  }
0x43: {  	s12 =	rddreg [dreg:$0xb]  }
0x44: {  	[spmem:s12] =	stream.linear.scatter [tilespmem:s9], [sflag:$0x2], $0x1400, $0x38;
	[tilespmem:$0x1C680] =	vst v63  }
0x45: {  	s6 =	rddreg [dreg:$0xc]  }
0x46: {  	[spmem:s6] =	stream.linear.scatter [tilespmem:s9], [sflag:$0x2], $0x1400, $0x38;
	[tilespmem:$0x1C680] =	vst v63  }
0x47: {  	s8 =	rddreg [dreg:$0xd]  }
0x48: {  	[spmem:s8] =	stream.linear.scatter [tilespmem:s9], [sflag:$0x2], $0x1400, $0x38;
	[tilespmem:$0x1C680] =	vst v63  }
0x49: {  	s12 =	rddreg [dreg:$0x15]  }
0x4a: {  	[spmem:s12] =	stream.linear.scatter [tilespmem:s9], [sflag:$0x2], $0x1400, $0x38;
	[tilespmem:$0x1C680] =	vst v63  }
0x4b: {  	s6 =	rddreg [dreg:$0x16]  }
0x4c: {  	[spmem:s6] =	stream.linear.scatter [tilespmem:s9], [sflag:$0x2], $0x1400, $0x38;
	[tilespmem:$0x1C680] =	vst v63  }
0x4d: {  	s8 =	rddreg [dreg:$0x17]  }
0x4e: {  	[spmem:s8] =	stream.linear.scatter [tilespmem:s9], [sflag:$0x2], $0x1400, $0x38;
	[tilespmem:$0x1C680] =	vst v63  }
0x4f: {  	s12 =	rddreg [dreg:$0x18]  }
0x50: {  	[spmem:s12] =	stream.linear.scatter [tilespmem:s9], [sflag:$0x2], $0x1400, $0x38;
	[tilespmem:$0x1C680] =	vst v63  }
0x51: {  	s6 =	rddreg [dreg:$0x19]  }
0x52: {  	[spmem:s6] =	stream.linear.scatter [tilespmem:s9], [sflag:$0x2], $0x1400, $0x38;
	[tilespmem:$0x1C680] =	vst v63  }
0x53: {  	s8 =	rddreg [dreg:$0x1a]  }
0x54: {  	[spmem:s8] =	stream.linear.scatter [tilespmem:s9], [sflag:$0x2], $0x1400, $0x38;
	[tilespmem:$0x1C680] =	vst v63  }
0x55: {  	s12 =	rddreg [dreg:$0x1b]  }
0x56: {  	[spmem:s12] =	stream.linear.scatter [tilespmem:s9], [sflag:$0x2], $0x1400, $0x38;
	[tilespmem:$0x1C680] =	vst v63  }
0x57: {  	s1 =	simm.s32 @!p0 $0x16280;
	s6 =	rddreg [dreg:$0xe]  }
0x58: {  	[spmem:s6] =	stream.linear.scatter @!p0 [tilespmem:s1], [sflag:$0x2], $0x1400, $0x38;
	[tilespmem:$0x1C680] =	vst v63  }
0x59: {  	_ =	swait.ge [sflag:s11], $0x1400  }
0x5a: {  	[sflag:s11] =	ssyncset.done $0x0  }
0x5b: {  	[sflag:s11] =	ssyncadd.s32 $0xFFFFEC00  }
0x5c: {  	_ =	swait.ge [sflag:s11], $0x1400  }
0x5d: {  	[sflag:s11] =	ssyncset.done $0x0  }
0x5e: {  	[sflag:s11] =	ssyncadd.s32 $0xFFFFEC00  }
0x5f: {  	_ =	swait.ge [sflag:s11], $0x1400  }
0x60: {  	[sflag:s11] =	ssyncset.done $0x0  }
0x61: {  	[sflag:s11] =	ssyncadd.s32 $0xFFFFEC00  }
0x62: {  	_ =	swait.ge [sflag:s11], $0x1400  }
0x63: {  	[sflag:s11] =	ssyncset.done $0x0  }
0x64: {  	[sflag:s11] =	ssyncadd.s32 $0xFFFFEC00  }
0x65: {  	_ =	swait.ge [sflag:s11], $0x1400  }
0x66: {  	[sflag:s11] =	ssyncset.done $0x0  }
0x67: {  	[sflag:s11] =	ssyncadd.s32 $0xFFFFEC00  }
0x68: {  	_ =	swait.ge [sflag:s11], $0x1400  }
0x69: {  	[sflag:s11] =	ssyncset.done $0x0  }
0x6a: {  	[sflag:s11] =	ssyncadd.s32 $0xFFFFEC00  }
0x6b: {  	_ =	swait.ge [sflag:s11], $0x1400  }
0x6c: {  	[sflag:s11] =	ssyncset.done $0x0  }
0x6d: {  	[sflag:s11] =	ssyncadd.s32 $0xFFFFEC00  }
0x6e: {  	_ =	swait.ge [sflag:s11], $0x1400  }
0x6f: {  	[sflag:s11] =	ssyncset.done $0x0  }
0x70: {  	[sflag:s11] =	ssyncadd.s32 $0xFFFFEC00  }
0x71: {  	_ =	swait.ge [sflag:s11], $0x1400  }
0x72: {  	[sflag:s11] =	ssyncset.done $0x0  }
0x73: {  	[sflag:s11] =	ssyncadd.s32 $0xFFFFEC00  }
0x74: {  	_ =	swait.ge [sflag:s11], $0x1400  }
0x75: {  	[sflag:s11] =	ssyncset.done $0x0  }
0x76: {  	[sflag:s11] =	ssyncadd.s32 $0xFFFFEC00  }
0x77: {  	_ =	swait.ge [sflag:s11], $0x1400  }
0x78: {  	[sflag:s11] =	ssyncset.done $0x0  }
0x79: {  	[sflag:s11] =	ssyncadd.s32 $0xFFFFEC00  }
0x7a: {  	_ =	swait.ge [sflag:s11], $0x1400  }
0x7b: {  	[sflag:s11] =	ssyncset.done $0x0  }
0x7c: {  	[sflag:s11] =	ssyncadd.s32 $0xFFFFEC00  }
0x7d: {  	_ =	swait.ge [sflag:s11], $0x1400  }
0x7e: {  	[sflag:s11] =	ssyncset.done $0x0  }
0x7f: {  	[sflag:s11] =	ssyncadd.s32 $0xFFFFEC00  }
0x80: {  	_ =	swait.ge [sflag:s11], $0x1400  }
0x81: {  	[sflag:s11] =	ssyncset.done $0x0  }
0x82: {  	[sflag:s11] =	ssyncadd.s32 $0xFFFFEC00  }
0x83: {  	_ =	swait.ge [sflag:s11], $0x1400  }
0x84: {  	[sflag:s11] =	ssyncset.done $0x0  }
0x85: {  	s1 =	simm.s32 @!p1 $0x2;
	[sflag:s11] =	ssyncadd.s32 $0xFFFFEC00  }
0x86: {  	_ =	swait.ge @!p1 [sflag:s1], $0x1400  }
0x87: {  	[sflag:s1] =	ssyncset.done @!p1 $0x0  }
0x88: {  	[sflag:s1] =	ssyncadd.s32 @!p1 $0xFFFFEC00  }
0x89: {  	[bflag:$0x0] =	sbarrier.arrive $0xFFFF  }
0x8a: {  	s28 =	simm.s32 $0x0;
	s6 =	rddreg [dreg:$0x4]  }
0x8b: {  	[tilespmem:s13], [sflag:$0x4] =	stream.linear.gather [hbm4b:s6+s28], $0x28, $0x38;
	[tilespmem:$0x1C680] =	vst v63  }
0x8c: {  	s8 =	rddreg [dreg:$0x5]  }
0x8d: {  	[tilespmem:s14], [sflag:$0x4] =	stream.linear.gather [hbm4b:s8+s28], $0x28, $0x38;
	[tilespmem:$0x1C680] =	vst v63  }
0x8e: {  	s12 =	rddreg [dreg:$0x6];
	s6 =	simm.s32 $0x3  }
0x8f: {  	[tilespmem:s15], [sflag:$0x4] =	stream.linear.gather [hbm4b:s12+s28], $0x28, $0x38;
	[tilespmem:$0x1C680] =	vst v63  }
0x90: {  	_ =	swait.ge [sflag:s6], $0x2710  }
0x91: {  	s29 =	rddreg [dreg:$0x12]  }
0x92: {  	[sflag:s6] =	ssyncset.done $0x0;
	s30 =	rddreg [dreg:$0x11]  }
0x93: {  	s25 =	smov.u32 s31;
	s31 =	rddreg [dreg:$0x10];
	[sflag:s6] =	ssyncadd.s32 $0xFFFFD8F0  }
0x94: {  	[tilespmem:s9], [sflag:$0x1] =	stream.indirect.gather [hbm4b:s4+s16], $0x80, s7, s16, $0xb8;
	[tilespmem:$0x1C680] =	vst v63  }
0x95: {  	s8 =	simm.s32 $0x138A8;
	s1 =	rddreg [dreg:$0xf]  }
0x96: {  	[tilespmem:s17], [sflag:$0x1] =	stream.indirect.gather [hbm4b:s4+s16], $0x80, s8, s16, $0xb8;
	[tilespmem:$0x1C680] =	vst v63  }
0x97: {  	s12 =	simm.s32 $0x138D0;
	s8 =	rddreg [dreg:$0x13]  }
0x98: {  	[tilespmem:s18], [sflag:$0x1] =	stream.indirect.gather [hbm4b:s4+s16], $0x80, s12, s16, $0xb8;
	[tilespmem:$0x1C680] =	vst v63  }
.LBB2_4:
0x99: {  	p2 =	seq.s32 s28, $0x0  }
0x9a: {  	s7 =	simm.s32 @!p2 $0x2  }
0x9b: {  	_ =	swait.ge @!p2 [sflag:s7], $0x1400  }
0x9c: {  	s6 =	sshra.s32 s28, $0x2;
	[sflag:s7] =	ssyncset.done @!p2 $0x0  }
0x9d: {  	s12 =	sadd.s32 $0x138F8, s6;
	[sflag:s7] =	ssyncadd.s32 @!p2 $0xFFFFEC00  }
0x9e: {  	[tilespmem:s19], [sflag:$0x1] =	stream.indirect.gather [hbm4b:s4+s16], $0x80, s12, s16, $0xb8;
	[tilespmem:$0x1C680] =	vst v63  }
0x9f: {  	_ =	swait.ge [sflag:s20], $0x1400  }
0xa0: {  	[sflag:s20] =	ssyncset.done $0x0  }
0xa1: {  	[sflag:s20] =	ssyncadd.s32 $0xFFFFEC00  }
0xa2: {  	_ =	swait.ge [sflag:s21], $0x28  }
0xa3: {  	[sflag:s21] =	ssyncset.done $0x0  }
0xa4: {  	[sflag:s21] =	ssyncadd.s32 $0xFFFFFFD8  }
0xa5: {  	[spmem:s2] =	stream.indirect.scatter.add.f32 [tilespmem:s9], [sflag:$0x2], $0x80, s13, s16, $0xb8;
	[tilespmem:$0x1C680] =	vst v63  }
0xa6: {  	_ = 	snop  }
0xa7: {  	[tilespmem:s22], [sflag:$0x4] =	stream.linear.gather [hbm4b:s8+s3], $0x28, $0x38;
	[tilespmem:$0x1C680] =	vst v63  }
0xa8: {  	_ =	swait.ge @!p2 [sflag:s7], $0x1400  }
0xa9: {  	[sflag:s7] =	ssyncset.done @!p2 $0x0  }
0xaa: {  	s12 =	sadd.s32 $0x13920, s6;
	[sflag:s7] =	ssyncadd.s32 @!p2 $0xFFFFEC00  }
0xab: {  	[tilespmem:s23], [sflag:$0x1] =	stream.indirect.gather [hbm4b:s4+s16], $0x80, s12, s16, $0xb8;
	[tilespmem:$0x1C680] =	vst v63  }
0xac: {  	_ =	swait.ge [sflag:s20], $0x1400  }
0xad: {  	[sflag:s20] =	ssyncset.done $0x0  }
0xae: {  	[sflag:s20] =	ssyncadd.s32 $0xFFFFEC00  }
0xaf: {  	_ =	swait.ge [sflag:s21], $0x28  }
0xb0: {  	[sflag:s21] =	ssyncset.done $0x0  }
0xb1: {  	p2 =	seq.s32 s28, $0x9920;
	[sflag:s21] =	ssyncadd.s32 $0xFFFFFFD8  }
0xb2: {  	[spmem:s2] =	stream.indirect.scatter.add.f32 [tilespmem:s17], [sflag:$0x2], $0x80, s14, s16, $0xb8;
	[tilespmem:$0x1C680] =	vst v63  }
.Ltmp1:
0xb3: {  	_ = 	snop;
	(pc) =	sbr.rel @p2 .LBB2_6-.Ltmp1, $4  }
0xb4: {  	[tilespmem:s26], [sflag:$0x4] =	stream.linear.gather [hbm4b:s29+s3], $0x28, $0x38;
	[tilespmem:$0x1C680] =	vst v63  }
0xb5: {  	_ =	swait.ge [sflag:s11], $0x1400  }
0xb6: {  	[sflag:s11] =	ssyncset.done $0x0  }
0xb7: {  	[sflag:s11] =	ssyncadd.s32 $0xFFFFEC00  }
0xb8: {  	s7 =	sadd.s32 $0x13948, s6  }
0xb9: {  	[tilespmem:s9], [sflag:$0x1] =	stream.indirect.gather [hbm4b:s4+s16], $0x80, s7, s16, $0xb8;
	[tilespmem:$0x1C680] =	vst v63  }
0xba: {  	_ =	swait.ge [sflag:s20], $0x1400  }
0xbb: {  	[sflag:s20] =	ssyncset.done $0x0  }
0xbc: {  	[sflag:s20] =	ssyncadd.s32 $0xFFFFEC00  }
0xbd: {  	_ =	swait.ge [sflag:s21], $0x28  }
0xbe: {  	[sflag:s21] =	ssyncset.done $0x0  }
0xbf: {  	s12 =	sshrl.u32 s30, $0x3;
	[sflag:s21] =	ssyncadd.s32 $0xFFFFFFD8  }
0xc0: {  	[spmem:s2] =	stream.indirect.scatter.add.f32 [tilespmem:s18], [sflag:$0x2], $0x80, s15, s16, $0xb8;
	[tilespmem:$0x1C680] =	vst v63  }
0xc1: {  	s7 =	sadd.s32 s5, s12  }
0xc2: {  	[tilespmem:s13], [sflag:$0x4] =	stream.linear.gather [hbm4b:s7+s3], $0x28, $0x38;
	[tilespmem:$0x1C680] =	vst v63  }
0xc3: {  	_ =	swait.ge [sflag:s11], $0x1400  }
0xc4: {  	[sflag:s11] =	ssyncset.done $0x0  }
0xc5: {  	s12 =	sadd.s32 $0x13970, s6;
	[sflag:s11] =	ssyncadd.s32 $0xFFFFEC00  }
0xc6: {  	[tilespmem:s17], [sflag:$0x1] =	stream.indirect.gather [hbm4b:s4+s16], $0x80, s12, s16, $0xb8;
	[tilespmem:$0x1C680] =	vst v63  }
0xc7: {  	_ =	swait.ge [sflag:s20], $0x1400  }
0xc8: {  	[sflag:s20] =	ssyncset.done $0x0  }
0xc9: {  	[sflag:s20] =	ssyncadd.s32 $0xFFFFEC00  }
0xca: {  	_ =	swait.ge [sflag:s21], $0x28  }
0xcb: {  	[sflag:s21] =	ssyncset.done $0x0  }
0xcc: {  	[sflag:s21] =	ssyncadd.s32 $0xFFFFFFD8  }
0xcd: {  	[spmem:s2] =	stream.indirect.scatter.add.f32 [tilespmem:s19], [sflag:$0x2], $0x80, s22, s16, $0xb8;
	[tilespmem:$0x1C680] =	vst v63  }
0xce: {  	_ = 	snop  }
0xcf: {  	[tilespmem:s14], [sflag:$0x4] =	stream.linear.gather [hbm4b:s31+s3], $0x28, $0x38;
	[tilespmem:$0x1C680] =	vst v63  }
0xd0: {  	_ =	swait.ge [sflag:s11], $0x1400  }
0xd1: {  	[sflag:s11] =	ssyncset.done $0x0  }
0xd2: {  	s12 =	sadd.s32 $0x13998, s6;
	[sflag:s11] =	ssyncadd.s32 $0xFFFFEC00  }
0xd3: {  	[tilespmem:s18], [sflag:$0x1] =	stream.indirect.gather [hbm4b:s4+s16], $0x80, s12, s16, $0xb8;
	[tilespmem:$0x1C680] =	vst v63  }
0xd4: {  	_ =	swait.ge [sflag:s20], $0x1400  }
0xd5: {  	[sflag:s20] =	ssyncset.done $0x0  }
0xd6: {  	[sflag:s20] =	ssyncadd.s32 $0xFFFFEC00  }
0xd7: {  	_ =	swait.ge [sflag:s21], $0x28  }
0xd8: {  	[sflag:s21] =	ssyncset.done $0x0  }
.Ltmp2:
0xd9: {  	[sflag:s21] =	ssyncadd.s32 $0xFFFFFFD8;
	(pc) =	sbr.rel .LBB2_4-.Ltmp2, $4  }
0xda: {  	[spmem:s2] =	stream.indirect.scatter.add.f32 [tilespmem:s23], [sflag:$0x2], $0x80, s26, s16, $0xb8;
	[tilespmem:$0x1C680] =	vst v63  }
0xdb: {  	s28 =	sadd.s32 $0x320, s28;
	s30 =	sadd.s32 $0xC8, s30;
	s29 =	sadd.s32 $0x19, s29  }
0xdc: {  	[tilespmem:s15], [sflag:$0x4] =	stream.linear.gather [hbm4b:s1+s3], $0x28, $0x38;
	[tilespmem:$0x1C680] =	vst v63  }
0xdd: {  	s8 =	sadd.s32 $0x19, s8;
	s31 =	sadd.s32 $0x19, s31;
	s1 =	sadd.s32 $0x19, s1  }
.LBB2_6:
0xde: {  	_ =	swait.ge [sflag:s20], $0x1400  }
0xdf: {  	[sflag:s20] =	ssyncset.done $0x0  }
0xe0: {  	[sflag:s20] =	ssyncadd.s32 $0xFFFFEC00  }
0xe1: {  	_ =	swait.ge [sflag:s21], $0x28  }
0xe2: {  	[sflag:s21] =	ssyncset.done $0x0  }
0xe3: {  	[sflag:s21] =	ssyncadd.s32 $0xFFFFFFD8  }
0xe4: {  	[spmem:s2] =	stream.indirect.scatter.add.f32 [tilespmem:s18], [sflag:$0x2], $0x80, s15, s16, $0xb8;
	[tilespmem:$0x1C680] =	vst v63  }
0xe5: {  	_ =	swait.ge [sflag:s11], $0x1400  }
0xe6: {  	[sflag:s11] =	ssyncset.done $0x0  }
0xe7: {  	[sflag:s11] =	ssyncadd.s32 $0xFFFFEC00  }
0xe8: {  	_ =	swait.ge [sflag:s20], $0x1400  }
0xe9: {  	[sflag:s20] =	ssyncset.done $0x0  }
0xea: {  	[sflag:s20] =	ssyncadd.s32 $0xFFFFEC00  }
0xeb: {  	_ =	swait.ge [sflag:s21], $0x28  }
0xec: {  	[sflag:s21] =	ssyncset.done $0x0  }
0xed: {  	[sflag:s21] =	ssyncadd.s32 $0xFFFFFFD8  }
0xee: {  	[spmem:s2] =	stream.indirect.scatter.add.f32 [tilespmem:s19], [sflag:$0x2], $0x80, s22, s16, $0xb8;
	[tilespmem:$0x1C680] =	vst v63  }
0xef: {  	_ =	swait.ge [sflag:s11], $0x1400  }
0xf0: {  	[sflag:s11] =	ssyncset.done $0x0  }
0xf1: {  	[sflag:s11] =	ssyncadd.s32 $0xFFFFEC00  }
0xf2: {  	_ =	swait.ge [sflag:s20], $0x1400  }
0xf3: {  	[sflag:s20] =	ssyncset.done $0x0  }
0xf4: {  	[sflag:s20] =	ssyncadd.s32 $0xFFFFEC00  }
0xf5: {  	_ =	swait.ge [sflag:s21], $0x28  }
0xf6: {  	[sflag:s21] =	ssyncset.done $0x0  }
0xf7: {  	[sflag:s21] =	ssyncadd.s32 $0xFFFFFFD8  }
0xf8: {  	[spmem:s2] =	stream.indirect.scatter.add.f32 [tilespmem:s23], [sflag:$0x2], $0x80, s26, s16, $0xb8;
	[tilespmem:$0x1C680] =	vst v63  }
0xf9: {  	_ =	swait.ge [sflag:s11], $0x1400  }
0xfa: {  	[sflag:s11] =	ssyncset.done $0x0  }
0xfb: {  	[sflag:s11] =	ssyncadd.s32 $0xFFFFEC00  }
0xfc: {  	_ =	swait.ge [sflag:s11], $0x1400  }
0xfd: {  	[sflag:s11] =	ssyncset.done $0x0  }
0xfe: {  	s1 =	sadd.s32 $0x0, s0;
	s31 =	smov.u32 s25;
	[sflag:s11] =	ssyncadd.s32 $0xFFFFEC00  }
0xff: {  	s8 =	smov.u32 s25;
	p2 =	sgt.u32 s1, $0xF9;
	[bflag:$0x0] =	sbarrier.arrive $0xFFFF  }
0x100: {  	s1 =	simm.s32 $0x10;
	s6 =	sshll.u32 @!p2 s0, $0x6;
	s28 =	rddreg [dreg:$0x14]  }
0x101: {  	s30 =	sshrl.u32 @!p2 s10, $0x3;
	s29 =	sor.u32 @!p2 $0x1C04, s6;
	s6 =	sadd.s32 $0x2800, s28  }
.LBB2_7:
0x102: {  	[hbm:s28], [sflag:s29] =	dma.local @!p2 [spmem:s30], $0x280  }
0x103: {  	s7 =	smov.u32 s1;
	s1 =	sadd.s32 $0x10, s1  }
0x104: {  	p3 =	sne.s32 s1, $0x100  }
.Ltmp3:
0x105: {  	(pc) =	sbr.rel @p3 .LBB2_7-.Ltmp3, $4  }
0x106: {  	s12 =	smov.u32 s8;
	s7 =	sadd.s32 s7, s0  }
0x107: {  	s28 =	smov.u32 s6;
	p2 =	sgt.u32 s7, $0xF9  }
0x108: {  	s8 =	sadd.s32 $0x14000, s8;
	s7 =	sshll.u32 @!p2 s0, $0x6  }
0x109: {  	s6 =	sadd.s32 $0x2800, s6;
	s30 =	sshrl.u32 @!p2 s12, $0x3;
	s29 =	sor.u32 @!p2 $0x1C04, s7  }
0x10a: {  	[hbm:s28], [sflag:s29] =	dma.local @!p2 [spmem:s30], $0x280  }
0x10b: {  	_ =	swait.ge [sflag:s21], $0x280  }
0x10c: {  	[sflag:s21] =	ssyncset.done $0x0  }
0x10d: {  	[sflag:s21] =	ssyncadd.s32 $0xFFFFFD80  }
0x10e: {  	_ =	swait.ge [sflag:s21], $0x280  }
0x10f: {  	[sflag:s21] =	ssyncset.done $0x0  }
0x110: {  	[sflag:s21] =	ssyncadd.s32 $0xFFFFFD80  }
0x111: {  	_ =	swait.ge [sflag:s21], $0x280  }
0x112: {  	[sflag:s21] =	ssyncset.done $0x0  }
0x113: {  	[sflag:s21] =	ssyncadd.s32 $0xFFFFFD80  }
0x114: {  	_ =	swait.ge [sflag:s21], $0x280  }
0x115: {  	[sflag:s21] =	ssyncset.done $0x0  }
0x116: {  	[sflag:s21] =	ssyncadd.s32 $0xFFFFFD80  }
0x117: {  	_ =	swait.ge [sflag:s21], $0x280  }
0x118: {  	[sflag:s21] =	ssyncset.done $0x0  }
0x119: {  	[sflag:s21] =	ssyncadd.s32 $0xFFFFFD80  }
0x11a: {  	_ =	swait.ge [sflag:s21], $0x280  }
0x11b: {  	[sflag:s21] =	ssyncset.done $0x0  }
0x11c: {  	[sflag:s21] =	ssyncadd.s32 $0xFFFFFD80  }
0x11d: {  	_ =	swait.ge [sflag:s21], $0x280  }
0x11e: {  	[sflag:s21] =	ssyncset.done $0x0  }
0x11f: {  	[sflag:s21] =	ssyncadd.s32 $0xFFFFFD80  }
0x120: {  	_ =	swait.ge [sflag:s21], $0x280  }
0x121: {  	[sflag:s21] =	ssyncset.done $0x0  }
0x122: {  	[sflag:s21] =	ssyncadd.s32 $0xFFFFFD80  }
0x123: {  	_ =	swait.ge [sflag:s21], $0x280  }
0x124: {  	[sflag:s21] =	ssyncset.done $0x0  }
0x125: {  	[sflag:s21] =	ssyncadd.s32 $0xFFFFFD80  }
0x126: {  	_ =	swait.ge [sflag:s21], $0x280  }
0x127: {  	[sflag:s21] =	ssyncset.done $0x0  }
0x128: {  	[sflag:s21] =	ssyncadd.s32 $0xFFFFFD80  }
0x129: {  	_ =	swait.ge [sflag:s21], $0x280  }
0x12a: {  	[sflag:s21] =	ssyncset.done $0x0  }
0x12b: {  	[sflag:s21] =	ssyncadd.s32 $0xFFFFFD80  }
0x12c: {  	_ =	swait.ge [sflag:s21], $0x280  }
0x12d: {  	[sflag:s21] =	ssyncset.done $0x0  }
0x12e: {  	[sflag:s21] =	ssyncadd.s32 $0xFFFFFD80  }
0x12f: {  	_ =	swait.ge [sflag:s21], $0x280  }
0x130: {  	[sflag:s21] =	ssyncset.done $0x0  }
0x131: {  	[sflag:s21] =	ssyncadd.s32 $0xFFFFFD80  }
0x132: {  	_ =	swait.ge [sflag:s21], $0x280  }
0x133: {  	[sflag:s21] =	ssyncset.done $0x0  }
0x134: {  	[sflag:s21] =	ssyncadd.s32 $0xFFFFFD80  }
0x135: {  	_ =	swait.ge [sflag:s21], $0x280  }
0x136: {  	[sflag:s21] =	ssyncset.done $0x0  }
0x137: {  	s1 =	simm.s32 @!p1 $0x4;
	[sflag:s21] =	ssyncadd.s32 $0xFFFFFD80  }
0x138: {  	_ =	swait.ge @!p1 [sflag:s1], $0x280  }
0x139: {  	s24 =	sadd.s32 $0x1, s24;
	s6 =	rddreg [dreg:$0x7]  }
0x13a: {  	p2 =	sne.s32 s24, s6  }
.Ltmp4:
0x13b: {  	_ = 	snop;
	(pc) =	sbr.rel @p2 .LBB2_1-.Ltmp4, $3  }
0x13c: {  	_ =	sdelay $0x1  }
0x13d: {  	[sflag:s1] =	ssyncset.done @!p1 $0x0  }
0x13e: {  	s7 =	simm.s32 $0x13880;
	[sflag:s1] =	ssyncadd.s32 @!p1 $0xFFFFFD80  }
0x13f: {  	_ =	sfence.sel $0x180000  }
0x140: {  	[bflag:$0x0] =	sbarrier.arrive $0xFFFF  }
0x141: {  	_ =	strace $0x9000004A  }
0x142: {  	[bflag:$0x2] =	sbarrier.arrive $0xFFFF  }
0x143: {  	p0 =	sne.s32 s0, $0x0;
	s0 =	rddreg [dreg:$0x2]  }
0x144: {  	s0 =	sadd.s32 @!p0 $0x100000, s0  }
0x145: {  	[sflag:s0] =	ssyncadd.tile.s32 @!p0 $0x1;
	_ =	shalt  }
.Lfunc_end2:
_tile_overlayer_lowered:
.L_overlay_start_2:
0x146: {  	(tag) =	ssettag $0x2  }
0x147: {  	s0 =	rddreg [dreg:$0x0];
	s2 =	stileid.u32  }
0x148: {  	s1 =	rddreg [dreg:$0x1];
	p0 =	sne.s32 s2, $0x0  }
0x149: {  	s3 =	rddreg [dreg:$0x2];
	[bflag:$0x3] =	sbarrier.arrive $0xFFFF;
	s2 =	simm.s32 @!p0 $0x1C05  }
0x14a: {  	[timem:s3], [sflag:s2] =	dma.local @!p0 [hbm:s0], s1  }
0x14b: {  	s0 =	simm.s32 @!p0 $0x5  }
0x14c: {  	_ =	swait.ge @!p0 [sflag:s0], s1  }
0x14d: {  	s1 =	ssub.s32 @!p0 $0x0, s1;
	[sflag:s0] =	ssyncset.done @!p0 $0x0  }
0x14e: {  	[sflag:s0] =	ssyncadd.s32 @!p0 s1  }
0x14f: {  	[bflag:$0x3] =	sbarrier.arrive $0xFFFF  }
0x150: {  	_ =	shalt  }

// kernel: kernel.18.cloned.1.call-start
scs
__scs_entry_jumppad:
0x0: {  	(pc) =	sbr.rel $0x88, $3  }
0x1: {  	(tag) =	ssettag $0x0;
	lr =	simm.s32 $0x1  }
0x2: {  	[smem:$0x3F97] =	sst lr;
	_ =	strace $0xD0000000  }
0x3: {  	_ = 	snop  }
0x4: {  	_ = 	snop  }
0x5: {  	_ = 	snop  }
0x6: {  	_ = 	snop  }
0x7: {  	_ = 	snop  }
__scs_overlays_trampoline_lowered:
0x8: {  	[smem:$0x3FA6] =	sst s0  }
0x9: {  	[smem:$0x3FA7] =	sst s1  }
0xa: {  	[smem:$0x3FA8] =	sst s2  }
0xb: {  	[smem:$0x3FA9] =	sst s3  }
0xc: {  	[smem:$0x3FAA] =	sst s4  }
0xd: {  	[smem:$0x3FAB] =	sst s5  }
0xe: {  	[smem:$0x3FAC] =	sst s6  }
0xf: {  	[smem:$0x3FAD] =	sst s7  }
0x10: {  	[smem:$0x3FAE] =	sst s8  }
0x11: {  	[smem:$0x3FAF] =	sst s9;
	s0 =	simm.s32 @!p0 $0x0  }
0x12: {  	s1 =	sld [smem:$0x3F95];
	s0 =	simm.s32 @p0 $0x1  }
0x13: {  	[smem:$0x3FB0] =	sst s0;
	s0 =	simm.s32 @!p1 $0x0  }
0x14: {  	s2 =	sld [smem:$0x3F94];
	s0 =	simm.s32 @p1 $0x1  }
0x15: {  	[smem:$0x3FB1] =	sst s0;
	s0 =	simm.s32 @!p2 $0x0  }
0x16: {  	s3 =	sld [smem:$0x3FDB];
	s0 =	simm.s32 @p2 $0x1  }
0x17: {  	s4 =	simm.s32 $0x1BF5;
	[smem:$0x3FB3] =	sst s0  }
0x18: {  	s0 =	sld [smem:$0x3F96];
	_ =	swait.ge [sflag:s4], $0x0  }
0x19: {  	s7 =	sld [smem:$0x3F97]  }
0x1a: {  	s8 =	sadd.s32 $0xFFFFE003, lr  }
0x1b: {  	s9 =	sadd.s32 $0xFFFFFEF7, lr;
	s5 =	simm.s32 $0xFFFFFFFF;
	p2 =	slt.u32 s8, $0xFFFFF086  }
0x1c: {  	p1 =	slt.u32 s9, $0xF7A;
	s5 =	simm.s32 @!p2 $0x0  }
0x1d: {  	s5 =	simm.s32 @p1 $0x1;
	p0 =	seq.s32 s7, s2  }
0x1e: {  	s7 =	smul.u32 @!p0 $0xF7A, s2;
	p2 =	seq.s32 @!p0 s5, $0x0  }
0x1f: {  	s9 =	smul.u32 $0xF7A, s1;
	s8 =	simm.s32 @!p0 $0x1BF5;
	p2 =	por !p2, p0  }
0x20: {  	[sflag:s8] =	ssyncset.s32 @!p0 $0xFFFFF086;
	s6 =	sadd.s32 @!p0 s3, s7;
	s7 =	simm.s32 @!p0 $0x108  }
0x21: {  	s3 =	sadd.s32 s3, s9;
	s6 =	sadd.s32 @!p0 $0x88, s6;
	s7 =	simm.s32 @p2 $0x1082  }
0x22: {  	[simem:s7], [sflag:s8] =	dma.local @!p0 [hbm:s6], $0xF7A  }
0x23: {  	s9 =	sor.u32 $0xD0000000, s2;
	s6 =	simm.s32 $0x108;
	_ =	swait.ge @!p0 [sflag:s8], $0x0  }
0x24: {  	s3 =	sadd.s32 $0x88, s3;
	s6 =	simm.s32 @!p1 $0x1082;
	[sflag:s4] =	ssyncset.s32 $0xFFFFF086  }
0x25: {  	[simem:s6], [sflag:s4] =	dma.local [hbm:s3], $0xF7A  }
0x26: {  	[smem:$0x3F97] =	sst s1;
	(tag) =	ssettag s2;
	_ =	strace s9  }
0x27: {  	s1 =	sld [smem:$0x3FA7]  }
0x28: {  	s2 =	sld [smem:$0x3FA8]  }
0x29: {  	s4 =	sld [smem:$0x3FAA]  }
0x2a: {  	p0 =	seq.s32 s5, $0x0;
	s5 =	sld [smem:$0x3FAB]  }
0x2b: {  	s6 =	sld [smem:$0x3FAC]  }
0x2c: {  	s7 =	sld [smem:$0x3FAD]  }
0x2d: {  	s3 =	simm.s32 $0x108;
	s8 =	sld [smem:$0x3FAE]  }
0x2e: {  	s3 =	simm.s32 @!p0 $0x1082;
	s9 =	sld [smem:$0x3FAF]  }
0x2f: {  	lr =	sadd.s32 s0, s3;
	s0 =	sld [smem:$0x3FA6]  }
0x30: {  	s3 =	sld [smem:$0x3FA9]  }
0x31: {  	[smem:$0x3FB2] =	sst s10  }
0x32: {  	s10 =	sld [smem:$0x3FB0];
	_ =	sdelay $0x3  }
0x33: {  	p0 =	seq.s32 s10, $0x1;
	s10 =	sld [smem:$0x3FB2];
	_ =	sdelay $0x3  }
0x34: {  	[smem:$0x3FB2] =	sst s10  }
0x35: {  	s10 =	sld [smem:$0x3FB1];
	_ =	sdelay $0x3  }
0x36: {  	p1 =	seq.s32 s10, $0x1;
	s10 =	sld [smem:$0x3FB2];
	_ =	sdelay $0x3  }
0x37: {  	[smem:$0x3FB2] =	sst s10  }
0x38: {  	s10 =	sld [smem:$0x3FB3]  }
0x39: {  	_ = 	snop;
	(pc) =	sbr.ind lr, $3  }
0x3a: {  	_ = 	snop  }
0x3b: {  	_ = 	snop  }
0x3c: {  	p2 =	seq.s32 s10, $0x1;
	s10 =	sld [smem:$0x3FB2]  }
0x3d: {  	_ =	shalt  }
0x3e: {  	_ =	shalt  }
0x3f: {  	_ =	shalt  }
0x40: {  	_ =	shalt  }
0x41: {  	_ =	shalt  }
0x42: {  	_ =	shalt  }
0x43: {  	_ =	shalt  }
0x44: {  	_ =	shalt  }
0x45: {  	_ =	shalt  }
0x46: {  	_ =	shalt  }
0x47: {  	_ =	shalt  }
0x48: {  	_ =	shalt  }
0x49: {  	_ =	shalt  }
0x4a: {  	_ =	shalt  }
0x4b: {  	_ =	shalt  }
0x4c: {  	_ =	shalt  }
0x4d: {  	_ =	shalt  }
0x4e: {  	_ =	shalt  }
0x4f: {  	_ =	shalt  }
0x50: {  	_ =	shalt  }
0x51: {  	_ =	shalt  }
0x52: {  	_ =	shalt  }
0x53: {  	_ =	shalt  }
0x54: {  	_ =	shalt  }
0x55: {  	_ =	shalt  }
0x56: {  	_ =	shalt  }
0x57: {  	_ =	shalt  }
0x58: {  	_ =	shalt  }
0x59: {  	_ =	shalt  }
0x5a: {  	_ =	shalt  }
0x5b: {  	_ =	shalt  }
0x5c: {  	_ =	shalt  }
0x5d: {  	_ =	shalt  }
0x5e: {  	_ =	shalt  }
0x5f: {  	_ =	shalt  }
0x60: {  	_ =	shalt  }
0x61: {  	_ =	shalt  }
0x62: {  	_ =	shalt  }
0x63: {  	_ =	shalt  }
0x64: {  	_ =	shalt  }
0x65: {  	_ =	shalt  }
0x66: {  	_ =	shalt  }
0x67: {  	_ =	shalt  }
0x68: {  	_ =	shalt  }
0x69: {  	_ =	shalt  }
0x6a: {  	_ =	shalt  }
0x6b: {  	_ =	shalt  }
0x6c: {  	_ =	shalt  }
0x6d: {  	_ =	shalt  }
0x6e: {  	_ =	shalt  }
0x6f: {  	_ =	shalt  }
0x70: {  	_ =	shalt  }
0x71: {  	_ =	shalt  }
0x72: {  	_ =	shalt  }
0x73: {  	_ =	shalt  }
0x74: {  	_ =	shalt  }
0x75: {  	_ =	shalt  }
0x76: {  	_ =	shalt  }
0x77: {  	_ =	shalt  }
0x78: {  	_ =	shalt  }
0x79: {  	_ =	shalt  }
0x7a: {  	_ =	shalt  }
0x7b: {  	_ =	shalt  }
0x7c: {  	_ =	shalt  }
0x7d: {  	_ =	shalt  }
0x7e: {  	_ =	shalt  }
0x7f: {  	_ =	shalt  }
0x80: {  	_ =	shalt  }
0x81: {  	_ =	shalt  }
0x82: {  	_ =	shalt  }
0x83: {  	_ =	shalt  }
0x84: {  	_ =	shalt  }
0x85: {  	_ =	shalt  }
0x86: {  	_ =	shalt  }
0x87: {  	_ =	shalt  }
.Lfunc_end0:
.L_simem_size_0:
called_computation.2_lowered:
.L_overlay_start_0:
0x88: {  	s2 =	sld [smem:$0x3FD9]  }
0x89: {  	s3 =	sld [smem:$0x3FFE];
	_ =	sdelay $0x1  }
0x8a: {  	s1 =	srdreg.scid  }
0x8b: {  	s0 =	sand.u32 $0x1, s1  }
0x8c: {  	s16 =	sshll.u32 s0, $0xA;
	s2 =	sadd.s32 s3, s2  }
0x8d: {  	s2 =	sadd.s32 s2, s16  }
0x8e: {  	[smem:$0x3FBE] =	sst s2  }
0x8f: {  	_ = 	snop  }
0x90: {  	(tm) =	ssettm $0x1  }
0x91: {  	s17 =	sld [smem:$0x3FFB];
	_ =	sdelay $0x3  }
0x92: {  	_ =	strace s17  }
0x93: {  	s2 =	sld [smem:$0x3FFC];
	_ =	sdelay $0x3  }
0x94: {  	_ =	strace s2  }
0x95: {  	s2 =	sld [smem:$0x3FFD];
	_ =	sdelay $0x3  }
0x96: {  	_ =	strace s2  }
0x97: {  	_ =	strace $0x8FFFFFFF  }
0x98: {  	s18 =	sld [smem:$0x3FDB];
	_ =	sdelay $0x1  }
0x99: {  	s19 =	simm.s32 $_scs_section_size  }
0x9a: {  	s4 =	simm.s32 $_size__tile_overlayer_lowered;
	s5 =	simm.s32 $_tile_overlayer_lowered  }
0x9b: {  	s22 =	simm.s32 $0x1BFF;
	s21 =	sshll.u32 s5, $0x1;
	s2 =	sadd.s32 s19, s18  }
0x9c: {  	s6 =	simm.s32 $0x0;
	s20 =	sshll.u32 s4, $0x1;
	s4 =	sadd.s32 s21, s2  }
0x9d: {  	[timem:s6], [sflag:s22] =	dma.local [hbm:s4], s20  }
0x9e: {  	_ =	swait.ge [sflag:s22], s20  }
0x9f: {  	s3 =	ssub.s32 $0x0, s20;
	[sflag:s22] =	ssyncset.done $0x0  }
0xa0: {  	[sflag:s22] =	ssyncadd.s32 s3;
	_ =	sdelay $0x1  }
0xa1: {  	s23 =	simm.s32 $0x1B8B  }
0xa2: {  	_ =	swait.ge [sflag:s23], $0x1  }
0xa3: {  	[sflag:s23] =	ssyncset.done $0x0  }
0xa4: {  	s25 =	simm.s32 $0x1B8E;
	s24 =	sld [smem:$0x3FFE];
	[sflag:s23] =	ssyncadd.s32 $0xFFFFFFFF  }
0xa5: {  	s26 =	simm.s32 $execute0_lowered;
	[smem:$0x3FD2] =	sst s25  }
0xa6: {  	s4 =	sshll.u32 s26, $0x1;
	_ =	strace $0x8000004C;
	[dreg:$0x1] =	wrdreg $0xFFFFFFFF  }
0xa7: {  	s28 =	simm.s32 $_size_execute0_lowered;
	s2 =	sadd.s32 s2, s4;
	[dreg:$0x0] =	wrdreg $0x0  }
0xa8: {  	s4 =	sshll.u32 s28, $0x1;
	[dreg:$0x2] =	wrdreg s2  }
0xa9: {  	[dreg:$0x3] =	wrdreg s4  }
0xaa: {  	[dreg:$0x4] =	wrdreg $0xC0  }
0xab: {  	_ =	task [dreg:s6], $0x5FFFF  }
0xac: {  	[dreg:$0x1] =	wrdreg $0xFFFFFFFF  }
0xad: {  	[dreg:$0x0] =	wrdreg $0x60  }
0xae: {  	[dreg:$0x2] =	wrdreg s24  }
0xaf: {  	[dreg:$0x3] =	wrdreg $0x0  }
0xb0: {  	[dreg:$0x4] =	wrdreg $0x9  }
0xb1: {  	_ =	task.clear_ibuf [dreg:s6], $0x5FFFF;
	_ =	strace $0x9000004C  }
0xb2: {  	s29 =	simm.s32 $0x9;
	_ =	strace $0x8000004E  }
0xb3: {  	_ =	swait.ge [sflag:s29], $0x1  }
0xb4: {  	[sflag:s29] =	ssyncadd.s32 $0xFFFFFFFF  }
0xb5: {  	_ =	strace $0x9000004E  }
0xb6: {  	_ =	sfence  }
0xb7: {  	s30 =	sld [smem:$0x0];
	_ =	sdelay $0x2  }
0xb8: {  	s31 =	sshll.u32 s1, $0xD;
	s1 =	sshrl.u32 s1, $0x2  }
0xb9: {  	s3 =	sand.u32 $0x4000, s31;
	s1 =	sadd.s32 s1, s30  }
0xba: {  	s0 =	sor.u32 s3, s0;
	s1 =	sshll.u32 s1, $0x11  }
0xbb: {  	s0 =	sor.u32 s1, s0  }
0xbc: {  	s0 =	sadd.s32 $0x8F2B, s0  }
0xbd: {  	[sflag:s0] =	ssyncadd.remote.s32 $0x1  }
0xbe: {  	_ =	sfence.sel $0xFFFF  }
0xbf: {  	[dreg:$0x0] =	wrdreg $0xFFFFFFFF;
	(pc) =	sbr.abs _section_cstart, $3  }
0xc0: {  	[dreg:$0x1] =	wrdreg $0xFFFFFFFF  }
0xc1: {  	_ =	task.clear_ibuf [dreg:s6], $0x2FFFF;
	_ =	strace $0x9FFFFFFF  }
0xc2: {  	(tm) =	ssettm $0x7FFFFFFF  }
0xc3: {  	_ =	shalt  }
tec
execute0_lowered:
.L_overlay_start_1:
0x0: {  	(tag) =	ssettag $0x1  }
0x1: {  	s0 =	stileid.u32  }
0x2: {  	s1 =	srdreg.scid;
	s8 =	smul.u32 $0x1400, s0  }
0x3: {  	s6 =	rddreg [dreg:$0x0];
	s1 =	sand.u32 $0x1, s1;
	s12 =	smul.u32 $0x5000, s0  }
0x4: {  	s2 =	sshll.u32 s0, $0x1;
	s4 =	sadd.s32 $0x17200, s6;
	s24 =	smul.u32 $0x4E20, s0  }
0x5: {  	s30 =	sor.u32 $0xF0, s0;
	p1 =	sgt.u32 s0, $0x9;
	s5 =	smul.u32 $0x138800, s1  }
0x6: {  	s3 =	sor.u32 s1, s2;
	s11 =	ssub.s32 $0x2, s1;
	s1 =	smul.u32 $0x2710, s1  }
0x7: {  	s2 =	rddreg [dreg:$0x1];
	p0 =	sgt.u32 s30, $0xF9;
	s7 =	smul.u32 $0x2710, s3  }
0x8: {  	s3 =	simm.s32 $0x0;
	s19 =	sshrl.u32 s11, $0x1;
	s21 =	sshrl.u32 s12, $0x2  }
0x9: {  	s12 =	smul.u32 $0x5000, s30;
	[smem:$0x7FF] =	sst s3;
	s8 =	sadd.s32 s8, s5  }
0xa: {  	s5 =	sadd.s32 $0x3600, s6;
	s1 =	sadd.s32 s1, s24;
	_ =	strace $0x8000004D  }
0xb: {  	s9 =	sshrl.u32 s7, $0x3;
	s8 =	sshrl.u32 s8, $0x3;
	s7 =	sadd.s32 $0x28, s7  }
0xc: {  	s14 =	sadd.s32 $0x118, s1;
	s15 =	sadd.s32 $0xF0, s1;
	s17 =	sadd.s32 $0xA0, s1  }
0xd: {  	s18 =	sadd.s32 $0x78, s1;
	s1 =	sadd.s32 $0xC8, s1;
	s10 =	sadd.s32 s9, s6  }
0xe: {  	s6 =	sadd.s32 s8, s6;
	s20 =	sadd.s32 s5, s9;
	[dreg:$0x11] =	wrdreg s1  }
0xf: {  	s7 =	sshrl.u32 s7, $0x3;
	s10 =	sadd.s32 $0xD400, s10;
	[dreg:$0x4] =	wrdreg s20  }
0x10: {  	s8 =	ssub.s32 s11, s19;
	s7 =	sadd.s32 s5, s7;
	[dreg:$0x3] =	wrdreg s10  }
0x11: {  	s11 =	sshrl.u32 s15, $0x3;
	s22 =	sadd.s32 $0xA, s20;
	[dreg:$0x5] =	wrdreg s7  }
0x12: {  	s19 =	sshrl.u32 s17, $0x3;
	s23 =	smax.u32 s8, $0x1;
	[dreg:$0x6] =	wrdreg s22  }
0x13: {  	s15 =	simm.s32 $0x16100;
	s16 =	sadd.s32 s11, s5;
	[dreg:$0x7] =	wrdreg s23  }
0x14: {  	s20 =	sshrl.u32 s18, $0x3;
	s1 =	sadd.s32 s19, s5;
	[dreg:$0x10] =	wrdreg s16  }
0x15: {  	s10 =	sadd.s32 s21, s2;
	[dreg:$0x12] =	wrdreg s1;
	s21 =	sadd.s32 s20, s5  }
0x16: {  	s17 =	simm.s32 $0x17680;
	s22 =	sadd.s32 $0x65600, s6;
	[dreg:$0x13] =	wrdreg s21  }
0x17: {  	s11 =	simm.s32 $0x2;
	s25 =	sadd.s32 $0x28000, s10;
	[dreg:$0x14] =	wrdreg s22  }
0x18: {  	s18 =	simm.s32 $0x18A80;
	s26 =	sadd.s32 $0x3C000, s10;
	[dreg:$0x8] =	wrdreg s25  }
0x19: {  	s19 =	simm.s32 $0x19E80;
	s28 =	sadd.s32 $0x50000, s10;
	[dreg:$0x9] =	wrdreg s26  }
0x1a: {  	s7 =	sshrl.u32 s14, $0x3;
	s29 =	sadd.s32 $0x64000, s10;
	[dreg:$0xa] =	wrdreg s28  }
0x1b: {  	s14 =	simm.s32 $0x16080;
	s9 =	sadd.s32 $0x78000, s10;
	[dreg:$0xb] =	wrdreg s29  }
0x1c: {  	s16 =	simm.s32 $0x28;
	s13 =	sadd.s32 $0x8C000, s10;
	[dreg:$0xc] =	wrdreg s9  }
0x1d: {  	s20 =	simm.s32 $0x1;
	s7 =	sadd.s32 s7, s5;
	[dreg:$0xd] =	wrdreg s13  }
0x1e: {  	s31 =	sadd.s32 $0x14000, s10;
	s23 =	sadd.s32 $0xA0000, s10;
	[dreg:$0xf] =	wrdreg s7  }
0x1f: {  	s24 =	sadd.s32 $0xB4000, s10;
	s30 =	sadd.s32 $0x118000, s10;
	[dreg:$0x15] =	wrdreg s23  }
0x20: {  	s21 =	simm.s32 $0x4;
	s22 =	simm.s32 $0x16180;
	[dreg:$0x16] =	wrdreg s24  }
0x21: {  	s9 =	sshrl.u32 s12, $0x2;
	s25 =	sadd.s32 $0xC8000, s10;
	[dreg:$0x1b] =	wrdreg s30  }
0x22: {  	s26 =	sadd.s32 $0xDC000, s10;
	s28 =	sadd.s32 $0xF0000, s10;
	[dreg:$0x17] =	wrdreg s25  }
0x23: {  	s29 =	sadd.s32 $0x104000, s10;
	s7 =	simm.s32 $0x13880;
	[dreg:$0x18] =	wrdreg s26  }
0x24: {  	s13 =	simm.s32 $0x16000;
	s23 =	simm.s32 $0x1B280;
	[dreg:$0x19] =	wrdreg s28  }
0x25: {  	s24 =	simm.s32 $0x0;
	s9 =	sadd.s32 s9, s2;
	[dreg:$0x1a] =	wrdreg s29  }
0x26: {  	v0 =	vimm.f32 $0.0e+00;
	s26 =	simm.s32 $0x16200;
	[dreg:$0xe] =	wrdreg s9;
	s9 =	simm.s32 $0x16280  }
.LBB2_1:
0x27: {  	s1 =	rddreg [dreg:$0x3]  }
0x28: {  	[tilespmem:s7], [sflag:$0x3] =	stream.linear.gather [hbm4b:s1+s3], $0x2710, $0x38;
	[tilespmem:$0x1C680] =	vst v63  }
0x29: {  	s6 =	simm.s32 $0x200;
	s1 =	simm.s32 $0x0  }
.LBB2_2:
0x2a: {  	p2 =	sne.s32 s6, $0x4E00;
	[tilespmem:s1+$0x162F0] =	vst v0  }
0x2b: {  	[tilespmem:s1+$0x16280] =	vst v0  }
0x2c: {  	[tilespmem:s1+$0x16290] =	vst v0  }
.Ltmp0:
0x2d: {  	[tilespmem:s1+$0x162A0] =	vst v0;
	(pc) =	sbr.rel @p2 .LBB2_2-.Ltmp0, $4  }
0x2e: {  	[tilespmem:s1+$0x162B0] =	vst v0  }
0x2f: {  	[tilespmem:s1+$0x162C0] =	vst v0  }
0x30: {  	[tilespmem:s1+$0x162D0] =	vst v0  }
0x31: {  	[tilespmem:s1+$0x162E0] =	vst v0;
	s1 =	sshra.s32 s6, $0x2;
	s6 =	sadd.s32 $0x200, s6  }
0x32: {  	[tilespmem:s1+$0x162F0] =	vst v0  }
0x33: {  	[tilespmem:s1+$0x16280] =	vst v0  }
0x34: {  	[tilespmem:s1+$0x16290] =	vst v0  }
0x35: {  	[tilespmem:s1+$0x162A0] =	vst v0  }
0x36: {  	[tilespmem:s1+$0x162B0] =	vst v0  }
0x37: {  	[tilespmem:s1+$0x162C0] =	vst v0  }
0x38: {  	[tilespmem:s1+$0x162D0] =	vst v0  }
0x39: {  	[tilespmem:s1+$0x162E0] =	vst v0  }
0x3a: {  	[spmem:s10] =	stream.linear.scatter [tilespmem:s9], [sflag:$0x2], $0x1400, $0x38;
	[tilespmem:$0x1C680] =	vst v63  }
0x3b: {  	_ = 	snop  }
0x3c: {  	[spmem:s31] =	stream.linear.scatter [tilespmem:s9], [sflag:$0x2], $0x1400, $0x38;
	[tilespmem:$0x1C680] =	vst v63  }
0x3d: {  	s12 =	rddreg [dreg:$0x8]  }
0x3e: {  	[spmem:s12] =	stream.linear.scatter [tilespmem:s9], [sflag:$0x2], $0x1400, $0x38;
	[tilespmem:$0x1C680] =	vst v63  }
0x3f: {  	s6 =	rddreg [dreg:$0x9]  }
0x40: {  	[spmem:s6] =	stream.linear.scatter [tilespmem:s9], [sflag:$0x2], $0x1400, $0x38;
	[tilespmem:$0x1C680] =	vst v63  }
0x41: {  	s8 =	rddreg [dreg:$0xa]  }
0x42: {  	[spmem:s8] =	stream.linear.scatter [tilespmem:s9], [sflag:$0x2], $0x1400, $0x38;
	[tilespmem:$0x1C680] =	vst v63  }
0x43: {  	s12 =	rddreg [dreg:$0xb]  }
0x44: {  	[spmem:s12] =	stream.linear.scatter [tilespmem:s9], [sflag:$0x2], $0x1400, $0x38;
	[tilespmem:$0x1C680] =	vst v63  }
0x45: {  	s6 =	rddreg [dreg:$0xc]  }
0x46: {  	[spmem:s6] =	stream.linear.scatter [tilespmem:s9], [sflag:$0x2], $0x1400, $0x38;
	[tilespmem:$0x1C680] =	vst v63  }
0x47: {  	s8 =	rddreg [dreg:$0xd]  }
0x48: {  	[spmem:s8] =	stream.linear.scatter [tilespmem:s9], [sflag:$0x2], $0x1400, $0x38;
	[tilespmem:$0x1C680] =	vst v63  }
0x49: {  	s12 =	rddreg [dreg:$0x15]  }
0x4a: {  	[spmem:s12] =	stream.linear.scatter [tilespmem:s9], [sflag:$0x2], $0x1400, $0x38;
	[tilespmem:$0x1C680] =	vst v63  }
0x4b: {  	s6 =	rddreg [dreg:$0x16]  }
0x4c: {  	[spmem:s6] =	stream.linear.scatter [tilespmem:s9], [sflag:$0x2], $0x1400, $0x38;
	[tilespmem:$0x1C680] =	vst v63  }
0x4d: {  	s8 =	rddreg [dreg:$0x17]  }
0x4e: {  	[spmem:s8] =	stream.linear.scatter [tilespmem:s9], [sflag:$0x2], $0x1400, $0x38;
	[tilespmem:$0x1C680] =	vst v63  }
0x4f: {  	s12 =	rddreg [dreg:$0x18]  }
0x50: {  	[spmem:s12] =	stream.linear.scatter [tilespmem:s9], [sflag:$0x2], $0x1400, $0x38;
	[tilespmem:$0x1C680] =	vst v63  }
0x51: {  	s6 =	rddreg [dreg:$0x19]  }
0x52: {  	[spmem:s6] =	stream.linear.scatter [tilespmem:s9], [sflag:$0x2], $0x1400, $0x38;
	[tilespmem:$0x1C680] =	vst v63  }
0x53: {  	s8 =	rddreg [dreg:$0x1a]  }
0x54: {  	[spmem:s8] =	stream.linear.scatter [tilespmem:s9], [sflag:$0x2], $0x1400, $0x38;
	[tilespmem:$0x1C680] =	vst v63  }
0x55: {  	s12 =	rddreg [dreg:$0x1b]  }
0x56: {  	[spmem:s12] =	stream.linear.scatter [tilespmem:s9], [sflag:$0x2], $0x1400, $0x38;
	[tilespmem:$0x1C680] =	vst v63  }
0x57: {  	s1 =	simm.s32 @!p0 $0x16280;
	s6 =	rddreg [dreg:$0xe]  }
0x58: {  	[spmem:s6] =	stream.linear.scatter @!p0 [tilespmem:s1], [sflag:$0x2], $0x1400, $0x38;
	[tilespmem:$0x1C680] =	vst v63  }
0x59: {  	_ =	swait.ge [sflag:s11], $0x1400  }
0x5a: {  	[sflag:s11] =	ssyncset.done $0x0  }
0x5b: {  	[sflag:s11] =	ssyncadd.s32 $0xFFFFEC00  }
0x5c: {  	_ =	swait.ge [sflag:s11], $0x1400  }
0x5d: {  	[sflag:s11] =	ssyncset.done $0x0  }
0x5e: {  	[sflag:s11] =	ssyncadd.s32 $0xFFFFEC00  }
0x5f: {  	_ =	swait.ge [sflag:s11], $0x1400  }
0x60: {  	[sflag:s11] =	ssyncset.done $0x0  }
0x61: {  	[sflag:s11] =	ssyncadd.s32 $0xFFFFEC00  }
0x62: {  	_ =	swait.ge [sflag:s11], $0x1400  }
0x63: {  	[sflag:s11] =	ssyncset.done $0x0  }
0x64: {  	[sflag:s11] =	ssyncadd.s32 $0xFFFFEC00  }
0x65: {  	_ =	swait.ge [sflag:s11], $0x1400  }
0x66: {  	[sflag:s11] =	ssyncset.done $0x0  }
0x67: {  	[sflag:s11] =	ssyncadd.s32 $0xFFFFEC00  }
0x68: {  	_ =	swait.ge [sflag:s11], $0x1400  }
0x69: {  	[sflag:s11] =	ssyncset.done $0x0  }
0x6a: {  	[sflag:s11] =	ssyncadd.s32 $0xFFFFEC00  }
0x6b: {  	_ =	swait.ge [sflag:s11], $0x1400  }
0x6c: {  	[sflag:s11] =	ssyncset.done $0x0  }
0x6d: {  	[sflag:s11] =	ssyncadd.s32 $0xFFFFEC00  }
0x6e: {  	_ =	swait.ge [sflag:s11], $0x1400  }
0x6f: {  	[sflag:s11] =	ssyncset.done $0x0  }
0x70: {  	[sflag:s11] =	ssyncadd.s32 $0xFFFFEC00  }
0x71: {  	_ =	swait.ge [sflag:s11], $0x1400  }
0x72: {  	[sflag:s11] =	ssyncset.done $0x0  }
0x73: {  	[sflag:s11] =	ssyncadd.s32 $0xFFFFEC00  }
0x74: {  	_ =	swait.ge [sflag:s11], $0x1400  }
0x75: {  	[sflag:s11] =	ssyncset.done $0x0  }
0x76: {  	[sflag:s11] =	ssyncadd.s32 $0xFFFFEC00  }
0x77: {  	_ =	swait.ge [sflag:s11], $0x1400  }
0x78: {  	[sflag:s11] =	ssyncset.done $0x0  }
0x79: {  	[sflag:s11] =	ssyncadd.s32 $0xFFFFEC00  }
0x7a: {  	_ =	swait.ge [sflag:s11], $0x1400  }
0x7b: {  	[sflag:s11] =	ssyncset.done $0x0  }
0x7c: {  	[sflag:s11] =	ssyncadd.s32 $0xFFFFEC00  }
0x7d: {  	_ =	swait.ge [sflag:s11], $0x1400  }
0x7e: {  	[sflag:s11] =	ssyncset.done $0x0  }
0x7f: {  	[sflag:s11] =	ssyncadd.s32 $0xFFFFEC00  }
0x80: {  	_ =	swait.ge [sflag:s11], $0x1400  }
0x81: {  	[sflag:s11] =	ssyncset.done $0x0  }
0x82: {  	[sflag:s11] =	ssyncadd.s32 $0xFFFFEC00  }
0x83: {  	_ =	swait.ge [sflag:s11], $0x1400  }
0x84: {  	[sflag:s11] =	ssyncset.done $0x0  }
0x85: {  	s1 =	simm.s32 @!p1 $0x2;
	[sflag:s11] =	ssyncadd.s32 $0xFFFFEC00  }
0x86: {  	_ =	swait.ge @!p1 [sflag:s1], $0x1400  }
0x87: {  	[sflag:s1] =	ssyncset.done @!p1 $0x0  }
0x88: {  	[sflag:s1] =	ssyncadd.s32 @!p1 $0xFFFFEC00  }
0x89: {  	[bflag:$0x0] =	sbarrier.arrive $0xFFFF  }
0x8a: {  	s28 =	simm.s32 $0x0;
	s6 =	rddreg [dreg:$0x4]  }
0x8b: {  	[tilespmem:s13], [sflag:$0x4] =	stream.linear.gather [hbm4b:s6+s28], $0x28, $0x38;
	[tilespmem:$0x1C680] =	vst v63  }
0x8c: {  	s8 =	rddreg [dreg:$0x5]  }
0x8d: {  	[tilespmem:s14], [sflag:$0x4] =	stream.linear.gather [hbm4b:s8+s28], $0x28, $0x38;
	[tilespmem:$0x1C680] =	vst v63  }
0x8e: {  	s12 =	rddreg [dreg:$0x6];
	s6 =	simm.s32 $0x3  }
0x8f: {  	[tilespmem:s15], [sflag:$0x4] =	stream.linear.gather [hbm4b:s12+s28], $0x28, $0x38;
	[tilespmem:$0x1C680] =	vst v63  }
0x90: {  	_ =	swait.ge [sflag:s6], $0x2710  }
0x91: {  	s29 =	rddreg [dreg:$0x12]  }
0x92: {  	[sflag:s6] =	ssyncset.done $0x0;
	s30 =	rddreg [dreg:$0x11]  }
0x93: {  	s25 =	smov.u32 s31;
	s31 =	rddreg [dreg:$0x10];
	[sflag:s6] =	ssyncadd.s32 $0xFFFFD8F0  }
0x94: {  	[tilespmem:s9], [sflag:$0x1] =	stream.indirect.gather [hbm4b:s4+s16], $0x80, s7, s16, $0xb8;
	[tilespmem:$0x1C680] =	vst v63  }
0x95: {  	s8 =	simm.s32 $0x138A8;
	s1 =	rddreg [dreg:$0xf]  }
0x96: {  	[tilespmem:s17], [sflag:$0x1] =	stream.indirect.gather [hbm4b:s4+s16], $0x80, s8, s16, $0xb8;
	[tilespmem:$0x1C680] =	vst v63  }
0x97: {  	s12 =	simm.s32 $0x138D0;
	s8 =	rddreg [dreg:$0x13]  }
0x98: {  	[tilespmem:s18], [sflag:$0x1] =	stream.indirect.gather [hbm4b:s4+s16], $0x80, s12, s16, $0xb8;
	[tilespmem:$0x1C680] =	vst v63  }
.LBB2_4:
0x99: {  	p2 =	seq.s32 s28, $0x0  }
0x9a: {  	s7 =	simm.s32 @!p2 $0x2  }
0x9b: {  	_ =	swait.ge @!p2 [sflag:s7], $0x1400  }
0x9c: {  	s6 =	sshra.s32 s28, $0x2;
	[sflag:s7] =	ssyncset.done @!p2 $0x0  }
0x9d: {  	s12 =	sadd.s32 $0x138F8, s6;
	[sflag:s7] =	ssyncadd.s32 @!p2 $0xFFFFEC00  }
0x9e: {  	[tilespmem:s19], [sflag:$0x1] =	stream.indirect.gather [hbm4b:s4+s16], $0x80, s12, s16, $0xb8;
	[tilespmem:$0x1C680] =	vst v63  }
0x9f: {  	_ =	swait.ge [sflag:s20], $0x1400  }
0xa0: {  	[sflag:s20] =	ssyncset.done $0x0  }
0xa1: {  	[sflag:s20] =	ssyncadd.s32 $0xFFFFEC00  }
0xa2: {  	_ =	swait.ge [sflag:s21], $0x28  }
0xa3: {  	[sflag:s21] =	ssyncset.done $0x0  }
0xa4: {  	[sflag:s21] =	ssyncadd.s32 $0xFFFFFFD8  }
0xa5: {  	[spmem:s2] =	stream.indirect.scatter.add.f32 [tilespmem:s9], [sflag:$0x2], $0x80, s13, s16, $0xb8;
	[tilespmem:$0x1C680] =	vst v63  }
0xa6: {  	_ = 	snop  }
0xa7: {  	[tilespmem:s22], [sflag:$0x4] =	stream.linear.gather [hbm4b:s8+s3], $0x28, $0x38;
	[tilespmem:$0x1C680] =	vst v63  }
0xa8: {  	_ =	swait.ge @!p2 [sflag:s7], $0x1400  }
0xa9: {  	[sflag:s7] =	ssyncset.done @!p2 $0x0  }
0xaa: {  	s12 =	sadd.s32 $0x13920, s6;
	[sflag:s7] =	ssyncadd.s32 @!p2 $0xFFFFEC00  }
0xab: {  	[tilespmem:s23], [sflag:$0x1] =	stream.indirect.gather [hbm4b:s4+s16], $0x80, s12, s16, $0xb8;
	[tilespmem:$0x1C680] =	vst v63  }
0xac: {  	_ =	swait.ge [sflag:s20], $0x1400  }
0xad: {  	[sflag:s20] =	ssyncset.done $0x0  }
0xae: {  	[sflag:s20] =	ssyncadd.s32 $0xFFFFEC00  }
0xaf: {  	_ =	swait.ge [sflag:s21], $0x28  }
0xb0: {  	[sflag:s21] =	ssyncset.done $0x0  }
0xb1: {  	p2 =	seq.s32 s28, $0x9920;
	[sflag:s21] =	ssyncadd.s32 $0xFFFFFFD8  }
0xb2: {  	[spmem:s2] =	stream.indirect.scatter.add.f32 [tilespmem:s17], [sflag:$0x2], $0x80, s14, s16, $0xb8;
	[tilespmem:$0x1C680] =	vst v63  }
.Ltmp1:
0xb3: {  	_ = 	snop;
	(pc) =	sbr.rel @p2 .LBB2_6-.Ltmp1, $4  }
0xb4: {  	[tilespmem:s26], [sflag:$0x4] =	stream.linear.gather [hbm4b:s29+s3], $0x28, $0x38;
	[tilespmem:$0x1C680] =	vst v63  }
0xb5: {  	_ =	swait.ge [sflag:s11], $0x1400  }
0xb6: {  	[sflag:s11] =	ssyncset.done $0x0  }
0xb7: {  	[sflag:s11] =	ssyncadd.s32 $0xFFFFEC00  }
0xb8: {  	s7 =	sadd.s32 $0x13948, s6  }
0xb9: {  	[tilespmem:s9], [sflag:$0x1] =	stream.indirect.gather [hbm4b:s4+s16], $0x80, s7, s16, $0xb8;
	[tilespmem:$0x1C680] =	vst v63  }
0xba: {  	_ =	swait.ge [sflag:s20], $0x1400  }
0xbb: {  	[sflag:s20] =	ssyncset.done $0x0  }
0xbc: {  	[sflag:s20] =	ssyncadd.s32 $0xFFFFEC00  }
0xbd: {  	_ =	swait.ge [sflag:s21], $0x28  }
0xbe: {  	[sflag:s21] =	ssyncset.done $0x0  }
0xbf: {  	s12 =	sshrl.u32 s30, $0x3;
	[sflag:s21] =	ssyncadd.s32 $0xFFFFFFD8  }
0xc0: {  	[spmem:s2] =	stream.indirect.scatter.add.f32 [tilespmem:s18], [sflag:$0x2], $0x80, s15, s16, $0xb8;
	[tilespmem:$0x1C680] =	vst v63  }
0xc1: {  	s7 =	sadd.s32 s5, s12  }
0xc2: {  	[tilespmem:s13], [sflag:$0x4] =	stream.linear.gather [hbm4b:s7+s3], $0x28, $0x38;
	[tilespmem:$0x1C680] =	vst v63  }
0xc3: {  	_ =	swait.ge [sflag:s11], $0x1400  }
0xc4: {  	[sflag:s11] =	ssyncset.done $0x0  }
0xc5: {  	s12 =	sadd.s32 $0x13970, s6;
	[sflag:s11] =	ssyncadd.s32 $0xFFFFEC00  }
0xc6: {  	[tilespmem:s17], [sflag:$0x1] =	stream.indirect.gather [hbm4b:s4+s16], $0x80, s12, s16, $0xb8;
	[tilespmem:$0x1C680] =	vst v63  }
0xc7: {  	_ =	swait.ge [sflag:s20], $0x1400  }
0xc8: {  	[sflag:s20] =	ssyncset.done $0x0  }
0xc9: {  	[sflag:s20] =	ssyncadd.s32 $0xFFFFEC00  }
0xca: {  	_ =	swait.ge [sflag:s21], $0x28  }
0xcb: {  	[sflag:s21] =	ssyncset.done $0x0  }
0xcc: {  	[sflag:s21] =	ssyncadd.s32 $0xFFFFFFD8  }
0xcd: {  	[spmem:s2] =	stream.indirect.scatter.add.f32 [tilespmem:s19], [sflag:$0x2], $0x80, s22, s16, $0xb8;
	[tilespmem:$0x1C680] =	vst v63  }
0xce: {  	_ = 	snop  }
0xcf: {  	[tilespmem:s14], [sflag:$0x4] =	stream.linear.gather [hbm4b:s31+s3], $0x28, $0x38;
	[tilespmem:$0x1C680] =	vst v63  }
0xd0: {  	_ =	swait.ge [sflag:s11], $0x1400  }
0xd1: {  	[sflag:s11] =	ssyncset.done $0x0  }
0xd2: {  	s12 =	sadd.s32 $0x13998, s6;
	[sflag:s11] =	ssyncadd.s32 $0xFFFFEC00  }
0xd3: {  	[tilespmem:s18], [sflag:$0x1] =	stream.indirect.gather [hbm4b:s4+s16], $0x80, s12, s16, $0xb8;
	[tilespmem:$0x1C680] =	vst v63  }
0xd4: {  	_ =	swait.ge [sflag:s20], $0x1400  }
0xd5: {  	[sflag:s20] =	ssyncset.done $0x0  }
0xd6: {  	[sflag:s20] =	ssyncadd.s32 $0xFFFFEC00  }
0xd7: {  	_ =	swait.ge [sflag:s21], $0x28  }
0xd8: {  	[sflag:s21] =	ssyncset.done $0x0  }
.Ltmp2:
0xd9: {  	[sflag:s21] =	ssyncadd.s32 $0xFFFFFFD8;
	(pc) =	sbr.rel .LBB2_4-.Ltmp2, $4  }
0xda: {  	[spmem:s2] =	stream.indirect.scatter.add.f32 [tilespmem:s23], [sflag:$0x2], $0x80, s26, s16, $0xb8;
	[tilespmem:$0x1C680] =	vst v63  }
0xdb: {  	s28 =	sadd.s32 $0x320, s28;
	s30 =	sadd.s32 $0xC8, s30;
	s29 =	sadd.s32 $0x19, s29  }
0xdc: {  	[tilespmem:s15], [sflag:$0x4] =	stream.linear.gather [hbm4b:s1+s3], $0x28, $0x38;
	[tilespmem:$0x1C680] =	vst v63  }
0xdd: {  	s8 =	sadd.s32 $0x19, s8;
	s31 =	sadd.s32 $0x19, s31;
	s1 =	sadd.s32 $0x19, s1  }
.LBB2_6:
0xde: {  	_ =	swait.ge [sflag:s20], $0x1400  }
0xdf: {  	[sflag:s20] =	ssyncset.done $0x0  }
0xe0: {  	[sflag:s20] =	ssyncadd.s32 $0xFFFFEC00  }
0xe1: {  	_ =	swait.ge [sflag:s21], $0x28  }
0xe2: {  	[sflag:s21] =	ssyncset.done $0x0  }
0xe3: {  	[sflag:s21] =	ssyncadd.s32 $0xFFFFFFD8  }
0xe4: {  	[spmem:s2] =	stream.indirect.scatter.add.f32 [tilespmem:s18], [sflag:$0x2], $0x80, s15, s16, $0xb8;
	[tilespmem:$0x1C680] =	vst v63  }
0xe5: {  	_ =	swait.ge [sflag:s11], $0x1400  }
0xe6: {  	[sflag:s11] =	ssyncset.done $0x0  }
0xe7: {  	[sflag:s11] =	ssyncadd.s32 $0xFFFFEC00  }
0xe8: {  	_ =	swait.ge [sflag:s20], $0x1400  }
0xe9: {  	[sflag:s20] =	ssyncset.done $0x0  }
0xea: {  	[sflag:s20] =	ssyncadd.s32 $0xFFFFEC00  }
0xeb: {  	_ =	swait.ge [sflag:s21], $0x28  }
0xec: {  	[sflag:s21] =	ssyncset.done $0x0  }
0xed: {  	[sflag:s21] =	ssyncadd.s32 $0xFFFFFFD8  }
0xee: {  	[spmem:s2] =	stream.indirect.scatter.add.f32 [tilespmem:s19], [sflag:$0x2], $0x80, s22, s16, $0xb8;
	[tilespmem:$0x1C680] =	vst v63  }
0xef: {  	_ =	swait.ge [sflag:s11], $0x1400  }
0xf0: {  	[sflag:s11] =	ssyncset.done $0x0  }
0xf1: {  	[sflag:s11] =	ssyncadd.s32 $0xFFFFEC00  }
0xf2: {  	_ =	swait.ge [sflag:s20], $0x1400  }
0xf3: {  	[sflag:s20] =	ssyncset.done $0x0  }
0xf4: {  	[sflag:s20] =	ssyncadd.s32 $0xFFFFEC00  }
0xf5: {  	_ =	swait.ge [sflag:s21], $0x28  }
0xf6: {  	[sflag:s21] =	ssyncset.done $0x0  }
0xf7: {  	[sflag:s21] =	ssyncadd.s32 $0xFFFFFFD8  }
0xf8: {  	[spmem:s2] =	stream.indirect.scatter.add.f32 [tilespmem:s23], [sflag:$0x2], $0x80, s26, s16, $0xb8;
	[tilespmem:$0x1C680] =	vst v63  }
0xf9: {  	_ =	swait.ge [sflag:s11], $0x1400  }
0xfa: {  	[sflag:s11] =	ssyncset.done $0x0  }
0xfb: {  	[sflag:s11] =	ssyncadd.s32 $0xFFFFEC00  }
0xfc: {  	_ =	swait.ge [sflag:s11], $0x1400  }
0xfd: {  	[sflag:s11] =	ssyncset.done $0x0  }
0xfe: {  	s1 =	sadd.s32 $0x0, s0;
	s31 =	smov.u32 s25;
	[sflag:s11] =	ssyncadd.s32 $0xFFFFEC00  }
0xff: {  	s8 =	smov.u32 s25;
	p2 =	sgt.u32 s1, $0xF9;
	[bflag:$0x0] =	sbarrier.arrive $0xFFFF  }
0x100: {  	s1 =	simm.s32 $0x10;
	s6 =	sshll.u32 @!p2 s0, $0x6;
	s28 =	rddreg [dreg:$0x14]  }
0x101: {  	s30 =	sshrl.u32 @!p2 s10, $0x3;
	s29 =	sor.u32 @!p2 $0x1C04, s6;
	s6 =	sadd.s32 $0x2800, s28  }
.LBB2_7:
0x102: {  	[hbm:s28], [sflag:s29] =	dma.local @!p2 [spmem:s30], $0x280  }
0x103: {  	s7 =	smov.u32 s1;
	s1 =	sadd.s32 $0x10, s1  }
0x104: {  	p3 =	sne.s32 s1, $0x100  }
.Ltmp3:
0x105: {  	(pc) =	sbr.rel @p3 .LBB2_7-.Ltmp3, $4  }
0x106: {  	s12 =	smov.u32 s8;
	s7 =	sadd.s32 s7, s0  }
0x107: {  	s28 =	smov.u32 s6;
	p2 =	sgt.u32 s7, $0xF9  }
0x108: {  	s8 =	sadd.s32 $0x14000, s8;
	s7 =	sshll.u32 @!p2 s0, $0x6  }
0x109: {  	s6 =	sadd.s32 $0x2800, s6;
	s30 =	sshrl.u32 @!p2 s12, $0x3;
	s29 =	sor.u32 @!p2 $0x1C04, s7  }
0x10a: {  	[hbm:s28], [sflag:s29] =	dma.local @!p2 [spmem:s30], $0x280  }
0x10b: {  	_ =	swait.ge [sflag:s21], $0x280  }
0x10c: {  	[sflag:s21] =	ssyncset.done $0x0  }
0x10d: {  	[sflag:s21] =	ssyncadd.s32 $0xFFFFFD80  }
0x10e: {  	_ =	swait.ge [sflag:s21], $0x280  }
0x10f: {  	[sflag:s21] =	ssyncset.done $0x0  }
0x110: {  	[sflag:s21] =	ssyncadd.s32 $0xFFFFFD80  }
0x111: {  	_ =	swait.ge [sflag:s21], $0x280  }
0x112: {  	[sflag:s21] =	ssyncset.done $0x0  }
0x113: {  	[sflag:s21] =	ssyncadd.s32 $0xFFFFFD80  }
0x114: {  	_ =	swait.ge [sflag:s21], $0x280  }
0x115: {  	[sflag:s21] =	ssyncset.done $0x0  }
0x116: {  	[sflag:s21] =	ssyncadd.s32 $0xFFFFFD80  }
0x117: {  	_ =	swait.ge [sflag:s21], $0x280  }
0x118: {  	[sflag:s21] =	ssyncset.done $0x0  }
0x119: {  	[sflag:s21] =	ssyncadd.s32 $0xFFFFFD80  }
0x11a: {  	_ =	swait.ge [sflag:s21], $0x280  }
0x11b: {  	[sflag:s21] =	ssyncset.done $0x0  }
0x11c: {  	[sflag:s21] =	ssyncadd.s32 $0xFFFFFD80  }
0x11d: {  	_ =	swait.ge [sflag:s21], $0x280  }
0x11e: {  	[sflag:s21] =	ssyncset.done $0x0  }
0x11f: {  	[sflag:s21] =	ssyncadd.s32 $0xFFFFFD80  }
0x120: {  	_ =	swait.ge [sflag:s21], $0x280  }
0x121: {  	[sflag:s21] =	ssyncset.done $0x0  }
0x122: {  	[sflag:s21] =	ssyncadd.s32 $0xFFFFFD80  }
0x123: {  	_ =	swait.ge [sflag:s21], $0x280  }
0x124: {  	[sflag:s21] =	ssyncset.done $0x0  }
0x125: {  	[sflag:s21] =	ssyncadd.s32 $0xFFFFFD80  }
0x126: {  	_ =	swait.ge [sflag:s21], $0x280  }
0x127: {  	[sflag:s21] =	ssyncset.done $0x0  }
0x128: {  	[sflag:s21] =	ssyncadd.s32 $0xFFFFFD80  }
0x129: {  	_ =	swait.ge [sflag:s21], $0x280  }
0x12a: {  	[sflag:s21] =	ssyncset.done $0x0  }
0x12b: {  	[sflag:s21] =	ssyncadd.s32 $0xFFFFFD80  }
0x12c: {  	_ =	swait.ge [sflag:s21], $0x280  }
0x12d: {  	[sflag:s21] =	ssyncset.done $0x0  }
0x12e: {  	[sflag:s21] =	ssyncadd.s32 $0xFFFFFD80  }
0x12f: {  	_ =	swait.ge [sflag:s21], $0x280  }
0x130: {  	[sflag:s21] =	ssyncset.done $0x0  }
0x131: {  	[sflag:s21] =	ssyncadd.s32 $0xFFFFFD80  }
0x132: {  	_ =	swait.ge [sflag:s21], $0x280  }
0x133: {  	[sflag:s21] =	ssyncset.done $0x0  }
0x134: {  	[sflag:s21] =	ssyncadd.s32 $0xFFFFFD80  }
0x135: {  	_ =	swait.ge [sflag:s21], $0x280  }
0x136: {  	[sflag:s21] =	ssyncset.done $0x0  }
0x137: {  	s1 =	simm.s32 @!p1 $0x4;
	[sflag:s21] =	ssyncadd.s32 $0xFFFFFD80  }
0x138: {  	_ =	swait.ge @!p1 [sflag:s1], $0x280  }
0x139: {  	s24 =	sadd.s32 $0x1, s24;
	s6 =	rddreg [dreg:$0x7]  }
0x13a: {  	p2 =	sne.s32 s24, s6  }
.Ltmp4:
0x13b: {  	_ = 	snop;
	(pc) =	sbr.rel @p2 .LBB2_1-.Ltmp4, $3  }
0x13c: {  	_ =	sdelay $0x1  }
0x13d: {  	[sflag:s1] =	ssyncset.done @!p1 $0x0  }
0x13e: {  	s7 =	simm.s32 $0x13880;
	[sflag:s1] =	ssyncadd.s32 @!p1 $0xFFFFFD80  }
0x13f: {  	_ =	sfence.sel $0x180000  }
0x140: {  	[bflag:$0x0] =	sbarrier.arrive $0xFFFF  }
0x141: {  	_ =	strace $0x9000004D  }
0x142: {  	[bflag:$0x2] =	sbarrier.arrive $0xFFFF  }
0x143: {  	p0 =	sne.s32 s0, $0x0;
	s0 =	rddreg [dreg:$0x2]  }
0x144: {  	s0 =	sadd.s32 @!p0 $0x100000, s0  }
0x145: {  	[sflag:s0] =	ssyncadd.tile.s32 @!p0 $0x1;
	_ =	shalt  }
.Lfunc_end2:
_tile_overlayer_lowered:
.L_overlay_start_2:
0x146: {  	(tag) =	ssettag $0x2  }
0x147: {  	s0 =	rddreg [dreg:$0x0];
	s2 =	stileid.u32  }
0x148: {  	s1 =	rddreg [dreg:$0x1];
	p0 =	sne.s32 s2, $0x0  }
0x149: {  	s3 =	rddreg [dreg:$0x2];
	[bflag:$0x3] =	sbarrier.arrive $0xFFFF;
	s2 =	simm.s32 @!p0 $0x1C05  }
0x14a: {  	[timem:s3], [sflag:s2] =	dma.local @!p0 [hbm:s0], s1  }
0x14b: {  	s0 =	simm.s32 @!p0 $0x5  }
0x14c: {  	_ =	swait.ge @!p0 [sflag:s0], s1  }
0x14d: {  	s1 =	ssub.s32 @!p0 $0x0, s1;
	[sflag:s0] =	ssyncset.done @!p0 $0x0  }
0x14e: {  	[sflag:s0] =	ssyncadd.s32 @!p0 s1  }
0x14f: {  	[bflag:$0x3] =	sbarrier.arrive $0xFFFF  }
0x150: {  	_ =	shalt  }

// kernel: kernel.21.cloned.1.call-start
scs
__scs_entry_jumppad:
0x0: {  	(pc) =	sbr.rel $0x88, $3  }
0x1: {  	(tag) =	ssettag $0x0;
	lr =	simm.s32 $0x1  }
0x2: {  	[smem:$0x3F97] =	sst lr;
	_ =	strace $0xD0000000  }
0x3: {  	_ = 	snop  }
0x4: {  	_ = 	snop  }
0x5: {  	_ = 	snop  }
0x6: {  	_ = 	snop  }
0x7: {  	_ = 	snop  }
__scs_overlays_trampoline_lowered:
0x8: {  	[smem:$0x3FA6] =	sst s0  }
0x9: {  	[smem:$0x3FA7] =	sst s1  }
0xa: {  	[smem:$0x3FA8] =	sst s2  }
0xb: {  	[smem:$0x3FA9] =	sst s3  }
0xc: {  	[smem:$0x3FAA] =	sst s4  }
0xd: {  	[smem:$0x3FAB] =	sst s5  }
0xe: {  	[smem:$0x3FAC] =	sst s6  }
0xf: {  	[smem:$0x3FAD] =	sst s7  }
0x10: {  	[smem:$0x3FAE] =	sst s8  }
0x11: {  	[smem:$0x3FAF] =	sst s9;
	s0 =	simm.s32 @!p0 $0x0  }
0x12: {  	s1 =	sld [smem:$0x3F95];
	s0 =	simm.s32 @p0 $0x1  }
0x13: {  	[smem:$0x3FB0] =	sst s0;
	s0 =	simm.s32 @!p1 $0x0  }
0x14: {  	s2 =	sld [smem:$0x3F94];
	s0 =	simm.s32 @p1 $0x1  }
0x15: {  	[smem:$0x3FB1] =	sst s0;
	s0 =	simm.s32 @!p2 $0x0  }
0x16: {  	s3 =	sld [smem:$0x3FDB];
	s0 =	simm.s32 @p2 $0x1  }
0x17: {  	s4 =	simm.s32 $0x1BF5;
	[smem:$0x3FB3] =	sst s0  }
0x18: {  	s0 =	sld [smem:$0x3F96];
	_ =	swait.ge [sflag:s4], $0x0  }
0x19: {  	s7 =	sld [smem:$0x3F97]  }
0x1a: {  	s8 =	sadd.s32 $0xFFFFE003, lr  }
0x1b: {  	s9 =	sadd.s32 $0xFFFFFEF7, lr;
	s5 =	simm.s32 $0xFFFFFFFF;
	p2 =	slt.u32 s8, $0xFFFFF086  }
0x1c: {  	p1 =	slt.u32 s9, $0xF7A;
	s5 =	simm.s32 @!p2 $0x0  }
0x1d: {  	s5 =	simm.s32 @p1 $0x1;
	p0 =	seq.s32 s7, s2  }
0x1e: {  	s7 =	smul.u32 @!p0 $0xF7A, s2;
	p2 =	seq.s32 @!p0 s5, $0x0  }
0x1f: {  	s9 =	smul.u32 $0xF7A, s1;
	s8 =	simm.s32 @!p0 $0x1BF5;
	p2 =	por !p2, p0  }
0x20: {  	[sflag:s8] =	ssyncset.s32 @!p0 $0xFFFFF086;
	s6 =	sadd.s32 @!p0 s3, s7;
	s7 =	simm.s32 @!p0 $0x108  }
0x21: {  	s3 =	sadd.s32 s3, s9;
	s6 =	sadd.s32 @!p0 $0x88, s6;
	s7 =	simm.s32 @p2 $0x1082  }
0x22: {  	[simem:s7], [sflag:s8] =	dma.local @!p0 [hbm:s6], $0xF7A  }
0x23: {  	s9 =	sor.u32 $0xD0000000, s2;
	s6 =	simm.s32 $0x108;
	_ =	swait.ge @!p0 [sflag:s8], $0x0  }
0x24: {  	s3 =	sadd.s32 $0x88, s3;
	s6 =	simm.s32 @!p1 $0x1082;
	[sflag:s4] =	ssyncset.s32 $0xFFFFF086  }
0x25: {  	[simem:s6], [sflag:s4] =	dma.local [hbm:s3], $0xF7A  }
0x26: {  	[smem:$0x3F97] =	sst s1;
	(tag) =	ssettag s2;
	_ =	strace s9  }
0x27: {  	s1 =	sld [smem:$0x3FA7]  }
0x28: {  	s2 =	sld [smem:$0x3FA8]  }
0x29: {  	s4 =	sld [smem:$0x3FAA]  }
0x2a: {  	p0 =	seq.s32 s5, $0x0;
	s5 =	sld [smem:$0x3FAB]  }
0x2b: {  	s6 =	sld [smem:$0x3FAC]  }
0x2c: {  	s7 =	sld [smem:$0x3FAD]  }
0x2d: {  	s3 =	simm.s32 $0x108;
	s8 =	sld [smem:$0x3FAE]  }
0x2e: {  	s3 =	simm.s32 @!p0 $0x1082;
	s9 =	sld [smem:$0x3FAF]  }
0x2f: {  	lr =	sadd.s32 s0, s3;
	s0 =	sld [smem:$0x3FA6]  }
0x30: {  	s3 =	sld [smem:$0x3FA9]  }
0x31: {  	[smem:$0x3FB2] =	sst s10  }
0x32: {  	s10 =	sld [smem:$0x3FB0];
	_ =	sdelay $0x3  }
0x33: {  	p0 =	seq.s32 s10, $0x1;
	s10 =	sld [smem:$0x3FB2];
	_ =	sdelay $0x3  }
0x34: {  	[smem:$0x3FB2] =	sst s10  }
0x35: {  	s10 =	sld [smem:$0x3FB1];
	_ =	sdelay $0x3  }
0x36: {  	p1 =	seq.s32 s10, $0x1;
	s10 =	sld [smem:$0x3FB2];
	_ =	sdelay $0x3  }
0x37: {  	[smem:$0x3FB2] =	sst s10  }
0x38: {  	s10 =	sld [smem:$0x3FB3]  }
0x39: {  	_ = 	snop;
	(pc) =	sbr.ind lr, $3  }
0x3a: {  	_ = 	snop  }
0x3b: {  	_ = 	snop  }
0x3c: {  	p2 =	seq.s32 s10, $0x1;
	s10 =	sld [smem:$0x3FB2]  }
0x3d: {  	_ =	shalt  }
0x3e: {  	_ =	shalt  }
0x3f: {  	_ =	shalt  }
0x40: {  	_ =	shalt  }
0x41: {  	_ =	shalt  }
0x42: {  	_ =	shalt  }
0x43: {  	_ =	shalt  }
0x44: {  	_ =	shalt  }
0x45: {  	_ =	shalt  }
0x46: {  	_ =	shalt  }
0x47: {  	_ =	shalt  }
0x48: {  	_ =	shalt  }
0x49: {  	_ =	shalt  }
0x4a: {  	_ =	shalt  }
0x4b: {  	_ =	shalt  }
0x4c: {  	_ =	shalt  }
0x4d: {  	_ =	shalt  }
0x4e: {  	_ =	shalt  }
0x4f: {  	_ =	shalt  }
0x50: {  	_ =	shalt  }
0x51: {  	_ =	shalt  }
0x52: {  	_ =	shalt  }
0x53: {  	_ =	shalt  }
0x54: {  	_ =	shalt  }
0x55: {  	_ =	shalt  }
0x56: {  	_ =	shalt  }
0x57: {  	_ =	shalt  }
0x58: {  	_ =	shalt  }
0x59: {  	_ =	shalt  }
0x5a: {  	_ =	shalt  }
0x5b: {  	_ =	shalt  }
0x5c: {  	_ =	shalt  }
0x5d: {  	_ =	shalt  }
0x5e: {  	_ =	shalt  }
0x5f: {  	_ =	shalt  }
0x60: {  	_ =	shalt  }
0x61: {  	_ =	shalt  }
0x62: {  	_ =	shalt  }
0x63: {  	_ =	shalt  }
0x64: {  	_ =	shalt  }
0x65: {  	_ =	shalt  }
0x66: {  	_ =	shalt  }
0x67: {  	_ =	shalt  }
0x68: {  	_ =	shalt  }
0x69: {  	_ =	shalt  }
0x6a: {  	_ =	shalt  }
0x6b: {  	_ =	shalt  }
0x6c: {  	_ =	shalt  }
0x6d: {  	_ =	shalt  }
0x6e: {  	_ =	shalt  }
0x6f: {  	_ =	shalt  }
0x70: {  	_ =	shalt  }
0x71: {  	_ =	shalt  }
0x72: {  	_ =	shalt  }
0x73: {  	_ =	shalt  }
0x74: {  	_ =	shalt  }
0x75: {  	_ =	shalt  }
0x76: {  	_ =	shalt  }
0x77: {  	_ =	shalt  }
0x78: {  	_ =	shalt  }
0x79: {  	_ =	shalt  }
0x7a: {  	_ =	shalt  }
0x7b: {  	_ =	shalt  }
0x7c: {  	_ =	shalt  }
0x7d: {  	_ =	shalt  }
0x7e: {  	_ =	shalt  }
0x7f: {  	_ =	shalt  }
0x80: {  	_ =	shalt  }
0x81: {  	_ =	shalt  }
0x82: {  	_ =	shalt  }
0x83: {  	_ =	shalt  }
0x84: {  	_ =	shalt  }
0x85: {  	_ =	shalt  }
0x86: {  	_ =	shalt  }
0x87: {  	_ =	shalt  }
.Lfunc_end0:
.L_simem_size_0:
called_computation.3_lowered:
.L_overlay_start_0:
0x88: {  	s2 =	sld [smem:$0x3FD9]  }
0x89: {  	s3 =	sld [smem:$0x3FFE];
	_ =	sdelay $0x1  }
0x8a: {  	s1 =	srdreg.scid  }
0x8b: {  	s0 =	sand.u32 $0x1, s1  }
0x8c: {  	s16 =	sshll.u32 s0, $0xA;
	s2 =	sadd.s32 s3, s2  }
0x8d: {  	s2 =	sadd.s32 s2, s16  }
0x8e: {  	[smem:$0x3FBE] =	sst s2  }
0x8f: {  	_ = 	snop  }
0x90: {  	(tm) =	ssettm $0x1  }
0x91: {  	s17 =	sld [smem:$0x3FFB];
	_ =	sdelay $0x3  }
0x92: {  	_ =	strace s17  }
0x93: {  	s2 =	sld [smem:$0x3FFC];
	_ =	sdelay $0x3  }
0x94: {  	_ =	strace s2  }
0x95: {  	s2 =	sld [smem:$0x3FFD];
	_ =	sdelay $0x3  }
0x96: {  	_ =	strace s2  }
0x97: {  	_ =	strace $0x8FFFFFFF  }
0x98: {  	s18 =	sld [smem:$0x3FDB];
	_ =	sdelay $0x1  }
0x99: {  	s19 =	simm.s32 $_scs_section_size  }
0x9a: {  	s4 =	simm.s32 $_size__tile_overlayer_lowered;
	s5 =	simm.s32 $_tile_overlayer_lowered  }
0x9b: {  	s22 =	simm.s32 $0x1BFF;
	s21 =	sshll.u32 s5, $0x1;
	s2 =	sadd.s32 s19, s18  }
0x9c: {  	s6 =	simm.s32 $0x0;
	s20 =	sshll.u32 s4, $0x1;
	s4 =	sadd.s32 s21, s2  }
0x9d: {  	[timem:s6], [sflag:s22] =	dma.local [hbm:s4], s20  }
0x9e: {  	_ =	swait.ge [sflag:s22], s20  }
0x9f: {  	s3 =	ssub.s32 $0x0, s20;
	[sflag:s22] =	ssyncset.done $0x0  }
0xa0: {  	[sflag:s22] =	ssyncadd.s32 s3;
	_ =	sdelay $0x1  }
0xa1: {  	s23 =	simm.s32 $0x1B8B  }
0xa2: {  	_ =	swait.ge [sflag:s23], $0x1  }
0xa3: {  	[sflag:s23] =	ssyncset.done $0x0  }
0xa4: {  	s25 =	simm.s32 $0x1B8E;
	s24 =	sld [smem:$0x3FFE];
	[sflag:s23] =	ssyncadd.s32 $0xFFFFFFFF  }
0xa5: {  	s26 =	simm.s32 $execute0_lowered;
	[smem:$0x3FD2] =	sst s25  }
0xa6: {  	s4 =	sshll.u32 s26, $0x1;
	_ =	strace $0x8000004F;
	[dreg:$0x1] =	wrdreg $0xFFFFFFFF  }
0xa7: {  	s28 =	simm.s32 $_size_execute0_lowered;
	s2 =	sadd.s32 s2, s4;
	[dreg:$0x0] =	wrdreg $0x0  }
0xa8: {  	s4 =	sshll.u32 s28, $0x1;
	[dreg:$0x2] =	wrdreg s2  }
0xa9: {  	[dreg:$0x3] =	wrdreg s4  }
0xaa: {  	[dreg:$0x4] =	wrdreg $0xC0  }
0xab: {  	_ =	task [dreg:s6], $0x5FFFF  }
0xac: {  	[dreg:$0x1] =	wrdreg $0xFFFFFFFF  }
0xad: {  	[dreg:$0x0] =	wrdreg $0x60  }
0xae: {  	[dreg:$0x2] =	wrdreg s24  }
0xaf: {  	[dreg:$0x3] =	wrdreg $0x0  }
0xb0: {  	[dreg:$0x4] =	wrdreg $0x9  }
0xb1: {  	_ =	task.clear_ibuf [dreg:s6], $0x5FFFF;
	_ =	strace $0x9000004F  }
0xb2: {  	s29 =	simm.s32 $0x9;
	_ =	strace $0x80000051  }
0xb3: {  	_ =	swait.ge [sflag:s29], $0x1  }
0xb4: {  	[sflag:s29] =	ssyncadd.s32 $0xFFFFFFFF  }
0xb5: {  	_ =	strace $0x90000051  }
0xb6: {  	_ =	sfence  }
0xb7: {  	s30 =	sld [smem:$0x0];
	_ =	sdelay $0x2  }
0xb8: {  	s31 =	sshll.u32 s1, $0xD;
	s1 =	sshrl.u32 s1, $0x2  }
0xb9: {  	s3 =	sand.u32 $0x4000, s31;
	s1 =	sadd.s32 s1, s30  }
0xba: {  	s0 =	sor.u32 s3, s0;
	s1 =	sshll.u32 s1, $0x11  }
0xbb: {  	s0 =	sor.u32 s1, s0  }
0xbc: {  	s0 =	sadd.s32 $0x8F2B, s0  }
0xbd: {  	[sflag:s0] =	ssyncadd.remote.s32 $0x1  }
0xbe: {  	_ =	sfence.sel $0xFFFF  }
0xbf: {  	[dreg:$0x0] =	wrdreg $0xFFFFFFFF;
	(pc) =	sbr.abs _section_cstart, $3  }
0xc0: {  	[dreg:$0x1] =	wrdreg $0xFFFFFFFF  }
0xc1: {  	_ =	task.clear_ibuf [dreg:s6], $0x2FFFF;
	_ =	strace $0x9FFFFFFF  }
0xc2: {  	(tm) =	ssettm $0x7FFFFFFF  }
0xc3: {  	_ =	shalt  }
tec
execute0_lowered:
.L_overlay_start_1:
0x0: {  	(tag) =	ssettag $0x1  }
0x1: {  	s0 =	stileid.u32  }
0x2: {  	s1 =	srdreg.scid;
	s8 =	smul.u32 $0x1400, s0  }
0x3: {  	s6 =	rddreg [dreg:$0x0];
	s1 =	sand.u32 $0x1, s1;
	s12 =	smul.u32 $0x5000, s0  }
0x4: {  	s2 =	sshll.u32 s0, $0x1;
	s4 =	sadd.s32 $0x17200, s6;
	s24 =	smul.u32 $0x4E20, s0  }
0x5: {  	s30 =	sor.u32 $0xF0, s0;
	p1 =	sgt.u32 s0, $0x9;
	s5 =	smul.u32 $0x138800, s1  }
0x6: {  	s3 =	sor.u32 s1, s2;
	s11 =	ssub.s32 $0x2, s1;
	s1 =	smul.u32 $0x2710, s1  }
0x7: {  	s2 =	rddreg [dreg:$0x1];
	p0 =	sgt.u32 s30, $0xF9;
	s7 =	smul.u32 $0x2710, s3  }
0x8: {  	s3 =	simm.s32 $0x0;
	s19 =	sshrl.u32 s11, $0x1;
	s21 =	sshrl.u32 s12, $0x2  }
0x9: {  	s12 =	smul.u32 $0x5000, s30;
	[smem:$0x7FF] =	sst s3;
	s8 =	sadd.s32 s8, s5  }
0xa: {  	s5 =	sadd.s32 $0x3600, s6;
	s1 =	sadd.s32 s1, s24;
	_ =	strace $0x80000050  }
0xb: {  	s9 =	sshrl.u32 s7, $0x3;
	s8 =	sshrl.u32 s8, $0x3;
	s7 =	sadd.s32 $0x28, s7  }
0xc: {  	s14 =	sadd.s32 $0x118, s1;
	s15 =	sadd.s32 $0xF0, s1;
	s17 =	sadd.s32 $0xA0, s1  }
0xd: {  	s18 =	sadd.s32 $0x78, s1;
	s1 =	sadd.s32 $0xC8, s1;
	s10 =	sadd.s32 s9, s6  }
0xe: {  	s6 =	sadd.s32 s8, s6;
	s20 =	sadd.s32 s5, s9;
	[dreg:$0x11] =	wrdreg s1  }
0xf: {  	s7 =	sshrl.u32 s7, $0x3;
	s10 =	sadd.s32 $0xD400, s10;
	[dreg:$0x4] =	wrdreg s20  }
0x10: {  	s8 =	ssub.s32 s11, s19;
	s7 =	sadd.s32 s5, s7;
	[dreg:$0x3] =	wrdreg s10  }
0x11: {  	s11 =	sshrl.u32 s15, $0x3;
	s22 =	sadd.s32 $0xA, s20;
	[dreg:$0x5] =	wrdreg s7  }
0x12: {  	s19 =	sshrl.u32 s17, $0x3;
	s23 =	smax.u32 s8, $0x1;
	[dreg:$0x6] =	wrdreg s22  }
0x13: {  	s15 =	simm.s32 $0x16100;
	s16 =	sadd.s32 s11, s5;
	[dreg:$0x7] =	wrdreg s23  }
0x14: {  	s20 =	sshrl.u32 s18, $0x3;
	s1 =	sadd.s32 s19, s5;
	[dreg:$0x10] =	wrdreg s16  }
0x15: {  	s10 =	sadd.s32 s21, s2;
	[dreg:$0x12] =	wrdreg s1;
	s21 =	sadd.s32 s20, s5  }
0x16: {  	s17 =	simm.s32 $0x17680;
	s22 =	sadd.s32 $0x3E400, s6;
	[dreg:$0x13] =	wrdreg s21  }
0x17: {  	s11 =	simm.s32 $0x2;
	s25 =	sadd.s32 $0x28000, s10;
	[dreg:$0x14] =	wrdreg s22  }
0x18: {  	s18 =	simm.s32 $0x18A80;
	s26 =	sadd.s32 $0x3C000, s10;
	[dreg:$0x8] =	wrdreg s25  }
0x19: {  	s19 =	simm.s32 $0x19E80;
	s28 =	sadd.s32 $0x50000, s10;
	[dreg:$0x9] =	wrdreg s26  }
0x1a: {  	s7 =	sshrl.u32 s14, $0x3;
	s29 =	sadd.s32 $0x64000, s10;
	[dreg:$0xa] =	wrdreg s28  }
0x1b: {  	s14 =	simm.s32 $0x16080;
	s9 =	sadd.s32 $0x78000, s10;
	[dreg:$0xb] =	wrdreg s29  }
0x1c: {  	s16 =	simm.s32 $0x28;
	s13 =	sadd.s32 $0x8C000, s10;
	[dreg:$0xc] =	wrdreg s9  }
0x1d: {  	s20 =	simm.s32 $0x1;
	s7 =	sadd.s32 s7, s5;
	[dreg:$0xd] =	wrdreg s13  }
0x1e: {  	s31 =	sadd.s32 $0x14000, s10;
	s23 =	sadd.s32 $0xA0000, s10;
	[dreg:$0xf] =	wrdreg s7  }
0x1f: {  	s24 =	sadd.s32 $0xB4000, s10;
	s30 =	sadd.s32 $0x118000, s10;
	[dreg:$0x15] =	wrdreg s23  }
0x20: {  	s21 =	simm.s32 $0x4;
	s22 =	simm.s32 $0x16180;
	[dreg:$0x16] =	wrdreg s24  }
0x21: {  	s9 =	sshrl.u32 s12, $0x2;
	s25 =	sadd.s32 $0xC8000, s10;
	[dreg:$0x1b] =	wrdreg s30  }
0x22: {  	s26 =	sadd.s32 $0xDC000, s10;
	s28 =	sadd.s32 $0xF0000, s10;
	[dreg:$0x17] =	wrdreg s25  }
0x23: {  	s29 =	sadd.s32 $0x104000, s10;
	s7 =	simm.s32 $0x13880;
	[dreg:$0x18] =	wrdreg s26  }
0x24: {  	s13 =	simm.s32 $0x16000;
	s23 =	simm.s32 $0x1B280;
	[dreg:$0x19] =	wrdreg s28  }
0x25: {  	s24 =	simm.s32 $0x0;
	s9 =	sadd.s32 s9, s2;
	[dreg:$0x1a] =	wrdreg s29  }
0x26: {  	v0 =	vimm.f32 $0.0e+00;
	s26 =	simm.s32 $0x16200;
	[dreg:$0xe] =	wrdreg s9;
	s9 =	simm.s32 $0x16280  }
.LBB2_1:
0x27: {  	s1 =	rddreg [dreg:$0x3]  }
0x28: {  	[tilespmem:s7], [sflag:$0x3] =	stream.linear.gather [hbm4b:s1+s3], $0x2710, $0x38;
	[tilespmem:$0x1C680] =	vst v63  }
0x29: {  	s6 =	simm.s32 $0x200;
	s1 =	simm.s32 $0x0  }
.LBB2_2:
0x2a: {  	p2 =	sne.s32 s6, $0x4E00;
	[tilespmem:s1+$0x162F0] =	vst v0  }
0x2b: {  	[tilespmem:s1+$0x16280] =	vst v0  }
0x2c: {  	[tilespmem:s1+$0x16290] =	vst v0  }
.Ltmp0:
0x2d: {  	[tilespmem:s1+$0x162A0] =	vst v0;
	(pc) =	sbr.rel @p2 .LBB2_2-.Ltmp0, $4  }
0x2e: {  	[tilespmem:s1+$0x162B0] =	vst v0  }
0x2f: {  	[tilespmem:s1+$0x162C0] =	vst v0  }
0x30: {  	[tilespmem:s1+$0x162D0] =	vst v0  }
0x31: {  	[tilespmem:s1+$0x162E0] =	vst v0;
	s1 =	sshra.s32 s6, $0x2;
	s6 =	sadd.s32 $0x200, s6  }
0x32: {  	[tilespmem:s1+$0x162F0] =	vst v0  }
0x33: {  	[tilespmem:s1+$0x16280] =	vst v0  }
0x34: {  	[tilespmem:s1+$0x16290] =	vst v0  }
0x35: {  	[tilespmem:s1+$0x162A0] =	vst v0  }
0x36: {  	[tilespmem:s1+$0x162B0] =	vst v0  }
0x37: {  	[tilespmem:s1+$0x162C0] =	vst v0  }
0x38: {  	[tilespmem:s1+$0x162D0] =	vst v0  }
0x39: {  	[tilespmem:s1+$0x162E0] =	vst v0  }
0x3a: {  	[spmem:s10] =	stream.linear.scatter [tilespmem:s9], [sflag:$0x2], $0x1400, $0x38;
	[tilespmem:$0x1C680] =	vst v63  }
0x3b: {  	_ = 	snop  }
0x3c: {  	[spmem:s31] =	stream.linear.scatter [tilespmem:s9], [sflag:$0x2], $0x1400, $0x38;
	[tilespmem:$0x1C680] =	vst v63  }
0x3d: {  	s12 =	rddreg [dreg:$0x8]  }
0x3e: {  	[spmem:s12] =	stream.linear.scatter [tilespmem:s9], [sflag:$0x2], $0x1400, $0x38;
	[tilespmem:$0x1C680] =	vst v63  }
0x3f: {  	s6 =	rddreg [dreg:$0x9]  }
0x40: {  	[spmem:s6] =	stream.linear.scatter [tilespmem:s9], [sflag:$0x2], $0x1400, $0x38;
	[tilespmem:$0x1C680] =	vst v63  }
0x41: {  	s8 =	rddreg [dreg:$0xa]  }
0x42: {  	[spmem:s8] =	stream.linear.scatter [tilespmem:s9], [sflag:$0x2], $0x1400, $0x38;
	[tilespmem:$0x1C680] =	vst v63  }
0x43: {  	s12 =	rddreg [dreg:$0xb]  }
0x44: {  	[spmem:s12] =	stream.linear.scatter [tilespmem:s9], [sflag:$0x2], $0x1400, $0x38;
	[tilespmem:$0x1C680] =	vst v63  }
0x45: {  	s6 =	rddreg [dreg:$0xc]  }
0x46: {  	[spmem:s6] =	stream.linear.scatter [tilespmem:s9], [sflag:$0x2], $0x1400, $0x38;
	[tilespmem:$0x1C680] =	vst v63  }
0x47: {  	s8 =	rddreg [dreg:$0xd]  }
0x48: {  	[spmem:s8] =	stream.linear.scatter [tilespmem:s9], [sflag:$0x2], $0x1400, $0x38;
	[tilespmem:$0x1C680] =	vst v63  }
0x49: {  	s12 =	rddreg [dreg:$0x15]  }
0x4a: {  	[spmem:s12] =	stream.linear.scatter [tilespmem:s9], [sflag:$0x2], $0x1400, $0x38;
	[tilespmem:$0x1C680] =	vst v63  }
0x4b: {  	s6 =	rddreg [dreg:$0x16]  }
0x4c: {  	[spmem:s6] =	stream.linear.scatter [tilespmem:s9], [sflag:$0x2], $0x1400, $0x38;
	[tilespmem:$0x1C680] =	vst v63  }
0x4d: {  	s8 =	rddreg [dreg:$0x17]  }
0x4e: {  	[spmem:s8] =	stream.linear.scatter [tilespmem:s9], [sflag:$0x2], $0x1400, $0x38;
	[tilespmem:$0x1C680] =	vst v63  }
0x4f: {  	s12 =	rddreg [dreg:$0x18]  }
0x50: {  	[spmem:s12] =	stream.linear.scatter [tilespmem:s9], [sflag:$0x2], $0x1400, $0x38;
	[tilespmem:$0x1C680] =	vst v63  }
0x51: {  	s6 =	rddreg [dreg:$0x19]  }
0x52: {  	[spmem:s6] =	stream.linear.scatter [tilespmem:s9], [sflag:$0x2], $0x1400, $0x38;
	[tilespmem:$0x1C680] =	vst v63  }
0x53: {  	s8 =	rddreg [dreg:$0x1a]  }
0x54: {  	[spmem:s8] =	stream.linear.scatter [tilespmem:s9], [sflag:$0x2], $0x1400, $0x38;
	[tilespmem:$0x1C680] =	vst v63  }
0x55: {  	s12 =	rddreg [dreg:$0x1b]  }
0x56: {  	[spmem:s12] =	stream.linear.scatter [tilespmem:s9], [sflag:$0x2], $0x1400, $0x38;
	[tilespmem:$0x1C680] =	vst v63  }
0x57: {  	s1 =	simm.s32 @!p0 $0x16280;
	s6 =	rddreg [dreg:$0xe]  }
0x58: {  	[spmem:s6] =	stream.linear.scatter @!p0 [tilespmem:s1], [sflag:$0x2], $0x1400, $0x38;
	[tilespmem:$0x1C680] =	vst v63  }
0x59: {  	_ =	swait.ge [sflag:s11], $0x1400  }
0x5a: {  	[sflag:s11] =	ssyncset.done $0x0  }
0x5b: {  	[sflag:s11] =	ssyncadd.s32 $0xFFFFEC00  }
0x5c: {  	_ =	swait.ge [sflag:s11], $0x1400  }
0x5d: {  	[sflag:s11] =	ssyncset.done $0x0  }
0x5e: {  	[sflag:s11] =	ssyncadd.s32 $0xFFFFEC00  }
0x5f: {  	_ =	swait.ge [sflag:s11], $0x1400  }
0x60: {  	[sflag:s11] =	ssyncset.done $0x0  }
0x61: {  	[sflag:s11] =	ssyncadd.s32 $0xFFFFEC00  }
0x62: {  	_ =	swait.ge [sflag:s11], $0x1400  }
0x63: {  	[sflag:s11] =	ssyncset.done $0x0  }
0x64: {  	[sflag:s11] =	ssyncadd.s32 $0xFFFFEC00  }
0x65: {  	_ =	swait.ge [sflag:s11], $0x1400  }
0x66: {  	[sflag:s11] =	ssyncset.done $0x0  }
0x67: {  	[sflag:s11] =	ssyncadd.s32 $0xFFFFEC00  }
0x68: {  	_ =	swait.ge [sflag:s11], $0x1400  }
0x69: {  	[sflag:s11] =	ssyncset.done $0x0  }
0x6a: {  	[sflag:s11] =	ssyncadd.s32 $0xFFFFEC00  }
0x6b: {  	_ =	swait.ge [sflag:s11], $0x1400  }
0x6c: {  	[sflag:s11] =	ssyncset.done $0x0  }
0x6d: {  	[sflag:s11] =	ssyncadd.s32 $0xFFFFEC00  }
0x6e: {  	_ =	swait.ge [sflag:s11], $0x1400  }
0x6f: {  	[sflag:s11] =	ssyncset.done $0x0  }
0x70: {  	[sflag:s11] =	ssyncadd.s32 $0xFFFFEC00  }
0x71: {  	_ =	swait.ge [sflag:s11], $0x1400  }
0x72: {  	[sflag:s11] =	ssyncset.done $0x0  }
0x73: {  	[sflag:s11] =	ssyncadd.s32 $0xFFFFEC00  }
0x74: {  	_ =	swait.ge [sflag:s11], $0x1400  }
0x75: {  	[sflag:s11] =	ssyncset.done $0x0  }
0x76: {  	[sflag:s11] =	ssyncadd.s32 $0xFFFFEC00  }
0x77: {  	_ =	swait.ge [sflag:s11], $0x1400  }
0x78: {  	[sflag:s11] =	ssyncset.done $0x0  }
0x79: {  	[sflag:s11] =	ssyncadd.s32 $0xFFFFEC00  }
0x7a: {  	_ =	swait.ge [sflag:s11], $0x1400  }
0x7b: {  	[sflag:s11] =	ssyncset.done $0x0  }
0x7c: {  	[sflag:s11] =	ssyncadd.s32 $0xFFFFEC00  }
0x7d: {  	_ =	swait.ge [sflag:s11], $0x1400  }
0x7e: {  	[sflag:s11] =	ssyncset.done $0x0  }
0x7f: {  	[sflag:s11] =	ssyncadd.s32 $0xFFFFEC00  }
0x80: {  	_ =	swait.ge [sflag:s11], $0x1400  }
0x81: {  	[sflag:s11] =	ssyncset.done $0x0  }
0x82: {  	[sflag:s11] =	ssyncadd.s32 $0xFFFFEC00  }
0x83: {  	_ =	swait.ge [sflag:s11], $0x1400  }
0x84: {  	[sflag:s11] =	ssyncset.done $0x0  }
0x85: {  	s1 =	simm.s32 @!p1 $0x2;
	[sflag:s11] =	ssyncadd.s32 $0xFFFFEC00  }
0x86: {  	_ =	swait.ge @!p1 [sflag:s1], $0x1400  }
0x87: {  	[sflag:s1] =	ssyncset.done @!p1 $0x0  }
0x88: {  	[sflag:s1] =	ssyncadd.s32 @!p1 $0xFFFFEC00  }
0x89: {  	[bflag:$0x0] =	sbarrier.arrive $0xFFFF  }
0x8a: {  	s28 =	simm.s32 $0x0;
	s6 =	rddreg [dreg:$0x4]  }
0x8b: {  	[tilespmem:s13], [sflag:$0x4] =	stream.linear.gather [hbm4b:s6+s28], $0x28, $0x38;
	[tilespmem:$0x1C680] =	vst v63  }
0x8c: {  	s8 =	rddreg [dreg:$0x5]  }
0x8d: {  	[tilespmem:s14], [sflag:$0x4] =	stream.linear.gather [hbm4b:s8+s28], $0x28, $0x38;
	[tilespmem:$0x1C680] =	vst v63  }
0x8e: {  	s12 =	rddreg [dreg:$0x6];
	s6 =	simm.s32 $0x3  }
0x8f: {  	[tilespmem:s15], [sflag:$0x4] =	stream.linear.gather [hbm4b:s12+s28], $0x28, $0x38;
	[tilespmem:$0x1C680] =	vst v63  }
0x90: {  	_ =	swait.ge [sflag:s6], $0x2710  }
0x91: {  	s29 =	rddreg [dreg:$0x12]  }
0x92: {  	[sflag:s6] =	ssyncset.done $0x0;
	s30 =	rddreg [dreg:$0x11]  }
0x93: {  	s25 =	smov.u32 s31;
	s31 =	rddreg [dreg:$0x10];
	[sflag:s6] =	ssyncadd.s32 $0xFFFFD8F0  }
0x94: {  	[tilespmem:s9], [sflag:$0x1] =	stream.indirect.gather [hbm4b:s4+s16], $0x80, s7, s16, $0xb8;
	[tilespmem:$0x1C680] =	vst v63  }
0x95: {  	s8 =	simm.s32 $0x138A8;
	s1 =	rddreg [dreg:$0xf]  }
0x96: {  	[tilespmem:s17], [sflag:$0x1] =	stream.indirect.gather [hbm4b:s4+s16], $0x80, s8, s16, $0xb8;
	[tilespmem:$0x1C680] =	vst v63  }
0x97: {  	s12 =	simm.s32 $0x138D0;
	s8 =	rddreg [dreg:$0x13]  }
0x98: {  	[tilespmem:s18], [sflag:$0x1] =	stream.indirect.gather [hbm4b:s4+s16], $0x80, s12, s16, $0xb8;
	[tilespmem:$0x1C680] =	vst v63  }
.LBB2_4:
0x99: {  	p2 =	seq.s32 s28, $0x0  }
0x9a: {  	s7 =	simm.s32 @!p2 $0x2  }
0x9b: {  	_ =	swait.ge @!p2 [sflag:s7], $0x1400  }
0x9c: {  	s6 =	sshra.s32 s28, $0x2;
	[sflag:s7] =	ssyncset.done @!p2 $0x0  }
0x9d: {  	s12 =	sadd.s32 $0x138F8, s6;
	[sflag:s7] =	ssyncadd.s32 @!p2 $0xFFFFEC00  }
0x9e: {  	[tilespmem:s19], [sflag:$0x1] =	stream.indirect.gather [hbm4b:s4+s16], $0x80, s12, s16, $0xb8;
	[tilespmem:$0x1C680] =	vst v63  }
0x9f: {  	_ =	swait.ge [sflag:s20], $0x1400  }
0xa0: {  	[sflag:s20] =	ssyncset.done $0x0  }
0xa1: {  	[sflag:s20] =	ssyncadd.s32 $0xFFFFEC00  }
0xa2: {  	_ =	swait.ge [sflag:s21], $0x28  }
0xa3: {  	[sflag:s21] =	ssyncset.done $0x0  }
0xa4: {  	[sflag:s21] =	ssyncadd.s32 $0xFFFFFFD8  }
0xa5: {  	[spmem:s2] =	stream.indirect.scatter.add.f32 [tilespmem:s9], [sflag:$0x2], $0x80, s13, s16, $0xb8;
	[tilespmem:$0x1C680] =	vst v63  }
0xa6: {  	_ = 	snop  }
0xa7: {  	[tilespmem:s22], [sflag:$0x4] =	stream.linear.gather [hbm4b:s8+s3], $0x28, $0x38;
	[tilespmem:$0x1C680] =	vst v63  }
0xa8: {  	_ =	swait.ge @!p2 [sflag:s7], $0x1400  }
0xa9: {  	[sflag:s7] =	ssyncset.done @!p2 $0x0  }
0xaa: {  	s12 =	sadd.s32 $0x13920, s6;
	[sflag:s7] =	ssyncadd.s32 @!p2 $0xFFFFEC00  }
0xab: {  	[tilespmem:s23], [sflag:$0x1] =	stream.indirect.gather [hbm4b:s4+s16], $0x80, s12, s16, $0xb8;
	[tilespmem:$0x1C680] =	vst v63  }
0xac: {  	_ =	swait.ge [sflag:s20], $0x1400  }
0xad: {  	[sflag:s20] =	ssyncset.done $0x0  }
0xae: {  	[sflag:s20] =	ssyncadd.s32 $0xFFFFEC00  }
0xaf: {  	_ =	swait.ge [sflag:s21], $0x28  }
0xb0: {  	[sflag:s21] =	ssyncset.done $0x0  }
0xb1: {  	p2 =	seq.s32 s28, $0x9920;
	[sflag:s21] =	ssyncadd.s32 $0xFFFFFFD8  }
0xb2: {  	[spmem:s2] =	stream.indirect.scatter.add.f32 [tilespmem:s17], [sflag:$0x2], $0x80, s14, s16, $0xb8;
	[tilespmem:$0x1C680] =	vst v63  }
.Ltmp1:
0xb3: {  	_ = 	snop;
	(pc) =	sbr.rel @p2 .LBB2_6-.Ltmp1, $4  }
0xb4: {  	[tilespmem:s26], [sflag:$0x4] =	stream.linear.gather [hbm4b:s29+s3], $0x28, $0x38;
	[tilespmem:$0x1C680] =	vst v63  }
0xb5: {  	_ =	swait.ge [sflag:s11], $0x1400  }
0xb6: {  	[sflag:s11] =	ssyncset.done $0x0  }
0xb7: {  	[sflag:s11] =	ssyncadd.s32 $0xFFFFEC00  }
0xb8: {  	s7 =	sadd.s32 $0x13948, s6  }
0xb9: {  	[tilespmem:s9], [sflag:$0x1] =	stream.indirect.gather [hbm4b:s4+s16], $0x80, s7, s16, $0xb8;
	[tilespmem:$0x1C680] =	vst v63  }
0xba: {  	_ =	swait.ge [sflag:s20], $0x1400  }
0xbb: {  	[sflag:s20] =	ssyncset.done $0x0  }
0xbc: {  	[sflag:s20] =	ssyncadd.s32 $0xFFFFEC00  }
0xbd: {  	_ =	swait.ge [sflag:s21], $0x28  }
0xbe: {  	[sflag:s21] =	ssyncset.done $0x0  }
0xbf: {  	s12 =	sshrl.u32 s30, $0x3;
	[sflag:s21] =	ssyncadd.s32 $0xFFFFFFD8  }
0xc0: {  	[spmem:s2] =	stream.indirect.scatter.add.f32 [tilespmem:s18], [sflag:$0x2], $0x80, s15, s16, $0xb8;
	[tilespmem:$0x1C680] =	vst v63  }
0xc1: {  	s7 =	sadd.s32 s5, s12  }
0xc2: {  	[tilespmem:s13], [sflag:$0x4] =	stream.linear.gather [hbm4b:s7+s3], $0x28, $0x38;
	[tilespmem:$0x1C680] =	vst v63  }
0xc3: {  	_ =	swait.ge [sflag:s11], $0x1400  }
0xc4: {  	[sflag:s11] =	ssyncset.done $0x0  }
0xc5: {  	s12 =	sadd.s32 $0x13970, s6;
	[sflag:s11] =	ssyncadd.s32 $0xFFFFEC00  }
0xc6: {  	[tilespmem:s17], [sflag:$0x1] =	stream.indirect.gather [hbm4b:s4+s16], $0x80, s12, s16, $0xb8;
	[tilespmem:$0x1C680] =	vst v63  }
0xc7: {  	_ =	swait.ge [sflag:s20], $0x1400  }
0xc8: {  	[sflag:s20] =	ssyncset.done $0x0  }
0xc9: {  	[sflag:s20] =	ssyncadd.s32 $0xFFFFEC00  }
0xca: {  	_ =	swait.ge [sflag:s21], $0x28  }
0xcb: {  	[sflag:s21] =	ssyncset.done $0x0  }
0xcc: {  	[sflag:s21] =	ssyncadd.s32 $0xFFFFFFD8  }
0xcd: {  	[spmem:s2] =	stream.indirect.scatter.add.f32 [tilespmem:s19], [sflag:$0x2], $0x80, s22, s16, $0xb8;
	[tilespmem:$0x1C680] =	vst v63  }
0xce: {  	_ = 	snop  }
0xcf: {  	[tilespmem:s14], [sflag:$0x4] =	stream.linear.gather [hbm4b:s31+s3], $0x28, $0x38;
	[tilespmem:$0x1C680] =	vst v63  }
0xd0: {  	_ =	swait.ge [sflag:s11], $0x1400  }
0xd1: {  	[sflag:s11] =	ssyncset.done $0x0  }
0xd2: {  	s12 =	sadd.s32 $0x13998, s6;
	[sflag:s11] =	ssyncadd.s32 $0xFFFFEC00  }
0xd3: {  	[tilespmem:s18], [sflag:$0x1] =	stream.indirect.gather [hbm4b:s4+s16], $0x80, s12, s16, $0xb8;
	[tilespmem:$0x1C680] =	vst v63  }
0xd4: {  	_ =	swait.ge [sflag:s20], $0x1400  }
0xd5: {  	[sflag:s20] =	ssyncset.done $0x0  }
0xd6: {  	[sflag:s20] =	ssyncadd.s32 $0xFFFFEC00  }
0xd7: {  	_ =	swait.ge [sflag:s21], $0x28  }
0xd8: {  	[sflag:s21] =	ssyncset.done $0x0  }
.Ltmp2:
0xd9: {  	[sflag:s21] =	ssyncadd.s32 $0xFFFFFFD8;
	(pc) =	sbr.rel .LBB2_4-.Ltmp2, $4  }
0xda: {  	[spmem:s2] =	stream.indirect.scatter.add.f32 [tilespmem:s23], [sflag:$0x2], $0x80, s26, s16, $0xb8;
	[tilespmem:$0x1C680] =	vst v63  }
0xdb: {  	s28 =	sadd.s32 $0x320, s28;
	s30 =	sadd.s32 $0xC8, s30;
	s29 =	sadd.s32 $0x19, s29  }
0xdc: {  	[tilespmem:s15], [sflag:$0x4] =	stream.linear.gather [hbm4b:s1+s3], $0x28, $0x38;
	[tilespmem:$0x1C680] =	vst v63  }
0xdd: {  	s8 =	sadd.s32 $0x19, s8;
	s31 =	sadd.s32 $0x19, s31;
	s1 =	sadd.s32 $0x19, s1  }
.LBB2_6:
0xde: {  	_ =	swait.ge [sflag:s20], $0x1400  }
0xdf: {  	[sflag:s20] =	ssyncset.done $0x0  }
0xe0: {  	[sflag:s20] =	ssyncadd.s32 $0xFFFFEC00  }
0xe1: {  	_ =	swait.ge [sflag:s21], $0x28  }
0xe2: {  	[sflag:s21] =	ssyncset.done $0x0  }
0xe3: {  	[sflag:s21] =	ssyncadd.s32 $0xFFFFFFD8  }
0xe4: {  	[spmem:s2] =	stream.indirect.scatter.add.f32 [tilespmem:s18], [sflag:$0x2], $0x80, s15, s16, $0xb8;
	[tilespmem:$0x1C680] =	vst v63  }
0xe5: {  	_ =	swait.ge [sflag:s11], $0x1400  }
0xe6: {  	[sflag:s11] =	ssyncset.done $0x0  }
0xe7: {  	[sflag:s11] =	ssyncadd.s32 $0xFFFFEC00  }
0xe8: {  	_ =	swait.ge [sflag:s20], $0x1400  }
0xe9: {  	[sflag:s20] =	ssyncset.done $0x0  }
0xea: {  	[sflag:s20] =	ssyncadd.s32 $0xFFFFEC00  }
0xeb: {  	_ =	swait.ge [sflag:s21], $0x28  }
0xec: {  	[sflag:s21] =	ssyncset.done $0x0  }
0xed: {  	[sflag:s21] =	ssyncadd.s32 $0xFFFFFFD8  }
0xee: {  	[spmem:s2] =	stream.indirect.scatter.add.f32 [tilespmem:s19], [sflag:$0x2], $0x80, s22, s16, $0xb8;
	[tilespmem:$0x1C680] =	vst v63  }
0xef: {  	_ =	swait.ge [sflag:s11], $0x1400  }
0xf0: {  	[sflag:s11] =	ssyncset.done $0x0  }
0xf1: {  	[sflag:s11] =	ssyncadd.s32 $0xFFFFEC00  }
0xf2: {  	_ =	swait.ge [sflag:s20], $0x1400  }
0xf3: {  	[sflag:s20] =	ssyncset.done $0x0  }
0xf4: {  	[sflag:s20] =	ssyncadd.s32 $0xFFFFEC00  }
0xf5: {  	_ =	swait.ge [sflag:s21], $0x28  }
0xf6: {  	[sflag:s21] =	ssyncset.done $0x0  }
0xf7: {  	[sflag:s21] =	ssyncadd.s32 $0xFFFFFFD8  }
0xf8: {  	[spmem:s2] =	stream.indirect.scatter.add.f32 [tilespmem:s23], [sflag:$0x2], $0x80, s26, s16, $0xb8;
	[tilespmem:$0x1C680] =	vst v63  }
0xf9: {  	_ =	swait.ge [sflag:s11], $0x1400  }
0xfa: {  	[sflag:s11] =	ssyncset.done $0x0  }
0xfb: {  	[sflag:s11] =	ssyncadd.s32 $0xFFFFEC00  }
0xfc: {  	_ =	swait.ge [sflag:s11], $0x1400  }
0xfd: {  	[sflag:s11] =	ssyncset.done $0x0  }
0xfe: {  	s1 =	sadd.s32 $0x0, s0;
	s31 =	smov.u32 s25;
	[sflag:s11] =	ssyncadd.s32 $0xFFFFEC00  }
0xff: {  	s8 =	smov.u32 s25;
	p2 =	sgt.u32 s1, $0xF9;
	[bflag:$0x0] =	sbarrier.arrive $0xFFFF  }
0x100: {  	s1 =	simm.s32 $0x10;
	s6 =	sshll.u32 @!p2 s0, $0x6;
	s28 =	rddreg [dreg:$0x14]  }
0x101: {  	s30 =	sshrl.u32 @!p2 s10, $0x3;
	s29 =	sor.u32 @!p2 $0x1C04, s6;
	s6 =	sadd.s32 $0x2800, s28  }
.LBB2_7:
0x102: {  	[hbm:s28], [sflag:s29] =	dma.local @!p2 [spmem:s30], $0x280  }
0x103: {  	s7 =	smov.u32 s1;
	s1 =	sadd.s32 $0x10, s1  }
0x104: {  	p3 =	sne.s32 s1, $0x100  }
.Ltmp3:
0x105: {  	(pc) =	sbr.rel @p3 .LBB2_7-.Ltmp3, $4  }
0x106: {  	s12 =	smov.u32 s8;
	s7 =	sadd.s32 s7, s0  }
0x107: {  	s28 =	smov.u32 s6;
	p2 =	sgt.u32 s7, $0xF9  }
0x108: {  	s8 =	sadd.s32 $0x14000, s8;
	s7 =	sshll.u32 @!p2 s0, $0x6  }
0x109: {  	s6 =	sadd.s32 $0x2800, s6;
	s30 =	sshrl.u32 @!p2 s12, $0x3;
	s29 =	sor.u32 @!p2 $0x1C04, s7  }
0x10a: {  	[hbm:s28], [sflag:s29] =	dma.local @!p2 [spmem:s30], $0x280  }
0x10b: {  	_ =	swait.ge [sflag:s21], $0x280  }
0x10c: {  	[sflag:s21] =	ssyncset.done $0x0  }
0x10d: {  	[sflag:s21] =	ssyncadd.s32 $0xFFFFFD80  }
0x10e: {  	_ =	swait.ge [sflag:s21], $0x280  }
0x10f: {  	[sflag:s21] =	ssyncset.done $0x0  }
0x110: {  	[sflag:s21] =	ssyncadd.s32 $0xFFFFFD80  }
0x111: {  	_ =	swait.ge [sflag:s21], $0x280  }
0x112: {  	[sflag:s21] =	ssyncset.done $0x0  }
0x113: {  	[sflag:s21] =	ssyncadd.s32 $0xFFFFFD80  }
0x114: {  	_ =	swait.ge [sflag:s21], $0x280  }
0x115: {  	[sflag:s21] =	ssyncset.done $0x0  }
0x116: {  	[sflag:s21] =	ssyncadd.s32 $0xFFFFFD80  }
0x117: {  	_ =	swait.ge [sflag:s21], $0x280  }
0x118: {  	[sflag:s21] =	ssyncset.done $0x0  }
0x119: {  	[sflag:s21] =	ssyncadd.s32 $0xFFFFFD80  }
0x11a: {  	_ =	swait.ge [sflag:s21], $0x280  }
0x11b: {  	[sflag:s21] =	ssyncset.done $0x0  }
0x11c: {  	[sflag:s21] =	ssyncadd.s32 $0xFFFFFD80  }
0x11d: {  	_ =	swait.ge [sflag:s21], $0x280  }
0x11e: {  	[sflag:s21] =	ssyncset.done $0x0  }
0x11f: {  	[sflag:s21] =	ssyncadd.s32 $0xFFFFFD80  }
0x120: {  	_ =	swait.ge [sflag:s21], $0x280  }
0x121: {  	[sflag:s21] =	ssyncset.done $0x0  }
0x122: {  	[sflag:s21] =	ssyncadd.s32 $0xFFFFFD80  }
0x123: {  	_ =	swait.ge [sflag:s21], $0x280  }
0x124: {  	[sflag:s21] =	ssyncset.done $0x0  }
0x125: {  	[sflag:s21] =	ssyncadd.s32 $0xFFFFFD80  }
0x126: {  	_ =	swait.ge [sflag:s21], $0x280  }
0x127: {  	[sflag:s21] =	ssyncset.done $0x0  }
0x128: {  	[sflag:s21] =	ssyncadd.s32 $0xFFFFFD80  }
0x129: {  	_ =	swait.ge [sflag:s21], $0x280  }
0x12a: {  	[sflag:s21] =	ssyncset.done $0x0  }
0x12b: {  	[sflag:s21] =	ssyncadd.s32 $0xFFFFFD80  }
0x12c: {  	_ =	swait.ge [sflag:s21], $0x280  }
0x12d: {  	[sflag:s21] =	ssyncset.done $0x0  }
0x12e: {  	[sflag:s21] =	ssyncadd.s32 $0xFFFFFD80  }
0x12f: {  	_ =	swait.ge [sflag:s21], $0x280  }
0x130: {  	[sflag:s21] =	ssyncset.done $0x0  }
0x131: {  	[sflag:s21] =	ssyncadd.s32 $0xFFFFFD80  }
0x132: {  	_ =	swait.ge [sflag:s21], $0x280  }
0x133: {  	[sflag:s21] =	ssyncset.done $0x0  }
0x134: {  	[sflag:s21] =	ssyncadd.s32 $0xFFFFFD80  }
0x135: {  	_ =	swait.ge [sflag:s21], $0x280  }
0x136: {  	[sflag:s21] =	ssyncset.done $0x0  }
0x137: {  	s1 =	simm.s32 @!p1 $0x4;
	[sflag:s21] =	ssyncadd.s32 $0xFFFFFD80  }
0x138: {  	_ =	swait.ge @!p1 [sflag:s1], $0x280  }
0x139: {  	s24 =	sadd.s32 $0x1, s24;
	s6 =	rddreg [dreg:$0x7]  }
0x13a: {  	p2 =	sne.s32 s24, s6  }
.Ltmp4:
0x13b: {  	_ = 	snop;
	(pc) =	sbr.rel @p2 .LBB2_1-.Ltmp4, $3  }
0x13c: {  	_ =	sdelay $0x1  }
0x13d: {  	[sflag:s1] =	ssyncset.done @!p1 $0x0  }
0x13e: {  	s7 =	simm.s32 $0x13880;
	[sflag:s1] =	ssyncadd.s32 @!p1 $0xFFFFFD80  }
0x13f: {  	_ =	sfence.sel $0x180000  }
0x140: {  	[bflag:$0x0] =	sbarrier.arrive $0xFFFF  }
0x141: {  	_ =	strace $0x90000050  }
0x142: {  	[bflag:$0x2] =	sbarrier.arrive $0xFFFF  }
0x143: {  	p0 =	sne.s32 s0, $0x0;
	s0 =	rddreg [dreg:$0x2]  }
0x144: {  	s0 =	sadd.s32 @!p0 $0x100000, s0  }
0x145: {  	[sflag:s0] =	ssyncadd.tile.s32 @!p0 $0x1;
	_ =	shalt  }
.Lfunc_end2:
_tile_overlayer_lowered:
.L_overlay_start_2:
0x146: {  	(tag) =	ssettag $0x2  }
0x147: {  	s0 =	rddreg [dreg:$0x0];
	s2 =	stileid.u32  }
0x148: {  	s1 =	rddreg [dreg:$0x1];
	p0 =	sne.s32 s2, $0x0  }
0x149: {  	s3 =	rddreg [dreg:$0x2];
	[bflag:$0x3] =	sbarrier.arrive $0xFFFF;
	s2 =	simm.s32 @!p0 $0x1C05  }
0x14a: {  	[timem:s3], [sflag:s2] =	dma.local @!p0 [hbm:s0], s1  }
0x14b: {  	s0 =	simm.s32 @!p0 $0x5  }
0x14c: {  	_ =	swait.ge @!p0 [sflag:s0], s1  }
0x14d: {  	s1 =	ssub.s32 @!p0 $0x0, s1;
	[sflag:s0] =	ssyncset.done @!p0 $0x0  }
0x14e: {  	[sflag:s0] =	ssyncadd.s32 @!p0 s1  }
0x14f: {  	[bflag:$0x3] =	sbarrier.arrive $0xFFFF  }
0x150: {  	_ =	shalt  }

// kernel: kernel.24.cloned.1.call-start
scs
__scs_entry_jumppad:
0x0: {  	(pc) =	sbr.rel $0x88, $3  }
0x1: {  	(tag) =	ssettag $0x0;
	lr =	simm.s32 $0x1  }
0x2: {  	[smem:$0x3F97] =	sst lr;
	_ =	strace $0xD0000000  }
0x3: {  	_ = 	snop  }
0x4: {  	_ = 	snop  }
0x5: {  	_ = 	snop  }
0x6: {  	_ = 	snop  }
0x7: {  	_ = 	snop  }
__scs_overlays_trampoline_lowered:
0x8: {  	[smem:$0x3FA6] =	sst s0  }
0x9: {  	[smem:$0x3FA7] =	sst s1  }
0xa: {  	[smem:$0x3FA8] =	sst s2  }
0xb: {  	[smem:$0x3FA9] =	sst s3  }
0xc: {  	[smem:$0x3FAA] =	sst s4  }
0xd: {  	[smem:$0x3FAB] =	sst s5  }
0xe: {  	[smem:$0x3FAC] =	sst s6  }
0xf: {  	[smem:$0x3FAD] =	sst s7  }
0x10: {  	[smem:$0x3FAE] =	sst s8  }
0x11: {  	[smem:$0x3FAF] =	sst s9;
	s0 =	simm.s32 @!p0 $0x0  }
0x12: {  	s1 =	sld [smem:$0x3F95];
	s0 =	simm.s32 @p0 $0x1  }
0x13: {  	[smem:$0x3FB0] =	sst s0;
	s0 =	simm.s32 @!p1 $0x0  }
0x14: {  	s2 =	sld [smem:$0x3F94];
	s0 =	simm.s32 @p1 $0x1  }
0x15: {  	[smem:$0x3FB1] =	sst s0;
	s0 =	simm.s32 @!p2 $0x0  }
0x16: {  	s3 =	sld [smem:$0x3FDB];
	s0 =	simm.s32 @p2 $0x1  }
0x17: {  	s4 =	simm.s32 $0x1BF5;
	[smem:$0x3FB3] =	sst s0  }
0x18: {  	s0 =	sld [smem:$0x3F96];
	_ =	swait.ge [sflag:s4], $0x0  }
0x19: {  	s7 =	sld [smem:$0x3F97]  }
0x1a: {  	s8 =	sadd.s32 $0xFFFFE003, lr  }
0x1b: {  	s9 =	sadd.s32 $0xFFFFFEF7, lr;
	s5 =	simm.s32 $0xFFFFFFFF;
	p2 =	slt.u32 s8, $0xFFFFF086  }
0x1c: {  	p1 =	slt.u32 s9, $0xF7A;
	s5 =	simm.s32 @!p2 $0x0  }
0x1d: {  	s5 =	simm.s32 @p1 $0x1;
	p0 =	seq.s32 s7, s2  }
0x1e: {  	s7 =	smul.u32 @!p0 $0xF7A, s2;
	p2 =	seq.s32 @!p0 s5, $0x0  }
0x1f: {  	s9 =	smul.u32 $0xF7A, s1;
	s8 =	simm.s32 @!p0 $0x1BF5;
	p2 =	por !p2, p0  }
0x20: {  	[sflag:s8] =	ssyncset.s32 @!p0 $0xFFFFF086;
	s6 =	sadd.s32 @!p0 s3, s7;
	s7 =	simm.s32 @!p0 $0x108  }
0x21: {  	s3 =	sadd.s32 s3, s9;
	s6 =	sadd.s32 @!p0 $0x88, s6;
	s7 =	simm.s32 @p2 $0x1082  }
0x22: {  	[simem:s7], [sflag:s8] =	dma.local @!p0 [hbm:s6], $0xF7A  }
0x23: {  	s9 =	sor.u32 $0xD0000000, s2;
	s6 =	simm.s32 $0x108;
	_ =	swait.ge @!p0 [sflag:s8], $0x0  }
0x24: {  	s3 =	sadd.s32 $0x88, s3;
	s6 =	simm.s32 @!p1 $0x1082;
	[sflag:s4] =	ssyncset.s32 $0xFFFFF086  }
0x25: {  	[simem:s6], [sflag:s4] =	dma.local [hbm:s3], $0xF7A  }
0x26: {  	[smem:$0x3F97] =	sst s1;
	(tag) =	ssettag s2;
	_ =	strace s9  }
0x27: {  	s1 =	sld [smem:$0x3FA7]  }
0x28: {  	s2 =	sld [smem:$0x3FA8]  }
0x29: {  	s4 =	sld [smem:$0x3FAA]  }
0x2a: {  	p0 =	seq.s32 s5, $0x0;
	s5 =	sld [smem:$0x3FAB]  }
0x2b: {  	s6 =	sld [smem:$0x3FAC]  }
0x2c: {  	s7 =	sld [smem:$0x3FAD]  }
0x2d: {  	s3 =	simm.s32 $0x108;
	s8 =	sld [smem:$0x3FAE]  }
0x2e: {  	s3 =	simm.s32 @!p0 $0x1082;
	s9 =	sld [smem:$0x3FAF]  }
0x2f: {  	lr =	sadd.s32 s0, s3;
	s0 =	sld [smem:$0x3FA6]  }
0x30: {  	s3 =	sld [smem:$0x3FA9]  }
0x31: {  	[smem:$0x3FB2] =	sst s10  }
0x32: {  	s10 =	sld [smem:$0x3FB0];
	_ =	sdelay $0x3  }
0x33: {  	p0 =	seq.s32 s10, $0x1;
	s10 =	sld [smem:$0x3FB2];
	_ =	sdelay $0x3  }
0x34: {  	[smem:$0x3FB2] =	sst s10  }
0x35: {  	s10 =	sld [smem:$0x3FB1];
	_ =	sdelay $0x3  }
0x36: {  	p1 =	seq.s32 s10, $0x1;
	s10 =	sld [smem:$0x3FB2];
	_ =	sdelay $0x3  }
0x37: {  	[smem:$0x3FB2] =	sst s10  }
0x38: {  	s10 =	sld [smem:$0x3FB3]  }
0x39: {  	_ = 	snop;
	(pc) =	sbr.ind lr, $3  }
0x3a: {  	_ = 	snop  }
0x3b: {  	_ = 	snop  }
0x3c: {  	p2 =	seq.s32 s10, $0x1;
	s10 =	sld [smem:$0x3FB2]  }
0x3d: {  	_ =	shalt  }
0x3e: {  	_ =	shalt  }
0x3f: {  	_ =	shalt  }
0x40: {  	_ =	shalt  }
0x41: {  	_ =	shalt  }
0x42: {  	_ =	shalt  }
0x43: {  	_ =	shalt  }
0x44: {  	_ =	shalt  }
0x45: {  	_ =	shalt  }
0x46: {  	_ =	shalt  }
0x47: {  	_ =	shalt  }
0x48: {  	_ =	shalt  }
0x49: {  	_ =	shalt  }
0x4a: {  	_ =	shalt  }
0x4b: {  	_ =	shalt  }
0x4c: {  	_ =	shalt  }
0x4d: {  	_ =	shalt  }
0x4e: {  	_ =	shalt  }
0x4f: {  	_ =	shalt  }
0x50: {  	_ =	shalt  }
0x51: {  	_ =	shalt  }
0x52: {  	_ =	shalt  }
0x53: {  	_ =	shalt  }
0x54: {  	_ =	shalt  }
0x55: {  	_ =	shalt  }
0x56: {  	_ =	shalt  }
0x57: {  	_ =	shalt  }
0x58: {  	_ =	shalt  }
0x59: {  	_ =	shalt  }
0x5a: {  	_ =	shalt  }
0x5b: {  	_ =	shalt  }
0x5c: {  	_ =	shalt  }
0x5d: {  	_ =	shalt  }
0x5e: {  	_ =	shalt  }
0x5f: {  	_ =	shalt  }
0x60: {  	_ =	shalt  }
0x61: {  	_ =	shalt  }
0x62: {  	_ =	shalt  }
0x63: {  	_ =	shalt  }
0x64: {  	_ =	shalt  }
0x65: {  	_ =	shalt  }
0x66: {  	_ =	shalt  }
0x67: {  	_ =	shalt  }
0x68: {  	_ =	shalt  }
0x69: {  	_ =	shalt  }
0x6a: {  	_ =	shalt  }
0x6b: {  	_ =	shalt  }
0x6c: {  	_ =	shalt  }
0x6d: {  	_ =	shalt  }
0x6e: {  	_ =	shalt  }
0x6f: {  	_ =	shalt  }
0x70: {  	_ =	shalt  }
0x71: {  	_ =	shalt  }
0x72: {  	_ =	shalt  }
0x73: {  	_ =	shalt  }
0x74: {  	_ =	shalt  }
0x75: {  	_ =	shalt  }
0x76: {  	_ =	shalt  }
0x77: {  	_ =	shalt  }
0x78: {  	_ =	shalt  }
0x79: {  	_ =	shalt  }
0x7a: {  	_ =	shalt  }
0x7b: {  	_ =	shalt  }
0x7c: {  	_ =	shalt  }
0x7d: {  	_ =	shalt  }
0x7e: {  	_ =	shalt  }
0x7f: {  	_ =	shalt  }
0x80: {  	_ =	shalt  }
0x81: {  	_ =	shalt  }
0x82: {  	_ =	shalt  }
0x83: {  	_ =	shalt  }
0x84: {  	_ =	shalt  }
0x85: {  	_ =	shalt  }
0x86: {  	_ =	shalt  }
0x87: {  	_ =	shalt  }
.Lfunc_end0:
.L_simem_size_0:
called_computation.4_lowered:
.L_overlay_start_0:
0x88: {  	s2 =	sld [smem:$0x3FD9]  }
0x89: {  	s3 =	sld [smem:$0x3FFE];
	_ =	sdelay $0x1  }
0x8a: {  	s1 =	srdreg.scid  }
0x8b: {  	s0 =	sand.u32 $0x1, s1  }
0x8c: {  	s16 =	sshll.u32 s0, $0xA;
	s2 =	sadd.s32 s3, s2  }
0x8d: {  	s2 =	sadd.s32 s2, s16  }
0x8e: {  	[smem:$0x3FBE] =	sst s2  }
0x8f: {  	_ = 	snop  }
0x90: {  	(tm) =	ssettm $0x1  }
0x91: {  	s17 =	sld [smem:$0x3FFB];
	_ =	sdelay $0x3  }
0x92: {  	_ =	strace s17  }
0x93: {  	s2 =	sld [smem:$0x3FFC];
	_ =	sdelay $0x3  }
0x94: {  	_ =	strace s2  }
0x95: {  	s2 =	sld [smem:$0x3FFD];
	_ =	sdelay $0x3  }
0x96: {  	_ =	strace s2  }
0x97: {  	_ =	strace $0x8FFFFFFF  }
0x98: {  	s18 =	sld [smem:$0x3FDB];
	_ =	sdelay $0x1  }
0x99: {  	s19 =	simm.s32 $_scs_section_size  }
0x9a: {  	s4 =	simm.s32 $_size__tile_overlayer_lowered;
	s5 =	simm.s32 $_tile_overlayer_lowered  }
0x9b: {  	s22 =	simm.s32 $0x1BFF;
	s21 =	sshll.u32 s5, $0x1;
	s2 =	sadd.s32 s19, s18  }
0x9c: {  	s6 =	simm.s32 $0x0;
	s20 =	sshll.u32 s4, $0x1;
	s4 =	sadd.s32 s21, s2  }
0x9d: {  	[timem:s6], [sflag:s22] =	dma.local [hbm:s4], s20  }
0x9e: {  	_ =	swait.ge [sflag:s22], s20  }
0x9f: {  	s3 =	ssub.s32 $0x0, s20;
	[sflag:s22] =	ssyncset.done $0x0  }
0xa0: {  	[sflag:s22] =	ssyncadd.s32 s3;
	_ =	sdelay $0x1  }
0xa1: {  	s23 =	simm.s32 $0x1B8B  }
0xa2: {  	_ =	swait.ge [sflag:s23], $0x1  }
0xa3: {  	[sflag:s23] =	ssyncset.done $0x0  }
0xa4: {  	s25 =	simm.s32 $0x1B8E;
	s24 =	sld [smem:$0x3FFE];
	[sflag:s23] =	ssyncadd.s32 $0xFFFFFFFF  }
0xa5: {  	s26 =	simm.s32 $execute0_lowered;
	[smem:$0x3FD2] =	sst s25  }
0xa6: {  	s4 =	sshll.u32 s26, $0x1;
	_ =	strace $0x80000052;
	[dreg:$0x1] =	wrdreg $0xFFFFFFFF  }
0xa7: {  	s28 =	simm.s32 $_size_execute0_lowered;
	s2 =	sadd.s32 s2, s4;
	[dreg:$0x0] =	wrdreg $0x0  }
0xa8: {  	s4 =	sshll.u32 s28, $0x1;
	[dreg:$0x2] =	wrdreg s2  }
0xa9: {  	[dreg:$0x3] =	wrdreg s4  }
0xaa: {  	[dreg:$0x4] =	wrdreg $0xC0  }
0xab: {  	_ =	task [dreg:s6], $0x5FFFF  }
0xac: {  	[dreg:$0x1] =	wrdreg $0xFFFFFFFF  }
0xad: {  	[dreg:$0x0] =	wrdreg $0x60  }
0xae: {  	[dreg:$0x2] =	wrdreg s24  }
0xaf: {  	[dreg:$0x3] =	wrdreg $0x0  }
0xb0: {  	[dreg:$0x4] =	wrdreg $0x9  }
0xb1: {  	_ =	task.clear_ibuf [dreg:s6], $0x5FFFF;
	_ =	strace $0x90000052  }
0xb2: {  	s29 =	simm.s32 $0x9;
	_ =	strace $0x80000054  }
0xb3: {  	_ =	swait.ge [sflag:s29], $0x1  }
0xb4: {  	[sflag:s29] =	ssyncadd.s32 $0xFFFFFFFF  }
0xb5: {  	_ =	strace $0x90000054  }
0xb6: {  	_ =	sfence  }
0xb7: {  	s30 =	sld [smem:$0x0];
	_ =	sdelay $0x2  }
0xb8: {  	s31 =	sshll.u32 s1, $0xD;
	s1 =	sshrl.u32 s1, $0x2  }
0xb9: {  	s3 =	sand.u32 $0x4000, s31;
	s1 =	sadd.s32 s1, s30  }
0xba: {  	s0 =	sor.u32 s3, s0;
	s1 =	sshll.u32 s1, $0x11  }
0xbb: {  	s0 =	sor.u32 s1, s0  }
0xbc: {  	s0 =	sadd.s32 $0x8F2B, s0  }
0xbd: {  	[sflag:s0] =	ssyncadd.remote.s32 $0x1  }
0xbe: {  	_ =	sfence.sel $0xFFFF  }
0xbf: {  	[dreg:$0x0] =	wrdreg $0xFFFFFFFF;
	(pc) =	sbr.abs _section_cstart, $3  }
0xc0: {  	[dreg:$0x1] =	wrdreg $0xFFFFFFFF  }
0xc1: {  	_ =	task.clear_ibuf [dreg:s6], $0x2FFFF;
	_ =	strace $0x9FFFFFFF  }
0xc2: {  	(tm) =	ssettm $0x7FFFFFFF  }
0xc3: {  	_ =	shalt  }
tec
execute0_lowered:
.L_overlay_start_1:
0x0: {  	(tag) =	ssettag $0x1  }
0x1: {  	s0 =	stileid.u32  }
0x2: {  	s1 =	srdreg.scid;
	s8 =	smul.u32 $0x1400, s0  }
0x3: {  	s6 =	rddreg [dreg:$0x0];
	s1 =	sand.u32 $0x1, s1;
	s12 =	smul.u32 $0x5000, s0  }
0x4: {  	s2 =	sshll.u32 s0, $0x1;
	s4 =	sadd.s32 $0x17200, s6;
	s24 =	smul.u32 $0x4E20, s0  }
0x5: {  	s30 =	sor.u32 $0xF0, s0;
	p1 =	sgt.u32 s0, $0x9;
	s5 =	smul.u32 $0x138800, s1  }
0x6: {  	s3 =	sor.u32 s1, s2;
	s11 =	ssub.s32 $0x2, s1;
	s1 =	smul.u32 $0x2710, s1  }
0x7: {  	s2 =	rddreg [dreg:$0x1];
	p0 =	sgt.u32 s30, $0xF9;
	s7 =	smul.u32 $0x2710, s3  }
0x8: {  	s3 =	simm.s32 $0x0;
	s19 =	sshrl.u32 s11, $0x1;
	s21 =	sshrl.u32 s12, $0x2  }
0x9: {  	s12 =	smul.u32 $0x5000, s30;
	[smem:$0x7FF] =	sst s3;
	s8 =	sadd.s32 s8, s5  }
0xa: {  	s5 =	sadd.s32 $0x3600, s6;
	s1 =	sadd.s32 s1, s24;
	_ =	strace $0x80000053  }
0xb: {  	s9 =	sshrl.u32 s7, $0x3;
	s8 =	sshrl.u32 s8, $0x3;
	s7 =	sadd.s32 $0x28, s7  }
0xc: {  	s14 =	sadd.s32 $0x118, s1;
	s15 =	sadd.s32 $0xF0, s1;
	s17 =	sadd.s32 $0xA0, s1  }
0xd: {  	s18 =	sadd.s32 $0x78, s1;
	s1 =	sadd.s32 $0xC8, s1;
	s10 =	sadd.s32 s9, s6  }
0xe: {  	s6 =	sadd.s32 s8, s6;
	s20 =	sadd.s32 s5, s9;
	[dreg:$0x11] =	wrdreg s1  }
0xf: {  	s7 =	sshrl.u32 s7, $0x3;
	s10 =	sadd.s32 $0xD400, s10;
	[dreg:$0x4] =	wrdreg s20  }
0x10: {  	s8 =	ssub.s32 s11, s19;
	s7 =	sadd.s32 s5, s7;
	[dreg:$0x3] =	wrdreg s10  }
0x11: {  	s11 =	sshrl.u32 s15, $0x3;
	s22 =	sadd.s32 $0xA, s20;
	[dreg:$0x5] =	wrdreg s7  }
0x12: {  	s19 =	sshrl.u32 s17, $0x3;
	s23 =	smax.u32 s8, $0x1;
	[dreg:$0x6] =	wrdreg s22  }
0x13: {  	s15 =	simm.s32 $0x16100;
	s16 =	sadd.s32 s11, s5;
	[dreg:$0x7] =	wrdreg s23  }
0x14: {  	s20 =	sshrl.u32 s18, $0x3;
	s1 =	sadd.s32 s19, s5;
	[dreg:$0x10] =	wrdreg s16  }
0x15: {  	s10 =	sadd.s32 s21, s2;
	[dreg:$0x12] =	wrdreg s1;
	s21 =	sadd.s32 s20, s5  }
0x16: {  	s17 =	simm.s32 $0x17680;
	s22 =	sadd.s32 $0x3E400, s6;
	[dreg:$0x13] =	wrdreg s21  }
0x17: {  	s11 =	simm.s32 $0x2;
	s25 =	sadd.s32 $0x28000, s10;
	[dreg:$0x14] =	wrdreg s22  }
0x18: {  	s18 =	simm.s32 $0x18A80;
	s26 =	sadd.s32 $0x3C000, s10;
	[dreg:$0x8] =	wrdreg s25  }
0x19: {  	s19 =	simm.s32 $0x19E80;
	s28 =	sadd.s32 $0x50000, s10;
	[dreg:$0x9] =	wrdreg s26  }
0x1a: {  	s7 =	sshrl.u32 s14, $0x3;
	s29 =	sadd.s32 $0x64000, s10;
	[dreg:$0xa] =	wrdreg s28  }
0x1b: {  	s14 =	simm.s32 $0x16080;
	s9 =	sadd.s32 $0x78000, s10;
	[dreg:$0xb] =	wrdreg s29  }
0x1c: {  	s16 =	simm.s32 $0x28;
	s13 =	sadd.s32 $0x8C000, s10;
	[dreg:$0xc] =	wrdreg s9  }
0x1d: {  	s20 =	simm.s32 $0x1;
	s7 =	sadd.s32 s7, s5;
	[dreg:$0xd] =	wrdreg s13  }
0x1e: {  	s31 =	sadd.s32 $0x14000, s10;
	s23 =	sadd.s32 $0xA0000, s10;
	[dreg:$0xf] =	wrdreg s7  }
0x1f: {  	s24 =	sadd.s32 $0xB4000, s10;
	s30 =	sadd.s32 $0x118000, s10;
	[dreg:$0x15] =	wrdreg s23  }
0x20: {  	s21 =	simm.s32 $0x4;
	s22 =	simm.s32 $0x16180;
	[dreg:$0x16] =	wrdreg s24  }
0x21: {  	s9 =	sshrl.u32 s12, $0x2;
	s25 =	sadd.s32 $0xC8000, s10;
	[dreg:$0x1b] =	wrdreg s30  }
0x22: {  	s26 =	sadd.s32 $0xDC000, s10;
	s28 =	sadd.s32 $0xF0000, s10;
	[dreg:$0x17] =	wrdreg s25  }
0x23: {  	s29 =	sadd.s32 $0x104000, s10;
	s7 =	simm.s32 $0x13880;
	[dreg:$0x18] =	wrdreg s26  }
0x24: {  	s13 =	simm.s32 $0x16000;
	s23 =	simm.s32 $0x1B280;
	[dreg:$0x19] =	wrdreg s28  }
0x25: {  	s24 =	simm.s32 $0x0;
	s9 =	sadd.s32 s9, s2;
	[dreg:$0x1a] =	wrdreg s29  }
0x26: {  	v0 =	vimm.f32 $0.0e+00;
	s26 =	simm.s32 $0x16200;
	[dreg:$0xe] =	wrdreg s9;
	s9 =	simm.s32 $0x16280  }
.LBB2_1:
0x27: {  	s1 =	rddreg [dreg:$0x3]  }
0x28: {  	[tilespmem:s7], [sflag:$0x3] =	stream.linear.gather [hbm4b:s1+s3], $0x2710, $0x38;
	[tilespmem:$0x1C680] =	vst v63  }
0x29: {  	s6 =	simm.s32 $0x200;
	s1 =	simm.s32 $0x0  }
.LBB2_2:
0x2a: {  	p2 =	sne.s32 s6, $0x4E00;
	[tilespmem:s1+$0x162F0] =	vst v0  }
0x2b: {  	[tilespmem:s1+$0x16280] =	vst v0  }
0x2c: {  	[tilespmem:s1+$0x16290] =	vst v0  }
.Ltmp0:
0x2d: {  	[tilespmem:s1+$0x162A0] =	vst v0;
	(pc) =	sbr.rel @p2 .LBB2_2-.Ltmp0, $4  }
0x2e: {  	[tilespmem:s1+$0x162B0] =	vst v0  }
0x2f: {  	[tilespmem:s1+$0x162C0] =	vst v0  }
0x30: {  	[tilespmem:s1+$0x162D0] =	vst v0  }
0x31: {  	[tilespmem:s1+$0x162E0] =	vst v0;
	s1 =	sshra.s32 s6, $0x2;
	s6 =	sadd.s32 $0x200, s6  }
0x32: {  	[tilespmem:s1+$0x162F0] =	vst v0  }
0x33: {  	[tilespmem:s1+$0x16280] =	vst v0  }
0x34: {  	[tilespmem:s1+$0x16290] =	vst v0  }
0x35: {  	[tilespmem:s1+$0x162A0] =	vst v0  }
0x36: {  	[tilespmem:s1+$0x162B0] =	vst v0  }
0x37: {  	[tilespmem:s1+$0x162C0] =	vst v0  }
0x38: {  	[tilespmem:s1+$0x162D0] =	vst v0  }
0x39: {  	[tilespmem:s1+$0x162E0] =	vst v0  }
0x3a: {  	[spmem:s10] =	stream.linear.scatter [tilespmem:s9], [sflag:$0x2], $0x1400, $0x38;
	[tilespmem:$0x1C680] =	vst v63  }
0x3b: {  	_ = 	snop  }
0x3c: {  	[spmem:s31] =	stream.linear.scatter [tilespmem:s9], [sflag:$0x2], $0x1400, $0x38;
	[tilespmem:$0x1C680] =	vst v63  }
0x3d: {  	s12 =	rddreg [dreg:$0x8]  }
0x3e: {  	[spmem:s12] =	stream.linear.scatter [tilespmem:s9], [sflag:$0x2], $0x1400, $0x38;
	[tilespmem:$0x1C680] =	vst v63  }
0x3f: {  	s6 =	rddreg [dreg:$0x9]  }
0x40: {  	[spmem:s6] =	stream.linear.scatter [tilespmem:s9], [sflag:$0x2], $0x1400, $0x38;
	[tilespmem:$0x1C680] =	vst v63  }
0x41: {  	s8 =	rddreg [dreg:$0xa]  }
0x42: {  	[spmem:s8] =	stream.linear.scatter [tilespmem:s9], [sflag:$0x2], $0x1400, $0x38;
	[tilespmem:$0x1C680] =	vst v63  }
0x43: {  	s12 =	rddreg [dreg:$0xb]  }
0x44: {  	[spmem:s12] =	stream.linear.scatter [tilespmem:s9], [sflag:$0x2], $0x1400, $0x38;
	[tilespmem:$0x1C680] =	vst v63  }
0x45: {  	s6 =	rddreg [dreg:$0xc]  }
0x46: {  	[spmem:s6] =	stream.linear.scatter [tilespmem:s9], [sflag:$0x2], $0x1400, $0x38;
	[tilespmem:$0x1C680] =	vst v63  }
0x47: {  	s8 =	rddreg [dreg:$0xd]  }
0x48: {  	[spmem:s8] =	stream.linear.scatter [tilespmem:s9], [sflag:$0x2], $0x1400, $0x38;
	[tilespmem:$0x1C680] =	vst v63  }
0x49: {  	s12 =	rddreg [dreg:$0x15]  }
0x4a: {  	[spmem:s12] =	stream.linear.scatter [tilespmem:s9], [sflag:$0x2], $0x1400, $0x38;
	[tilespmem:$0x1C680] =	vst v63  }
0x4b: {  	s6 =	rddreg [dreg:$0x16]  }
0x4c: {  	[spmem:s6] =	stream.linear.scatter [tilespmem:s9], [sflag:$0x2], $0x1400, $0x38;
	[tilespmem:$0x1C680] =	vst v63  }
0x4d: {  	s8 =	rddreg [dreg:$0x17]  }
0x4e: {  	[spmem:s8] =	stream.linear.scatter [tilespmem:s9], [sflag:$0x2], $0x1400, $0x38;
	[tilespmem:$0x1C680] =	vst v63  }
0x4f: {  	s12 =	rddreg [dreg:$0x18]  }
0x50: {  	[spmem:s12] =	stream.linear.scatter [tilespmem:s9], [sflag:$0x2], $0x1400, $0x38;
	[tilespmem:$0x1C680] =	vst v63  }
0x51: {  	s6 =	rddreg [dreg:$0x19]  }
0x52: {  	[spmem:s6] =	stream.linear.scatter [tilespmem:s9], [sflag:$0x2], $0x1400, $0x38;
	[tilespmem:$0x1C680] =	vst v63  }
0x53: {  	s8 =	rddreg [dreg:$0x1a]  }
0x54: {  	[spmem:s8] =	stream.linear.scatter [tilespmem:s9], [sflag:$0x2], $0x1400, $0x38;
	[tilespmem:$0x1C680] =	vst v63  }
0x55: {  	s12 =	rddreg [dreg:$0x1b]  }
0x56: {  	[spmem:s12] =	stream.linear.scatter [tilespmem:s9], [sflag:$0x2], $0x1400, $0x38;
	[tilespmem:$0x1C680] =	vst v63  }
0x57: {  	s1 =	simm.s32 @!p0 $0x16280;
	s6 =	rddreg [dreg:$0xe]  }
0x58: {  	[spmem:s6] =	stream.linear.scatter @!p0 [tilespmem:s1], [sflag:$0x2], $0x1400, $0x38;
	[tilespmem:$0x1C680] =	vst v63  }
0x59: {  	_ =	swait.ge [sflag:s11], $0x1400  }
0x5a: {  	[sflag:s11] =	ssyncset.done $0x0  }
0x5b: {  	[sflag:s11] =	ssyncadd.s32 $0xFFFFEC00  }
0x5c: {  	_ =	swait.ge [sflag:s11], $0x1400  }
0x5d: {  	[sflag:s11] =	ssyncset.done $0x0  }
0x5e: {  	[sflag:s11] =	ssyncadd.s32 $0xFFFFEC00  }
0x5f: {  	_ =	swait.ge [sflag:s11], $0x1400  }
0x60: {  	[sflag:s11] =	ssyncset.done $0x0  }
0x61: {  	[sflag:s11] =	ssyncadd.s32 $0xFFFFEC00  }
0x62: {  	_ =	swait.ge [sflag:s11], $0x1400  }
0x63: {  	[sflag:s11] =	ssyncset.done $0x0  }
0x64: {  	[sflag:s11] =	ssyncadd.s32 $0xFFFFEC00  }
0x65: {  	_ =	swait.ge [sflag:s11], $0x1400  }
0x66: {  	[sflag:s11] =	ssyncset.done $0x0  }
0x67: {  	[sflag:s11] =	ssyncadd.s32 $0xFFFFEC00  }
0x68: {  	_ =	swait.ge [sflag:s11], $0x1400  }
0x69: {  	[sflag:s11] =	ssyncset.done $0x0  }
0x6a: {  	[sflag:s11] =	ssyncadd.s32 $0xFFFFEC00  }
0x6b: {  	_ =	swait.ge [sflag:s11], $0x1400  }
0x6c: {  	[sflag:s11] =	ssyncset.done $0x0  }
0x6d: {  	[sflag:s11] =	ssyncadd.s32 $0xFFFFEC00  }
0x6e: {  	_ =	swait.ge [sflag:s11], $0x1400  }
0x6f: {  	[sflag:s11] =	ssyncset.done $0x0  }
0x70: {  	[sflag:s11] =	ssyncadd.s32 $0xFFFFEC00  }
0x71: {  	_ =	swait.ge [sflag:s11], $0x1400  }
0x72: {  	[sflag:s11] =	ssyncset.done $0x0  }
0x73: {  	[sflag:s11] =	ssyncadd.s32 $0xFFFFEC00  }
0x74: {  	_ =	swait.ge [sflag:s11], $0x1400  }
0x75: {  	[sflag:s11] =	ssyncset.done $0x0  }
0x76: {  	[sflag:s11] =	ssyncadd.s32 $0xFFFFEC00  }
0x77: {  	_ =	swait.ge [sflag:s11], $0x1400  }
0x78: {  	[sflag:s11] =	ssyncset.done $0x0  }
0x79: {  	[sflag:s11] =	ssyncadd.s32 $0xFFFFEC00  }
0x7a: {  	_ =	swait.ge [sflag:s11], $0x1400  }
0x7b: {  	[sflag:s11] =	ssyncset.done $0x0  }
0x7c: {  	[sflag:s11] =	ssyncadd.s32 $0xFFFFEC00  }
0x7d: {  	_ =	swait.ge [sflag:s11], $0x1400  }
0x7e: {  	[sflag:s11] =	ssyncset.done $0x0  }
0x7f: {  	[sflag:s11] =	ssyncadd.s32 $0xFFFFEC00  }
0x80: {  	_ =	swait.ge [sflag:s11], $0x1400  }
0x81: {  	[sflag:s11] =	ssyncset.done $0x0  }
0x82: {  	[sflag:s11] =	ssyncadd.s32 $0xFFFFEC00  }
0x83: {  	_ =	swait.ge [sflag:s11], $0x1400  }
0x84: {  	[sflag:s11] =	ssyncset.done $0x0  }
0x85: {  	s1 =	simm.s32 @!p1 $0x2;
	[sflag:s11] =	ssyncadd.s32 $0xFFFFEC00  }
0x86: {  	_ =	swait.ge @!p1 [sflag:s1], $0x1400  }
0x87: {  	[sflag:s1] =	ssyncset.done @!p1 $0x0  }
0x88: {  	[sflag:s1] =	ssyncadd.s32 @!p1 $0xFFFFEC00  }
0x89: {  	[bflag:$0x0] =	sbarrier.arrive $0xFFFF  }
0x8a: {  	s28 =	simm.s32 $0x0;
	s6 =	rddreg [dreg:$0x4]  }
0x8b: {  	[tilespmem:s13], [sflag:$0x4] =	stream.linear.gather [hbm4b:s6+s28], $0x28, $0x38;
	[tilespmem:$0x1C680] =	vst v63  }
0x8c: {  	s8 =	rddreg [dreg:$0x5]  }
0x8d: {  	[tilespmem:s14], [sflag:$0x4] =	stream.linear.gather [hbm4b:s8+s28], $0x28, $0x38;
	[tilespmem:$0x1C680] =	vst v63  }
0x8e: {  	s12 =	rddreg [dreg:$0x6];
	s6 =	simm.s32 $0x3  }
0x8f: {  	[tilespmem:s15], [sflag:$0x4] =	stream.linear.gather [hbm4b:s12+s28], $0x28, $0x38;
	[tilespmem:$0x1C680] =	vst v63  }
0x90: {  	_ =	swait.ge [sflag:s6], $0x2710  }
0x91: {  	s29 =	rddreg [dreg:$0x12]  }
0x92: {  	[sflag:s6] =	ssyncset.done $0x0;
	s30 =	rddreg [dreg:$0x11]  }
0x93: {  	s25 =	smov.u32 s31;
	s31 =	rddreg [dreg:$0x10];
	[sflag:s6] =	ssyncadd.s32 $0xFFFFD8F0  }
0x94: {  	[tilespmem:s9], [sflag:$0x1] =	stream.indirect.gather [hbm4b:s4+s16], $0x80, s7, s16, $0xb8;
	[tilespmem:$0x1C680] =	vst v63  }
0x95: {  	s8 =	simm.s32 $0x138A8;
	s1 =	rddreg [dreg:$0xf]  }
0x96: {  	[tilespmem:s17], [sflag:$0x1] =	stream.indirect.gather [hbm4b:s4+s16], $0x80, s8, s16, $0xb8;
	[tilespmem:$0x1C680] =	vst v63  }
0x97: {  	s12 =	simm.s32 $0x138D0;
	s8 =	rddreg [dreg:$0x13]  }
0x98: {  	[tilespmem:s18], [sflag:$0x1] =	stream.indirect.gather [hbm4b:s4+s16], $0x80, s12, s16, $0xb8;
	[tilespmem:$0x1C680] =	vst v63  }
.LBB2_4:
0x99: {  	p2 =	seq.s32 s28, $0x0  }
0x9a: {  	s7 =	simm.s32 @!p2 $0x2  }
0x9b: {  	_ =	swait.ge @!p2 [sflag:s7], $0x1400  }
0x9c: {  	s6 =	sshra.s32 s28, $0x2;
	[sflag:s7] =	ssyncset.done @!p2 $0x0  }
0x9d: {  	s12 =	sadd.s32 $0x138F8, s6;
	[sflag:s7] =	ssyncadd.s32 @!p2 $0xFFFFEC00  }
0x9e: {  	[tilespmem:s19], [sflag:$0x1] =	stream.indirect.gather [hbm4b:s4+s16], $0x80, s12, s16, $0xb8;
	[tilespmem:$0x1C680] =	vst v63  }
0x9f: {  	_ =	swait.ge [sflag:s20], $0x1400  }
0xa0: {  	[sflag:s20] =	ssyncset.done $0x0  }
0xa1: {  	[sflag:s20] =	ssyncadd.s32 $0xFFFFEC00  }
0xa2: {  	_ =	swait.ge [sflag:s21], $0x28  }
0xa3: {  	[sflag:s21] =	ssyncset.done $0x0  }
0xa4: {  	[sflag:s21] =	ssyncadd.s32 $0xFFFFFFD8  }
0xa5: {  	[spmem:s2] =	stream.indirect.scatter.add.f32 [tilespmem:s9], [sflag:$0x2], $0x80, s13, s16, $0xb8;
	[tilespmem:$0x1C680] =	vst v63  }
0xa6: {  	_ = 	snop  }
0xa7: {  	[tilespmem:s22], [sflag:$0x4] =	stream.linear.gather [hbm4b:s8+s3], $0x28, $0x38;
	[tilespmem:$0x1C680] =	vst v63  }
0xa8: {  	_ =	swait.ge @!p2 [sflag:s7], $0x1400  }
0xa9: {  	[sflag:s7] =	ssyncset.done @!p2 $0x0  }
0xaa: {  	s12 =	sadd.s32 $0x13920, s6;
	[sflag:s7] =	ssyncadd.s32 @!p2 $0xFFFFEC00  }
0xab: {  	[tilespmem:s23], [sflag:$0x1] =	stream.indirect.gather [hbm4b:s4+s16], $0x80, s12, s16, $0xb8;
	[tilespmem:$0x1C680] =	vst v63  }
0xac: {  	_ =	swait.ge [sflag:s20], $0x1400  }
0xad: {  	[sflag:s20] =	ssyncset.done $0x0  }
0xae: {  	[sflag:s20] =	ssyncadd.s32 $0xFFFFEC00  }
0xaf: {  	_ =	swait.ge [sflag:s21], $0x28  }
0xb0: {  	[sflag:s21] =	ssyncset.done $0x0  }
0xb1: {  	p2 =	seq.s32 s28, $0x9920;
	[sflag:s21] =	ssyncadd.s32 $0xFFFFFFD8  }
0xb2: {  	[spmem:s2] =	stream.indirect.scatter.add.f32 [tilespmem:s17], [sflag:$0x2], $0x80, s14, s16, $0xb8;
	[tilespmem:$0x1C680] =	vst v63  }
.Ltmp1:
0xb3: {  	_ = 	snop;
	(pc) =	sbr.rel @p2 .LBB2_6-.Ltmp1, $4  }
0xb4: {  	[tilespmem:s26], [sflag:$0x4] =	stream.linear.gather [hbm4b:s29+s3], $0x28, $0x38;
	[tilespmem:$0x1C680] =	vst v63  }
0xb5: {  	_ =	swait.ge [sflag:s11], $0x1400  }
0xb6: {  	[sflag:s11] =	ssyncset.done $0x0  }
0xb7: {  	[sflag:s11] =	ssyncadd.s32 $0xFFFFEC00  }
0xb8: {  	s7 =	sadd.s32 $0x13948, s6  }
0xb9: {  	[tilespmem:s9], [sflag:$0x1] =	stream.indirect.gather [hbm4b:s4+s16], $0x80, s7, s16, $0xb8;
	[tilespmem:$0x1C680] =	vst v63  }
0xba: {  	_ =	swait.ge [sflag:s20], $0x1400  }
0xbb: {  	[sflag:s20] =	ssyncset.done $0x0  }
0xbc: {  	[sflag:s20] =	ssyncadd.s32 $0xFFFFEC00  }
0xbd: {  	_ =	swait.ge [sflag:s21], $0x28  }
0xbe: {  	[sflag:s21] =	ssyncset.done $0x0  }
0xbf: {  	s12 =	sshrl.u32 s30, $0x3;
	[sflag:s21] =	ssyncadd.s32 $0xFFFFFFD8  }
0xc0: {  	[spmem:s2] =	stream.indirect.scatter.add.f32 [tilespmem:s18], [sflag:$0x2], $0x80, s15, s16, $0xb8;
	[tilespmem:$0x1C680] =	vst v63  }
0xc1: {  	s7 =	sadd.s32 s5, s12  }
0xc2: {  	[tilespmem:s13], [sflag:$0x4] =	stream.linear.gather [hbm4b:s7+s3], $0x28, $0x38;
	[tilespmem:$0x1C680] =	vst v63  }
0xc3: {  	_ =	swait.ge [sflag:s11], $0x1400  }
0xc4: {  	[sflag:s11] =	ssyncset.done $0x0  }
0xc5: {  	s12 =	sadd.s32 $0x13970, s6;
	[sflag:s11] =	ssyncadd.s32 $0xFFFFEC00  }
0xc6: {  	[tilespmem:s17], [sflag:$0x1] =	stream.indirect.gather [hbm4b:s4+s16], $0x80, s12, s16, $0xb8;
	[tilespmem:$0x1C680] =	vst v63  }
0xc7: {  	_ =	swait.ge [sflag:s20], $0x1400  }
0xc8: {  	[sflag:s20] =	ssyncset.done $0x0  }
0xc9: {  	[sflag:s20] =	ssyncadd.s32 $0xFFFFEC00  }
0xca: {  	_ =	swait.ge [sflag:s21], $0x28  }
0xcb: {  	[sflag:s21] =	ssyncset.done $0x0  }
0xcc: {  	[sflag:s21] =	ssyncadd.s32 $0xFFFFFFD8  }
0xcd: {  	[spmem:s2] =	stream.indirect.scatter.add.f32 [tilespmem:s19], [sflag:$0x2], $0x80, s22, s16, $0xb8;
	[tilespmem:$0x1C680] =	vst v63  }
0xce: {  	_ = 	snop  }
0xcf: {  	[tilespmem:s14], [sflag:$0x4] =	stream.linear.gather [hbm4b:s31+s3], $0x28, $0x38;
	[tilespmem:$0x1C680] =	vst v63  }
0xd0: {  	_ =	swait.ge [sflag:s11], $0x1400  }
0xd1: {  	[sflag:s11] =	ssyncset.done $0x0  }
0xd2: {  	s12 =	sadd.s32 $0x13998, s6;
	[sflag:s11] =	ssyncadd.s32 $0xFFFFEC00  }
0xd3: {  	[tilespmem:s18], [sflag:$0x1] =	stream.indirect.gather [hbm4b:s4+s16], $0x80, s12, s16, $0xb8;
	[tilespmem:$0x1C680] =	vst v63  }
0xd4: {  	_ =	swait.ge [sflag:s20], $0x1400  }
0xd5: {  	[sflag:s20] =	ssyncset.done $0x0  }
0xd6: {  	[sflag:s20] =	ssyncadd.s32 $0xFFFFEC00  }
0xd7: {  	_ =	swait.ge [sflag:s21], $0x28  }
0xd8: {  	[sflag:s21] =	ssyncset.done $0x0  }
.Ltmp2:
0xd9: {  	[sflag:s21] =	ssyncadd.s32 $0xFFFFFFD8;
	(pc) =	sbr.rel .LBB2_4-.Ltmp2, $4  }
0xda: {  	[spmem:s2] =	stream.indirect.scatter.add.f32 [tilespmem:s23], [sflag:$0x2], $0x80, s26, s16, $0xb8;
	[tilespmem:$0x1C680] =	vst v63  }
0xdb: {  	s28 =	sadd.s32 $0x320, s28;
	s30 =	sadd.s32 $0xC8, s30;
	s29 =	sadd.s32 $0x19, s29  }
0xdc: {  	[tilespmem:s15], [sflag:$0x4] =	stream.linear.gather [hbm4b:s1+s3], $0x28, $0x38;
	[tilespmem:$0x1C680] =	vst v63  }
0xdd: {  	s8 =	sadd.s32 $0x19, s8;
	s31 =	sadd.s32 $0x19, s31;
	s1 =	sadd.s32 $0x19, s1  }
.LBB2_6:
0xde: {  	_ =	swait.ge [sflag:s20], $0x1400  }
0xdf: {  	[sflag:s20] =	ssyncset.done $0x0  }
0xe0: {  	[sflag:s20] =	ssyncadd.s32 $0xFFFFEC00  }
0xe1: {  	_ =	swait.ge [sflag:s21], $0x28  }
0xe2: {  	[sflag:s21] =	ssyncset.done $0x0  }
0xe3: {  	[sflag:s21] =	ssyncadd.s32 $0xFFFFFFD8  }
0xe4: {  	[spmem:s2] =	stream.indirect.scatter.add.f32 [tilespmem:s18], [sflag:$0x2], $0x80, s15, s16, $0xb8;
	[tilespmem:$0x1C680] =	vst v63  }
0xe5: {  	_ =	swait.ge [sflag:s11], $0x1400  }
0xe6: {  	[sflag:s11] =	ssyncset.done $0x0  }
0xe7: {  	[sflag:s11] =	ssyncadd.s32 $0xFFFFEC00  }
0xe8: {  	_ =	swait.ge [sflag:s20], $0x1400  }
0xe9: {  	[sflag:s20] =	ssyncset.done $0x0  }
0xea: {  	[sflag:s20] =	ssyncadd.s32 $0xFFFFEC00  }
0xeb: {  	_ =	swait.ge [sflag:s21], $0x28  }
0xec: {  	[sflag:s21] =	ssyncset.done $0x0  }
0xed: {  	[sflag:s21] =	ssyncadd.s32 $0xFFFFFFD8  }
0xee: {  	[spmem:s2] =	stream.indirect.scatter.add.f32 [tilespmem:s19], [sflag:$0x2], $0x80, s22, s16, $0xb8;
	[tilespmem:$0x1C680] =	vst v63  }
0xef: {  	_ =	swait.ge [sflag:s11], $0x1400  }
0xf0: {  	[sflag:s11] =	ssyncset.done $0x0  }
0xf1: {  	[sflag:s11] =	ssyncadd.s32 $0xFFFFEC00  }
0xf2: {  	_ =	swait.ge [sflag:s20], $0x1400  }
0xf3: {  	[sflag:s20] =	ssyncset.done $0x0  }
0xf4: {  	[sflag:s20] =	ssyncadd.s32 $0xFFFFEC00  }
0xf5: {  	_ =	swait.ge [sflag:s21], $0x28  }
0xf6: {  	[sflag:s21] =	ssyncset.done $0x0  }
0xf7: {  	[sflag:s21] =	ssyncadd.s32 $0xFFFFFFD8  }
0xf8: {  	[spmem:s2] =	stream.indirect.scatter.add.f32 [tilespmem:s23], [sflag:$0x2], $0x80, s26, s16, $0xb8;
	[tilespmem:$0x1C680] =	vst v63  }
0xf9: {  	_ =	swait.ge [sflag:s11], $0x1400  }
0xfa: {  	[sflag:s11] =	ssyncset.done $0x0  }
0xfb: {  	[sflag:s11] =	ssyncadd.s32 $0xFFFFEC00  }
0xfc: {  	_ =	swait.ge [sflag:s11], $0x1400  }
0xfd: {  	[sflag:s11] =	ssyncset.done $0x0  }
0xfe: {  	s1 =	sadd.s32 $0x0, s0;
	s31 =	smov.u32 s25;
	[sflag:s11] =	ssyncadd.s32 $0xFFFFEC00  }
0xff: {  	s8 =	smov.u32 s25;
	p2 =	sgt.u32 s1, $0xF9;
	[bflag:$0x0] =	sbarrier.arrive $0xFFFF  }
0x100: {  	s1 =	simm.s32 $0x10;
	s6 =	sshll.u32 @!p2 s0, $0x6;
	s28 =	rddreg [dreg:$0x14]  }
0x101: {  	s30 =	sshrl.u32 @!p2 s10, $0x3;
	s29 =	sor.u32 @!p2 $0x1C04, s6;
	s6 =	sadd.s32 $0x2800, s28  }
.LBB2_7:
0x102: {  	[hbm:s28], [sflag:s29] =	dma.local @!p2 [spmem:s30], $0x280  }
0x103: {  	s7 =	smov.u32 s1;
	s1 =	sadd.s32 $0x10, s1  }
0x104: {  	p3 =	sne.s32 s1, $0x100  }
.Ltmp3:
0x105: {  	(pc) =	sbr.rel @p3 .LBB2_7-.Ltmp3, $4  }
0x106: {  	s12 =	smov.u32 s8;
	s7 =	sadd.s32 s7, s0  }
0x107: {  	s28 =	smov.u32 s6;
	p2 =	sgt.u32 s7, $0xF9  }
0x108: {  	s8 =	sadd.s32 $0x14000, s8;
	s7 =	sshll.u32 @!p2 s0, $0x6  }
0x109: {  	s6 =	sadd.s32 $0x2800, s6;
	s30 =	sshrl.u32 @!p2 s12, $0x3;
	s29 =	sor.u32 @!p2 $0x1C04, s7  }
0x10a: {  	[hbm:s28], [sflag:s29] =	dma.local @!p2 [spmem:s30], $0x280  }
0x10b: {  	_ =	swait.ge [sflag:s21], $0x280  }
0x10c: {  	[sflag:s21] =	ssyncset.done $0x0  }
0x10d: {  	[sflag:s21] =	ssyncadd.s32 $0xFFFFFD80  }
0x10e: {  	_ =	swait.ge [sflag:s21], $0x280  }
0x10f: {  	[sflag:s21] =	ssyncset.done $0x0  }
0x110: {  	[sflag:s21] =	ssyncadd.s32 $0xFFFFFD80  }
0x111: {  	_ =	swait.ge [sflag:s21], $0x280  }
0x112: {  	[sflag:s21] =	ssyncset.done $0x0  }
0x113: {  	[sflag:s21] =	ssyncadd.s32 $0xFFFFFD80  }
0x114: {  	_ =	swait.ge [sflag:s21], $0x280  }
0x115: {  	[sflag:s21] =	ssyncset.done $0x0  }
0x116: {  	[sflag:s21] =	ssyncadd.s32 $0xFFFFFD80  }
0x117: {  	_ =	swait.ge [sflag:s21], $0x280  }
0x118: {  	[sflag:s21] =	ssyncset.done $0x0  }
0x119: {  	[sflag:s21] =	ssyncadd.s32 $0xFFFFFD80  }
0x11a: {  	_ =	swait.ge [sflag:s21], $0x280  }
0x11b: {  	[sflag:s21] =	ssyncset.done $0x0  }
0x11c: {  	[sflag:s21] =	ssyncadd.s32 $0xFFFFFD80  }
0x11d: {  	_ =	swait.ge [sflag:s21], $0x280  }
0x11e: {  	[sflag:s21] =	ssyncset.done $0x0  }
0x11f: {  	[sflag:s21] =	ssyncadd.s32 $0xFFFFFD80  }
0x120: {  	_ =	swait.ge [sflag:s21], $0x280  }
0x121: {  	[sflag:s21] =	ssyncset.done $0x0  }
0x122: {  	[sflag:s21] =	ssyncadd.s32 $0xFFFFFD80  }
0x123: {  	_ =	swait.ge [sflag:s21], $0x280  }
0x124: {  	[sflag:s21] =	ssyncset.done $0x0  }
0x125: {  	[sflag:s21] =	ssyncadd.s32 $0xFFFFFD80  }
0x126: {  	_ =	swait.ge [sflag:s21], $0x280  }
0x127: {  	[sflag:s21] =	ssyncset.done $0x0  }
0x128: {  	[sflag:s21] =	ssyncadd.s32 $0xFFFFFD80  }
0x129: {  	_ =	swait.ge [sflag:s21], $0x280  }
0x12a: {  	[sflag:s21] =	ssyncset.done $0x0  }
0x12b: {  	[sflag:s21] =	ssyncadd.s32 $0xFFFFFD80  }
0x12c: {  	_ =	swait.ge [sflag:s21], $0x280  }
0x12d: {  	[sflag:s21] =	ssyncset.done $0x0  }
0x12e: {  	[sflag:s21] =	ssyncadd.s32 $0xFFFFFD80  }
0x12f: {  	_ =	swait.ge [sflag:s21], $0x280  }
0x130: {  	[sflag:s21] =	ssyncset.done $0x0  }
0x131: {  	[sflag:s21] =	ssyncadd.s32 $0xFFFFFD80  }
0x132: {  	_ =	swait.ge [sflag:s21], $0x280  }
0x133: {  	[sflag:s21] =	ssyncset.done $0x0  }
0x134: {  	[sflag:s21] =	ssyncadd.s32 $0xFFFFFD80  }
0x135: {  	_ =	swait.ge [sflag:s21], $0x280  }
0x136: {  	[sflag:s21] =	ssyncset.done $0x0  }
0x137: {  	s1 =	simm.s32 @!p1 $0x4;
	[sflag:s21] =	ssyncadd.s32 $0xFFFFFD80  }
0x138: {  	_ =	swait.ge @!p1 [sflag:s1], $0x280  }
0x139: {  	s24 =	sadd.s32 $0x1, s24;
	s6 =	rddreg [dreg:$0x7]  }
0x13a: {  	p2 =	sne.s32 s24, s6  }
.Ltmp4:
0x13b: {  	_ = 	snop;
	(pc) =	sbr.rel @p2 .LBB2_1-.Ltmp4, $3  }
0x13c: {  	_ =	sdelay $0x1  }
0x13d: {  	[sflag:s1] =	ssyncset.done @!p1 $0x0  }
0x13e: {  	s7 =	simm.s32 $0x13880;
	[sflag:s1] =	ssyncadd.s32 @!p1 $0xFFFFFD80  }
0x13f: {  	_ =	sfence.sel $0x180000  }
0x140: {  	[bflag:$0x0] =	sbarrier.arrive $0xFFFF  }
0x141: {  	_ =	strace $0x90000053  }
0x142: {  	[bflag:$0x2] =	sbarrier.arrive $0xFFFF  }
0x143: {  	p0 =	sne.s32 s0, $0x0;
	s0 =	rddreg [dreg:$0x2]  }
0x144: {  	s0 =	sadd.s32 @!p0 $0x100000, s0  }
0x145: {  	[sflag:s0] =	ssyncadd.tile.s32 @!p0 $0x1;
	_ =	shalt  }
.Lfunc_end2:
_tile_overlayer_lowered:
.L_overlay_start_2:
0x146: {  	(tag) =	ssettag $0x2  }
0x147: {  	s0 =	rddreg [dreg:$0x0];
	s2 =	stileid.u32  }
0x148: {  	s1 =	rddreg [dreg:$0x1];
	p0 =	sne.s32 s2, $0x0  }
0x149: {  	s3 =	rddreg [dreg:$0x2];
	[bflag:$0x3] =	sbarrier.arrive $0xFFFF;
	s2 =	simm.s32 @!p0 $0x1C05  }
0x14a: {  	[timem:s3], [sflag:s2] =	dma.local @!p0 [hbm:s0], s1  }
0x14b: {  	s0 =	simm.s32 @!p0 $0x5  }
0x14c: {  	_ =	swait.ge @!p0 [sflag:s0], s1  }
0x14d: {  	s1 =	ssub.s32 @!p0 $0x0, s1;
	[sflag:s0] =	ssyncset.done @!p0 $0x0  }
0x14e: {  	[sflag:s0] =	ssyncadd.s32 @!p0 s1  }
0x14f: {  	[bflag:$0x3] =	sbarrier.arrive $0xFFFF  }
0x150: {  	_ =	shalt  }

</sc_bundles>
